<compile_context>
chip_gen: v7x
topology: tpu7x:2x2x1
jax: 0.10.2.dev20260603
libtpu: 0.0.44.dev20260713+nightly
codegen_flags: <defaults>
</compile_context>

<pallas_src>
import functools

import jax
import jax.numpy as jnp
import numpy as np
from jax import lax
from jax.experimental import pallas as pl
from jax.experimental.pallas import tpu as pltpu
from jax.experimental.pallas import tpu_sc as plsc

N = 10000
E = 320000
HID = 128
H = 8
C = 16
B = 16
ACCW = 144

W = 80
NTILES = 32
EPT = E // NTILES
NCH = EPT // W
RPT = N // 16

ROWB = 1000
NROWB = N // ROWB



def _edge_body(qa_hbm, kv_hbm, src_hbm, dst_hbm, ea_hbm, wep_hbm, zeros_hbm,
               zerosd_hbm, outm_hbm, outd_hbm, srci, dsti, qabuf, kvbuf, eabuf,
               msgbuf, denbuf, wepbuf, accm, accd):
    c = lax.axis_index("c")
    s = lax.axis_index("s")
    wid = s * 2 + c

    pltpu.sync_copy(zeros_hbm, accm.at[pl.ds(s * RPT, RPT), :])
    pltpu.sync_copy(zerosd_hbm, accd.at[pl.ds(s * RPT, RPT), :])
    pltpu.sync_copy(wep_hbm, wepbuf)
    plsc.subcore_barrier()

    lane = lax.iota(jnp.int32, 16)
    zeros16i = jnp.zeros((16,), jnp.int32)
    ones16i = jnp.ones((16,), jnp.int32)
    lane_lt8 = lane < 8
    lane7 = lane & 7
    p8 = (lane ^ 8)[:, None]
    spl = [jnp.full((16, 1), h, jnp.int32) for h in range(H)]
    gdn = lax.GatherDimensionNumbers(offset_dims=(), collapsed_slice_dims=(0,),
                                     start_index_map=(0,))
    shuf = lambda t, p: lax.gather(
        t, p, gdn, (1,), mode=lax.GatherScatterMode.PROMISE_IN_BOUNDS)

    @pl.loop(0, NCH)
    def _chunk(ci):
        base = wid * EPT + ci * W
        pltpu.sync_copy(src_hbm.at[pl.ds(base, W)], srci)
        pltpu.sync_copy(dst_hbm.at[pl.ds(base, W)], dsti)
        pltpu.sync_copy(ea_hbm.at[pl.ds(base, W), :], eabuf)
        pltpu.sync_copy(kv_hbm.at[srci], kvbuf)
        pltpu.sync_copy(qa_hbm.at[dsti], qabuf)

        we0 = [wepbuf[0, pl.ds(h * 16, 16)] for h in range(H)]
        we1 = [wepbuf[1, pl.ds(h * 16, 16)] for h in range(H)]
        be = [wepbuf[2, pl.ds(h * 16, 16)] for h in range(H)]

        @pl.loop(0, W, step=2)
        def _edge(w0):
            ws = [w0, w0 + 1]
            wvs = [jnp.full((16,), w, jnp.int32) for w in ws]
            ea0s = [plsc.load_gather(eabuf, [wv, zeros16i]) for wv in wvs]
            ea1s = [plsc.load_gather(eabuf, [wv, ones16i]) for wv in wvs]
            dots = [[qabuf[w, pl.ds(j * 16, 16)] * kvbuf[w, pl.ds(j * 16, 16)]
                     for j in range(8)] for w in ws]
            accs = [((d[0] + d[1]) + (d[2] + d[3])) +
                    ((d[4] + d[5]) + (d[6] + d[7])) for d in dots]
            accs = [a + shuf(a, p8) for a in accs]
            qx01s = [qabuf[w, pl.ds(128, 16)] for w in ws]
            qxbs = [qabuf[w, pl.ds(144, 16)] for w in ws]
            alphas = [a + e0 * qx + e1 * shuf(qx, p8) + qb
                      for a, e0, e1, qx, qb
                      in zip(accs, ea0s, ea1s, qx01s, qxbs)]
            expas = [jnp.exp(jnp.minimum(a, 60.0)) for a in alphas]
            rowi = jnp.where(lane_lt8, wvs[0], wvs[1])
            comb = jnp.where(lane_lt8, expas[0], shuf(expas[1], p8))
            plsc.store_scatter(denbuf, [rowi, lane7], comb)
            for h in range(H):
                for i in range(2):
                    e = ea0s[i] * we0[h] + ea1s[i] * we1[h] + be[h]
                    msgbuf[ws[i], pl.ds(h * 16, 16)] = \
                        (kvbuf[ws[i], pl.ds(128 + h * 16, 16)] + e) * \
                        shuf(expas[i], spl[h])

        pltpu.sync_copy(msgbuf, accm.at[dsti], add=True)
        pltpu.sync_copy(denbuf, accd.at[dsti], add=True)

    plsc.subcore_barrier()
    pltpu.sync_copy(accm.at[pl.ds(s * RPT, RPT), :],
                    outm_hbm.at[c, pl.ds(s * RPT, RPT), :])
    pltpu.sync_copy(accd.at[pl.ds(s * RPT, RPT), :],
                    outd_hbm.at[c, pl.ds(s * RPT, RPT), :])


def _edge_pass(qa, kv, src, dst, ea, wepack, zeros, zerosd):
    mesh = plsc.VectorSubcoreMesh(core_axis_name="c", subcore_axis_name="s")
    k = functools.partial(
        pl.kernel,
        mesh=mesh,
        compiler_params=pltpu.CompilerParams(use_tc_tiling_on_sc=False,
                                             needs_layout_passes=False),
        out_type=[
            jax.ShapeDtypeStruct((2, N, HID), jnp.float32),
            jax.ShapeDtypeStruct((2, N, H), jnp.float32),
        ],
        scratch_types=[
            pltpu.VMEM((W,), jnp.int32),
            pltpu.VMEM((W,), jnp.int32),
            pltpu.VMEM((W, 160), jnp.float32),
            pltpu.VMEM((W, 2 * HID), jnp.float32),
            pltpu.VMEM((W, 2), jnp.float32),
            pltpu.VMEM((W, HID), jnp.float32),
            pltpu.VMEM((W, H), jnp.float32),
            pltpu.VMEM((3, HID), jnp.float32),
            pltpu.VMEM_SHARED((N, HID), jnp.float32),
            pltpu.VMEM_SHARED((N, H), jnp.float32),
        ],
    )(_edge_body)
    return k(qa, kv, src, dst, ea, wepack, zeros, zerosd)



def _ln(x, g, b):
    m = jnp.mean(x, axis=-1, keepdims=True)
    v = jnp.mean((x - m) ** 2, axis=-1, keepdims=True)
    return (x - m) / jnp.sqrt(v + 1e-5) * g + b


def _embed_body(x_ref, pe_ref, win_ref, bin_ref, g_ref, b_ref, wpe_ref,
                bpe_ref, o_ref):
    h = _ln(x_ref[...] @ win_ref[...] + bin_ref[...], g_ref[...], b_ref[...])
    o_ref[...] = h + pe_ref[...] @ wpe_ref[...] + bpe_ref[...]


def _embed(x, pe, win, bin_, g, b, wpe, bpe):
    full = lambda shp: pl.BlockSpec(shp, lambda i: (0,) * len(shp))
    return pl.pallas_call(
        _embed_body,
        grid=(NROWB,),
        in_specs=[
            pl.BlockSpec((ROWB, HID), lambda i: (i, 0)),
            pl.BlockSpec((ROWB, 8), lambda i: (i, 0)),
            full((HID, HID)), full((1, HID)), full((1, HID)), full((1, HID)),
            full((8, HID)), full((1, HID)),
        ],
        out_specs=pl.BlockSpec((ROWB, HID), lambda i: (i, 0)),
        out_shape=jax.ShapeDtypeStruct((N, HID), jnp.float32),
    )(x, pe, win, bin_, g, b, wpe, bpe)


def _proj_body(h_ref, wa_ref, ba_ref, wb_ref, bb_ref, qa_ref, kv_ref):
    hh = h_ref[...]
    qa_ref[...] = hh @ wa_ref[...] + ba_ref[...]
    kv_ref[...] = hh @ wb_ref[...] + bb_ref[...]


def _proj(h, wa, ba, wb, bb):
    full = lambda shp: pl.BlockSpec(shp, lambda i: (0,) * len(shp))
    return pl.pallas_call(
        _proj_body,
        grid=(NROWB,),
        in_specs=[
            pl.BlockSpec((ROWB, HID), lambda i: (i, 0)),
            full((HID, 160)), full((1, 160)),
            full((HID, 2 * HID)), full((1, 2 * HID)),
        ],
        out_specs=[
            pl.BlockSpec((ROWB, 160), lambda i: (i, 0)),
            pl.BlockSpec((ROWB, 2 * HID), lambda i: (i, 0)),
        ],
        out_shape=[
            jax.ShapeDtypeStruct((N, 160), jnp.float32),
            jax.ShapeDtypeStruct((N, 2 * HID), jnp.float32),
        ],
    )(h, wa, ba, wb, bb)


def _post_body(accm_ref, accd_ref, h_ref, e8_ref, ws_ref, bs_ref, g_ref,
               b_ref, w1_ref, b1_ref, w2_ref, b2_ref, o_ref):
    a = accm_ref[0] + accm_ref[1]
    d = accd_ref[0] + accd_ref[1]
    denx = d @ e8_ref[...]
    attn = a / (denx + 1e-16)
    h = h_ref[...]
    h2 = attn + h @ ws_ref[...] + bs_ref[...]
    hh = _ln(h + h2, g_ref[...], b_ref[...])
    f = jnp.maximum(hh @ w1_ref[...] + b1_ref[...], 0.0) @ w2_ref[...] \
        + b2_ref[...]
    o_ref[...] = _ln(hh + f, g_ref[...], b_ref[...])


def _post(accm, accd, h, e8, ws, bs, g, b, w1, b1, w2, b2):
    full = lambda shp: pl.BlockSpec(shp, lambda i: (0,) * len(shp))
    return pl.pallas_call(
        _post_body,
        grid=(NROWB,),
        in_specs=[
            pl.BlockSpec((2, ROWB, HID), lambda i: (0, i, 0)),
            pl.BlockSpec((2, ROWB, H), lambda i: (0, i, 0)),
            pl.BlockSpec((ROWB, HID), lambda i: (i, 0)),
            full((H, HID)), full((HID, HID)), full((1, HID)),
            full((1, HID)), full((1, HID)),
            full((HID, 4 * HID)), full((1, 4 * HID)),
            full((4 * HID, HID)), full((1, HID)),
        ],
        out_specs=pl.BlockSpec((ROWB, HID), lambda i: (i, 0)),
        out_shape=jax.ShapeDtypeStruct((N, HID), jnp.float32),
    )(accm, accd, h, e8, ws, bs, g, b, w1, b1, w2, b2)


def _pool_body(h_ref, bt_ref, wt1_ref, bt1_ref, wt2_ref, bt2_ref, wg1_ref,
               bg1_ref, wg2_ref, bg2_ref, t_ref, g_ref, pacc, cacc):
    i = pl.program_id(0)

    @pl.when(i == 0)
    def _():
        pacc[...] = jnp.zeros((B, HID), jnp.float32)
        cacc[...] = jnp.zeros((B, HID), jnp.float32)

    bb = jnp.broadcast_to(bt_ref[0], (B, ROWB))
    ids = lax.broadcasted_iota(jnp.int32, (B, ROWB), 0).astype(jnp.float32)
    oh = (ids == bb).astype(jnp.float32)
    pacc[...] += oh @ h_ref[...]
    cacc[...] += jnp.broadcast_to(jnp.sum(oh, axis=1, keepdims=True), (B, HID))

    @pl.when(i == NROWB - 1)
    def _():
        pooled = pacc[...] / jnp.maximum(cacc[...], 1.0)
        z = jnp.maximum(pooled @ wt1_ref[...] + bt1_ref[...], 0.0)
        tv = z @ wt2_ref[...] + bt2_ref[...]
        t_ref[...] = jnp.broadcast_to(tv[:, :1], (B, HID))
        zg = jnp.maximum(pooled @ wg1_ref[...] + bg1_ref[...], 0.0)
        gv = jax.nn.sigmoid(zg @ wg2_ref[...] + bg2_ref[...]) * 2.0
        g_ref[...] = jnp.broadcast_to(gv[:, :1], (B, HID))


def _pool(h, batchf, wt1, bt1, wt2, bt2, wg1, bg1, wg2, bg2):
    full = lambda shp: pl.BlockSpec(shp, lambda i: (0,) * len(shp))
    out = pl.pallas_call(
        _pool_body,
        grid=(NROWB,),
        in_specs=[
            pl.BlockSpec((ROWB, HID), lambda i: (i, 0)),
            pl.BlockSpec((1, 1, ROWB), lambda i: (i, 0, 0)),
            full((HID, 64)), full((1, 64)), full((64, HID)), full((1, HID)),
            full((HID, 64)), full((1, 64)), full((64, HID)), full((1, HID)),
        ],
        out_specs=[
            pl.BlockSpec((B, HID), lambda i: (0, 0)),
            pl.BlockSpec((B, HID), lambda i: (0, 0)),
        ],
        out_shape=[
            jax.ShapeDtypeStruct((B, HID), jnp.float32),
            jax.ShapeDtypeStruct((B, HID), jnp.float32),
        ],
        scratch_shapes=[
            pltpu.VMEM((B, HID), jnp.float32),
            pltpu.VMEM((B, HID), jnp.float32),
        ],
    )(h, batchf, wt1, bt1, wt2, bt2, wg1, bg1, wg2, bg2)
    return out



_E8 = np.kron(np.eye(H, dtype=np.float32), np.ones((1, C), np.float32))

_PI = np.empty((HID,), np.int64)
for _j in range(8):
    for _p in range(2):
        for _h in range(H):
            _PI[_j * 16 + _p * 8 + _h] = _h * 16 + 2 * _j + _p
_HSEL = np.kron(np.eye(H, dtype=np.float32), np.ones((C, 1), np.float32))


def kernel(x, edge_index, edge_attr, batch, pe, params):
    with jax.default_matmul_precision("highest"):
        return _kernel_impl(x, edge_index, edge_attr, batch, pe, params)


def _kernel_impl(x, edge_index, edge_attr, batch, pe, params):
    p = params
    src = edge_index[0].astype(jnp.int32)
    dst = edge_index[1].astype(jnp.int32)
    ea = edge_attr.astype(jnp.float32)
    e8 = jnp.asarray(_E8)
    zeros = jnp.zeros((RPT, HID), jnp.float32)
    zerosd = jnp.zeros((RPT, H), jnp.float32)
    r = lambda v: v.reshape(1, -1)

    h = _embed(x, pe, p['Win'], r(p['bin']), r(p['g_in']), r(p['b_in']),
               p['Wpe'], r(p['bpe']))

    hsel = jnp.asarray(_HSEL)
    for lp in p['layers']:
        wepack = jnp.concatenate([lp['We'], lp['be'].reshape(1, -1)], axis=0)
        m0 = lp['We'][0][:, None] * hsel
        m1 = lp['We'][1][:, None] * hsel
        m2 = lp['be'][:, None] * hsel
        mfull = jnp.concatenate([m0, m1, m2, jnp.zeros((HID, 8))], axis=1)
        wa = jnp.concatenate([lp['Wq'][:, _PI], lp['Wq'] @ mfull],
                             axis=1) * 0.25
        ba = jnp.concatenate([lp['bq'][_PI], lp['bq'] @ mfull]) * 0.25
        wb = jnp.concatenate([lp['Wk'][:, _PI], lp['Wv']], axis=1)
        bb = jnp.concatenate([lp['bk'][_PI], lp['bv']])
        qa, kv = _proj(h, wa, ba.reshape(1, -1), wb, bb.reshape(1, -1))
        accm, accd = _edge_pass(qa, kv, src, dst, ea, wepack, zeros, zerosd)
        h = _post(accm, accd, h, e8, lp['Ws'], r(lp['bs']), r(lp['ln_g']),
                  r(lp['ln_b']), lp['W1'], r(lp['b1']), lp['W2'], r(lp['b2']))

    batchf = batch.astype(jnp.float32).reshape(NROWB, 1, ROWB)
    pad2 = lambda w: jnp.pad(w, ((0, 0), (0, HID - w.shape[1])))
    padb = lambda v: jnp.pad(v.reshape(1, -1), ((0, 0), (0, HID - v.shape[0])))
    t2, g2 = _pool(h, batchf, p['Wt1'], r(p['bt1']), pad2(p['Wt2']),
                   padb(p['bt2']), p['Wg1'], r(p['bg1']), pad2(p['Wg2']),
                   padb(p['bg2']))
    return (t2[:, 0], g2[:, 0])

# --- scband reference (transcript-rebuilt; emitter-appended) ---
"""Pipeline reference for scband-graph-transformer-86689619903504 (READ-ONLY COPY).

The authoritative reference and input builder live on the scoring server;
editing this copy changes nothing except your own understanding.
"""

import jax, jax.numpy as jnp
import numpy as np

N = 10000
E = 320000
DIN = 128
HID = 128
H = 8
C = 16
L = 4
PED = 8
B = 16


def _layernorm(x, g, b):
    m = jnp.mean(x, axis=-1, keepdims=True)
    v = jnp.mean((x - m) ** 2, axis=-1, keepdims=True)
    return (x - m) / jnp.sqrt(v + 1e-5) * g + b


def _linear_init(key, i, o):
    w = (jax.random.normal(key, (i, o), jnp.float32) / np.sqrt(i)).astype(jnp.float32)
    return w, jnp.zeros((o,), jnp.float32)


def setup_inputs(seed: int = 0):
    key = jax.random.key(seed)
    ks = jax.random.split(key, 16)
    x = jax.random.normal(ks[0], (N, DIN), jnp.float32)
    edge_index = jax.random.randint(ks[1], (2, E), 0, N, dtype=jnp.int32).astype(jnp.int64)
    edge_attr = jax.random.normal(ks[2], (E, 2), jnp.float32)
    batch = jnp.sort(jax.random.randint(ks[3], (N,), 0, B, dtype=jnp.int32)).astype(jnp.int64)
    pe = jax.random.normal(ks[4], (N, PED), jnp.float32)
    pk = jax.random.split(ks[5], 8 + L * 8)
    Win, bin_ = _linear_init(pk[0], DIN, HID)
    Wpe, bpe = _linear_init(pk[1], PED, HID)
    Wt1, bt1 = _linear_init(pk[2], HID, HID // 2)
    Wt2, bt2 = _linear_init(pk[3], HID // 2, 1)
    Wg1, bg1 = _linear_init(pk[4], HID, HID // 2)
    Wg2, bg2 = _linear_init(pk[5], HID // 2, 1)
    params = {'Win': Win, 'bin': bin_,
              'g_in': jnp.ones((HID,), jnp.float32), 'b_in': jnp.zeros((HID,), jnp.float32),
              'Wpe': Wpe, 'bpe': bpe,
              'Wt1': Wt1, 'bt1': bt1, 'Wt2': Wt2, 'bt2': bt2,
              'Wg1': Wg1, 'bg1': bg1, 'Wg2': Wg2, 'bg2': bg2,
              'layers': []}
    for l in range(L):
        base = 8 + l * 8
        Wq, bq = _linear_init(pk[base + 0], HID, HID)
        Wk, bk = _linear_init(pk[base + 1], HID, HID)
        Wv, bv = _linear_init(pk[base + 2], HID, HID)
        We, be = _linear_init(pk[base + 3], 2, HID)
        Ws, bs = _linear_init(pk[base + 4], HID, HID)
        W1, b1 = _linear_init(pk[base + 5], HID, HID * 4)
        W2, b2 = _linear_init(pk[base + 6], HID * 4, HID)
        params['layers'].append({'Wq': Wq, 'bq': bq, 'Wk': Wk, 'bk': bk, 'Wv': Wv, 'bv': bv,
                                 'We': We, 'be': be, 'Ws': Ws, 'bs': bs,
                                 'ln_g': jnp.ones((HID,), jnp.float32), 'ln_b': jnp.zeros((HID,), jnp.float32),
                                 'W1': W1, 'b1': b1, 'W2': W2, 'b2': b2})
    return {'x': x, 'edge_index': edge_index, 'edge_attr': edge_attr, 'batch': batch, 'pe': pe, 'params': params}


def _transformer_conv(h, edge_index, edge_attr, p):
    src = edge_index[0]
    dst = edge_index[1]
    q = (h @ p['Wq'] + p['bq']).reshape(N, H, C)
    k = (h @ p['Wk'] + p['bk']).reshape(N, H, C)
    v = (h @ p['Wv'] + p['bv']).reshape(N, H, C)
    e = (edge_attr @ p['We'] + p['be']).reshape(E, H, C)
    k_j = k[src] + e
    q_i = q[dst]
    alpha = jnp.sum(q_i * k_j, axis=-1) / np.sqrt(C)
    amax = jax.ops.segment_max(alpha, dst, num_segments=N)
    amax = jnp.where(jnp.isfinite(amax), amax, 0.0)
    expa = jnp.exp(alpha - amax[dst])
    denom = jax.ops.segment_sum(expa, dst, num_segments=N)
    attn = expa / (denom[dst] + 1e-16)
    msg = (v[src] + e) * attn[:, :, None]
    out = jax.ops.segment_sum(msg, dst, num_segments=N).reshape(N, HID)
    return out + h @ p['Ws'] + p['bs']


def _forward(x, edge_attr, pe, params, edge_index, batch):
    h = _layernorm(x @ params['Win'] + params['bin'], params['g_in'], params['b_in'])
    h = h + pe @ params['Wpe'] + params['bpe']
    for p in params['layers']:
        h_new = _transformer_conv(h, edge_index, edge_attr, p)
        h = _layernorm(h + h_new, p['ln_g'], p['ln_b'])
        f = jax.nn.relu(h @ p['W1'] + p['b1']) @ p['W2'] + p['b2']
        h = _layernorm(h + f, p['ln_g'], p['ln_b'])
    s = jax.ops.segment_sum(h, batch, num_segments=B)
    cnt = jax.ops.segment_sum(jnp.ones((N,), jnp.float32), batch, num_segments=B)
    pooled = s / jnp.maximum(cnt, 1.0)[:, None]
    t = (jax.nn.relu(pooled @ params['Wt1'] + params['bt1']) @ params['Wt2'] + params['bt2']).squeeze(-1)
    g = jax.nn.sigmoid(jax.nn.relu(pooled @ params['Wg1'] + params['bg1']) @ params['Wg2'] + params['bg2']).squeeze(-1) * 2.0
    return (t, g)


def reference(x, edge_index, edge_attr, batch, pe, params):
    return _forward(x, edge_attr, pe, params, edge_index, batch)

if __name__ == "__main__":
    import jax
    _d = setup_inputs()
    print(jax.jit(kernel)(*tuple(_d.values())))

</pallas_src>

<mosaic_0001>
#map = affine_map<(d0, d1) -> (0, 0)>
#map1 = affine_map<(d0, d1) -> (0)>
#map2 = affine_map<(d0, d1) -> (0, 0, 0)>
module attributes {stable_mosaic.version = 14 : i64} {
  func.func @_edge_body(%arg0: i32, %arg1: i32, %arg2: memref<10000x160xf32, #tpu.memory_space<hbm>>, %arg3: memref<10000x256xf32, #tpu.memory_space<hbm>>, %arg4: memref<320000xi32, #tpu.memory_space<hbm>>, %arg5: memref<320000xi32, #tpu.memory_space<hbm>>, %arg6: memref<320000x2xf32, #tpu.memory_space<hbm>>, %arg7: memref<3x128xf32, #tpu.memory_space<hbm>>, %arg8: memref<625x128xf32, #tpu.memory_space<hbm>>, %arg9: memref<625x8xf32, #tpu.memory_space<hbm>>, %arg10: memref<2x10000x128xf32, #tpu.memory_space<hbm>>, %arg11: memref<2x10000x8xf32, #tpu.memory_space<hbm>>, %arg12: memref<80xi32, #tpu.memory_space<vmem>>, %arg13: memref<80xi32, #tpu.memory_space<vmem>>, %arg14: memref<80x160xf32, #tpu.memory_space<vmem>>, %arg15: memref<80x256xf32, #tpu.memory_space<vmem>>, %arg16: memref<80x2xf32, #tpu.memory_space<vmem>>, %arg17: memref<80x128xf32, #tpu.memory_space<vmem>>, %arg18: memref<80x8xf32, #tpu.memory_space<vmem>>, %arg19: memref<3x128xf32, #tpu.memory_space<vmem>>, %arg20: memref<10000x128xf32, #tpu.memory_space<vmem_shared>>, %arg21: memref<10000x8xf32, #tpu.memory_space<vmem_shared>>) attributes {dimension_semantics = [#tpu.dimension_semantics<core_parallel>, #tpu.dimension_semantics<subcore_parallel>], iteration_bounds = array<i64: 2, 16>, scalar_prefetch = 0 : i64, scratch_operands = 10 : i64, tpu.core_type = #tpu.core_type<sc_vector_subcore>, window_params = [{transform_indices = #map}, {transform_indices = #map}, {transform_indices = #map1}, {transform_indices = #map1}, {transform_indices = #map}, {transform_indices = #map}, {transform_indices = #map}, {transform_indices = #map}, {transform_indices = #map2}, {transform_indices = #map2}]} {
    %mul3A = arith.constant 2 : i32
    %mul3A_0 = arith.muli %arg1, %mul3A : i32
    %add3A = arith.addi %mul3A_0, %arg0 : i32
    %mul3A_1 = arith.constant 625 : i32
    %mul3A_2 = arith.muli %arg1, %mul3A_1 : i32
    "tpu.region"() ({
      %run_scoped3A = tpu.sem_alloc : memref<!tpu.dma_semaphore, #tpu.memory_space<semaphore_mem>>
      %dma_start3A = arith.constant 0 : i32
      %dma_start3A_44 = tpu.memref_slice %arg20[%mul3A_2, %dma_start3A] : memref<10000x128xf32, #tpu.memory_space<vmem_shared>> -> memref<625x128xf32, #tpu.memory_space<vmem_shared>>
      tpu.enqueue_dma source(%arg8 : memref<625x128xf32, #tpu.memory_space<hbm>>) target(%dma_start3A_44 : memref<625x128xf32, #tpu.memory_space<vmem_shared>>) target_semaphore(%run_scoped3A : memref<!tpu.dma_semaphore, #tpu.memory_space<semaphore_mem>>)
      %dma_wait3A = arith.constant 0 : i32
      %dma_wait3A_45 = tpu.memref_slice %arg20[%mul3A_2, %dma_wait3A] : memref<10000x128xf32, #tpu.memory_space<vmem_shared>> -> memref<625x128xf32, #tpu.memory_space<vmem_shared>>
      tpu.wait_dma2 semaphore(%run_scoped3A : memref<!tpu.dma_semaphore, #tpu.memory_space<semaphore_mem>>) src(%arg8 : memref<625x128xf32, #tpu.memory_space<hbm>>) dst(%dma_wait3A_45 : memref<625x128xf32, #tpu.memory_space<vmem_shared>>)
      tpu.yield
    }) : () -> ()
    %mul3A_3 = arith.constant 625 : i32
    %mul3A_4 = arith.muli %arg1, %mul3A_3 : i32
    "tpu.region"() ({
      %run_scoped3A = tpu.sem_alloc : memref<!tpu.dma_semaphore, #tpu.memory_space<semaphore_mem>>
      %dma_start3A = arith.constant 0 : i32
      %dma_start3A_44 = tpu.memref_slice %arg21[%mul3A_4, %dma_start3A] : memref<10000x8xf32, #tpu.memory_space<vmem_shared>> -> memref<625x8xf32, #tpu.memory_space<vmem_shared>>
      tpu.enqueue_dma source(%arg9 : memref<625x8xf32, #tpu.memory_space<hbm>>) target(%dma_start3A_44 : memref<625x8xf32, #tpu.memory_space<vmem_shared>>) target_semaphore(%run_scoped3A : memref<!tpu.dma_semaphore, #tpu.memory_space<semaphore_mem>>)
      %dma_wait3A = arith.constant 0 : i32
      %dma_wait3A_45 = tpu.memref_slice %arg21[%mul3A_4, %dma_wait3A] : memref<10000x8xf32, #tpu.memory_space<vmem_shared>> -> memref<625x8xf32, #tpu.memory_space<vmem_shared>>
      tpu.wait_dma2 semaphore(%run_scoped3A : memref<!tpu.dma_semaphore, #tpu.memory_space<semaphore_mem>>) src(%arg9 : memref<625x8xf32, #tpu.memory_space<hbm>>) dst(%dma_wait3A_45 : memref<625x8xf32, #tpu.memory_space<vmem_shared>>)
      tpu.yield
    }) : () -> ()
    "tpu.region"() ({
      %run_scoped3A = tpu.sem_alloc : memref<!tpu.dma_semaphore, #tpu.memory_space<semaphore_mem>>
      tpu.enqueue_dma source(%arg7 : memref<3x128xf32, #tpu.memory_space<hbm>>) target(%arg19 : memref<3x128xf32, #tpu.memory_space<vmem>>) target_semaphore(%run_scoped3A : memref<!tpu.dma_semaphore, #tpu.memory_space<semaphore_mem>>)
      tpu.wait_dma2 semaphore(%run_scoped3A : memref<!tpu.dma_semaphore, #tpu.memory_space<semaphore_mem>>) src(%arg7 : memref<3x128xf32, #tpu.memory_space<hbm>>) dst(%arg19 : memref<3x128xf32, #tpu.memory_space<vmem>>)
      tpu.yield
    }) : () -> ()
    %barrier3A = arith.constant 0 : index
    tpu.barrier barrier_id(%barrier3A)
    %iota3A = tpu.iota {dimensions = array<i32: 0>} : vector<16xi32>
    %broadcast_in_dim3A = arith.constant 0 : i32
    %broadcast_in_dim3A_5 = vector.broadcast %broadcast_in_dim3A : i32 to vector<16xi32>
    %broadcast_in_dim3A_6 = arith.constant 1 : i32
    %broadcast_in_dim3A_7 = vector.broadcast %broadcast_in_dim3A_6 : i32 to vector<16xi32>
    %lt3A = arith.constant 8 : i32
    %lt3A_8 = vector.broadcast %lt3A : i32 to vector<16xi32>
    %lt3A_9 = arith.cmpi slt, %iota3A, %lt3A_8 : vector<16xi32>
    %and3A = arith.constant 7 : i32
    %and3A_10 = vector.broadcast %and3A : i32 to vector<16xi32>
    %and3A_11 = arith.andi %iota3A, %and3A_10 : vector<16xi32>
    %xor3A = arith.constant 8 : i32
    %xor3A_12 = vector.broadcast %xor3A : i32 to vector<16xi32>
    %xor3A_13 = arith.xori %iota3A, %xor3A_12 : vector<16xi32>
    %broadcast_in_dim3A_14 = vector.shape_cast %xor3A_13 : vector<16xi32> to vector<16x1xi32>
    %broadcast_in_dim3A_15 = arith.constant 0 : i32
    %broadcast_in_dim3A_16 = vector.broadcast %broadcast_in_dim3A_15 : i32 to vector<16x1xi32>
    %broadcast_in_dim3A_17 = arith.constant 1 : i32
    %broadcast_in_dim3A_18 = vector.broadcast %broadcast_in_dim3A_17 : i32 to vector<16x1xi32>
    %broadcast_in_dim3A_19 = arith.constant 2 : i32
    %broadcast_in_dim3A_20 = vector.broadcast %broadcast_in_dim3A_19 : i32 to vector<16x1xi32>
    %broadcast_in_dim3A_21 = arith.constant 3 : i32
    %broadcast_in_dim3A_22 = vector.broadcast %broadcast_in_dim3A_21 : i32 to vector<16x1xi32>
    %broadcast_in_dim3A_23 = arith.constant 4 : i32
    %broadcast_in_dim3A_24 = vector.broadcast %broadcast_in_dim3A_23 : i32 to vector<16x1xi32>
    %broadcast_in_dim3A_25 = arith.constant 5 : i32
    %broadcast_in_dim3A_26 = vector.broadcast %broadcast_in_dim3A_25 : i32 to vector<16x1xi32>
    %broadcast_in_dim3A_27 = arith.constant 6 : i32
    %broadcast_in_dim3A_28 = vector.broadcast %broadcast_in_dim3A_27 : i32 to vector<16x1xi32>
    %broadcast_in_dim3A_29 = arith.constant 7 : i32
    %broadcast_in_dim3A_30 = vector.broadcast %broadcast_in_dim3A_29 : i32 to vector<16x1xi32>
    %scan3A = arith.constant 0 : i32
    %scan3A_31 = arith.constant 125 : i32
    %scan3A_32 = arith.addi %scan3A, %scan3A_31 : i32
    %scan3A_33 = arith.constant 1 : i32
    scf.for %scan3A_44 = %scan3A to %scan3A_32 step %scan3A_33  : i32 {
      %mul3A_45 = arith.constant 1 : i32
      %mul3A_46 = arith.muli %scan3A_44, %mul3A_45 : i32
      %add3A_47 = arith.constant 0 : i32
      %add3A_48 = arith.addi %add3A_47, %mul3A_46 : i32
      %mul3A_49 = arith.constant 10000 : i32
      %mul3A_50 = arith.muli %add3A, %mul3A_49 : i32
      %mul3A_51 = arith.constant 80 : i32
      %mul3A_52 = arith.muli %add3A_48, %mul3A_51 : i32
      %add3A_53 = arith.addi %mul3A_50, %mul3A_52 : i32
      "tpu.region"() ({
        %run_scoped3A = tpu.sem_alloc : memref<!tpu.dma_semaphore, #tpu.memory_space<semaphore_mem>>
        %dma_start3A = tpu.memref_slice %arg4[%add3A_53] : memref<320000xi32, #tpu.memory_space<hbm>> -> memref<80xi32, #tpu.memory_space<hbm>>
        %dma_start3A_154 = tpu.memref_slice %arg4[%add3A_53] : memref<320000xi32, #tpu.memory_space<hbm>> -> memref<80xi32, #tpu.memory_space<hbm>>
        tpu.enqueue_dma source(%dma_start3A_154 : memref<80xi32, #tpu.memory_space<hbm>>) target(%arg12 : memref<80xi32, #tpu.memory_space<vmem>>) target_semaphore(%run_scoped3A : memref<!tpu.dma_semaphore, #tpu.memory_space<semaphore_mem>>)
        %dma_wait3A = tpu.memref_slice %arg4[%add3A_53] : memref<320000xi32, #tpu.memory_space<hbm>> -> memref<80xi32, #tpu.memory_space<hbm>>
        %dma_wait3A_155 = tpu.memref_slice %arg4[%add3A_53] : memref<320000xi32, #tpu.memory_space<hbm>> -> memref<80xi32, #tpu.memory_space<hbm>>
        tpu.wait_dma2 semaphore(%run_scoped3A : memref<!tpu.dma_semaphore, #tpu.memory_space<semaphore_mem>>) src(%dma_wait3A_155 : memref<80xi32, #tpu.memory_space<hbm>>) dst(%arg12 : memref<80xi32, #tpu.memory_space<vmem>>)
        tpu.yield
      }) : () -> ()
      "tpu.region"() ({
        %run_scoped3A = tpu.sem_alloc : memref<!tpu.dma_semaphore, #tpu.memory_space<semaphore_mem>>
        %dma_start3A = tpu.memref_slice %arg5[%add3A_53] : memref<320000xi32, #tpu.memory_space<hbm>> -> memref<80xi32, #tpu.memory_space<hbm>>
        %dma_start3A_154 = tpu.memref_slice %arg5[%add3A_53] : memref<320000xi32, #tpu.memory_space<hbm>> -> memref<80xi32, #tpu.memory_space<hbm>>
        tpu.enqueue_dma source(%dma_start3A_154 : memref<80xi32, #tpu.memory_space<hbm>>) target(%arg13 : memref<80xi32, #tpu.memory_space<vmem>>) target_semaphore(%run_scoped3A : memref<!tpu.dma_semaphore, #tpu.memory_space<semaphore_mem>>)
        %dma_wait3A = tpu.memref_slice %arg5[%add3A_53] : memref<320000xi32, #tpu.memory_space<hbm>> -> memref<80xi32, #tpu.memory_space<hbm>>
        %dma_wait3A_155 = tpu.memref_slice %arg5[%add3A_53] : memref<320000xi32, #tpu.memory_space<hbm>> -> memref<80xi32, #tpu.memory_space<hbm>>
        tpu.wait_dma2 semaphore(%run_scoped3A : memref<!tpu.dma_semaphore, #tpu.memory_space<semaphore_mem>>) src(%dma_wait3A_155 : memref<80xi32, #tpu.memory_space<hbm>>) dst(%arg13 : memref<80xi32, #tpu.memory_space<vmem>>)
        tpu.yield
      }) : () -> ()
      "tpu.region"() ({
        %run_scoped3A = tpu.sem_alloc : memref<!tpu.dma_semaphore, #tpu.memory_space<semaphore_mem>>
        %dma_start3A = arith.constant 0 : i32
        %dma_start3A_154 = tpu.memref_slice %arg6[%add3A_53, %dma_start3A] : memref<320000x2xf32, #tpu.memory_space<hbm>> -> memref<80x2xf32, #tpu.memory_space<hbm>>
        %dma_start3A_155 = arith.constant 0 : i32
        %dma_start3A_156 = tpu.memref_slice %arg6[%add3A_53, %dma_start3A_155] : memref<320000x2xf32, #tpu.memory_space<hbm>> -> memref<80x2xf32, #tpu.memory_space<hbm>>
        tpu.enqueue_dma source(%dma_start3A_156 : memref<80x2xf32, #tpu.memory_space<hbm>>) target(%arg16 : memref<80x2xf32, #tpu.memory_space<vmem>>) target_semaphore(%run_scoped3A : memref<!tpu.dma_semaphore, #tpu.memory_space<semaphore_mem>>)
        %dma_wait3A = arith.constant 0 : i32
        %dma_wait3A_157 = tpu.memref_slice %arg6[%add3A_53, %dma_wait3A] : memref<320000x2xf32, #tpu.memory_space<hbm>> -> memref<80x2xf32, #tpu.memory_space<hbm>>
        %dma_wait3A_158 = arith.constant 0 : i32
        %dma_wait3A_159 = tpu.memref_slice %arg6[%add3A_53, %dma_wait3A_158] : memref<320000x2xf32, #tpu.memory_space<hbm>> -> memref<80x2xf32, #tpu.memory_space<hbm>>
        tpu.wait_dma2 semaphore(%run_scoped3A : memref<!tpu.dma_semaphore, #tpu.memory_space<semaphore_mem>>) src(%dma_wait3A_159 : memref<80x2xf32, #tpu.memory_space<hbm>>) dst(%arg16 : memref<80x2xf32, #tpu.memory_space<vmem>>)
        tpu.yield
      }) : () -> ()
      "tpu.region"() ({
        %run_scoped3A = tpu.sem_alloc : memref<!tpu.dma_semaphore, #tpu.memory_space<semaphore_mem>>
        %dma_start3A = arith.constant 0 : i32
        %dma_start3A_154 = arith.constant 0 : i32
        %dma_start3A_155 = tpu.memref_slice %arg3[%dma_start3A, %dma_start3A_154] : memref<10000x256xf32, #tpu.memory_space<hbm>> -> memref<10000x256xf32, #tpu.memory_space<hbm>>
        tpu.enqueue_indirect_dma source(%dma_start3A_155 : memref<10000x256xf32, #tpu.memory_space<hbm>>) target(%arg15 : memref<80x256xf32, #tpu.memory_space<vmem>>) offsets(%arg12 : memref<80xi32, #tpu.memory_space<vmem>>) semaphore(%run_scoped3A : memref<!tpu.dma_semaphore, #tpu.memory_space<semaphore_mem>>)
        %dma_wait3A = arith.constant 0 : i32
        %dma_wait3A_156 = arith.constant 0 : i32
        %dma_wait3A_157 = tpu.memref_slice %arg3[%dma_wait3A, %dma_wait3A_156] : memref<10000x256xf32, #tpu.memory_space<hbm>> -> memref<10000x256xf32, #tpu.memory_space<hbm>>
        tpu.wait_indirect_dma semaphore(%run_scoped3A : memref<!tpu.dma_semaphore, #tpu.memory_space<semaphore_mem>>) src(%dma_wait3A_157 : memref<10000x256xf32, #tpu.memory_space<hbm>>) dst(%arg15 : memref<80x256xf32, #tpu.memory_space<vmem>>)
        tpu.yield
      }) : () -> ()
      "tpu.region"() ({
        %run_scoped3A = tpu.sem_alloc : memref<!tpu.dma_semaphore, #tpu.memory_space<semaphore_mem>>
        %dma_start3A = arith.constant 0 : i32
        %dma_start3A_154 = arith.constant 0 : i32
        %dma_start3A_155 = tpu.memref_slice %arg2[%dma_start3A, %dma_start3A_154] : memref<10000x160xf32, #tpu.memory_space<hbm>> -> memref<10000x160xf32, #tpu.memory_space<hbm>>
        tpu.enqueue_indirect_dma source(%dma_start3A_155 : memref<10000x160xf32, #tpu.memory_space<hbm>>) target(%arg14 : memref<80x160xf32, #tpu.memory_space<vmem>>) offsets(%arg13 : memref<80xi32, #tpu.memory_space<vmem>>) semaphore(%run_scoped3A : memref<!tpu.dma_semaphore, #tpu.memory_space<semaphore_mem>>)
        %dma_wait3A = arith.constant 0 : i32
        %dma_wait3A_156 = arith.constant 0 : i32
        %dma_wait3A_157 = tpu.memref_slice %arg2[%dma_wait3A, %dma_wait3A_156] : memref<10000x160xf32, #tpu.memory_space<hbm>> -> memref<10000x160xf32, #tpu.memory_space<hbm>>
        tpu.wait_indirect_dma semaphore(%run_scoped3A : memref<!tpu.dma_semaphore, #tpu.memory_space<semaphore_mem>>) src(%dma_wait3A_157 : memref<10000x160xf32, #tpu.memory_space<hbm>>) dst(%arg14 : memref<80x160xf32, #tpu.memory_space<vmem>>)
        tpu.yield
      }) : () -> ()
      %get3A = arith.constant 0 : i32
      %get3A_54 = arith.index_cast %get3A : i32 to index
      %get3A_55 = arith.constant 0 : index
      %get3A_56 = tpu.vector_load %arg19[%get3A_54, %get3A_55] {strides = array<i32>} : memref<3x128xf32, #tpu.memory_space<vmem>>, vector<16xf32>,
      %get3A_57 = arith.constant 0 : i32
      %get3A_58 = arith.index_cast %get3A_57 : i32 to index
      %get3A_59 = arith.constant 16 : index
      %get3A_60 = tpu.vector_load %arg19[%get3A_58, %get3A_59] {strides = array<i32>} : memref<3x128xf32, #tpu.memory_space<vmem>>, vector<16xf32>,
      %get3A_61 = arith.constant 0 : i32
      %get3A_62 = arith.index_cast %get3A_61 : i32 to index
      %get3A_63 = arith.constant 32 : index
      %get3A_64 = tpu.vector_load %arg19[%get3A_62, %get3A_63] {strides = array<i32>} : memref<3x128xf32, #tpu.memory_space<vmem>>, vector<16xf32>,
      %get3A_65 = arith.constant 0 : i32
      %get3A_66 = arith.index_cast %get3A_65 : i32 to index
      %get3A_67 = arith.constant 48 : index
      %get3A_68 = tpu.vector_load %arg19[%get3A_66, %get3A_67] {strides = array<i32>} : memref<3x128xf32, #tpu.memory_space<vmem>>, vector<16xf32>,
      %get3A_69 = arith.constant 0 : i32
      %get3A_70 = arith.index_cast %get3A_69 : i32 to index
      %get3A_71 = arith.constant 64 : index
      %get3A_72 = tpu.vector_load %arg19[%get3A_70, %get3A_71] {strides = array<i32>} : memref<3x128xf32, #tpu.memory_space<vmem>>, vector<16xf32>,
      %get3A_73 = arith.constant 0 : i32
      %get3A_74 = arith.index_cast %get3A_73 : i32 to index
      %get3A_75 = arith.constant 80 : index
      %get3A_76 = tpu.vector_load %arg19[%get3A_74, %get3A_75] {strides = array<i32>} : memref<3x128xf32, #tpu.memory_space<vmem>>, vector<16xf32>,
      %get3A_77 = arith.constant 0 : i32
      %get3A_78 = arith.index_cast %get3A_77 : i32 to index
      %get3A_79 = arith.constant 96 : index
      %get3A_80 = tpu.vector_load %arg19[%get3A_78, %get3A_79] {strides = array<i32>} : memref<3x128xf32, #tpu.memory_space<vmem>>, vector<16xf32>,
      %get3A_81 = arith.constant 0 : i32
      %get3A_82 = arith.index_cast %get3A_81 : i32 to index
      %get3A_83 = arith.constant 112 : index
      %get3A_84 = tpu.vector_load %arg19[%get3A_82, %get3A_83] {strides = array<i32>} : memref<3x128xf32, #tpu.memory_space<vmem>>, vector<16xf32>,
      %get3A_85 = arith.constant 1 : i32
      %get3A_86 = arith.index_cast %get3A_85 : i32 to index
      %get3A_87 = arith.constant 0 : index
      %get3A_88 = tpu.vector_load %arg19[%get3A_86, %get3A_87] {strides = array<i32>} : memref<3x128xf32, #tpu.memory_space<vmem>>, vector<16xf32>,
      %get3A_89 = arith.constant 1 : i32
      %get3A_90 = arith.index_cast %get3A_89 : i32 to index
      %get3A_91 = arith.constant 16 : index
      %get3A_92 = tpu.vector_load %arg19[%get3A_90, %get3A_91] {strides = array<i32>} : memref<3x128xf32, #tpu.memory_space<vmem>>, vector<16xf32>,
      %get3A_93 = arith.constant 1 : i32
      %get3A_94 = arith.index_cast %get3A_93 : i32 to index
      %get3A_95 = arith.constant 32 : index
      %get3A_96 = tpu.vector_load %arg19[%get3A_94, %get3A_95] {strides = array<i32>} : memref<3x128xf32, #tpu.memory_space<vmem>>, vector<16xf32>,
      %get3A_97 = arith.constant 1 : i32
      %get3A_98 = arith.index_cast %get3A_97 : i32 to index
      %get3A_99 = arith.constant 48 : index
      %get3A_100 = tpu.vector_load %arg19[%get3A_98, %get3A_99] {strides = array<i32>} : memref<3x128xf32, #tpu.memory_space<vmem>>, vector<16xf32>,
      %get3A_101 = arith.constant 1 : i32
      %get3A_102 = arith.index_cast %get3A_101 : i32 to index
      %get3A_103 = arith.constant 64 : index
      %get3A_104 = tpu.vector_load %arg19[%get3A_102, %get3A_103] {strides = array<i32>} : memref<3x128xf32, #tpu.memory_space<vmem>>, vector<16xf32>,
      %get3A_105 = arith.constant 1 : i32
      %get3A_106 = arith.index_cast %get3A_105 : i32 to index
      %get3A_107 = arith.constant 80 : index
      %get3A_108 = tpu.vector_load %arg19[%get3A_106, %get3A_107] {strides = array<i32>} : memref<3x128xf32, #tpu.memory_space<vmem>>, vector<16xf32>,
      %get3A_109 = arith.constant 1 : i32
      %get3A_110 = arith.index_cast %get3A_109 : i32 to index
      %get3A_111 = arith.constant 96 : index
      %get3A_112 = tpu.vector_load %arg19[%get3A_110, %get3A_111] {strides = array<i32>} : memref<3x128xf32, #tpu.memory_space<vmem>>, vector<16xf32>,
      %get3A_113 = arith.constant 1 : i32
      %get3A_114 = arith.index_cast %get3A_113 : i32 to index
      %get3A_115 = arith.constant 112 : index
      %get3A_116 = tpu.vector_load %arg19[%get3A_114, %get3A_115] {strides = array<i32>} : memref<3x128xf32, #tpu.memory_space<vmem>>, vector<16xf32>,
      %get3A_117 = arith.constant 2 : i32
      %get3A_118 = arith.index_cast %get3A_117 : i32 to index
      %get3A_119 = arith.constant 0 : index
      %get3A_120 = tpu.vector_load %arg19[%get3A_118, %get3A_119] {strides = array<i32>} : memref<3x128xf32, #tpu.memory_space<vmem>>, vector<16xf32>,
      %get3A_121 = arith.constant 2 : i32
      %get3A_122 = arith.index_cast %get3A_121 : i32 to index
      %get3A_123 = arith.constant 16 : index
      %get3A_124 = tpu.vector_load %arg19[%get3A_122, %get3A_123] {strides = array<i32>} : memref<3x128xf32, #tpu.memory_space<vmem>>, vector<16xf32>,
      %get3A_125 = arith.constant 2 : i32
      %get3A_126 = arith.index_cast %get3A_125 : i32 to index
      %get3A_127 = arith.constant 32 : index
      %get3A_128 = tpu.vector_load %arg19[%get3A_126, %get3A_127] {strides = array<i32>} : memref<3x128xf32, #tpu.memory_space<vmem>>, vector<16xf32>,
      %get3A_129 = arith.constant 2 : i32
      %get3A_130 = arith.index_cast %get3A_129 : i32 to index
      %get3A_131 = arith.constant 48 : index
      %get3A_132 = tpu.vector_load %arg19[%get3A_130, %get3A_131] {strides = array<i32>} : memref<3x128xf32, #tpu.memory_space<vmem>>, vector<16xf32>,
      %get3A_133 = arith.constant 2 : i32
      %get3A_134 = arith.index_cast %get3A_133 : i32 to index
      %get3A_135 = arith.constant 64 : index
      %get3A_136 = tpu.vector_load %arg19[%get3A_134, %get3A_135] {strides = array<i32>} : memref<3x128xf32, #tpu.memory_space<vmem>>, vector<16xf32>,
      %get3A_137 = arith.constant 2 : i32
      %get3A_138 = arith.index_cast %get3A_137 : i32 to index
      %get3A_139 = arith.constant 80 : index
      %get3A_140 = tpu.vector_load %arg19[%get3A_138, %get3A_139] {strides = array<i32>} : memref<3x128xf32, #tpu.memory_space<vmem>>, vector<16xf32>,
      %get3A_141 = arith.constant 2 : i32
      %get3A_142 = arith.index_cast %get3A_141 : i32 to index
      %get3A_143 = arith.constant 96 : index
      %get3A_144 = tpu.vector_load %arg19[%get3A_142, %get3A_143] {strides = array<i32>} : memref<3x128xf32, #tpu.memory_space<vmem>>, vector<16xf32>,
      %get3A_145 = arith.constant 2 : i32
      %get3A_146 = arith.index_cast %get3A_145 : i32 to index
      %get3A_147 = arith.constant 112 : index
      %get3A_148 = tpu.vector_load %arg19[%get3A_146, %get3A_147] {strides = array<i32>} : memref<3x128xf32, #tpu.memory_space<vmem>>, vector<16xf32>,
      %scan3A_149 = arith.constant 0 : i32
      %scan3A_150 = arith.constant 40 : i32
      %scan3A_151 = arith.addi %scan3A_149, %scan3A_150 : i32
      %scan3A_152 = arith.constant 1 : i32
      scf.for %scan3A_154 = %scan3A_149 to %scan3A_151 step %scan3A_152  : i32 {
        %mul3A_155 = arith.constant 2 : i32
        %mul3A_156 = arith.muli %scan3A_154, %mul3A_155 : i32
        %add3A_157 = arith.constant 0 : i32
        %add3A_158 = arith.addi %add3A_157, %mul3A_156 : i32
        %add3A_159 = arith.constant 1 : i32
        %add3A_160 = arith.addi %add3A_158, %add3A_159 : i32
        %broadcast_in_dim3A_161 = vector.broadcast %add3A_158 : i32 to vector<16xi32>
        %broadcast_in_dim3A_162 = vector.broadcast %add3A_160 : i32 to vector<16xi32>
        %gather3A = tpu.vector_load_idx %arg16[%broadcast_in_dim3A_161, %broadcast_in_dim3A_5] : memref<80x2xf32, #tpu.memory_space<vmem>>[vector<16xi32>, vector<16xi32>], vector<16xf32>,
        %gather3A_163 = tpu.vector_load_idx %arg16[%broadcast_in_dim3A_162, %broadcast_in_dim3A_5] : memref<80x2xf32, #tpu.memory_space<vmem>>[vector<16xi32>, vector<16xi32>], vector<16xf32>,
        %gather3A_164 = tpu.vector_load_idx %arg16[%broadcast_in_dim3A_161, %broadcast_in_dim3A_7] : memref<80x2xf32, #tpu.memory_space<vmem>>[vector<16xi32>, vector<16xi32>], vector<16xf32>,
        %gather3A_165 = tpu.vector_load_idx %arg16[%broadcast_in_dim3A_162, %broadcast_in_dim3A_7] : memref<80x2xf32, #tpu.memory_space<vmem>>[vector<16xi32>, vector<16xi32>], vector<16xf32>,
        %get3A_166 = arith.index_cast %add3A_158 : i32 to index
        %get3A_167 = arith.constant 0 : index
        %get3A_168 = tpu.vector_load %arg14[%get3A_166, %get3A_167] {strides = array<i32>} : memref<80x160xf32, #tpu.memory_space<vmem>>, vector<16xf32>,
        %get3A_169 = arith.index_cast %add3A_158 : i32 to index
        %get3A_170 = arith.constant 0 : index
        %get3A_171 = tpu.vector_load %arg15[%get3A_169, %get3A_170] {strides = array<i32>} : memref<80x256xf32, #tpu.memory_space<vmem>>, vector<16xf32>,
        %mul3A_172 = arith.mulf %get3A_168, %get3A_171 : vector<16xf32>
        %get3A_173 = arith.index_cast %add3A_158 : i32 to index
        %get3A_174 = arith.constant 16 : index
        %get3A_175 = tpu.vector_load %arg14[%get3A_173, %get3A_174] {strides = array<i32>} : memref<80x160xf32, #tpu.memory_space<vmem>>, vector<16xf32>,
        %get3A_176 = arith.index_cast %add3A_158 : i32 to index
        %get3A_177 = arith.constant 16 : index
        %get3A_178 = tpu.vector_load %arg15[%get3A_176, %get3A_177] {strides = array<i32>} : memref<80x256xf32, #tpu.memory_space<vmem>>, vector<16xf32>,
        %mul3A_179 = arith.mulf %get3A_175, %get3A_178 : vector<16xf32>
        %get3A_180 = arith.index_cast %add3A_158 : i32 to index
        %get3A_181 = arith.constant 32 : index
        %get3A_182 = tpu.vector_load %arg14[%get3A_180, %get3A_181] {strides = array<i32>} : memref<80x160xf32, #tpu.memory_space<vmem>>, vector<16xf32>,
        %get3A_183 = arith.index_cast %add3A_158 : i32 to index
        %get3A_184 = arith.constant 32 : index
        %get3A_185 = tpu.vector_load %arg15[%get3A_183, %get3A_184] {strides = array<i32>} : memref<80x256xf32, #tpu.memory_space<vmem>>, vector<16xf32>,
        %mul3A_186 = arith.mulf %get3A_182, %get3A_185 : vector<16xf32>
        %get3A_187 = arith.index_cast %add3A_158 : i32 to index
        %get3A_188 = arith.constant 48 : index
        %get3A_189 = tpu.vector_load %arg14[%get3A_187, %get3A_188] {strides = array<i32>} : memref<80x160xf32, #tpu.memory_space<vmem>>, vector<16xf32>,
        %get3A_190 = arith.index_cast %add3A_158 : i32 to index
        %get3A_191 = arith.constant 48 : index
        %get3A_192 = tpu.vector_load %arg15[%get3A_190, %get3A_191] {strides = array<i32>} : memref<80x256xf32, #tpu.memory_space<vmem>>, vector<16xf32>,
        %mul3A_193 = arith.mulf %get3A_189, %get3A_192 : vector<16xf32>
        %get3A_194 = arith.index_cast %add3A_158 : i32 to index
        %get3A_195 = arith.constant 64 : index
        %get3A_196 = tpu.vector_load %arg14[%get3A_194, %get3A_195] {strides = array<i32>} : memref<80x160xf32, #tpu.memory_space<vmem>>, vector<16xf32>,
        %get3A_197 = arith.index_cast %add3A_158 : i32 to index
        %get3A_198 = arith.constant 64 : index
        %get3A_199 = tpu.vector_load %arg15[%get3A_197, %get3A_198] {strides = array<i32>} : memref<80x256xf32, #tpu.memory_space<vmem>>, vector<16xf32>,
        %mul3A_200 = arith.mulf %get3A_196, %get3A_199 : vector<16xf32>
        %get3A_201 = arith.index_cast %add3A_158 : i32 to index
        %get3A_202 = arith.constant 80 : index
        %get3A_203 = tpu.vector_load %arg14[%get3A_201, %get3A_202] {strides = array<i32>} : memref<80x160xf32, #tpu.memory_space<vmem>>, vector<16xf32>,
        %get3A_204 = arith.index_cast %add3A_158 : i32 to index
        %get3A_205 = arith.constant 80 : index
        %get3A_206 = tpu.vector_load %arg15[%get3A_204, %get3A_205] {strides = array<i32>} : memref<80x256xf32, #tpu.memory_space<vmem>>, vector<16xf32>,
        %mul3A_207 = arith.mulf %get3A_203, %get3A_206 : vector<16xf32>
        %get3A_208 = arith.index_cast %add3A_158 : i32 to index
        %get3A_209 = arith.constant 96 : index
        %get3A_210 = tpu.vector_load %arg14[%get3A_208, %get3A_209] {strides = array<i32>} : memref<80x160xf32, #tpu.memory_space<vmem>>, vector<16xf32>,
        %get3A_211 = arith.index_cast %add3A_158 : i32 to index
        %get3A_212 = arith.constant 96 : index
        %get3A_213 = tpu.vector_load %arg15[%get3A_211, %get3A_212] {strides = array<i32>} : memref<80x256xf32, #tpu.memory_space<vmem>>, vector<16xf32>,
        %mul3A_214 = arith.mulf %get3A_210, %get3A_213 : vector<16xf32>
        %get3A_215 = arith.index_cast %add3A_158 : i32 to index
        %get3A_216 = arith.constant 112 : index
        %get3A_217 = tpu.vector_load %arg14[%get3A_215, %get3A_216] {strides = array<i32>} : memref<80x160xf32, #tpu.memory_space<vmem>>, vector<16xf32>,
        %get3A_218 = arith.index_cast %add3A_158 : i32 to index
        %get3A_219 = arith.constant 112 : index
        %get3A_220 = tpu.vector_load %arg15[%get3A_218, %get3A_219] {strides = array<i32>} : memref<80x256xf32, #tpu.memory_space<vmem>>, vector<16xf32>,
        %mul3A_221 = arith.mulf %get3A_217, %get3A_220 : vector<16xf32>
        %get3A_222 = arith.index_cast %add3A_160 : i32 to index
        %get3A_223 = arith.constant 0 : index
        %get3A_224 = tpu.vector_load %arg14[%get3A_222, %get3A_223] {strides = array<i32>} : memref<80x160xf32, #tpu.memory_space<vmem>>, vector<16xf32>,
        %get3A_225 = arith.index_cast %add3A_160 : i32 to index
        %get3A_226 = arith.constant 0 : index
        %get3A_227 = tpu.vector_load %arg15[%get3A_225, %get3A_226] {strides = array<i32>} : memref<80x256xf32, #tpu.memory_space<vmem>>, vector<16xf32>,
        %mul3A_228 = arith.mulf %get3A_224, %get3A_227 : vector<16xf32>
        %get3A_229 = arith.index_cast %add3A_160 : i32 to index
        %get3A_230 = arith.constant 16 : index
        %get3A_231 = tpu.vector_load %arg14[%get3A_229, %get3A_230] {strides = array<i32>} : memref<80x160xf32, #tpu.memory_space<vmem>>, vector<16xf32>,
        %get3A_232 = arith.index_cast %add3A_160 : i32 to index
        %get3A_233 = arith.constant 16 : index
        %get3A_234 = tpu.vector_load %arg15[%get3A_232, %get3A_233] {strides = array<i32>} : memref<80x256xf32, #tpu.memory_space<vmem>>, vector<16xf32>,
        %mul3A_235 = arith.mulf %get3A_231, %get3A_234 : vector<16xf32>
        %get3A_236 = arith.index_cast %add3A_160 : i32 to index
        %get3A_237 = arith.constant 32 : index
        %get3A_238 = tpu.vector_load %arg14[%get3A_236, %get3A_237] {strides = array<i32>} : memref<80x160xf32, #tpu.memory_space<vmem>>, vector<16xf32>,
        %get3A_239 = arith.index_cast %add3A_160 : i32 to index
        %get3A_240 = arith.constant 32 : index
        %get3A_241 = tpu.vector_load %arg15[%get3A_239, %get3A_240] {strides = array<i32>} : memref<80x256xf32, #tpu.memory_space<vmem>>, vector<16xf32>,
        %mul3A_242 = arith.mulf %get3A_238, %get3A_241 : vector<16xf32>
        %get3A_243 = arith.index_cast %add3A_160 : i32 to index
        %get3A_244 = arith.constant 48 : index
        %get3A_245 = tpu.vector_load %arg14[%get3A_243, %get3A_244] {strides = array<i32>} : memref<80x160xf32, #tpu.memory_space<vmem>>, vector<16xf32>,
        %get3A_246 = arith.index_cast %add3A_160 : i32 to index
        %get3A_247 = arith.constant 48 : index
        %get3A_248 = tpu.vector_load %arg15[%get3A_246, %get3A_247] {strides = array<i32>} : memref<80x256xf32, #tpu.memory_space<vmem>>, vector<16xf32>,
        %mul3A_249 = arith.mulf %get3A_245, %get3A_248 : vector<16xf32>
        %get3A_250 = arith.index_cast %add3A_160 : i32 to index
        %get3A_251 = arith.constant 64 : index
        %get3A_252 = tpu.vector_load %arg14[%get3A_250, %get3A_251] {strides = array<i32>} : memref<80x160xf32, #tpu.memory_space<vmem>>, vector<16xf32>,
        %get3A_253 = arith.index_cast %add3A_160 : i32 to index
        %get3A_254 = arith.constant 64 : index
        %get3A_255 = tpu.vector_load %arg15[%get3A_253, %get3A_254] {strides = array<i32>} : memref<80x256xf32, #tpu.memory_space<vmem>>, vector<16xf32>,
        %mul3A_256 = arith.mulf %get3A_252, %get3A_255 : vector<16xf32>
        %get3A_257 = arith.index_cast %add3A_160 : i32 to index
        %get3A_258 = arith.constant 80 : index
        %get3A_259 = tpu.vector_load %arg14[%get3A_257, %get3A_258] {strides = array<i32>} : memref<80x160xf32, #tpu.memory_space<vmem>>, vector<16xf32>,
        %get3A_260 = arith.index_cast %add3A_160 : i32 to index
        %get3A_261 = arith.constant 80 : index
        %get3A_262 = tpu.vector_load %arg15[%get3A_260, %get3A_261] {strides = array<i32>} : memref<80x256xf32, #tpu.memory_space<vmem>>, vector<16xf32>,
        %mul3A_263 = arith.mulf %get3A_259, %get3A_262 : vector<16xf32>
        %get3A_264 = arith.index_cast %add3A_160 : i32 to index
        %get3A_265 = arith.constant 96 : index
        %get3A_266 = tpu.vector_load %arg14[%get3A_264, %get3A_265] {strides = array<i32>} : memref<80x160xf32, #tpu.memory_space<vmem>>, vector<16xf32>,
        %get3A_267 = arith.index_cast %add3A_160 : i32 to index
        %get3A_268 = arith.constant 96 : index
        %get3A_269 = tpu.vector_load %arg15[%get3A_267, %get3A_268] {strides = array<i32>} : memref<80x256xf32, #tpu.memory_space<vmem>>, vector<16xf32>,
        %mul3A_270 = arith.mulf %get3A_266, %get3A_269 : vector<16xf32>
        %get3A_271 = arith.index_cast %add3A_160 : i32 to index
        %get3A_272 = arith.constant 112 : index
        %get3A_273 = tpu.vector_load %arg14[%get3A_271, %get3A_272] {strides = array<i32>} : memref<80x160xf32, #tpu.memory_space<vmem>>, vector<16xf32>,
        %get3A_274 = arith.index_cast %add3A_160 : i32 to index
        %get3A_275 = arith.constant 112 : index
        %get3A_276 = tpu.vector_load %arg15[%get3A_274, %get3A_275] {strides = array<i32>} : memref<80x256xf32, #tpu.memory_space<vmem>>, vector<16xf32>,
        %mul3A_277 = arith.mulf %get3A_273, %get3A_276 : vector<16xf32>
        %add3A_278 = arith.addf %mul3A_172, %mul3A_179 : vector<16xf32>
        %add3A_279 = arith.addf %mul3A_186, %mul3A_193 : vector<16xf32>
        %add3A_280 = arith.addf %add3A_278, %add3A_279 : vector<16xf32>
        %add3A_281 = arith.addf %mul3A_200, %mul3A_207 : vector<16xf32>
        %add3A_282 = arith.addf %mul3A_214, %mul3A_221 : vector<16xf32>
        %add3A_283 = arith.addf %add3A_281, %add3A_282 : vector<16xf32>
        %add3A_284 = arith.addf %add3A_280, %add3A_283 : vector<16xf32>
        %add3A_285 = arith.addf %mul3A_228, %mul3A_235 : vector<16xf32>
        %add3A_286 = arith.addf %mul3A_242, %mul3A_249 : vector<16xf32>
        %add3A_287 = arith.addf %add3A_285, %add3A_286 : vector<16xf32>
        %add3A_288 = arith.addf %mul3A_256, %mul3A_263 : vector<16xf32>
        %add3A_289 = arith.addf %mul3A_270, %mul3A_277 : vector<16xf32>
        %add3A_290 = arith.addf %add3A_288, %add3A_289 : vector<16xf32>
        %add3A_291 = arith.addf %add3A_287, %add3A_290 : vector<16xf32>
        %gather3A_292 = vector.shape_cast %broadcast_in_dim3A_14 : vector<16x1xi32> to vector<16xi32>
        %gather3A_293 = tpu.dynamic_gather %add3A_284[%gather3A_292] in [0] : vector<16xf32>, vector<16xi32> -> vector<16xf32>
        %add3A_294 = arith.addf %add3A_284, %gather3A_293 : vector<16xf32>
        %gather3A_295 = vector.shape_cast %broadcast_in_dim3A_14 : vector<16x1xi32> to vector<16xi32>
        %gather3A_296 = tpu.dynamic_gather %add3A_291[%gather3A_295] in [0] : vector<16xf32>, vector<16xi32> -> vector<16xf32>
        %add3A_297 = arith.addf %add3A_291, %gather3A_296 : vector<16xf32>
        %get3A_298 = arith.index_cast %add3A_158 : i32 to index
        %get3A_299 = arith.constant 128 : index
        %get3A_300 = tpu.vector_load %arg14[%get3A_298, %get3A_299] {strides = array<i32>} : memref<80x160xf32, #tpu.memory_space<vmem>>, vector<16xf32>,
        %get3A_301 = arith.index_cast %add3A_160 : i32 to index
        %get3A_302 = arith.constant 128 : index
        %get3A_303 = tpu.vector_load %arg14[%get3A_301, %get3A_302] {strides = array<i32>} : memref<80x160xf32, #tpu.memory_space<vmem>>, vector<16xf32>,
        %get3A_304 = arith.index_cast %add3A_158 : i32 to index
        %get3A_305 = arith.constant 144 : index
        %get3A_306 = tpu.vector_load %arg14[%get3A_304, %get3A_305] {strides = array<i32>} : memref<80x160xf32, #tpu.memory_space<vmem>>, vector<16xf32>,
        %get3A_307 = arith.index_cast %add3A_160 : i32 to index
        %get3A_308 = arith.constant 144 : index
        %get3A_309 = tpu.vector_load %arg14[%get3A_307, %get3A_308] {strides = array<i32>} : memref<80x160xf32, #tpu.memory_space<vmem>>, vector<16xf32>,
        %mul3A_310 = arith.mulf %gather3A, %get3A_300 : vector<16xf32>
        %add3A_311 = arith.addf %add3A_294, %mul3A_310 : vector<16xf32>
        %gather3A_312 = vector.shape_cast %broadcast_in_dim3A_14 : vector<16x1xi32> to vector<16xi32>
        %gather3A_313 = tpu.dynamic_gather %get3A_300[%gather3A_312] in [0] : vector<16xf32>, vector<16xi32> -> vector<16xf32>
        %mul3A_314 = arith.mulf %gather3A_164, %gather3A_313 : vector<16xf32>
        %add3A_315 = arith.addf %add3A_311, %mul3A_314 : vector<16xf32>
        %add3A_316 = arith.addf %add3A_315, %get3A_306 : vector<16xf32>
        %mul3A_317 = arith.mulf %gather3A_163, %get3A_303 : vector<16xf32>
        %add3A_318 = arith.addf %add3A_297, %mul3A_317 : vector<16xf32>
        %gather3A_319 = vector.shape_cast %broadcast_in_dim3A_14 : vector<16x1xi32> to vector<16xi32>
        %gather3A_320 = tpu.dynamic_gather %get3A_303[%gather3A_319] in [0] : vector<16xf32>, vector<16xi32> -> vector<16xf32>
        %mul3A_321 = arith.mulf %gather3A_165, %gather3A_320 : vector<16xf32>
        %add3A_322 = arith.addf %add3A_318, %mul3A_321 : vector<16xf32>
        %add3A_323 = arith.addf %add3A_322, %get3A_309 : vector<16xf32>
        %min3A = arith.constant 6.000000e+01 : f32
        %min3A_324 = vector.broadcast %min3A : f32 to vector<16xf32>
        %min3A_325 = arith.minimumf %add3A_316, %min3A_324 : vector<16xf32>
        %exp3A = math.exp %min3A_325 : vector<16xf32>
        %min3A_326 = arith.constant 6.000000e+01 : f32
        %min3A_327 = vector.broadcast %min3A_326 : f32 to vector<16xf32>
        %min3A_328 = arith.minimumf %add3A_323, %min3A_327 : vector<16xf32>
        %exp3A_329 = math.exp %min3A_328 : vector<16xf32>
        %select_n3A = arith.select %lt3A_9, %broadcast_in_dim3A_161, %broadcast_in_dim3A_162 : vector<16xi1>, vector<16xi32>
        %gather3A_330 = vector.shape_cast %broadcast_in_dim3A_14 : vector<16x1xi32> to vector<16xi32>
        %gather3A_331 = tpu.dynamic_gather %exp3A_329[%gather3A_330] in [0] : vector<16xf32>, vector<16xi32> -> vector<16xf32>
        %select_n3A_332 = arith.select %lt3A_9, %exp3A, %gather3A_331 : vector<16xi1>, vector<16xf32>
        tpu.vector_store_idx %arg18[%select_n3A, %and3A_11], %select_n3A_332 : memref<80x8xf32, #tpu.memory_space<vmem>>[vector<16xi32>, vector<16xi32>], vector<16xf32>,
        %mul3A_333 = arith.mulf %gather3A, %get3A_56 : vector<16xf32>
        %mul3A_334 = arith.mulf %gather3A_164, %get3A_88 : vector<16xf32>
        %add3A_335 = arith.addf %mul3A_333, %mul3A_334 : vector<16xf32>
        %add3A_336 = arith.addf %add3A_335, %get3A_120 : vector<16xf32>
        %get3A_337 = arith.index_cast %add3A_158 : i32 to index
        %get3A_338 = arith.constant 128 : index
        %get3A_339 = tpu.vector_load %arg15[%get3A_337, %get3A_338] {strides = array<i32>} : memref<80x256xf32, #tpu.memory_space<vmem>>, vector<16xf32>,
        %add3A_340 = arith.addf %get3A_339, %add3A_336 : vector<16xf32>
        %gather3A_341 = vector.shape_cast %broadcast_in_dim3A_16 : vector<16x1xi32> to vector<16xi32>
        %gather3A_342 = tpu.dynamic_gather %exp3A[%gather3A_341] in [0] : vector<16xf32>, vector<16xi32> -> vector<16xf32>
        %mul3A_343 = arith.mulf %add3A_340, %gather3A_342 : vector<16xf32>
        %swap3A = arith.index_cast %add3A_158 : i32 to index
        %swap3A_344 = arith.constant 0 : index
        %swap3A_345 = tpu.vector_load %arg17[%swap3A, %swap3A_344] {strides = array<i32>} : memref<80x128xf32, #tpu.memory_space<vmem>>, vector<16xf32>,
        tpu.vector_store %arg17[%swap3A, %swap3A_344], %mul3A_343 {strides = array<i32>} : memref<80x128xf32, #tpu.memory_space<vmem>>, vector<16xf32>,
        %mul3A_346 = arith.mulf %gather3A_163, %get3A_56 : vector<16xf32>
        %mul3A_347 = arith.mulf %gather3A_165, %get3A_88 : vector<16xf32>
        %add3A_348 = arith.addf %mul3A_346, %mul3A_347 : vector<16xf32>
        %add3A_349 = arith.addf %add3A_348, %get3A_120 : vector<16xf32>
        %get3A_350 = arith.index_cast %add3A_160 : i32 to index
        %get3A_351 = arith.constant 128 : index
        %get3A_352 = tpu.vector_load %arg15[%get3A_350, %get3A_351] {strides = array<i32>} : memref<80x256xf32, #tpu.memory_space<vmem>>, vector<16xf32>,
        %add3A_353 = arith.addf %get3A_352, %add3A_349 : vector<16xf32>
        %gather3A_354 = vector.shape_cast %broadcast_in_dim3A_16 : vector<16x1xi32> to vector<16xi32>
        %gather3A_355 = tpu.dynamic_gather %exp3A_329[%gather3A_354] in [0] : vector<16xf32>, vector<16xi32> -> vector<16xf32>
        %mul3A_356 = arith.mulf %add3A_353, %gather3A_355 : vector<16xf32>
        %swap3A_357 = arith.index_cast %add3A_160 : i32 to index
        %swap3A_358 = arith.constant 0 : index
        %swap3A_359 = tpu.vector_load %arg17[%swap3A_357, %swap3A_358] {strides = array<i32>} : memref<80x128xf32, #tpu.memory_space<vmem>>, vector<16xf32>,
        tpu.vector_store %arg17[%swap3A_357, %swap3A_358], %mul3A_356 {strides = array<i32>} : memref<80x128xf32, #tpu.memory_space<vmem>>, vector<16xf32>,
        %mul3A_360 = arith.mulf %gather3A, %get3A_60 : vector<16xf32>
        %mul3A_361 = arith.mulf %gather3A_164, %get3A_92 : vector<16xf32>
        %add3A_362 = arith.addf %mul3A_360, %mul3A_361 : vector<16xf32>
        %add3A_363 = arith.addf %add3A_362, %get3A_124 : vector<16xf32>
        %get3A_364 = arith.index_cast %add3A_158 : i32 to index
        %get3A_365 = arith.constant 144 : index
        %get3A_366 = tpu.vector_load %arg15[%get3A_364, %get3A_365] {strides = array<i32>} : memref<80x256xf32, #tpu.memory_space<vmem>>, vector<16xf32>,
        %add3A_367 = arith.addf %get3A_366, %add3A_363 : vector<16xf32>
        %gather3A_368 = vector.shape_cast %broadcast_in_dim3A_18 : vector<16x1xi32> to vector<16xi32>
        %gather3A_369 = tpu.dynamic_gather %exp3A[%gather3A_368] in [0] : vector<16xf32>, vector<16xi32> -> vector<16xf32>
        %mul3A_370 = arith.mulf %add3A_367, %gather3A_369 : vector<16xf32>
        %swap3A_371 = arith.index_cast %add3A_158 : i32 to index
        %swap3A_372 = arith.constant 16 : index
        %swap3A_373 = tpu.vector_load %arg17[%swap3A_371, %swap3A_372] {strides = array<i32>} : memref<80x128xf32, #tpu.memory_space<vmem>>, vector<16xf32>,
        tpu.vector_store %arg17[%swap3A_371, %swap3A_372], %mul3A_370 {strides = array<i32>} : memref<80x128xf32, #tpu.memory_space<vmem>>, vector<16xf32>,
        %mul3A_374 = arith.mulf %gather3A_163, %get3A_60 : vector<16xf32>
        %mul3A_375 = arith.mulf %gather3A_165, %get3A_92 : vector<16xf32>
        %add3A_376 = arith.addf %mul3A_374, %mul3A_375 : vector<16xf32>
        %add3A_377 = arith.addf %add3A_376, %get3A_124 : vector<16xf32>
        %get3A_378 = arith.index_cast %add3A_160 : i32 to index
        %get3A_379 = arith.constant 144 : index
        %get3A_380 = tpu.vector_load %arg15[%get3A_378, %get3A_379] {strides = array<i32>} : memref<80x256xf32, #tpu.memory_space<vmem>>, vector<16xf32>,
        %add3A_381 = arith.addf %get3A_380, %add3A_377 : vector<16xf32>
        %gather3A_382 = vector.shape_cast %broadcast_in_dim3A_18 : vector<16x1xi32> to vector<16xi32>
        %gather3A_383 = tpu.dynamic_gather %exp3A_329[%gather3A_382] in [0] : vector<16xf32>, vector<16xi32> -> vector<16xf32>
        %mul3A_384 = arith.mulf %add3A_381, %gather3A_383 : vector<16xf32>
        %swap3A_385 = arith.index_cast %add3A_160 : i32 to index
        %swap3A_386 = arith.constant 16 : index
        %swap3A_387 = tpu.vector_load %arg17[%swap3A_385, %swap3A_386] {strides = array<i32>} : memref<80x128xf32, #tpu.memory_space<vmem>>, vector<16xf32>,
        tpu.vector_store %arg17[%swap3A_385, %swap3A_386], %mul3A_384 {strides = array<i32>} : memref<80x128xf32, #tpu.memory_space<vmem>>, vector<16xf32>,
        %mul3A_388 = arith.mulf %gather3A, %get3A_64 : vector<16xf32>
        %mul3A_389 = arith.mulf %gather3A_164, %get3A_96 : vector<16xf32>
        %add3A_390 = arith.addf %mul3A_388, %mul3A_389 : vector<16xf32>
        %add3A_391 = arith.addf %add3A_390, %get3A_128 : vector<16xf32>
        %get3A_392 = arith.index_cast %add3A_158 : i32 to index
        %get3A_393 = arith.constant 160 : index
        %get3A_394 = tpu.vector_load %arg15[%get3A_392, %get3A_393] {strides = array<i32>} : memref<80x256xf32, #tpu.memory_space<vmem>>, vector<16xf32>,
        %add3A_395 = arith.addf %get3A_394, %add3A_391 : vector<16xf32>
        %gather3A_396 = vector.shape_cast %broadcast_in_dim3A_20 : vector<16x1xi32> to vector<16xi32>
        %gather3A_397 = tpu.dynamic_gather %exp3A[%gather3A_396] in [0] : vector<16xf32>, vector<16xi32> -> vector<16xf32>
        %mul3A_398 = arith.mulf %add3A_395, %gather3A_397 : vector<16xf32>
        %swap3A_399 = arith.index_cast %add3A_158 : i32 to index
        %swap3A_400 = arith.constant 32 : index
        %swap3A_401 = tpu.vector_load %arg17[%swap3A_399, %swap3A_400] {strides = array<i32>} : memref<80x128xf32, #tpu.memory_space<vmem>>, vector<16xf32>,
        tpu.vector_store %arg17[%swap3A_399, %swap3A_400], %mul3A_398 {strides = array<i32>} : memref<80x128xf32, #tpu.memory_space<vmem>>, vector<16xf32>,
        %mul3A_402 = arith.mulf %gather3A_163, %get3A_64 : vector<16xf32>
        %mul3A_403 = arith.mulf %gather3A_165, %get3A_96 : vector<16xf32>
        %add3A_404 = arith.addf %mul3A_402, %mul3A_403 : vector<16xf32>
        %add3A_405 = arith.addf %add3A_404, %get3A_128 : vector<16xf32>
        %get3A_406 = arith.index_cast %add3A_160 : i32 to index
        %get3A_407 = arith.constant 160 : index
        %get3A_408 = tpu.vector_load %arg15[%get3A_406, %get3A_407] {strides = array<i32>} : memref<80x256xf32, #tpu.memory_space<vmem>>, vector<16xf32>,
        %add3A_409 = arith.addf %get3A_408, %add3A_405 : vector<16xf32>
        %gather3A_410 = vector.shape_cast %broadcast_in_dim3A_20 : vector<16x1xi32> to vector<16xi32>
        %gather3A_411 = tpu.dynamic_gather %exp3A_329[%gather3A_410] in [0] : vector<16xf32>, vector<16xi32> -> vector<16xf32>
        %mul3A_412 = arith.mulf %add3A_409, %gather3A_411 : vector<16xf32>
        %swap3A_413 = arith.index_cast %add3A_160 : i32 to index
        %swap3A_414 = arith.constant 32 : index
        %swap3A_415 = tpu.vector_load %arg17[%swap3A_413, %swap3A_414] {strides = array<i32>} : memref<80x128xf32, #tpu.memory_space<vmem>>, vector<16xf32>,
        tpu.vector_store %arg17[%swap3A_413, %swap3A_414], %mul3A_412 {strides = array<i32>} : memref<80x128xf32, #tpu.memory_space<vmem>>, vector<16xf32>,
        %mul3A_416 = arith.mulf %gather3A, %get3A_68 : vector<16xf32>
        %mul3A_417 = arith.mulf %gather3A_164, %get3A_100 : vector<16xf32>
        %add3A_418 = arith.addf %mul3A_416, %mul3A_417 : vector<16xf32>
        %add3A_419 = arith.addf %add3A_418, %get3A_132 : vector<16xf32>
        %get3A_420 = arith.index_cast %add3A_158 : i32 to index
        %get3A_421 = arith.constant 176 : index
        %get3A_422 = tpu.vector_load %arg15[%get3A_420, %get3A_421] {strides = array<i32>} : memref<80x256xf32, #tpu.memory_space<vmem>>, vector<16xf32>,
        %add3A_423 = arith.addf %get3A_422, %add3A_419 : vector<16xf32>
        %gather3A_424 = vector.shape_cast %broadcast_in_dim3A_22 : vector<16x1xi32> to vector<16xi32>
        %gather3A_425 = tpu.dynamic_gather %exp3A[%gather3A_424] in [0] : vector<16xf32>, vector<16xi32> -> vector<16xf32>
        %mul3A_426 = arith.mulf %add3A_423, %gather3A_425 : vector<16xf32>
        %swap3A_427 = arith.index_cast %add3A_158 : i32 to index
        %swap3A_428 = arith.constant 48 : index
        %swap3A_429 = tpu.vector_load %arg17[%swap3A_427, %swap3A_428] {strides = array<i32>} : memref<80x128xf32, #tpu.memory_space<vmem>>, vector<16xf32>,
        tpu.vector_store %arg17[%swap3A_427, %swap3A_428], %mul3A_426 {strides = array<i32>} : memref<80x128xf32, #tpu.memory_space<vmem>>, vector<16xf32>,
        %mul3A_430 = arith.mulf %gather3A_163, %get3A_68 : vector<16xf32>
        %mul3A_431 = arith.mulf %gather3A_165, %get3A_100 : vector<16xf32>
        %add3A_432 = arith.addf %mul3A_430, %mul3A_431 : vector<16xf32>
        %add3A_433 = arith.addf %add3A_432, %get3A_132 : vector<16xf32>
        %get3A_434 = arith.index_cast %add3A_160 : i32 to index
        %get3A_435 = arith.constant 176 : index
        %get3A_436 = tpu.vector_load %arg15[%get3A_434, %get3A_435] {strides = array<i32>} : memref<80x256xf32, #tpu.memory_space<vmem>>, vector<16xf32>,
        %add3A_437 = arith.addf %get3A_436, %add3A_433 : vector<16xf32>
        %gather3A_438 = vector.shape_cast %broadcast_in_dim3A_22 : vector<16x1xi32> to vector<16xi32>
        %gather3A_439 = tpu.dynamic_gather %exp3A_329[%gather3A_438] in [0] : vector<16xf32>, vector<16xi32> -> vector<16xf32>
        %mul3A_440 = arith.mulf %add3A_437, %gather3A_439 : vector<16xf32>
        %swap3A_441 = arith.index_cast %add3A_160 : i32 to index
        %swap3A_442 = arith.constant 48 : index
        %swap3A_443 = tpu.vector_load %arg17[%swap3A_441, %swap3A_442] {strides = array<i32>} : memref<80x128xf32, #tpu.memory_space<vmem>>, vector<16xf32>,
        tpu.vector_store %arg17[%swap3A_441, %swap3A_442], %mul3A_440 {strides = array<i32>} : memref<80x128xf32, #tpu.memory_space<vmem>>, vector<16xf32>,
        %mul3A_444 = arith.mulf %gather3A, %get3A_72 : vector<16xf32>
        %mul3A_445 = arith.mulf %gather3A_164, %get3A_104 : vector<16xf32>
        %add3A_446 = arith.addf %mul3A_444, %mul3A_445 : vector<16xf32>
        %add3A_447 = arith.addf %add3A_446, %get3A_136 : vector<16xf32>
        %get3A_448 = arith.index_cast %add3A_158 : i32 to index
        %get3A_449 = arith.constant 192 : index
        %get3A_450 = tpu.vector_load %arg15[%get3A_448, %get3A_449] {strides = array<i32>} : memref<80x256xf32, #tpu.memory_space<vmem>>, vector<16xf32>,
        %add3A_451 = arith.addf %get3A_450, %add3A_447 : vector<16xf32>
        %gather3A_452 = vector.shape_cast %broadcast_in_dim3A_24 : vector<16x1xi32> to vector<16xi32>
        %gather3A_453 = tpu.dynamic_gather %exp3A[%gather3A_452] in [0] : vector<16xf32>, vector<16xi32> -> vector<16xf32>
        %mul3A_454 = arith.mulf %add3A_451, %gather3A_453 : vector<16xf32>
        %swap3A_455 = arith.index_cast %add3A_158 : i32 to index
        %swap3A_456 = arith.constant 64 : index
        %swap3A_457 = tpu.vector_load %arg17[%swap3A_455, %swap3A_456] {strides = array<i32>} : memref<80x128xf32, #tpu.memory_space<vmem>>, vector<16xf32>,
        tpu.vector_store %arg17[%swap3A_455, %swap3A_456], %mul3A_454 {strides = array<i32>} : memref<80x128xf32, #tpu.memory_space<vmem>>, vector<16xf32>,
        %mul3A_458 = arith.mulf %gather3A_163, %get3A_72 : vector<16xf32>
        %mul3A_459 = arith.mulf %gather3A_165, %get3A_104 : vector<16xf32>
        %add3A_460 = arith.addf %mul3A_458, %mul3A_459 : vector<16xf32>
        %add3A_461 = arith.addf %add3A_460, %get3A_136 : vector<16xf32>
        %get3A_462 = arith.index_cast %add3A_160 : i32 to index
        %get3A_463 = arith.constant 192 : index
        %get3A_464 = tpu.vector_load %arg15[%get3A_462, %get3A_463] {strides = array<i32>} : memref<80x256xf32, #tpu.memory_space<vmem>>, vector<16xf32>,
        %add3A_465 = arith.addf %get3A_464, %add3A_461 : vector<16xf32>
        %gather3A_466 = vector.shape_cast %broadcast_in_dim3A_24 : vector<16x1xi32> to vector<16xi32>
        %gather3A_467 = tpu.dynamic_gather %exp3A_329[%gather3A_466] in [0] : vector<16xf32>, vector<16xi32> -> vector<16xf32>
        %mul3A_468 = arith.mulf %add3A_465, %gather3A_467 : vector<16xf32>
        %swap3A_469 = arith.index_cast %add3A_160 : i32 to index
        %swap3A_470 = arith.constant 64 : index
        %swap3A_471 = tpu.vector_load %arg17[%swap3A_469, %swap3A_470] {strides = array<i32>} : memref<80x128xf32, #tpu.memory_space<vmem>>, vector<16xf32>,
        tpu.vector_store %arg17[%swap3A_469, %swap3A_470], %mul3A_468 {strides = array<i32>} : memref<80x128xf32, #tpu.memory_space<vmem>>, vector<16xf32>,
        %mul3A_472 = arith.mulf %gather3A, %get3A_76 : vector<16xf32>
        %mul3A_473 = arith.mulf %gather3A_164, %get3A_108 : vector<16xf32>
        %add3A_474 = arith.addf %mul3A_472, %mul3A_473 : vector<16xf32>
        %add3A_475 = arith.addf %add3A_474, %get3A_140 : vector<16xf32>
        %get3A_476 = arith.index_cast %add3A_158 : i32 to index
        %get3A_477 = arith.constant 208 : index
        %get3A_478 = tpu.vector_load %arg15[%get3A_476, %get3A_477] {strides = array<i32>} : memref<80x256xf32, #tpu.memory_space<vmem>>, vector<16xf32>,
        %add3A_479 = arith.addf %get3A_478, %add3A_475 : vector<16xf32>
        %gather3A_480 = vector.shape_cast %broadcast_in_dim3A_26 : vector<16x1xi32> to vector<16xi32>
        %gather3A_481 = tpu.dynamic_gather %exp3A[%gather3A_480] in [0] : vector<16xf32>, vector<16xi32> -> vector<16xf32>
        %mul3A_482 = arith.mulf %add3A_479, %gather3A_481 : vector<16xf32>
        %swap3A_483 = arith.index_cast %add3A_158 : i32 to index
        %swap3A_484 = arith.constant 80 : index
        %swap3A_485 = tpu.vector_load %arg17[%swap3A_483, %swap3A_484] {strides = array<i32>} : memref<80x128xf32, #tpu.memory_space<vmem>>, vector<16xf32>,
        tpu.vector_store %arg17[%swap3A_483, %swap3A_484], %mul3A_482 {strides = array<i32>} : memref<80x128xf32, #tpu.memory_space<vmem>>, vector<16xf32>,
        %mul3A_486 = arith.mulf %gather3A_163, %get3A_76 : vector<16xf32>
        %mul3A_487 = arith.mulf %gather3A_165, %get3A_108 : vector<16xf32>
        %add3A_488 = arith.addf %mul3A_486, %mul3A_487 : vector<16xf32>
        %add3A_489 = arith.addf %add3A_488, %get3A_140 : vector<16xf32>
        %get3A_490 = arith.index_cast %add3A_160 : i32 to index
        %get3A_491 = arith.constant 208 : index
        %get3A_492 = tpu.vector_load %arg15[%get3A_490, %get3A_491] {strides = array<i32>} : memref<80x256xf32, #tpu.memory_space<vmem>>, vector<16xf32>,
        %add3A_493 = arith.addf %get3A_492, %add3A_489 : vector<16xf32>
        %gather3A_494 = vector.shape_cast %broadcast_in_dim3A_26 : vector<16x1xi32> to vector<16xi32>
        %gather3A_495 = tpu.dynamic_gather %exp3A_329[%gather3A_494] in [0] : vector<16xf32>, vector<16xi32> -> vector<16xf32>
        %mul3A_496 = arith.mulf %add3A_493, %gather3A_495 : vector<16xf32>
        %swap3A_497 = arith.index_cast %add3A_160 : i32 to index
        %swap3A_498 = arith.constant 80 : index
        %swap3A_499 = tpu.vector_load %arg17[%swap3A_497, %swap3A_498] {strides = array<i32>} : memref<80x128xf32, #tpu.memory_space<vmem>>, vector<16xf32>,
        tpu.vector_store %arg17[%swap3A_497, %swap3A_498], %mul3A_496 {strides = array<i32>} : memref<80x128xf32, #tpu.memory_space<vmem>>, vector<16xf32>,
        %mul3A_500 = arith.mulf %gather3A, %get3A_80 : vector<16xf32>
        %mul3A_501 = arith.mulf %gather3A_164, %get3A_112 : vector<16xf32>
        %add3A_502 = arith.addf %mul3A_500, %mul3A_501 : vector<16xf32>
        %add3A_503 = arith.addf %add3A_502, %get3A_144 : vector<16xf32>
        %get3A_504 = arith.index_cast %add3A_158 : i32 to index
        %get3A_505 = arith.constant 224 : index
        %get3A_506 = tpu.vector_load %arg15[%get3A_504, %get3A_505] {strides = array<i32>} : memref<80x256xf32, #tpu.memory_space<vmem>>, vector<16xf32>,
        %add3A_507 = arith.addf %get3A_506, %add3A_503 : vector<16xf32>
        %gather3A_508 = vector.shape_cast %broadcast_in_dim3A_28 : vector<16x1xi32> to vector<16xi32>
        %gather3A_509 = tpu.dynamic_gather %exp3A[%gather3A_508] in [0] : vector<16xf32>, vector<16xi32> -> vector<16xf32>
        %mul3A_510 = arith.mulf %add3A_507, %gather3A_509 : vector<16xf32>
        %swap3A_511 = arith.index_cast %add3A_158 : i32 to index
        %swap3A_512 = arith.constant 96 : index
        %swap3A_513 = tpu.vector_load %arg17[%swap3A_511, %swap3A_512] {strides = array<i32>} : memref<80x128xf32, #tpu.memory_space<vmem>>, vector<16xf32>,
        tpu.vector_store %arg17[%swap3A_511, %swap3A_512], %mul3A_510 {strides = array<i32>} : memref<80x128xf32, #tpu.memory_space<vmem>>, vector<16xf32>,
        %mul3A_514 = arith.mulf %gather3A_163, %get3A_80 : vector<16xf32>
        %mul3A_515 = arith.mulf %gather3A_165, %get3A_112 : vector<16xf32>
        %add3A_516 = arith.addf %mul3A_514, %mul3A_515 : vector<16xf32>
        %add3A_517 = arith.addf %add3A_516, %get3A_144 : vector<16xf32>
        %get3A_518 = arith.index_cast %add3A_160 : i32 to index
        %get3A_519 = arith.constant 224 : index
        %get3A_520 = tpu.vector_load %arg15[%get3A_518, %get3A_519] {strides = array<i32>} : memref<80x256xf32, #tpu.memory_space<vmem>>, vector<16xf32>,
        %add3A_521 = arith.addf %get3A_520, %add3A_517 : vector<16xf32>
        %gather3A_522 = vector.shape_cast %broadcast_in_dim3A_28 : vector<16x1xi32> to vector<16xi32>
        %gather3A_523 = tpu.dynamic_gather %exp3A_329[%gather3A_522] in [0] : vector<16xf32>, vector<16xi32> -> vector<16xf32>
        %mul3A_524 = arith.mulf %add3A_521, %gather3A_523 : vector<16xf32>
        %swap3A_525 = arith.index_cast %add3A_160 : i32 to index
        %swap3A_526 = arith.constant 96 : index
        %swap3A_527 = tpu.vector_load %arg17[%swap3A_525, %swap3A_526] {strides = array<i32>} : memref<80x128xf32, #tpu.memory_space<vmem>>, vector<16xf32>,
        tpu.vector_store %arg17[%swap3A_525, %swap3A_526], %mul3A_524 {strides = array<i32>} : memref<80x128xf32, #tpu.memory_space<vmem>>, vector<16xf32>,
        %mul3A_528 = arith.mulf %gather3A, %get3A_84 : vector<16xf32>
        %mul3A_529 = arith.mulf %gather3A_164, %get3A_116 : vector<16xf32>
        %add3A_530 = arith.addf %mul3A_528, %mul3A_529 : vector<16xf32>
        %add3A_531 = arith.addf %add3A_530, %get3A_148 : vector<16xf32>
        %get3A_532 = arith.index_cast %add3A_158 : i32 to index
        %get3A_533 = arith.constant 240 : index
        %get3A_534 = tpu.vector_load %arg15[%get3A_532, %get3A_533] {strides = array<i32>} : memref<80x256xf32, #tpu.memory_space<vmem>>, vector<16xf32>,
        %add3A_535 = arith.addf %get3A_534, %add3A_531 : vector<16xf32>
        %gather3A_536 = vector.shape_cast %broadcast_in_dim3A_30 : vector<16x1xi32> to vector<16xi32>
        %gather3A_537 = tpu.dynamic_gather %exp3A[%gather3A_536] in [0] : vector<16xf32>, vector<16xi32> -> vector<16xf32>
        %mul3A_538 = arith.mulf %add3A_535, %gather3A_537 : vector<16xf32>
        %swap3A_539 = arith.index_cast %add3A_158 : i32 to index
        %swap3A_540 = arith.constant 112 : index
        %swap3A_541 = tpu.vector_load %arg17[%swap3A_539, %swap3A_540] {strides = array<i32>} : memref<80x128xf32, #tpu.memory_space<vmem>>, vector<16xf32>,
        tpu.vector_store %arg17[%swap3A_539, %swap3A_540], %mul3A_538 {strides = array<i32>} : memref<80x128xf32, #tpu.memory_space<vmem>>, vector<16xf32>,
        %mul3A_542 = arith.mulf %gather3A_163, %get3A_84 : vector<16xf32>
        %mul3A_543 = arith.mulf %gather3A_165, %get3A_116 : vector<16xf32>
        %add3A_544 = arith.addf %mul3A_542, %mul3A_543 : vector<16xf32>
        %add3A_545 = arith.addf %add3A_544, %get3A_148 : vector<16xf32>
        %get3A_546 = arith.index_cast %add3A_160 : i32 to index
        %get3A_547 = arith.constant 240 : index
        %get3A_548 = tpu.vector_load %arg15[%get3A_546, %get3A_547] {strides = array<i32>} : memref<80x256xf32, #tpu.memory_space<vmem>>, vector<16xf32>,
        %add3A_549 = arith.addf %get3A_548, %add3A_545 : vector<16xf32>
        %gather3A_550 = vector.shape_cast %broadcast_in_dim3A_30 : vector<16x1xi32> to vector<16xi32>
        %gather3A_551 = tpu.dynamic_gather %exp3A_329[%gather3A_550] in [0] : vector<16xf32>, vector<16xi32> -> vector<16xf32>
        %mul3A_552 = arith.mulf %add3A_549, %gather3A_551 : vector<16xf32>
        %swap3A_553 = arith.index_cast %add3A_160 : i32 to index
        %swap3A_554 = arith.constant 112 : index
        %swap3A_555 = tpu.vector_load %arg17[%swap3A_553, %swap3A_554] {strides = array<i32>} : memref<80x128xf32, #tpu.memory_space<vmem>>, vector<16xf32>,
        tpu.vector_store %arg17[%swap3A_553, %swap3A_554], %mul3A_552 {strides = array<i32>} : memref<80x128xf32, #tpu.memory_space<vmem>>, vector<16xf32>,
      }
      %scan3A_153 = arith.constant 40 : i32
      "tpu.region"() ({
        %run_scoped3A = tpu.sem_alloc : memref<!tpu.dma_semaphore, #tpu.memory_space<semaphore_mem>>
        %dma_start3A = arith.constant 0 : i32
        %dma_start3A_154 = arith.constant 0 : i32
        %dma_start3A_155 = tpu.memref_slice %arg20[%dma_start3A, %dma_start3A_154] : memref<10000x128xf32, #tpu.memory_space<vmem_shared>> -> memref<10000x128xf32, #tpu.memory_space<vmem_shared>>
        tpu.enqueue_indirect_dma source(%arg17 : memref<80x128xf32, #tpu.memory_space<vmem>>) target(%dma_start3A_155 : memref<10000x128xf32, #tpu.memory_space<vmem_shared>>) offsets(%arg13 : memref<80xi32, #tpu.memory_space<vmem>>) semaphore(%run_scoped3A : memref<!tpu.dma_semaphore, #tpu.memory_space<semaphore_mem>>) {add = true}
        %dma_wait3A = arith.constant 0 : i32
        %dma_wait3A_156 = arith.constant 0 : i32
        %dma_wait3A_157 = tpu.memref_slice %arg20[%dma_wait3A, %dma_wait3A_156] : memref<10000x128xf32, #tpu.memory_space<vmem_shared>> -> memref<10000x128xf32, #tpu.memory_space<vmem_shared>>
        tpu.wait_indirect_dma semaphore(%run_scoped3A : memref<!tpu.dma_semaphore, #tpu.memory_space<semaphore_mem>>) src(%arg17 : memref<80x128xf32, #tpu.memory_space<vmem>>) dst(%dma_wait3A_157 : memref<10000x128xf32, #tpu.memory_space<vmem_shared>>)
        tpu.yield
      }) : () -> ()
      "tpu.region"() ({
        %run_scoped3A = tpu.sem_alloc : memref<!tpu.dma_semaphore, #tpu.memory_space<semaphore_mem>>
        %dma_start3A = arith.constant 0 : i32
        %dma_start3A_154 = arith.constant 0 : i32
        %dma_start3A_155 = tpu.memref_slice %arg21[%dma_start3A, %dma_start3A_154] : memref<10000x8xf32, #tpu.memory_space<vmem_shared>> -> memref<10000x8xf32, #tpu.memory_space<vmem_shared>>
        tpu.enqueue_indirect_dma source(%arg18 : memref<80x8xf32, #tpu.memory_space<vmem>>) target(%dma_start3A_155 : memref<10000x8xf32, #tpu.memory_space<vmem_shared>>) offsets(%arg13 : memref<80xi32, #tpu.memory_space<vmem>>) semaphore(%run_scoped3A : memref<!tpu.dma_semaphore, #tpu.memory_space<semaphore_mem>>) {add = true}
        %dma_wait3A = arith.constant 0 : i32
        %dma_wait3A_156 = arith.constant 0 : i32
        %dma_wait3A_157 = tpu.memref_slice %arg21[%dma_wait3A, %dma_wait3A_156] : memref<10000x8xf32, #tpu.memory_space<vmem_shared>> -> memref<10000x8xf32, #tpu.memory_space<vmem_shared>>
        tpu.wait_indirect_dma semaphore(%run_scoped3A : memref<!tpu.dma_semaphore, #tpu.memory_space<semaphore_mem>>) src(%arg18 : memref<80x8xf32, #tpu.memory_space<vmem>>) dst(%dma_wait3A_157 : memref<10000x8xf32, #tpu.memory_space<vmem_shared>>)
        tpu.yield
      }) : () -> ()
    }
    %scan3A_34 = arith.constant 125 : i32
    %barrier3A_35 = arith.constant 0 : index
    tpu.barrier barrier_id(%barrier3A_35)
    %mul3A_36 = arith.constant 625 : i32
    %mul3A_37 = arith.muli %arg1, %mul3A_36 : i32
    %mul3A_38 = arith.constant 625 : i32
    %mul3A_39 = arith.muli %arg1, %mul3A_38 : i32
    "tpu.region"() ({
      %run_scoped3A = tpu.sem_alloc : memref<!tpu.dma_semaphore, #tpu.memory_space<semaphore_mem>>
      %dma_start3A = arith.constant 0 : i32
      %dma_start3A_44 = tpu.memref_slice %arg10[%arg0, %mul3A_39, %dma_start3A] : memref<2x10000x128xf32, #tpu.memory_space<hbm>> -> memref<1x625x128xf32, #tpu.memory_space<hbm>>
      %dma_start3A_45 = tpu.memref_squeeze %dma_start3A_44 : memref<1x625x128xf32, #tpu.memory_space<hbm>> -> memref<625x128xf32, #tpu.memory_space<hbm>>
      %dma_start3A_46 = arith.constant 0 : i32
      %dma_start3A_47 = tpu.memref_slice %arg20[%mul3A_37, %dma_start3A_46] : memref<10000x128xf32, #tpu.memory_space<vmem_shared>> -> memref<625x128xf32, #tpu.memory_space<vmem_shared>>
      tpu.enqueue_dma source(%dma_start3A_47 : memref<625x128xf32, #tpu.memory_space<vmem_shared>>) target(%dma_start3A_45 : memref<625x128xf32, #tpu.memory_space<hbm>>) target_semaphore(%run_scoped3A : memref<!tpu.dma_semaphore, #tpu.memory_space<semaphore_mem>>)
      %dma_wait3A = arith.constant 0 : i32
      %dma_wait3A_48 = tpu.memref_slice %arg10[%arg0, %mul3A_39, %dma_wait3A] : memref<2x10000x128xf32, #tpu.memory_space<hbm>> -> memref<1x625x128xf32, #tpu.memory_space<hbm>>
      %dma_wait3A_49 = tpu.memref_squeeze %dma_wait3A_48 : memref<1x625x128xf32, #tpu.memory_space<hbm>> -> memref<625x128xf32, #tpu.memory_space<hbm>>
      %dma_wait3A_50 = arith.constant 0 : i32
      %dma_wait3A_51 = tpu.memref_slice %arg20[%mul3A_37, %dma_wait3A_50] : memref<10000x128xf32, #tpu.memory_space<vmem_shared>> -> memref<625x128xf32, #tpu.memory_space<vmem_shared>>
      tpu.wait_dma2 semaphore(%run_scoped3A : memref<!tpu.dma_semaphore, #tpu.memory_space<semaphore_mem>>) src(%dma_wait3A_51 : memref<625x128xf32, #tpu.memory_space<vmem_shared>>) dst(%dma_wait3A_49 : memref<625x128xf32, #tpu.memory_space<hbm>>)
      tpu.yield
    }) : () -> ()
    %mul3A_40 = arith.constant 625 : i32
    %mul3A_41 = arith.muli %arg1, %mul3A_40 : i32
    %mul3A_42 = arith.constant 625 : i32
    %mul3A_43 = arith.muli %arg1, %mul3A_42 : i32
    "tpu.region"() ({
      %run_scoped3A = tpu.sem_alloc : memref<!tpu.dma_semaphore, #tpu.memory_space<semaphore_mem>>
      %dma_start3A = arith.constant 0 : i32
      %dma_start3A_44 = tpu.memref_slice %arg11[%arg0, %mul3A_43, %dma_start3A] : memref<2x10000x8xf32, #tpu.memory_space<hbm>> -> memref<1x625x8xf32, #tpu.memory_space<hbm>>
      %dma_start3A_45 = tpu.memref_squeeze %dma_start3A_44 : memref<1x625x8xf32, #tpu.memory_space<hbm>> -> memref<625x8xf32, #tpu.memory_space<hbm>>
      %dma_start3A_46 = arith.constant 0 : i32
      %dma_start3A_47 = tpu.memref_slice %arg21[%mul3A_41, %dma_start3A_46] : memref<10000x8xf32, #tpu.memory_space<vmem_shared>> -> memref<625x8xf32, #tpu.memory_space<vmem_shared>>
      tpu.enqueue_dma source(%dma_start3A_47 : memref<625x8xf32, #tpu.memory_space<vmem_shared>>) target(%dma_start3A_45 : memref<625x8xf32, #tpu.memory_space<hbm>>) target_semaphore(%run_scoped3A : memref<!tpu.dma_semaphore, #tpu.memory_space<semaphore_mem>>)
      %dma_wait3A = arith.constant 0 : i32
      %dma_wait3A_48 = tpu.memref_slice %arg11[%arg0, %mul3A_43, %dma_wait3A] : memref<2x10000x8xf32, #tpu.memory_space<hbm>> -> memref<1x625x8xf32, #tpu.memory_space<hbm>>
      %dma_wait3A_49 = tpu.memref_squeeze %dma_wait3A_48 : memref<1x625x8xf32, #tpu.memory_space<hbm>> -> memref<625x8xf32, #tpu.memory_space<hbm>>
      %dma_wait3A_50 = arith.constant 0 : i32
      %dma_wait3A_51 = tpu.memref_slice %arg21[%mul3A_41, %dma_wait3A_50] : memref<10000x8xf32, #tpu.memory_space<vmem_shared>> -> memref<625x8xf32, #tpu.memory_space<vmem_shared>>
      tpu.wait_dma2 semaphore(%run_scoped3A : memref<!tpu.dma_semaphore, #tpu.memory_space<semaphore_mem>>) src(%dma_wait3A_51 : memref<625x8xf32, #tpu.memory_space<vmem_shared>>) dst(%dma_wait3A_49 : memref<625x8xf32, #tpu.memory_space<hbm>>)
      tpu.yield
    }) : () -> ()
    return
  }
}

#map = affine_map<(d0, d1) -> (0, 0)>
#map1 = affine_map<(d0, d1) -> (0)>
#map2 = affine_map<(d0, d1) -> (0, 0, 0)>
module attributes {stable_mosaic.version = 14 : i64} {
  func.func @_edge_body(%arg0: i32, %arg1: i32, %arg2: memref<10000x160xf32, #tpu.memory_space<hbm>>, %arg3: memref<10000x256xf32, #tpu.memory_space<hbm>>, %arg4: memref<320000xi32, #tpu.memory_space<hbm>>, %arg5: memref<320000xi32, #tpu.memory_space<hbm>>, %arg6: memref<320000x2xf32, #tpu.memory_space<hbm>>, %arg7: memref<3x128xf32, #tpu.memory_space<hbm>>, %arg8: memref<625x128xf32, #tpu.memory_space<hbm>>, %arg9: memref<625x8xf32, #tpu.memory_space<hbm>>, %arg10: memref<2x10000x128xf32, #tpu.memory_space<hbm>>, %arg11: memref<2x10000x8xf32, #tpu.memory_space<hbm>>, %arg12: memref<80xi32, #tpu.memory_space<vmem>>, %arg13: memref<80xi32, #tpu.memory_space<vmem>>, %arg14: memref<80x160xf32, #tpu.memory_space<vmem>>, %arg15: memref<80x256xf32, #tpu.memory_space<vmem>>, %arg16: memref<80x2xf32, #tpu.memory_space<vmem>>, %arg17: memref<80x128xf32, #tpu.memory_space<vmem>>, %arg18: memref<80x8xf32, #tpu.memory_space<vmem>>, %arg19: memref<3x128xf32, #tpu.memory_space<vmem>>, %arg20: memref<10000x128xf32, #tpu.memory_space<vmem_shared>>, %arg21: memref<10000x8xf32, #tpu.memory_space<vmem_shared>>) attributes {dimension_semantics = [#tpu.dimension_semantics<core_parallel>, #tpu.dimension_semantics<subcore_parallel>], iteration_bounds = array<i64: 2, 16>, scalar_prefetch = 0 : i64, scratch_operands = 10 : i64, tpu.core_type = #tpu.core_type<sc_vector_subcore>, window_params = [{transform_indices = #map}, {transform_indices = #map}, {transform_indices = #map1}, {transform_indices = #map1}, {transform_indices = #map}, {transform_indices = #map}, {transform_indices = #map}, {transform_indices = #map}, {transform_indices = #map2}, {transform_indices = #map2}]} {
    %mul3A = arith.constant 2 : i32
    %mul3A_0 = arith.muli %arg1, %mul3A : i32
    %add3A = arith.addi %mul3A_0, %arg0 : i32
    %mul3A_1 = arith.constant 625 : i32
    %mul3A_2 = arith.muli %arg1, %mul3A_1 : i32
    "tpu.region"() ({
      %run_scoped3A = tpu.sem_alloc : memref<!tpu.dma_semaphore, #tpu.memory_space<semaphore_mem>>
      %dma_start3A = arith.constant 0 : i32
      %dma_start3A_44 = tpu.memref_slice %arg20[%mul3A_2, %dma_start3A] : memref<10000x128xf32, #tpu.memory_space<vmem_shared>> -> memref<625x128xf32, #tpu.memory_space<vmem_shared>>
      tpu.enqueue_dma source(%arg8 : memref<625x128xf32, #tpu.memory_space<hbm>>) target(%dma_start3A_44 : memref<625x128xf32, #tpu.memory_space<vmem_shared>>) target_semaphore(%run_scoped3A : memref<!tpu.dma_semaphore, #tpu.memory_space<semaphore_mem>>)
      %dma_wait3A = arith.constant 0 : i32
      %dma_wait3A_45 = tpu.memref_slice %arg20[%mul3A_2, %dma_wait3A] : memref<10000x128xf32, #tpu.memory_space<vmem_shared>> -> memref<625x128xf32, #tpu.memory_space<vmem_shared>>
      tpu.wait_dma2 semaphore(%run_scoped3A : memref<!tpu.dma_semaphore, #tpu.memory_space<semaphore_mem>>) src(%arg8 : memref<625x128xf32, #tpu.memory_space<hbm>>) dst(%dma_wait3A_45 : memref<625x128xf32, #tpu.memory_space<vmem_shared>>)
      tpu.yield
    }) : () -> ()
    %mul3A_3 = arith.constant 625 : i32
    %mul3A_4 = arith.muli %arg1, %mul3A_3 : i32
    "tpu.region"() ({
      %run_scoped3A = tpu.sem_alloc : memref<!tpu.dma_semaphore, #tpu.memory_space<semaphore_mem>>
      %dma_start3A = arith.constant 0 : i32
      %dma_start3A_44 = tpu.memref_slice %arg21[%mul3A_4, %dma_start3A] : memref<10000x8xf32, #tpu.memory_space<vmem_shared>> -> memref<625x8xf32, #tpu.memory_space<vmem_shared>>
      tpu.enqueue_dma source(%arg9 : memref<625x8xf32, #tpu.memory_space<hbm>>) target(%dma_start3A_44 : memref<625x8xf32, #tpu.memory_space<vmem_shared>>) target_semaphore(%run_scoped3A : memref<!tpu.dma_semaphore, #tpu.memory_space<semaphore_mem>>)
      %dma_wait3A = arith.constant 0 : i32
      %dma_wait3A_45 = tpu.memref_slice %arg21[%mul3A_4, %dma_wait3A] : memref<10000x8xf32, #tpu.memory_space<vmem_shared>> -> memref<625x8xf32, #tpu.memory_space<vmem_shared>>
      tpu.wait_dma2 semaphore(%run_scoped3A : memref<!tpu.dma_semaphore, #tpu.memory_space<semaphore_mem>>) src(%arg9 : memref<625x8xf32, #tpu.memory_space<hbm>>) dst(%dma_wait3A_45 : memref<625x8xf32, #tpu.memory_space<vmem_shared>>)
      tpu.yield
    }) : () -> ()
    "tpu.region"() ({
      %run_scoped3A = tpu.sem_alloc : memref<!tpu.dma_semaphore, #tpu.memory_space<semaphore_mem>>
      tpu.enqueue_dma source(%arg7 : memref<3x128xf32, #tpu.memory_space<hbm>>) target(%arg19 : memref<3x128xf32, #tpu.memory_space<vmem>>) target_semaphore(%run_scoped3A : memref<!tpu.dma_semaphore, #tpu.memory_space<semaphore_mem>>)
      tpu.wait_dma2 semaphore(%run_scoped3A : memref<!tpu.dma_semaphore, #tpu.memory_space<semaphore_mem>>) src(%arg7 : memref<3x128xf32, #tpu.memory_space<hbm>>) dst(%arg19 : memref<3x128xf32, #tpu.memory_space<vmem>>)
      tpu.yield
    }) : () -> ()
    %barrier3A = arith.constant 0 : index
    tpu.barrier barrier_id(%barrier3A)
    %iota3A = tpu.iota {dimensions = array<i32: 0>} : vector<16xi32>
    %broadcast_in_dim3A = arith.constant 0 : i32
    %broadcast_in_dim3A_5 = vector.broadcast %broadcast_in_dim3A : i32 to vector<16xi32>
    %broadcast_in_dim3A_6 = arith.constant 1 : i32
    %broadcast_in_dim3A_7 = vector.broadcast %broadcast_in_dim3A_6 : i32 to vector<16xi32>
    %lt3A = arith.constant 8 : i32
    %lt3A_8 = vector.broadcast %lt3A : i32 to vector<16xi32>
    %lt3A_9 = arith.cmpi slt, %iota3A, %lt3A_8 : vector<16xi32>
    %and3A = arith.constant 7 : i32
    %and3A_10 = vector.broadcast %and3A : i32 to vector<16xi32>
    %and3A_11 = arith.andi %iota3A, %and3A_10 : vector<16xi32>
    %xor3A = arith.constant 8 : i32
    %xor3A_12 = vector.broadcast %xor3A : i32 to vector<16xi32>
    %xor3A_13 = arith.xori %iota3A, %xor3A_12 : vector<16xi32>
    %broadcast_in_dim3A_14 = vector.shape_cast %xor3A_13 : vector<16xi32> to vector<16x1xi32>
    %broadcast_in_dim3A_15 = arith.constant 0 : i32
    %broadcast_in_dim3A_16 = vector.broadcast %broadcast_in_dim3A_15 : i32 to vector<16x1xi32>
    %broadcast_in_dim3A_17 = arith.constant 1 : i32
    %broadcast_in_dim3A_18 = vector.broadcast %broadcast_in_dim3A_17 : i32 to vector<16x1xi32>
    %broadcast_in_dim3A_19 = arith.constant 2 : i32
    %broadcast_in_dim3A_20 = vector.broadcast %broadcast_in_dim3A_19 : i32 to vector<16x1xi32>
    %broadcast_in_dim3A_21 = arith.constant 3 : i32
    %broadcast_in_dim3A_22 = vector.broadcast %broadcast_in_dim3A_21 : i32 to vector<16x1xi32>
    %broadcast_in_dim3A_23 = arith.constant 4 : i32
    %broadcast_in_dim3A_24 = vector.broadcast %broadcast_in_dim3A_23 : i32 to vector<16x1xi32>
    %broadcast_in_dim3A_25 = arith.constant 5 : i32
    %broadcast_in_dim3A_26 = vector.broadcast %broadcast_in_dim3A_25 : i32 to vector<16x1xi32>
    %broadcast_in_dim3A_27 = arith.constant 6 : i32
    %broadcast_in_dim3A_28 = vector.broadcast %broadcast_in_dim3A_27 : i32 to vector<16x1xi32>
    %broadcast_in_dim3A_29 = arith.constant 7 : i32
    %broadcast_in_dim3A_30 = vector.broadcast %broadcast_in_dim3A_29 : i32 to vector<16x1xi32>
    %scan3A = arith.constant 0 : i32
    %scan3A_31 = arith.constant 125 : i32
    %scan3A_32 = arith.addi %scan3A, %scan3A_31 : i32
    %scan3A_33 = arith.constant 1 : i32
    scf.for %scan3A_44 = %scan3A to %scan3A_32 step %scan3A_33  : i32 {
      %mul3A_45 = arith.constant 1 : i32
      %mul3A_46 = arith.muli %scan3A_44, %mul3A_45 : i32
      %add3A_47 = arith.constant 0 : i32
      %add3A_48 = arith.addi %add3A_47, %mul3A_46 : i32
      %mul3A_49 = arith.constant 10000 : i32
      %mul3A_50 = arith.muli %add3A, %mul3A_49 : i32
      %mul3A_51 = arith.constant 80 : i32
      %mul3A_52 = arith.muli %add3A_48, %mul3A_51 : i32
      %add3A_53 = arith.addi %mul3A_50, %mul3A_52 : i32
      "tpu.region"() ({
        %run_scoped3A = tpu.sem_alloc : memref<!tpu.dma_semaphore, #tpu.memory_space<semaphore_mem>>
        %dma_start3A = tpu.memref_slice %arg4[%add3A_53] : memref<320000xi32, #tpu.memory_space<hbm>> -> memref<80xi32, #tpu.memory_space<hbm>>
        %dma_start3A_154 = tpu.memref_slice %arg4[%add3A_53] : memref<320000xi32, #tpu.memory_space<hbm>> -> memref<80xi32, #tpu.memory_space<hbm>>
        tpu.enqueue_dma source(%dma_start3A_154 : memref<80xi32, #tpu.memory_space<hbm>>) target(%arg12 : memref<80xi32, #tpu.memory_space<vmem>>) target_semaphore(%run_scoped3A : memref<!tpu.dma_semaphore, #tpu.memory_space<semaphore_mem>>)
        %dma_wait3A = tpu.memref_slice %arg4[%add3A_53] : memref<320000xi32, #tpu.memory_space<hbm>> -> memref<80xi32, #tpu.memory_space<hbm>>
        %dma_wait3A_155 = tpu.memref_slice %arg4[%add3A_53] : memref<320000xi32, #tpu.memory_space<hbm>> -> memref<80xi32, #tpu.memory_space<hbm>>
        tpu.wait_dma2 semaphore(%run_scoped3A : memref<!tpu.dma_semaphore, #tpu.memory_space<semaphore_mem>>) src(%dma_wait3A_155 : memref<80xi32, #tpu.memory_space<hbm>>) dst(%arg12 : memref<80xi32, #tpu.memory_space<vmem>>)
        tpu.yield
      }) : () -> ()
      "tpu.region"() ({
        %run_scoped3A = tpu.sem_alloc : memref<!tpu.dma_semaphore, #tpu.memory_space<semaphore_mem>>
        %dma_start3A = tpu.memref_slice %arg5[%add3A_53] : memref<320000xi32, #tpu.memory_space<hbm>> -> memref<80xi32, #tpu.memory_space<hbm>>
        %dma_start3A_154 = tpu.memref_slice %arg5[%add3A_53] : memref<320000xi32, #tpu.memory_space<hbm>> -> memref<80xi32, #tpu.memory_space<hbm>>
        tpu.enqueue_dma source(%dma_start3A_154 : memref<80xi32, #tpu.memory_space<hbm>>) target(%arg13 : memref<80xi32, #tpu.memory_space<vmem>>) target_semaphore(%run_scoped3A : memref<!tpu.dma_semaphore, #tpu.memory_space<semaphore_mem>>)
        %dma_wait3A = tpu.memref_slice %arg5[%add3A_53] : memref<320000xi32, #tpu.memory_space<hbm>> -> memref<80xi32, #tpu.memory_space<hbm>>
        %dma_wait3A_155 = tpu.memref_slice %arg5[%add3A_53] : memref<320000xi32, #tpu.memory_space<hbm>> -> memref<80xi32, #tpu.memory_space<hbm>>
        tpu.wait_dma2 semaphore(%run_scoped3A : memref<!tpu.dma_semaphore, #tpu.memory_space<semaphore_mem>>) src(%dma_wait3A_155 : memref<80xi32, #tpu.memory_space<hbm>>) dst(%arg13 : memref<80xi32, #tpu.memory_space<vmem>>)
        tpu.yield
      }) : () -> ()
      "tpu.region"() ({
        %run_scoped3A = tpu.sem_alloc : memref<!tpu.dma_semaphore, #tpu.memory_space<semaphore_mem>>
        %dma_start3A = arith.constant 0 : i32
        %dma_start3A_154 = tpu.memref_slice %arg6[%add3A_53, %dma_start3A] : memref<320000x2xf32, #tpu.memory_space<hbm>> -> memref<80x2xf32, #tpu.memory_space<hbm>>
        %dma_start3A_155 = arith.constant 0 : i32
        %dma_start3A_156 = tpu.memref_slice %arg6[%add3A_53, %dma_start3A_155] : memref<320000x2xf32, #tpu.memory_space<hbm>> -> memref<80x2xf32, #tpu.memory_space<hbm>>
        tpu.enqueue_dma source(%dma_start3A_156 : memref<80x2xf32, #tpu.memory_space<hbm>>) target(%arg16 : memref<80x2xf32, #tpu.memory_space<vmem>>) target_semaphore(%run_scoped3A : memref<!tpu.dma_semaphore, #tpu.memory_space<semaphore_mem>>)
        %dma_wait3A = arith.constant 0 : i32
        %dma_wait3A_157 = tpu.memref_slice %arg6[%add3A_53, %dma_wait3A] : memref<320000x2xf32, #tpu.memory_space<hbm>> -> memref<80x2xf32, #tpu.memory_space<hbm>>
        %dma_wait3A_158 = arith.constant 0 : i32
        %dma_wait3A_159 = tpu.memref_slice %arg6[%add3A_53, %dma_wait3A_158] : memref<320000x2xf32, #tpu.memory_space<hbm>> -> memref<80x2xf32, #tpu.memory_space<hbm>>
        tpu.wait_dma2 semaphore(%run_scoped3A : memref<!tpu.dma_semaphore, #tpu.memory_space<semaphore_mem>>) src(%dma_wait3A_159 : memref<80x2xf32, #tpu.memory_space<hbm>>) dst(%arg16 : memref<80x2xf32, #tpu.memory_space<vmem>>)
        tpu.yield
      }) : () -> ()
      "tpu.region"() ({
        %run_scoped3A = tpu.sem_alloc : memref<!tpu.dma_semaphore, #tpu.memory_space<semaphore_mem>>
        %dma_start3A = arith.constant 0 : i32
        %dma_start3A_154 = arith.constant 0 : i32
        %dma_start3A_155 = tpu.memref_slice %arg3[%dma_start3A, %dma_start3A_154] : memref<10000x256xf32, #tpu.memory_space<hbm>> -> memref<10000x256xf32, #tpu.memory_space<hbm>>
        tpu.enqueue_indirect_dma source(%dma_start3A_155 : memref<10000x256xf32, #tpu.memory_space<hbm>>) target(%arg15 : memref<80x256xf32, #tpu.memory_space<vmem>>) offsets(%arg12 : memref<80xi32, #tpu.memory_space<vmem>>) semaphore(%run_scoped3A : memref<!tpu.dma_semaphore, #tpu.memory_space<semaphore_mem>>)
        %dma_wait3A = arith.constant 0 : i32
        %dma_wait3A_156 = arith.constant 0 : i32
        %dma_wait3A_157 = tpu.memref_slice %arg3[%dma_wait3A, %dma_wait3A_156] : memref<10000x256xf32, #tpu.memory_space<hbm>> -> memref<10000x256xf32, #tpu.memory_space<hbm>>
        tpu.wait_indirect_dma semaphore(%run_scoped3A : memref<!tpu.dma_semaphore, #tpu.memory_space<semaphore_mem>>) src(%dma_wait3A_157 : memref<10000x256xf32, #tpu.memory_space<hbm>>) dst(%arg15 : memref<80x256xf32, #tpu.memory_space<vmem>>)
        tpu.yield
      }) : () -> ()
      "tpu.region"() ({
        %run_scoped3A = tpu.sem_alloc : memref<!tpu.dma_semaphore, #tpu.memory_space<semaphore_mem>>
        %dma_start3A = arith.constant 0 : i32
        %dma_start3A_154 = arith.constant 0 : i32
        %dma_start3A_155 = tpu.memref_slice %arg2[%dma_start3A, %dma_start3A_154] : memref<10000x160xf32, #tpu.memory_space<hbm>> -> memref<10000x160xf32, #tpu.memory_space<hbm>>
        tpu.enqueue_indirect_dma source(%dma_start3A_155 : memref<10000x160xf32, #tpu.memory_space<hbm>>) target(%arg14 : memref<80x160xf32, #tpu.memory_space<vmem>>) offsets(%arg13 : memref<80xi32, #tpu.memory_space<vmem>>) semaphore(%run_scoped3A : memref<!tpu.dma_semaphore, #tpu.memory_space<semaphore_mem>>)
        %dma_wait3A = arith.constant 0 : i32
        %dma_wait3A_156 = arith.constant 0 : i32
        %dma_wait3A_157 = tpu.memref_slice %arg2[%dma_wait3A, %dma_wait3A_156] : memref<10000x160xf32, #tpu.memory_space<hbm>> -> memref<10000x160xf32, #tpu.memory_space<hbm>>
        tpu.wait_indirect_dma semaphore(%run_scoped3A : memref<!tpu.dma_semaphore, #tpu.memory_space<semaphore_mem>>) src(%dma_wait3A_157 : memref<10000x160xf32, #tpu.memory_space<hbm>>) dst(%arg14 : memref<80x160xf32, #tpu.memory_space<vmem>>)
        tpu.yield
      }) : () -> ()
      %get3A = arith.constant 0 : i32
      %get3A_54 = arith.index_cast %get3A : i32 to index
      %get3A_55 = arith.constant 0 : index
      %get3A_56 = tpu.vector_load %arg19[%get3A_54, %get3A_55] {strides = array<i32>} : memref<3x128xf32, #tpu.memory_space<vmem>>, vector<16xf32>,
      %get3A_57 = arith.constant 0 : i32
      %get3A_58 = arith.index_cast %get3A_57 : i32 to index
      %get3A_59 = arith.constant 16 : index
      %get3A_60 = tpu.vector_load %arg19[%get3A_58, %get3A_59] {strides = array<i32>} : memref<3x128xf32, #tpu.memory_space<vmem>>, vector<16xf32>,
      %get3A_61 = arith.constant 0 : i32
      %get3A_62 = arith.index_cast %get3A_61 : i32 to index
      %get3A_63 = arith.constant 32 : index
      %get3A_64 = tpu.vector_load %arg19[%get3A_62, %get3A_63] {strides = array<i32>} : memref<3x128xf32, #tpu.memory_space<vmem>>, vector<16xf32>,
      %get3A_65 = arith.constant 0 : i32
      %get3A_66 = arith.index_cast %get3A_65 : i32 to index
      %get3A_67 = arith.constant 48 : index
      %get3A_68 = tpu.vector_load %arg19[%get3A_66, %get3A_67] {strides = array<i32>} : memref<3x128xf32, #tpu.memory_space<vmem>>, vector<16xf32>,
      %get3A_69 = arith.constant 0 : i32
      %get3A_70 = arith.index_cast %get3A_69 : i32 to index
      %get3A_71 = arith.constant 64 : index
      %get3A_72 = tpu.vector_load %arg19[%get3A_70, %get3A_71] {strides = array<i32>} : memref<3x128xf32, #tpu.memory_space<vmem>>, vector<16xf32>,
      %get3A_73 = arith.constant 0 : i32
      %get3A_74 = arith.index_cast %get3A_73 : i32 to index
      %get3A_75 = arith.constant 80 : index
      %get3A_76 = tpu.vector_load %arg19[%get3A_74, %get3A_75] {strides = array<i32>} : memref<3x128xf32, #tpu.memory_space<vmem>>, vector<16xf32>,
      %get3A_77 = arith.constant 0 : i32
      %get3A_78 = arith.index_cast %get3A_77 : i32 to index
      %get3A_79 = arith.constant 96 : index
      %get3A_80 = tpu.vector_load %arg19[%get3A_78, %get3A_79] {strides = array<i32>} : memref<3x128xf32, #tpu.memory_space<vmem>>, vector<16xf32>,
      %get3A_81 = arith.constant 0 : i32
      %get3A_82 = arith.index_cast %get3A_81 : i32 to index
      %get3A_83 = arith.constant 112 : index
      %get3A_84 = tpu.vector_load %arg19[%get3A_82, %get3A_83] {strides = array<i32>} : memref<3x128xf32, #tpu.memory_space<vmem>>, vector<16xf32>,
      %get3A_85 = arith.constant 1 : i32
      %get3A_86 = arith.index_cast %get3A_85 : i32 to index
      %get3A_87 = arith.constant 0 : index
      %get3A_88 = tpu.vector_load %arg19[%get3A_86, %get3A_87] {strides = array<i32>} : memref<3x128xf32, #tpu.memory_space<vmem>>, vector<16xf32>,
      %get3A_89 = arith.constant 1 : i32
      %get3A_90 = arith.index_cast %get3A_89 : i32 to index
      %get3A_91 = arith.constant 16 : index
      %get3A_92 = tpu.vector_load %arg19[%get3A_90, %get3A_91] {strides = array<i32>} : memref<3x128xf32, #tpu.memory_space<vmem>>, vector<16xf32>,
      %get3A_93 = arith.constant 1 : i32
      %get3A_94 = arith.index_cast %get3A_93 : i32 to index
      %get3A_95 = arith.constant 32 : index
      %get3A_96 = tpu.vector_load %arg19[%get3A_94, %get3A_95] {strides = array<i32>} : memref<3x128xf32, #tpu.memory_space<vmem>>, vector<16xf32>,
      %get3A_97 = arith.constant 1 : i32
      %get3A_98 = arith.index_cast %get3A_97 : i32 to index
      %get3A_99 = arith.constant 48 : index
      %get3A_100 = tpu.vector_load %arg19[%get3A_98, %get3A_99] {strides = array<i32>} : memref<3x128xf32, #tpu.memory_space<vmem>>, vector<16xf32>,
      %get3A_101 = arith.constant 1 : i32
      %get3A_102 = arith.index_cast %get3A_101 : i32 to index
      %get3A_103 = arith.constant 64 : index
      %get3A_104 = tpu.vector_load %arg19[%get3A_102, %get3A_103] {strides = array<i32>} : memref<3x128xf32, #tpu.memory_space<vmem>>, vector<16xf32>,
      %get3A_105 = arith.constant 1 : i32
      %get3A_106 = arith.index_cast %get3A_105 : i32 to index
      %get3A_107 = arith.constant 80 : index
      %get3A_108 = tpu.vector_load %arg19[%get3A_106, %get3A_107] {strides = array<i32>} : memref<3x128xf32, #tpu.memory_space<vmem>>, vector<16xf32>,
      %get3A_109 = arith.constant 1 : i32
      %get3A_110 = arith.index_cast %get3A_109 : i32 to index
      %get3A_111 = arith.constant 96 : index
      %get3A_112 = tpu.vector_load %arg19[%get3A_110, %get3A_111] {strides = array<i32>} : memref<3x128xf32, #tpu.memory_space<vmem>>, vector<16xf32>,
      %get3A_113 = arith.constant 1 : i32
      %get3A_114 = arith.index_cast %get3A_113 : i32 to index
      %get3A_115 = arith.constant 112 : index
      %get3A_116 = tpu.vector_load %arg19[%get3A_114, %get3A_115] {strides = array<i32>} : memref<3x128xf32, #tpu.memory_space<vmem>>, vector<16xf32>,
      %get3A_117 = arith.constant 2 : i32
      %get3A_118 = arith.index_cast %get3A_117 : i32 to index
      %get3A_119 = arith.constant 0 : index
      %get3A_120 = tpu.vector_load %arg19[%get3A_118, %get3A_119] {strides = array<i32>} : memref<3x128xf32, #tpu.memory_space<vmem>>, vector<16xf32>,
      %get3A_121 = arith.constant 2 : i32
      %get3A_122 = arith.index_cast %get3A_121 : i32 to index
      %get3A_123 = arith.constant 16 : index
      %get3A_124 = tpu.vector_load %arg19[%get3A_122, %get3A_123] {strides = array<i32>} : memref<3x128xf32, #tpu.memory_space<vmem>>, vector<16xf32>,
      %get3A_125 = arith.constant 2 : i32
      %get3A_126 = arith.index_cast %get3A_125 : i32 to index
      %get3A_127 = arith.constant 32 : index
      %get3A_128 = tpu.vector_load %arg19[%get3A_126, %get3A_127] {strides = array<i32>} : memref<3x128xf32, #tpu.memory_space<vmem>>, vector<16xf32>,
      %get3A_129 = arith.constant 2 : i32
      %get3A_130 = arith.index_cast %get3A_129 : i32 to index
      %get3A_131 = arith.constant 48 : index
      %get3A_132 = tpu.vector_load %arg19[%get3A_130, %get3A_131] {strides = array<i32>} : memref<3x128xf32, #tpu.memory_space<vmem>>, vector<16xf32>,
      %get3A_133 = arith.constant 2 : i32
      %get3A_134 = arith.index_cast %get3A_133 : i32 to index
      %get3A_135 = arith.constant 64 : index
      %get3A_136 = tpu.vector_load %arg19[%get3A_134, %get3A_135] {strides = array<i32>} : memref<3x128xf32, #tpu.memory_space<vmem>>, vector<16xf32>,
      %get3A_137 = arith.constant 2 : i32
      %get3A_138 = arith.index_cast %get3A_137 : i32 to index
      %get3A_139 = arith.constant 80 : index
      %get3A_140 = tpu.vector_load %arg19[%get3A_138, %get3A_139] {strides = array<i32>} : memref<3x128xf32, #tpu.memory_space<vmem>>, vector<16xf32>,
      %get3A_141 = arith.constant 2 : i32
      %get3A_142 = arith.index_cast %get3A_141 : i32 to index
      %get3A_143 = arith.constant 96 : index
      %get3A_144 = tpu.vector_load %arg19[%get3A_142, %get3A_143] {strides = array<i32>} : memref<3x128xf32, #tpu.memory_space<vmem>>, vector<16xf32>,
      %get3A_145 = arith.constant 2 : i32
      %get3A_146 = arith.index_cast %get3A_145 : i32 to index
      %get3A_147 = arith.constant 112 : index
      %get3A_148 = tpu.vector_load %arg19[%get3A_146, %get3A_147] {strides = array<i32>} : memref<3x128xf32, #tpu.memory_space<vmem>>, vector<16xf32>,
      %scan3A_149 = arith.constant 0 : i32
      %scan3A_150 = arith.constant 40 : i32
      %scan3A_151 = arith.addi %scan3A_149, %scan3A_150 : i32
      %scan3A_152 = arith.constant 1 : i32
      scf.for %scan3A_154 = %scan3A_149 to %scan3A_151 step %scan3A_152  : i32 {
        %mul3A_155 = arith.constant 2 : i32
        %mul3A_156 = arith.muli %scan3A_154, %mul3A_155 : i32
        %add3A_157 = arith.constant 0 : i32
        %add3A_158 = arith.addi %add3A_157, %mul3A_156 : i32
        %add3A_159 = arith.constant 1 : i32
        %add3A_160 = arith.addi %add3A_158, %add3A_159 : i32
        %broadcast_in_dim3A_161 = vector.broadcast %add3A_158 : i32 to vector<16xi32>
        %broadcast_in_dim3A_162 = vector.broadcast %add3A_160 : i32 to vector<16xi32>
        %gather3A = tpu.vector_load_idx %arg16[%broadcast_in_dim3A_161, %broadcast_in_dim3A_5] : memref<80x2xf32, #tpu.memory_space<vmem>>[vector<16xi32>, vector<16xi32>], vector<16xf32>,
        %gather3A_163 = tpu.vector_load_idx %arg16[%broadcast_in_dim3A_162, %broadcast_in_dim3A_5] : memref<80x2xf32, #tpu.memory_space<vmem>>[vector<16xi32>, vector<16xi32>], vector<16xf32>,
        %gather3A_164 = tpu.vector_load_idx %arg16[%broadcast_in_dim3A_161, %broadcast_in_dim3A_7] : memref<80x2xf32, #tpu.memory_space<vmem>>[vector<16xi32>, vector<16xi32>], vector<16xf32>,
        %gather3A_165 = tpu.vector_load_idx %arg16[%broadcast_in_dim3A_162, %broadcast_in_dim3A_7] : memref<80x2xf32, #tpu.memory_space<vmem>>[vector<16xi32>, vector<16xi32>], vector<16xf32>,
        %get3A_166 = arith.index_cast %add3A_158 : i32 to index
        %get3A_167 = arith.constant 0 : index
        %get3A_168 = tpu.vector_load %arg14[%get3A_166, %get3A_167] {strides = array<i32>} : memref<80x160xf32, #tpu.memory_space<vmem>>, vector<16xf32>,
        %get3A_169 = arith.index_cast %add3A_158 : i32 to index
        %get3A_170 = arith.constant 0 : index
        %get3A_171 = tpu.vector_load %arg15[%get3A_169, %get3A_170] {strides = array<i32>} : memref<80x256xf32, #tpu.memory_space<vmem>>, vector<16xf32>,
        %mul3A_172 = arith.mulf %get3A_168, %get3A_171 : vector<16xf32>
        %get3A_173 = arith.index_cast %add3A_158 : i32 to index
        %get3A_174 = arith.constant 16 : index
        %get3A_175 = tpu.vector_load %arg14[%get3A_173, %get3A_174] {strides = array<i32>} : memref<80x160xf32, #tpu.memory_space<vmem>>, vector<16xf32>,
        %get3A_176 = arith.index_cast %add3A_158 : i32 to index
        %get3A_177 = arith.constant 16 : index
        %get3A_178 = tpu.vector_load %arg15[%get3A_176, %get3A_177] {strides = array<i32>} : memref<80x256xf32, #tpu.memory_space<vmem>>, vector<16xf32>,
        %mul3A_179 = arith.mulf %get3A_175, %get3A_178 : vector<16xf32>
        %get3A_180 = arith.index_cast %add3A_158 : i32 to index
        %get3A_181 = arith.constant 32 : index
        %get3A_182 = tpu.vector_load %arg14[%get3A_180, %get3A_181] {strides = array<i32>} : memref<80x160xf32, #tpu.memory_space<vmem>>, vector<16xf32>,
        %get3A_183 = arith.index_cast %add3A_158 : i32 to index
        %get3A_184 = arith.constant 32 : index
        %get3A_185 = tpu.vector_load %arg15[%get3A_183, %get3A_184] {strides = array<i32>} : memref<80x256xf32, #tpu.memory_space<vmem>>, vector<16xf32>,
        %mul3A_186 = arith.mulf %get3A_182, %get3A_185 : vector<16xf32>
        %get3A_187 = arith.index_cast %add3A_158 : i32 to index
        %get3A_188 = arith.constant 48 : index
        %get3A_189 = tpu.vector_load %arg14[%get3A_187, %get3A_188] {strides = array<i32>} : memref<80x160xf32, #tpu.memory_space<vmem>>, vector<16xf32>,
        %get3A_190 = arith.index_cast %add3A_158 : i32 to index
        %get3A_191 = arith.constant 48 : index
        %get3A_192 = tpu.vector_load %arg15[%get3A_190, %get3A_191] {strides = array<i32>} : memref<80x256xf32, #tpu.memory_space<vmem>>, vector<16xf32>,
        %mul3A_193 = arith.mulf %get3A_189, %get3A_192 : vector<16xf32>
        %get3A_194 = arith.index_cast %add3A_158 : i32 to index
        %get3A_195 = arith.constant 64 : index
        %get3A_196 = tpu.vector_load %arg14[%get3A_194, %get3A_195] {strides = array<i32>} : memref<80x160xf32, #tpu.memory_space<vmem>>, vector<16xf32>,
        %get3A_197 = arith.index_cast %add3A_158 : i32 to index
        %get3A_198 = arith.constant 64 : index
        %get3A_199 = tpu.vector_load %arg15[%get3A_197, %get3A_198] {strides = array<i32>} : memref<80x256xf32, #tpu.memory_space<vmem>>, vector<16xf32>,
        %mul3A_200 = arith.mulf %get3A_196, %get3A_199 : vector<16xf32>
        %get3A_201 = arith.index_cast %add3A_158 : i32 to index
        %get3A_202 = arith.constant 80 : index
        %get3A_203 = tpu.vector_load %arg14[%get3A_201, %get3A_202] {strides = array<i32>} : memref<80x160xf32, #tpu.memory_space<vmem>>, vector<16xf32>,
        %get3A_204 = arith.index_cast %add3A_158 : i32 to index
        %get3A_205 = arith.constant 80 : index
        %get3A_206 = tpu.vector_load %arg15[%get3A_204, %get3A_205] {strides = array<i32>} : memref<80x256xf32, #tpu.memory_space<vmem>>, vector<16xf32>,
        %mul3A_207 = arith.mulf %get3A_203, %get3A_206 : vector<16xf32>
        %get3A_208 = arith.index_cast %add3A_158 : i32 to index
        %get3A_209 = arith.constant 96 : index
        %get3A_210 = tpu.vector_load %arg14[%get3A_208, %get3A_209] {strides = array<i32>} : memref<80x160xf32, #tpu.memory_space<vmem>>, vector<16xf32>,
        %get3A_211 = arith.index_cast %add3A_158 : i32 to index
        %get3A_212 = arith.constant 96 : index
        %get3A_213 = tpu.vector_load %arg15[%get3A_211, %get3A_212] {strides = array<i32>} : memref<80x256xf32, #tpu.memory_space<vmem>>, vector<16xf32>,
        %mul3A_214 = arith.mulf %get3A_210, %get3A_213 : vector<16xf32>
        %get3A_215 = arith.index_cast %add3A_158 : i32 to index
        %get3A_216 = arith.constant 112 : index
        %get3A_217 = tpu.vector_load %arg14[%get3A_215, %get3A_216] {strides = array<i32>} : memref<80x160xf32, #tpu.memory_space<vmem>>, vector<16xf32>,
        %get3A_218 = arith.index_cast %add3A_158 : i32 to index
        %get3A_219 = arith.constant 112 : index
        %get3A_220 = tpu.vector_load %arg15[%get3A_218, %get3A_219] {strides = array<i32>} : memref<80x256xf32, #tpu.memory_space<vmem>>, vector<16xf32>,
        %mul3A_221 = arith.mulf %get3A_217, %get3A_220 : vector<16xf32>
        %get3A_222 = arith.index_cast %add3A_160 : i32 to index
        %get3A_223 = arith.constant 0 : index
        %get3A_224 = tpu.vector_load %arg14[%get3A_222, %get3A_223] {strides = array<i32>} : memref<80x160xf32, #tpu.memory_space<vmem>>, vector<16xf32>,
        %get3A_225 = arith.index_cast %add3A_160 : i32 to index
        %get3A_226 = arith.constant 0 : index
        %get3A_227 = tpu.vector_load %arg15[%get3A_225, %get3A_226] {strides = array<i32>} : memref<80x256xf32, #tpu.memory_space<vmem>>, vector<16xf32>,
        %mul3A_228 = arith.mulf %get3A_224, %get3A_227 : vector<16xf32>
        %get3A_229 = arith.index_cast %add3A_160 : i32 to index
        %get3A_230 = arith.constant 16 : index
        %get3A_231 = tpu.vector_load %arg14[%get3A_229, %get3A_230] {strides = array<i32>} : memref<80x160xf32, #tpu.memory_space<vmem>>, vector<16xf32>,
        %get3A_232 = arith.index_cast %add3A_160 : i32 to index
        %get3A_233 = arith.constant 16 : index
        %get3A_234 = tpu.vector_load %arg15[%get3A_232, %get3A_233] {strides = array<i32>} : memref<80x256xf32, #tpu.memory_space<vmem>>, vector<16xf32>,
        %mul3A_235 = arith.mulf %get3A_231, %get3A_234 : vector<16xf32>
        %get3A_236 = arith.index_cast %add3A_160 : i32 to index
        %get3A_237 = arith.constant 32 : index
        %get3A_238 = tpu.vector_load %arg14[%get3A_236, %get3A_237] {strides = array<i32>} : memref<80x160xf32, #tpu.memory_space<vmem>>, vector<16xf32>,
        %get3A_239 = arith.index_cast %add3A_160 : i32 to index
        %get3A_240 = arith.constant 32 : index
        %get3A_241 = tpu.vector_load %arg15[%get3A_239, %get3A_240] {strides = array<i32>} : memref<80x256xf32, #tpu.memory_space<vmem>>, vector<16xf32>,
        %mul3A_242 = arith.mulf %get3A_238, %get3A_241 : vector<16xf32>
        %get3A_243 = arith.index_cast %add3A_160 : i32 to index
        %get3A_244 = arith.constant 48 : index
        %get3A_245 = tpu.vector_load %arg14[%get3A_243, %get3A_244] {strides = array<i32>} : memref<80x160xf32, #tpu.memory_space<vmem>>, vector<16xf32>,
        %get3A_246 = arith.index_cast %add3A_160 : i32 to index
        %get3A_247 = arith.constant 48 : index
        %get3A_248 = tpu.vector_load %arg15[%get3A_246, %get3A_247] {strides = array<i32>} : memref<80x256xf32, #tpu.memory_space<vmem>>, vector<16xf32>,
        %mul3A_249 = arith.mulf %get3A_245, %get3A_248 : vector<16xf32>
        %get3A_250 = arith.index_cast %add3A_160 : i32 to index
        %get3A_251 = arith.constant 64 : index
        %get3A_252 = tpu.vector_load %arg14[%get3A_250, %get3A_251] {strides = array<i32>} : memref<80x160xf32, #tpu.memory_space<vmem>>, vector<16xf32>,
        %get3A_253 = arith.index_cast %add3A_160 : i32 to index
        %get3A_254 = arith.constant 64 : index
        %get3A_255 = tpu.vector_load %arg15[%get3A_253, %get3A_254] {strides = array<i32>} : memref<80x256xf32, #tpu.memory_space<vmem>>, vector<16xf32>,
        %mul3A_256 = arith.mulf %get3A_252, %get3A_255 : vector<16xf32>
        %get3A_257 = arith.index_cast %add3A_160 : i32 to index
        %get3A_258 = arith.constant 80 : index
        %get3A_259 = tpu.vector_load %arg14[%get3A_257, %get3A_258] {strides = array<i32>} : memref<80x160xf32, #tpu.memory_space<vmem>>, vector<16xf32>,
        %get3A_260 = arith.index_cast %add3A_160 : i32 to index
        %get3A_261 = arith.constant 80 : index
        %get3A_262 = tpu.vector_load %arg15[%get3A_260, %get3A_261] {strides = array<i32>} : memref<80x256xf32, #tpu.memory_space<vmem>>, vector<16xf32>,
        %mul3A_263 = arith.mulf %get3A_259, %get3A_262 : vector<16xf32>
        %get3A_264 = arith.index_cast %add3A_160 : i32 to index
        %get3A_265 = arith.constant 96 : index
        %get3A_266 = tpu.vector_load %arg14[%get3A_264, %get3A_265] {strides = array<i32>} : memref<80x160xf32, #tpu.memory_space<vmem>>, vector<16xf32>,
        %get3A_267 = arith.index_cast %add3A_160 : i32 to index
        %get3A_268 = arith.constant 96 : index
        %get3A_269 = tpu.vector_load %arg15[%get3A_267, %get3A_268] {strides = array<i32>} : memref<80x256xf32, #tpu.memory_space<vmem>>, vector<16xf32>,
        %mul3A_270 = arith.mulf %get3A_266, %get3A_269 : vector<16xf32>
        %get3A_271 = arith.index_cast %add3A_160 : i32 to index
        %get3A_272 = arith.constant 112 : index
        %get3A_273 = tpu.vector_load %arg14[%get3A_271, %get3A_272] {strides = array<i32>} : memref<80x160xf32, #tpu.memory_space<vmem>>, vector<16xf32>,
        %get3A_274 = arith.index_cast %add3A_160 : i32 to index
        %get3A_275 = arith.constant 112 : index
        %get3A_276 = tpu.vector_load %arg15[%get3A_274, %get3A_275] {strides = array<i32>} : memref<80x256xf32, #tpu.memory_space<vmem>>, vector<16xf32>,
        %mul3A_277 = arith.mulf %get3A_273, %get3A_276 : vector<16xf32>
        %add3A_278 = arith.addf %mul3A_172, %mul3A_179 : vector<16xf32>
        %add3A_279 = arith.addf %mul3A_186, %mul3A_193 : vector<16xf32>
        %add3A_280 = arith.addf %add3A_278, %add3A_279 : vector<16xf32>
        %add3A_281 = arith.addf %mul3A_200, %mul3A_207 : vector<16xf32>
        %add3A_282 = arith.addf %mul3A_214, %mul3A_221 : vector<16xf32>
        %add3A_283 = arith.addf %add3A_281, %add3A_282 : vector<16xf32>
        %add3A_284 = arith.addf %add3A_280, %add3A_283 : vector<16xf32>
        %add3A_285 = arith.addf %mul3A_228, %mul3A_235 : vector<16xf32>
        %add3A_286 = arith.addf %mul3A_242, %mul3A_249 : vector<16xf32>
        %add3A_287 = arith.addf %add3A_285, %add3A_286 : vector<16xf32>
        %add3A_288 = arith.addf %mul3A_256, %mul3A_263 : vector<16xf32>
        %add3A_289 = arith.addf %mul3A_270, %mul3A_277 : vector<16xf32>
        %add3A_290 = arith.addf %add3A_288, %add3A_289 : vector<16xf32>
        %add3A_291 = arith.addf %add3A_287, %add3A_290 : vector<16xf32>
        %gather3A_292 = vector.shape_cast %broadcast_in_dim3A_14 : vector<16x1xi32> to vector<16xi32>
        %gather3A_293 = tpu.dynamic_gather %add3A_284[%gather3A_292] in [0] : vector<16xf32>, vector<16xi32> -> vector<16xf32>
        %add3A_294 = arith.addf %add3A_284, %gather3A_293 : vector<16xf32>
        %gather3A_295 = vector.shape_cast %broadcast_in_dim3A_14 : vector<16x1xi32> to vector<16xi32>
        %gather3A_296 = tpu.dynamic_gather %add3A_291[%gather3A_295] in [0] : vector<16xf32>, vector<16xi32> -> vector<16xf32>
        %add3A_297 = arith.addf %add3A_291, %gather3A_296 : vector<16xf32>
        %get3A_298 = arith.index_cast %add3A_158 : i32 to index
        %get3A_299 = arith.constant 128 : index
        %get3A_300 = tpu.vector_load %arg14[%get3A_298, %get3A_299] {strides = array<i32>} : memref<80x160xf32, #tpu.memory_space<vmem>>, vector<16xf32>,
        %get3A_301 = arith.index_cast %add3A_160 : i32 to index
        %get3A_302 = arith.constant 128 : index
        %get3A_303 = tpu.vector_load %arg14[%get3A_301, %get3A_302] {strides = array<i32>} : memref<80x160xf32, #tpu.memory_space<vmem>>, vector<16xf32>,
        %get3A_304 = arith.index_cast %add3A_158 : i32 to index
        %get3A_305 = arith.constant 144 : index
        %get3A_306 = tpu.vector_load %arg14[%get3A_304, %get3A_305] {strides = array<i32>} : memref<80x160xf32, #tpu.memory_space<vmem>>, vector<16xf32>,
        %get3A_307 = arith.index_cast %add3A_160 : i32 to index
        %get3A_308 = arith.constant 144 : index
        %get3A_309 = tpu.vector_load %arg14[%get3A_307, %get3A_308] {strides = array<i32>} : memref<80x160xf32, #tpu.memory_space<vmem>>, vector<16xf32>,
        %mul3A_310 = arith.mulf %gather3A, %get3A_300 : vector<16xf32>
        %add3A_311 = arith.addf %add3A_294, %mul3A_310 : vector<16xf32>
        %gather3A_312 = vector.shape_cast %broadcast_in_dim3A_14 : vector<16x1xi32> to vector<16xi32>
        %gather3A_313 = tpu.dynamic_gather %get3A_300[%gather3A_312] in [0] : vector<16xf32>, vector<16xi32> -> vector<16xf32>
        %mul3A_314 = arith.mulf %gather3A_164, %gather3A_313 : vector<16xf32>
        %add3A_315 = arith.addf %add3A_311, %mul3A_314 : vector<16xf32>
        %add3A_316 = arith.addf %add3A_315, %get3A_306 : vector<16xf32>
        %mul3A_317 = arith.mulf %gather3A_163, %get3A_303 : vector<16xf32>
        %add3A_318 = arith.addf %add3A_297, %mul3A_317 : vector<16xf32>
        %gather3A_319 = vector.shape_cast %broadcast_in_dim3A_14 : vector<16x1xi32> to vector<16xi32>
        %gather3A_320 = tpu.dynamic_gather %get3A_303[%gather3A_319] in [0] : vector<16xf32>, vector<16xi32> -> vector<16xf32>
        %mul3A_321 = arith.mulf %gather3A_165, %gather3A_320 : vector<16xf32>
        %add3A_322 = arith.addf %add3A_318, %mul3A_321 : vector<16xf32>
        %add3A_323 = arith.addf %add3A_322, %get3A_309 : vector<16xf32>
        %min3A = arith.constant 6.000000e+01 : f32
        %min3A_324 = vector.broadcast %min3A : f32 to vector<16xf32>
        %min3A_325 = arith.minimumf %add3A_316, %min3A_324 : vector<16xf32>
        %exp3A = math.exp %min3A_325 : vector<16xf32>
        %min3A_326 = arith.constant 6.000000e+01 : f32
        %min3A_327 = vector.broadcast %min3A_326 : f32 to vector<16xf32>
        %min3A_328 = arith.minimumf %add3A_323, %min3A_327 : vector<16xf32>
        %exp3A_329 = math.exp %min3A_328 : vector<16xf32>
        %select_n3A = arith.select %lt3A_9, %broadcast_in_dim3A_161, %broadcast_in_dim3A_162 : vector<16xi1>, vector<16xi32>
        %gather3A_330 = vector.shape_cast %broadcast_in_dim3A_14 : vector<16x1xi32> to vector<16xi32>
        %gather3A_331 = tpu.dynamic_gather %exp3A_329[%gather3A_330] in [0] : vector<16xf32>, vector<16xi32> -> vector<16xf32>
        %select_n3A_332 = arith.select %lt3A_9, %exp3A, %gather3A_331 : vector<16xi1>, vector<16xf32>
        tpu.vector_store_idx %arg18[%select_n3A, %and3A_11], %select_n3A_332 : memref<80x8xf32, #tpu.memory_space<vmem>>[vector<16xi32>, vector<16xi32>], vector<16xf32>,
        %mul3A_333 = arith.mulf %gather3A, %get3A_56 : vector<16xf32>
        %mul3A_334 = arith.mulf %gather3A_164, %get3A_88 : vector<16xf32>
        %add3A_335 = arith.addf %mul3A_333, %mul3A_334 : vector<16xf32>
        %add3A_336 = arith.addf %add3A_335, %get3A_120 : vector<16xf32>
        %get3A_337 = arith.index_cast %add3A_158 : i32 to index
        %get3A_338 = arith.constant 128 : index
        %get3A_339 = tpu.vector_load %arg15[%get3A_337, %get3A_338] {strides = array<i32>} : memref<80x256xf32, #tpu.memory_space<vmem>>, vector<16xf32>,
        %add3A_340 = arith.addf %get3A_339, %add3A_336 : vector<16xf32>
        %gather3A_341 = vector.shape_cast %broadcast_in_dim3A_16 : vector<16x1xi32> to vector<16xi32>
        %gather3A_342 = tpu.dynamic_gather %exp3A[%gather3A_341] in [0] : vector<16xf32>, vector<16xi32> -> vector<16xf32>
        %mul3A_343 = arith.mulf %add3A_340, %gather3A_342 : vector<16xf32>
        %swap3A = arith.index_cast %add3A_158 : i32 to index
        %swap3A_344 = arith.constant 0 : index
        %swap3A_345 = tpu.vector_load %arg17[%swap3A, %swap3A_344] {strides = array<i32>} : memref<80x128xf32, #tpu.memory_space<vmem>>, vector<16xf32>,
        tpu.vector_store %arg17[%swap3A, %swap3A_344], %mul3A_343 {strides = array<i32>} : memref<80x128xf32, #tpu.memory_space<vmem>>, vector<16xf32>,
        %mul3A_346 = arith.mulf %gather3A_163, %get3A_56 : vector<16xf32>
        %mul3A_347 = arith.mulf %gather3A_165, %get3A_88 : vector<16xf32>
        %add3A_348 = arith.addf %mul3A_346, %mul3A_347 : vector<16xf32>
        %add3A_349 = arith.addf %add3A_348, %get3A_120 : vector<16xf32>
        %get3A_350 = arith.index_cast %add3A_160 : i32 to index
        %get3A_351 = arith.constant 128 : index
        %get3A_352 = tpu.vector_load %arg15[%get3A_350, %get3A_351] {strides = array<i32>} : memref<80x256xf32, #tpu.memory_space<vmem>>, vector<16xf32>,
        %add3A_353 = arith.addf %get3A_352, %add3A_349 : vector<16xf32>
        %gather3A_354 = vector.shape_cast %broadcast_in_dim3A_16 : vector<16x1xi32> to vector<16xi32>
        %gather3A_355 = tpu.dynamic_gather %exp3A_329[%gather3A_354] in [0] : vector<16xf32>, vector<16xi32> -> vector<16xf32>
        %mul3A_356 = arith.mulf %add3A_353, %gather3A_355 : vector<16xf32>
        %swap3A_357 = arith.index_cast %add3A_160 : i32 to index
        %swap3A_358 = arith.constant 0 : index
        %swap3A_359 = tpu.vector_load %arg17[%swap3A_357, %swap3A_358] {strides = array<i32>} : memref<80x128xf32, #tpu.memory_space<vmem>>, vector<16xf32>,
        tpu.vector_store %arg17[%swap3A_357, %swap3A_358], %mul3A_356 {strides = array<i32>} : memref<80x128xf32, #tpu.memory_space<vmem>>, vector<16xf32>,
        %mul3A_360 = arith.mulf %gather3A, %get3A_60 : vector<16xf32>
        %mul3A_361 = arith.mulf %gather3A_164, %get3A_92 : vector<16xf32>
        %add3A_362 = arith.addf %mul3A_360, %mul3A_361 : vector<16xf32>
        %add3A_363 = arith.addf %add3A_362, %get3A_124 : vector<16xf32>
        %get3A_364 = arith.index_cast %add3A_158 : i32 to index
        %get3A_365 = arith.constant 144 : index
        %get3A_366 = tpu.vector_load %arg15[%get3A_364, %get3A_365] {strides = array<i32>} : memref<80x256xf32, #tpu.memory_space<vmem>>, vector<16xf32>,
        %add3A_367 = arith.addf %get3A_366, %add3A_363 : vector<16xf32>
        %gather3A_368 = vector.shape_cast %broadcast_in_dim3A_18 : vector<16x1xi32> to vector<16xi32>
        %gather3A_369 = tpu.dynamic_gather %exp3A[%gather3A_368] in [0] : vector<16xf32>, vector<16xi32> -> vector<16xf32>
        %mul3A_370 = arith.mulf %add3A_367, %gather3A_369 : vector<16xf32>
        %swap3A_371 = arith.index_cast %add3A_158 : i32 to index
        %swap3A_372 = arith.constant 16 : index
        %swap3A_373 = tpu.vector_load %arg17[%swap3A_371, %swap3A_372] {strides = array<i32>} : memref<80x128xf32, #tpu.memory_space<vmem>>, vector<16xf32>,
        tpu.vector_store %arg17[%swap3A_371, %swap3A_372], %mul3A_370 {strides = array<i32>} : memref<80x128xf32, #tpu.memory_space<vmem>>, vector<16xf32>,
        %mul3A_374 = arith.mulf %gather3A_163, %get3A_60 : vector<16xf32>
        %mul3A_375 = arith.mulf %gather3A_165, %get3A_92 : vector<16xf32>
        %add3A_376 = arith.addf %mul3A_374, %mul3A_375 : vector<16xf32>
        %add3A_377 = arith.addf %add3A_376, %get3A_124 : vector<16xf32>
        %get3A_378 = arith.index_cast %add3A_160 : i32 to index
        %get3A_379 = arith.constant 144 : index
        %get3A_380 = tpu.vector_load %arg15[%get3A_378, %get3A_379] {strides = array<i32>} : memref<80x256xf32, #tpu.memory_space<vmem>>, vector<16xf32>,
        %add3A_381 = arith.addf %get3A_380, %add3A_377 : vector<16xf32>
        %gather3A_382 = vector.shape_cast %broadcast_in_dim3A_18 : vector<16x1xi32> to vector<16xi32>
        %gather3A_383 = tpu.dynamic_gather %exp3A_329[%gather3A_382] in [0] : vector<16xf32>, vector<16xi32> -> vector<16xf32>
        %mul3A_384 = arith.mulf %add3A_381, %gather3A_383 : vector<16xf32>
        %swap3A_385 = arith.index_cast %add3A_160 : i32 to index
        %swap3A_386 = arith.constant 16 : index
        %swap3A_387 = tpu.vector_load %arg17[%swap3A_385, %swap3A_386] {strides = array<i32>} : memref<80x128xf32, #tpu.memory_space<vmem>>, vector<16xf32>,
        tpu.vector_store %arg17[%swap3A_385, %swap3A_386], %mul3A_384 {strides = array<i32>} : memref<80x128xf32, #tpu.memory_space<vmem>>, vector<16xf32>,
        %mul3A_388 = arith.mulf %gather3A, %get3A_64 : vector<16xf32>
        %mul3A_389 = arith.mulf %gather3A_164, %get3A_96 : vector<16xf32>
        %add3A_390 = arith.addf %mul3A_388, %mul3A_389 : vector<16xf32>
        %add3A_391 = arith.addf %add3A_390, %get3A_128 : vector<16xf32>
        %get3A_392 = arith.index_cast %add3A_158 : i32 to index
        %get3A_393 = arith.constant 160 : index
        %get3A_394 = tpu.vector_load %arg15[%get3A_392, %get3A_393] {strides = array<i32>} : memref<80x256xf32, #tpu.memory_space<vmem>>, vector<16xf32>,
        %add3A_395 = arith.addf %get3A_394, %add3A_391 : vector<16xf32>
        %gather3A_396 = vector.shape_cast %broadcast_in_dim3A_20 : vector<16x1xi32> to vector<16xi32>
        %gather3A_397 = tpu.dynamic_gather %exp3A[%gather3A_396] in [0] : vector<16xf32>, vector<16xi32> -> vector<16xf32>
        %mul3A_398 = arith.mulf %add3A_395, %gather3A_397 : vector<16xf32>
        %swap3A_399 = arith.index_cast %add3A_158 : i32 to index
        %swap3A_400 = arith.constant 32 : index
        %swap3A_401 = tpu.vector_load %arg17[%swap3A_399, %swap3A_400] {strides = array<i32>} : memref<80x128xf32, #tpu.memory_space<vmem>>, vector<16xf32>,
        tpu.vector_store %arg17[%swap3A_399, %swap3A_400], %mul3A_398 {strides = array<i32>} : memref<80x128xf32, #tpu.memory_space<vmem>>, vector<16xf32>,
        %mul3A_402 = arith.mulf %gather3A_163, %get3A_64 : vector<16xf32>
        %mul3A_403 = arith.mulf %gather3A_165, %get3A_96 : vector<16xf32>
        %add3A_404 = arith.addf %mul3A_402, %mul3A_403 : vector<16xf32>
        %add3A_405 = arith.addf %add3A_404, %get3A_128 : vector<16xf32>
        %get3A_406 = arith.index_cast %add3A_160 : i32 to index
        %get3A_407 = arith.constant 160 : index
        %get3A_408 = tpu.vector_load %arg15[%get3A_406, %get3A_407] {strides = array<i32>} : memref<80x256xf32, #tpu.memory_space<vmem>>, vector<16xf32>,
        %add3A_409 = arith.addf %get3A_408, %add3A_405 : vector<16xf32>
        %gather3A_410 = vector.shape_cast %broadcast_in_dim3A_20 : vector<16x1xi32> to vector<16xi32>
        %gather3A_411 = tpu.dynamic_gather %exp3A_329[%gather3A_410] in [0] : vector<16xf32>, vector<16xi32> -> vector<16xf32>
        %mul3A_412 = arith.mulf %add3A_409, %gather3A_411 : vector<16xf32>
        %swap3A_413 = arith.index_cast %add3A_160 : i32 to index
        %swap3A_414 = arith.constant 32 : index
        %swap3A_415 = tpu.vector_load %arg17[%swap3A_413, %swap3A_414] {strides = array<i32>} : memref<80x128xf32, #tpu.memory_space<vmem>>, vector<16xf32>,
        tpu.vector_store %arg17[%swap3A_413, %swap3A_414], %mul3A_412 {strides = array<i32>} : memref<80x128xf32, #tpu.memory_space<vmem>>, vector<16xf32>,
        %mul3A_416 = arith.mulf %gather3A, %get3A_68 : vector<16xf32>
        %mul3A_417 = arith.mulf %gather3A_164, %get3A_100 : vector<16xf32>
        %add3A_418 = arith.addf %mul3A_416, %mul3A_417 : vector<16xf32>
        %add3A_419 = arith.addf %add3A_418, %get3A_132 : vector<16xf32>
        %get3A_420 = arith.index_cast %add3A_158 : i32 to index
        %get3A_421 = arith.constant 176 : index
        %get3A_422 = tpu.vector_load %arg15[%get3A_420, %get3A_421] {strides = array<i32>} : memref<80x256xf32, #tpu.memory_space<vmem>>, vector<16xf32>,
        %add3A_423 = arith.addf %get3A_422, %add3A_419 : vector<16xf32>
        %gather3A_424 = vector.shape_cast %broadcast_in_dim3A_22 : vector<16x1xi32> to vector<16xi32>
        %gather3A_425 = tpu.dynamic_gather %exp3A[%gather3A_424] in [0] : vector<16xf32>, vector<16xi32> -> vector<16xf32>
        %mul3A_426 = arith.mulf %add3A_423, %gather3A_425 : vector<16xf32>
        %swap3A_427 = arith.index_cast %add3A_158 : i32 to index
        %swap3A_428 = arith.constant 48 : index
        %swap3A_429 = tpu.vector_load %arg17[%swap3A_427, %swap3A_428] {strides = array<i32>} : memref<80x128xf32, #tpu.memory_space<vmem>>, vector<16xf32>,
        tpu.vector_store %arg17[%swap3A_427, %swap3A_428], %mul3A_426 {strides = array<i32>} : memref<80x128xf32, #tpu.memory_space<vmem>>, vector<16xf32>,
        %mul3A_430 = arith.mulf %gather3A_163, %get3A_68 : vector<16xf32>
        %mul3A_431 = arith.mulf %gather3A_165, %get3A_100 : vector<16xf32>
        %add3A_432 = arith.addf %mul3A_430, %mul3A_431 : vector<16xf32>
        %add3A_433 = arith.addf %add3A_432, %get3A_132 : vector<16xf32>
        %get3A_434 = arith.index_cast %add3A_160 : i32 to index
        %get3A_435 = arith.constant 176 : index
        %get3A_436 = tpu.vector_load %arg15[%get3A_434, %get3A_435] {strides = array<i32>} : memref<80x256xf32, #tpu.memory_space<vmem>>, vector<16xf32>,
        %add3A_437 = arith.addf %get3A_436, %add3A_433 : vector<16xf32>
        %gather3A_438 = vector.shape_cast %broadcast_in_dim3A_22 : vector<16x1xi32> to vector<16xi32>
        %gather3A_439 = tpu.dynamic_gather %exp3A_329[%gather3A_438] in [0] : vector<16xf32>, vector<16xi32> -> vector<16xf32>
        %mul3A_440 = arith.mulf %add3A_437, %gather3A_439 : vector<16xf32>
        %swap3A_441 = arith.index_cast %add3A_160 : i32 to index
        %swap3A_442 = arith.constant 48 : index
        %swap3A_443 = tpu.vector_load %arg17[%swap3A_441, %swap3A_442] {strides = array<i32>} : memref<80x128xf32, #tpu.memory_space<vmem>>, vector<16xf32>,
        tpu.vector_store %arg17[%swap3A_441, %swap3A_442], %mul3A_440 {strides = array<i32>} : memref<80x128xf32, #tpu.memory_space<vmem>>, vector<16xf32>,
        %mul3A_444 = arith.mulf %gather3A, %get3A_72 : vector<16xf32>
        %mul3A_445 = arith.mulf %gather3A_164, %get3A_104 : vector<16xf32>
        %add3A_446 = arith.addf %mul3A_444, %mul3A_445 : vector<16xf32>
        %add3A_447 = arith.addf %add3A_446, %get3A_136 : vector<16xf32>
        %get3A_448 = arith.index_cast %add3A_158 : i32 to index
        %get3A_449 = arith.constant 192 : index
        %get3A_450 = tpu.vector_load %arg15[%get3A_448, %get3A_449] {strides = array<i32>} : memref<80x256xf32, #tpu.memory_space<vmem>>, vector<16xf32>,
        %add3A_451 = arith.addf %get3A_450, %add3A_447 : vector<16xf32>
        %gather3A_452 = vector.shape_cast %broadcast_in_dim3A_24 : vector<16x1xi32> to vector<16xi32>
        %gather3A_453 = tpu.dynamic_gather %exp3A[%gather3A_452] in [0] : vector<16xf32>, vector<16xi32> -> vector<16xf32>
        %mul3A_454 = arith.mulf %add3A_451, %gather3A_453 : vector<16xf32>
        %swap3A_455 = arith.index_cast %add3A_158 : i32 to index
        %swap3A_456 = arith.constant 64 : index
        %swap3A_457 = tpu.vector_load %arg17[%swap3A_455, %swap3A_456] {strides = array<i32>} : memref<80x128xf32, #tpu.memory_space<vmem>>, vector<16xf32>,
        tpu.vector_store %arg17[%swap3A_455, %swap3A_456], %mul3A_454 {strides = array<i32>} : memref<80x128xf32, #tpu.memory_space<vmem>>, vector<16xf32>,
        %mul3A_458 = arith.mulf %gather3A_163, %get3A_72 : vector<16xf32>
        %mul3A_459 = arith.mulf %gather3A_165, %get3A_104 : vector<16xf32>
        %add3A_460 = arith.addf %mul3A_458, %mul3A_459 : vector<16xf32>
        %add3A_461 = arith.addf %add3A_460, %get3A_136 : vector<16xf32>
        %get3A_462 = arith.index_cast %add3A_160 : i32 to index
        %get3A_463 = arith.constant 192 : index
        %get3A_464 = tpu.vector_load %arg15[%get3A_462, %get3A_463] {strides = array<i32>} : memref<80x256xf32, #tpu.memory_space<vmem>>, vector<16xf32>,
        %add3A_465 = arith.addf %get3A_464, %add3A_461 : vector<16xf32>
        %gather3A_466 = vector.shape_cast %broadcast_in_dim3A_24 : vector<16x1xi32> to vector<16xi32>
        %gather3A_467 = tpu.dynamic_gather %exp3A_329[%gather3A_466] in [0] : vector<16xf32>, vector<16xi32> -> vector<16xf32>
        %mul3A_468 = arith.mulf %add3A_465, %gather3A_467 : vector<16xf32>
        %swap3A_469 = arith.index_cast %add3A_160 : i32 to index
        %swap3A_470 = arith.constant 64 : index
        %swap3A_471 = tpu.vector_load %arg17[%swap3A_469, %swap3A_470] {strides = array<i32>} : memref<80x128xf32, #tpu.memory_space<vmem>>, vector<16xf32>,
        tpu.vector_store %arg17[%swap3A_469, %swap3A_470], %mul3A_468 {strides = array<i32>} : memref<80x128xf32, #tpu.memory_space<vmem>>, vector<16xf32>,
        %mul3A_472 = arith.mulf %gather3A, %get3A_76 : vector<16xf32>
        %mul3A_473 = arith.mulf %gather3A_164, %get3A_108 : vector<16xf32>
        %add3A_474 = arith.addf %mul3A_472, %mul3A_473 : vector<16xf32>
        %add3A_475 = arith.addf %add3A_474, %get3A_140 : vector<16xf32>
        %get3A_476 = arith.index_cast %add3A_158 : i32 to index
        %get3A_477 = arith.constant 208 : index
        %get3A_478 = tpu.vector_load %arg15[%get3A_476, %get3A_477] {strides = array<i32>} : memref<80x256xf32, #tpu.memory_space<vmem>>, vector<16xf32>,
        %add3A_479 = arith.addf %get3A_478, %add3A_475 : vector<16xf32>
        %gather3A_480 = vector.shape_cast %broadcast_in_dim3A_26 : vector<16x1xi32> to vector<16xi32>
        %gather3A_481 = tpu.dynamic_gather %exp3A[%gather3A_480] in [0] : vector<16xf32>, vector<16xi32> -> vector<16xf32>
        %mul3A_482 = arith.mulf %add3A_479, %gather3A_481 : vector<16xf32>
        %swap3A_483 = arith.index_cast %add3A_158 : i32 to index
        %swap3A_484 = arith.constant 80 : index
        %swap3A_485 = tpu.vector_load %arg17[%swap3A_483, %swap3A_484] {strides = array<i32>} : memref<80x128xf32, #tpu.memory_space<vmem>>, vector<16xf32>,
        tpu.vector_store %arg17[%swap3A_483, %swap3A_484], %mul3A_482 {strides = array<i32>} : memref<80x128xf32, #tpu.memory_space<vmem>>, vector<16xf32>,
        %mul3A_486 = arith.mulf %gather3A_163, %get3A_76 : vector<16xf32>
        %mul3A_487 = arith.mulf %gather3A_165, %get3A_108 : vector<16xf32>
        %add3A_488 = arith.addf %mul3A_486, %mul3A_487 : vector<16xf32>
        %add3A_489 = arith.addf %add3A_488, %get3A_140 : vector<16xf32>
        %get3A_490 = arith.index_cast %add3A_160 : i32 to index
        %get3A_491 = arith.constant 208 : index
        %get3A_492 = tpu.vector_load %arg15[%get3A_490, %get3A_491] {strides = array<i32>} : memref<80x256xf32, #tpu.memory_space<vmem>>, vector<16xf32>,
        %add3A_493 = arith.addf %get3A_492, %add3A_489 : vector<16xf32>
        %gather3A_494 = vector.shape_cast %broadcast_in_dim3A_26 : vector<16x1xi32> to vector<16xi32>
        %gather3A_495 = tpu.dynamic_gather %exp3A_329[%gather3A_494] in [0] : vector<16xf32>, vector<16xi32> -> vector<16xf32>
        %mul3A_496 = arith.mulf %add3A_493, %gather3A_495 : vector<16xf32>
        %swap3A_497 = arith.index_cast %add3A_160 : i32 to index
        %swap3A_498 = arith.constant 80 : index
        %swap3A_499 = tpu.vector_load %arg17[%swap3A_497, %swap3A_498] {strides = array<i32>} : memref<80x128xf32, #tpu.memory_space<vmem>>, vector<16xf32>,
        tpu.vector_store %arg17[%swap3A_497, %swap3A_498], %mul3A_496 {strides = array<i32>} : memref<80x128xf32, #tpu.memory_space<vmem>>, vector<16xf32>,
        %mul3A_500 = arith.mulf %gather3A, %get3A_80 : vector<16xf32>
        %mul3A_501 = arith.mulf %gather3A_164, %get3A_112 : vector<16xf32>
        %add3A_502 = arith.addf %mul3A_500, %mul3A_501 : vector<16xf32>
        %add3A_503 = arith.addf %add3A_502, %get3A_144 : vector<16xf32>
        %get3A_504 = arith.index_cast %add3A_158 : i32 to index
        %get3A_505 = arith.constant 224 : index
        %get3A_506 = tpu.vector_load %arg15[%get3A_504, %get3A_505] {strides = array<i32>} : memref<80x256xf32, #tpu.memory_space<vmem>>, vector<16xf32>,
        %add3A_507 = arith.addf %get3A_506, %add3A_503 : vector<16xf32>
        %gather3A_508 = vector.shape_cast %broadcast_in_dim3A_28 : vector<16x1xi32> to vector<16xi32>
        %gather3A_509 = tpu.dynamic_gather %exp3A[%gather3A_508] in [0] : vector<16xf32>, vector<16xi32> -> vector<16xf32>
        %mul3A_510 = arith.mulf %add3A_507, %gather3A_509 : vector<16xf32>
        %swap3A_511 = arith.index_cast %add3A_158 : i32 to index
        %swap3A_512 = arith.constant 96 : index
        %swap3A_513 = tpu.vector_load %arg17[%swap3A_511, %swap3A_512] {strides = array<i32>} : memref<80x128xf32, #tpu.memory_space<vmem>>, vector<16xf32>,
        tpu.vector_store %arg17[%swap3A_511, %swap3A_512], %mul3A_510 {strides = array<i32>} : memref<80x128xf32, #tpu.memory_space<vmem>>, vector<16xf32>,
        %mul3A_514 = arith.mulf %gather3A_163, %get3A_80 : vector<16xf32>
        %mul3A_515 = arith.mulf %gather3A_165, %get3A_112 : vector<16xf32>
        %add3A_516 = arith.addf %mul3A_514, %mul3A_515 : vector<16xf32>
        %add3A_517 = arith.addf %add3A_516, %get3A_144 : vector<16xf32>
        %get3A_518 = arith.index_cast %add3A_160 : i32 to index
        %get3A_519 = arith.constant 224 : index
        %get3A_520 = tpu.vector_load %arg15[%get3A_518, %get3A_519] {strides = array<i32>} : memref<80x256xf32, #tpu.memory_space<vmem>>, vector<16xf32>,
        %add3A_521 = arith.addf %get3A_520, %add3A_517 : vector<16xf32>
        %gather3A_522 = vector.shape_cast %broadcast_in_dim3A_28 : vector<16x1xi32> to vector<16xi32>
        %gather3A_523 = tpu.dynamic_gather %exp3A_329[%gather3A_522] in [0] : vector<16xf32>, vector<16xi32> -> vector<16xf32>
        %mul3A_524 = arith.mulf %add3A_521, %gather3A_523 : vector<16xf32>
        %swap3A_525 = arith.index_cast %add3A_160 : i32 to index
        %swap3A_526 = arith.constant 96 : index
        %swap3A_527 = tpu.vector_load %arg17[%swap3A_525, %swap3A_526] {strides = array<i32>} : memref<80x128xf32, #tpu.memory_space<vmem>>, vector<16xf32>,
        tpu.vector_store %arg17[%swap3A_525, %swap3A_526], %mul3A_524 {strides = array<i32>} : memref<80x128xf32, #tpu.memory_space<vmem>>, vector<16xf32>,
        %mul3A_528 = arith.mulf %gather3A, %get3A_84 : vector<16xf32>
        %mul3A_529 = arith.mulf %gather3A_164, %get3A_116 : vector<16xf32>
        %add3A_530 = arith.addf %mul3A_528, %mul3A_529 : vector<16xf32>
        %add3A_531 = arith.addf %add3A_530, %get3A_148 : vector<16xf32>
        %get3A_532 = arith.index_cast %add3A_158 : i32 to index
        %get3A_533 = arith.constant 240 : index
        %get3A_534 = tpu.vector_load %arg15[%get3A_532, %get3A_533] {strides = array<i32>} : memref<80x256xf32, #tpu.memory_space<vmem>>, vector<16xf32>,
        %add3A_535 = arith.addf %get3A_534, %add3A_531 : vector<16xf32>
        %gather3A_536 = vector.shape_cast %broadcast_in_dim3A_30 : vector<16x1xi32> to vector<16xi32>
        %gather3A_537 = tpu.dynamic_gather %exp3A[%gather3A_536] in [0] : vector<16xf32>, vector<16xi32> -> vector<16xf32>
        %mul3A_538 = arith.mulf %add3A_535, %gather3A_537 : vector<16xf32>
        %swap3A_539 = arith.index_cast %add3A_158 : i32 to index
        %swap3A_540 = arith.constant 112 : index
        %swap3A_541 = tpu.vector_load %arg17[%swap3A_539, %swap3A_540] {strides = array<i32>} : memref<80x128xf32, #tpu.memory_space<vmem>>, vector<16xf32>,
        tpu.vector_store %arg17[%swap3A_539, %swap3A_540], %mul3A_538 {strides = array<i32>} : memref<80x128xf32, #tpu.memory_space<vmem>>, vector<16xf32>,
        %mul3A_542 = arith.mulf %gather3A_163, %get3A_84 : vector<16xf32>
        %mul3A_543 = arith.mulf %gather3A_165, %get3A_116 : vector<16xf32>
        %add3A_544 = arith.addf %mul3A_542, %mul3A_543 : vector<16xf32>
        %add3A_545 = arith.addf %add3A_544, %get3A_148 : vector<16xf32>
        %get3A_546 = arith.index_cast %add3A_160 : i32 to index
        %get3A_547 = arith.constant 240 : index
        %get3A_548 = tpu.vector_load %arg15[%get3A_546, %get3A_547] {strides = array<i32>} : memref<80x256xf32, #tpu.memory_space<vmem>>, vector<16xf32>,
        %add3A_549 = arith.addf %get3A_548, %add3A_545 : vector<16xf32>
        %gather3A_550 = vector.shape_cast %broadcast_in_dim3A_30 : vector<16x1xi32> to vector<16xi32>
        %gather3A_551 = tpu.dynamic_gather %exp3A_329[%gather3A_550] in [0] : vector<16xf32>, vector<16xi32> -> vector<16xf32>
        %mul3A_552 = arith.mulf %add3A_549, %gather3A_551 : vector<16xf32>
        %swap3A_553 = arith.index_cast %add3A_160 : i32 to index
        %swap3A_554 = arith.constant 112 : index
        %swap3A_555 = tpu.vector_load %arg17[%swap3A_553, %swap3A_554] {strides = array<i32>} : memref<80x128xf32, #tpu.memory_space<vmem>>, vector<16xf32>,
        tpu.vector_store %arg17[%swap3A_553, %swap3A_554], %mul3A_552 {strides = array<i32>} : memref<80x128xf32, #tpu.memory_space<vmem>>, vector<16xf32>,
      }
      %scan3A_153 = arith.constant 40 : i32
      "tpu.region"() ({
        %run_scoped3A = tpu.sem_alloc : memref<!tpu.dma_semaphore, #tpu.memory_space<semaphore_mem>>
        %dma_start3A = arith.constant 0 : i32
        %dma_start3A_154 = arith.constant 0 : i32
        %dma_start3A_155 = tpu.memref_slice %arg20[%dma_start3A, %dma_start3A_154] : memref<10000x128xf32, #tpu.memory_space<vmem_shared>> -> memref<10000x128xf32, #tpu.memory_space<vmem_shared>>
        tpu.enqueue_indirect_dma source(%arg17 : memref<80x128xf32, #tpu.memory_space<vmem>>) target(%dma_start3A_155 : memref<10000x128xf32, #tpu.memory_space<vmem_shared>>) offsets(%arg13 : memref<80xi32, #tpu.memory_space<vmem>>) semaphore(%run_scoped3A : memref<!tpu.dma_semaphore, #tpu.memory_space<semaphore_mem>>) {add = true}
        %dma_wait3A = arith.constant 0 : i32
        %dma_wait3A_156 = arith.constant 0 : i32
        %dma_wait3A_157 = tpu.memref_slice %arg20[%dma_wait3A, %dma_wait3A_156] : memref<10000x128xf32, #tpu.memory_space<vmem_shared>> -> memref<10000x128xf32, #tpu.memory_space<vmem_shared>>
        tpu.wait_indirect_dma semaphore(%run_scoped3A : memref<!tpu.dma_semaphore, #tpu.memory_space<semaphore_mem>>) src(%arg17 : memref<80x128xf32, #tpu.memory_space<vmem>>) dst(%dma_wait3A_157 : memref<10000x128xf32, #tpu.memory_space<vmem_shared>>)
        tpu.yield
      }) : () -> ()
      "tpu.region"() ({
        %run_scoped3A = tpu.sem_alloc : memref<!tpu.dma_semaphore, #tpu.memory_space<semaphore_mem>>
        %dma_start3A = arith.constant 0 : i32
        %dma_start3A_154 = arith.constant 0 : i32
        %dma_start3A_155 = tpu.memref_slice %arg21[%dma_start3A, %dma_start3A_154] : memref<10000x8xf32, #tpu.memory_space<vmem_shared>> -> memref<10000x8xf32, #tpu.memory_space<vmem_shared>>
        tpu.enqueue_indirect_dma source(%arg18 : memref<80x8xf32, #tpu.memory_space<vmem>>) target(%dma_start3A_155 : memref<10000x8xf32, #tpu.memory_space<vmem_shared>>) offsets(%arg13 : memref<80xi32, #tpu.memory_space<vmem>>) semaphore(%run_scoped3A : memref<!tpu.dma_semaphore, #tpu.memory_space<semaphore_mem>>) {add = true}
        %dma_wait3A = arith.constant 0 : i32
        %dma_wait3A_156 = arith.constant 0 : i32
        %dma_wait3A_157 = tpu.memref_slice %arg21[%dma_wait3A, %dma_wait3A_156] : memref<10000x8xf32, #tpu.memory_space<vmem_shared>> -> memref<10000x8xf32, #tpu.memory_space<vmem_shared>>
        tpu.wait_indirect_dma semaphore(%run_scoped3A : memref<!tpu.dma_semaphore, #tpu.memory_space<semaphore_mem>>) src(%arg18 : memref<80x8xf32, #tpu.memory_space<vmem>>) dst(%dma_wait3A_157 : memref<10000x8xf32, #tpu.memory_space<vmem_shared>>)
        tpu.yield
      }) : () -> ()
    }
    %scan3A_34 = arith.constant 125 : i32
    %barrier3A_35 = arith.constant 0 : index
    tpu.barrier barrier_id(%barrier3A_35)
    %mul3A_36 = arith.constant 625 : i32
    %mul3A_37 = arith.muli %arg1, %mul3A_36 : i32
    %mul3A_38 = arith.constant 625 : i32
    %mul3A_39 = arith.muli %arg1, %mul3A_38 : i32
    "tpu.region"() ({
      %run_scoped3A = tpu.sem_alloc : memref<!tpu.dma_semaphore, #tpu.memory_space<semaphore_mem>>
      %dma_start3A = arith.constant 0 : i32
      %dma_start3A_44 = tpu.memref_slice %arg10[%arg0, %mul3A_39, %dma_start3A] : memref<2x10000x128xf32, #tpu.memory_space<hbm>> -> memref<1x625x128xf32, #tpu.memory_space<hbm>>
      %dma_start3A_45 = tpu.memref_squeeze %dma_start3A_44 : memref<1x625x128xf32, #tpu.memory_space<hbm>> -> memref<625x128xf32, #tpu.memory_space<hbm>>
      %dma_start3A_46 = arith.constant 0 : i32
      %dma_start3A_47 = tpu.memref_slice %arg20[%mul3A_37, %dma_start3A_46] : memref<10000x128xf32, #tpu.memory_space<vmem_shared>> -> memref<625x128xf32, #tpu.memory_space<vmem_shared>>
      tpu.enqueue_dma source(%dma_start3A_47 : memref<625x128xf32, #tpu.memory_space<vmem_shared>>) target(%dma_start3A_45 : memref<625x128xf32, #tpu.memory_space<hbm>>) target_semaphore(%run_scoped3A : memref<!tpu.dma_semaphore, #tpu.memory_space<semaphore_mem>>)
      %dma_wait3A = arith.constant 0 : i32
      %dma_wait3A_48 = tpu.memref_slice %arg10[%arg0, %mul3A_39, %dma_wait3A] : memref<2x10000x128xf32, #tpu.memory_space<hbm>> -> memref<1x625x128xf32, #tpu.memory_space<hbm>>
      %dma_wait3A_49 = tpu.memref_squeeze %dma_wait3A_48 : memref<1x625x128xf32, #tpu.memory_space<hbm>> -> memref<625x128xf32, #tpu.memory_space<hbm>>
      %dma_wait3A_50 = arith.constant 0 : i32
      %dma_wait3A_51 = tpu.memref_slice %arg20[%mul3A_37, %dma_wait3A_50] : memref<10000x128xf32, #tpu.memory_space<vmem_shared>> -> memref<625x128xf32, #tpu.memory_space<vmem_shared>>
      tpu.wait_dma2 semaphore(%run_scoped3A : memref<!tpu.dma_semaphore, #tpu.memory_space<semaphore_mem>>) src(%dma_wait3A_51 : memref<625x128xf32, #tpu.memory_space<vmem_shared>>) dst(%dma_wait3A_49 : memref<625x128xf32, #tpu.memory_space<hbm>>)
      tpu.yield
    }) : () -> ()
    %mul3A_40 = arith.constant 625 : i32
    %mul3A_41 = arith.muli %arg1, %mul3A_40 : i32
    %mul3A_42 = arith.constant 625 : i32
    %mul3A_43 = arith.muli %arg1, %mul3A_42 : i32
    "tpu.region"() ({
      %run_scoped3A = tpu.sem_alloc : memref<!tpu.dma_semaphore, #tpu.memory_space<semaphore_mem>>
      %dma_start3A = arith.constant 0 : i32
      %dma_start3A_44 = tpu.memref_slice %arg11[%arg0, %mul3A_43, %dma_start3A] : memref<2x10000x8xf32, #tpu.memory_space<hbm>> -> memref<1x625x8xf32, #tpu.memory_space<hbm>>
      %dma_start3A_45 = tpu.memref_squeeze %dma_start3A_44 : memref<1x625x8xf32, #tpu.memory_space<hbm>> -> memref<625x8xf32, #tpu.memory_space<hbm>>
      %dma_start3A_46 = arith.constant 0 : i32
      %dma_start3A_47 = tpu.memref_slice %arg21[%mul3A_41, %dma_start3A_46] : memref<10000x8xf32, #tpu.memory_space<vmem_shared>> -> memref<625x8xf32, #tpu.memory_space<vmem_shared>>
      tpu.enqueue_dma source(%dma_start3A_47 : memref<625x8xf32, #tpu.memory_space<vmem_shared>>) target(%dma_start3A_45 : memref<625x8xf32, #tpu.memory_space<hbm>>) target_semaphore(%run_scoped3A : memref<!tpu.dma_semaphore, #tpu.memory_space<semaphore_mem>>)
      %dma_wait3A = arith.constant 0 : i32
      %dma_wait3A_48 = tpu.memref_slice %arg11[%arg0, %mul3A_43, %dma_wait3A] : memref<2x10000x8xf32, #tpu.memory_space<hbm>> -> memref<1x625x8xf32, #tpu.memory_space<hbm>>
      %dma_wait3A_49 = tpu.memref_squeeze %dma_wait3A_48 : memref<1x625x8xf32, #tpu.memory_space<hbm>> -> memref<625x8xf32, #tpu.memory_space<hbm>>
      %dma_wait3A_50 = arith.constant 0 : i32
      %dma_wait3A_51 = tpu.memref_slice %arg21[%mul3A_41, %dma_wait3A_50] : memref<10000x8xf32, #tpu.memory_space<vmem_shared>> -> memref<625x8xf32, #tpu.memory_space<vmem_shared>>
      tpu.wait_dma2 semaphore(%run_scoped3A : memref<!tpu.dma_semaphore, #tpu.memory_space<semaphore_mem>>) src(%dma_wait3A_51 : memref<625x8xf32, #tpu.memory_space<vmem_shared>>) dst(%dma_wait3A_49 : memref<625x8xf32, #tpu.memory_space<hbm>>)
      tpu.yield
    }) : () -> ()
    return
  }
}

#map = affine_map<(d0, d1) -> (0, 0)>
#map1 = affine_map<(d0, d1) -> (0)>
#map2 = affine_map<(d0, d1) -> (0, 0, 0)>
module attributes {stable_mosaic.version = 14 : i64} {
  func.func @_edge_body(%arg0: i32, %arg1: i32, %arg2: memref<10000x160xf32, #tpu.memory_space<hbm>>, %arg3: memref<10000x256xf32, #tpu.memory_space<hbm>>, %arg4: memref<320000xi32, #tpu.memory_space<hbm>>, %arg5: memref<320000xi32, #tpu.memory_space<hbm>>, %arg6: memref<320000x2xf32, #tpu.memory_space<hbm>>, %arg7: memref<3x128xf32, #tpu.memory_space<hbm>>, %arg8: memref<625x128xf32, #tpu.memory_space<hbm>>, %arg9: memref<625x8xf32, #tpu.memory_space<hbm>>, %arg10: memref<2x10000x128xf32, #tpu.memory_space<hbm>>, %arg11: memref<2x10000x8xf32, #tpu.memory_space<hbm>>, %arg12: memref<80xi32, #tpu.memory_space<vmem>>, %arg13: memref<80xi32, #tpu.memory_space<vmem>>, %arg14: memref<80x160xf32, #tpu.memory_space<vmem>>, %arg15: memref<80x256xf32, #tpu.memory_space<vmem>>, %arg16: memref<80x2xf32, #tpu.memory_space<vmem>>, %arg17: memref<80x128xf32, #tpu.memory_space<vmem>>, %arg18: memref<80x8xf32, #tpu.memory_space<vmem>>, %arg19: memref<3x128xf32, #tpu.memory_space<vmem>>, %arg20: memref<10000x128xf32, #tpu.memory_space<vmem_shared>>, %arg21: memref<10000x8xf32, #tpu.memory_space<vmem_shared>>) attributes {dimension_semantics = [#tpu.dimension_semantics<core_parallel>, #tpu.dimension_semantics<subcore_parallel>], iteration_bounds = array<i64: 2, 16>, scalar_prefetch = 0 : i64, scratch_operands = 10 : i64, tpu.core_type = #tpu.core_type<sc_vector_subcore>, window_params = [{transform_indices = #map}, {transform_indices = #map}, {transform_indices = #map1}, {transform_indices = #map1}, {transform_indices = #map}, {transform_indices = #map}, {transform_indices = #map}, {transform_indices = #map}, {transform_indices = #map2}, {transform_indices = #map2}]} {
    %mul3A = arith.constant 2 : i32
    %mul3A_0 = arith.muli %arg1, %mul3A : i32
    %add3A = arith.addi %mul3A_0, %arg0 : i32
    %mul3A_1 = arith.constant 625 : i32
    %mul3A_2 = arith.muli %arg1, %mul3A_1 : i32
    "tpu.region"() ({
      %run_scoped3A = tpu.sem_alloc : memref<!tpu.dma_semaphore, #tpu.memory_space<semaphore_mem>>
      %dma_start3A = arith.constant 0 : i32
      %dma_start3A_44 = tpu.memref_slice %arg20[%mul3A_2, %dma_start3A] : memref<10000x128xf32, #tpu.memory_space<vmem_shared>> -> memref<625x128xf32, #tpu.memory_space<vmem_shared>>
      tpu.enqueue_dma source(%arg8 : memref<625x128xf32, #tpu.memory_space<hbm>>) target(%dma_start3A_44 : memref<625x128xf32, #tpu.memory_space<vmem_shared>>) target_semaphore(%run_scoped3A : memref<!tpu.dma_semaphore, #tpu.memory_space<semaphore_mem>>)
      %dma_wait3A = arith.constant 0 : i32
      %dma_wait3A_45 = tpu.memref_slice %arg20[%mul3A_2, %dma_wait3A] : memref<10000x128xf32, #tpu.memory_space<vmem_shared>> -> memref<625x128xf32, #tpu.memory_space<vmem_shared>>
      tpu.wait_dma2 semaphore(%run_scoped3A : memref<!tpu.dma_semaphore, #tpu.memory_space<semaphore_mem>>) src(%arg8 : memref<625x128xf32, #tpu.memory_space<hbm>>) dst(%dma_wait3A_45 : memref<625x128xf32, #tpu.memory_space<vmem_shared>>)
      tpu.yield
    }) : () -> ()
    %mul3A_3 = arith.constant 625 : i32
    %mul3A_4 = arith.muli %arg1, %mul3A_3 : i32
    "tpu.region"() ({
      %run_scoped3A = tpu.sem_alloc : memref<!tpu.dma_semaphore, #tpu.memory_space<semaphore_mem>>
      %dma_start3A = arith.constant 0 : i32
      %dma_start3A_44 = tpu.memref_slice %arg21[%mul3A_4, %dma_start3A] : memref<10000x8xf32, #tpu.memory_space<vmem_shared>> -> memref<625x8xf32, #tpu.memory_space<vmem_shared>>
      tpu.enqueue_dma source(%arg9 : memref<625x8xf32, #tpu.memory_space<hbm>>) target(%dma_start3A_44 : memref<625x8xf32, #tpu.memory_space<vmem_shared>>) target_semaphore(%run_scoped3A : memref<!tpu.dma_semaphore, #tpu.memory_space<semaphore_mem>>)
      %dma_wait3A = arith.constant 0 : i32
      %dma_wait3A_45 = tpu.memref_slice %arg21[%mul3A_4, %dma_wait3A] : memref<10000x8xf32, #tpu.memory_space<vmem_shared>> -> memref<625x8xf32, #tpu.memory_space<vmem_shared>>
      tpu.wait_dma2 semaphore(%run_scoped3A : memref<!tpu.dma_semaphore, #tpu.memory_space<semaphore_mem>>) src(%arg9 : memref<625x8xf32, #tpu.memory_space<hbm>>) dst(%dma_wait3A_45 : memref<625x8xf32, #tpu.memory_space<vmem_shared>>)
      tpu.yield
    }) : () -> ()
    "tpu.region"() ({
      %run_scoped3A = tpu.sem_alloc : memref<!tpu.dma_semaphore, #tpu.memory_space<semaphore_mem>>
      tpu.enqueue_dma source(%arg7 : memref<3x128xf32, #tpu.memory_space<hbm>>) target(%arg19 : memref<3x128xf32, #tpu.memory_space<vmem>>) target_semaphore(%run_scoped3A : memref<!tpu.dma_semaphore, #tpu.memory_space<semaphore_mem>>)
      tpu.wait_dma2 semaphore(%run_scoped3A : memref<!tpu.dma_semaphore, #tpu.memory_space<semaphore_mem>>) src(%arg7 : memref<3x128xf32, #tpu.memory_space<hbm>>) dst(%arg19 : memref<3x128xf32, #tpu.memory_space<vmem>>)
      tpu.yield
    }) : () -> ()
    %barrier3A = arith.constant 0 : index
    tpu.barrier barrier_id(%barrier3A)
    %iota3A = tpu.iota {dimensions = array<i32: 0>} : vector<16xi32>
    %broadcast_in_dim3A = arith.constant 0 : i32
    %broadcast_in_dim3A_5 = vector.broadcast %broadcast_in_dim3A : i32 to vector<16xi32>
    %broadcast_in_dim3A_6 = arith.constant 1 : i32
    %broadcast_in_dim3A_7 = vector.broadcast %broadcast_in_dim3A_6 : i32 to vector<16xi32>
    %lt3A = arith.constant 8 : i32
    %lt3A_8 = vector.broadcast %lt3A : i32 to vector<16xi32>
    %lt3A_9 = arith.cmpi slt, %iota3A, %lt3A_8 : vector<16xi32>
    %and3A = arith.constant 7 : i32
    %and3A_10 = vector.broadcast %and3A : i32 to vector<16xi32>
    %and3A_11 = arith.andi %iota3A, %and3A_10 : vector<16xi32>
    %xor3A = arith.constant 8 : i32
    %xor3A_12 = vector.broadcast %xor3A : i32 to vector<16xi32>
    %xor3A_13 = arith.xori %iota3A, %xor3A_12 : vector<16xi32>
    %broadcast_in_dim3A_14 = vector.shape_cast %xor3A_13 : vector<16xi32> to vector<16x1xi32>
    %broadcast_in_dim3A_15 = arith.constant 0 : i32
    %broadcast_in_dim3A_16 = vector.broadcast %broadcast_in_dim3A_15 : i32 to vector<16x1xi32>
    %broadcast_in_dim3A_17 = arith.constant 1 : i32
    %broadcast_in_dim3A_18 = vector.broadcast %broadcast_in_dim3A_17 : i32 to vector<16x1xi32>
    %broadcast_in_dim3A_19 = arith.constant 2 : i32
    %broadcast_in_dim3A_20 = vector.broadcast %broadcast_in_dim3A_19 : i32 to vector<16x1xi32>
    %broadcast_in_dim3A_21 = arith.constant 3 : i32
    %broadcast_in_dim3A_22 = vector.broadcast %broadcast_in_dim3A_21 : i32 to vector<16x1xi32>
    %broadcast_in_dim3A_23 = arith.constant 4 : i32
    %broadcast_in_dim3A_24 = vector.broadcast %broadcast_in_dim3A_23 : i32 to vector<16x1xi32>
    %broadcast_in_dim3A_25 = arith.constant 5 : i32
    %broadcast_in_dim3A_26 = vector.broadcast %broadcast_in_dim3A_25 : i32 to vector<16x1xi32>
    %broadcast_in_dim3A_27 = arith.constant 6 : i32
    %broadcast_in_dim3A_28 = vector.broadcast %broadcast_in_dim3A_27 : i32 to vector<16x1xi32>
    %broadcast_in_dim3A_29 = arith.constant 7 : i32
    %broadcast_in_dim3A_30 = vector.broadcast %broadcast_in_dim3A_29 : i32 to vector<16x1xi32>
    %scan3A = arith.constant 0 : i32
    %scan3A_31 = arith.constant 125 : i32
    %scan3A_32 = arith.addi %scan3A, %scan3A_31 : i32
    %scan3A_33 = arith.constant 1 : i32
    scf.for %scan3A_44 = %scan3A to %scan3A_32 step %scan3A_33  : i32 {
      %mul3A_45 = arith.constant 1 : i32
      %mul3A_46 = arith.muli %scan3A_44, %mul3A_45 : i32
      %add3A_47 = arith.constant 0 : i32
      %add3A_48 = arith.addi %add3A_47, %mul3A_46 : i32
      %mul3A_49 = arith.constant 10000 : i32
      %mul3A_50 = arith.muli %add3A, %mul3A_49 : i32
      %mul3A_51 = arith.constant 80 : i32
      %mul3A_52 = arith.muli %add3A_48, %mul3A_51 : i32
      %add3A_53 = arith.addi %mul3A_50, %mul3A_52 : i32
      "tpu.region"() ({
        %run_scoped3A = tpu.sem_alloc : memref<!tpu.dma_semaphore, #tpu.memory_space<semaphore_mem>>
        %dma_start3A = tpu.memref_slice %arg4[%add3A_53] : memref<320000xi32, #tpu.memory_space<hbm>> -> memref<80xi32, #tpu.memory_space<hbm>>
        %dma_start3A_154 = tpu.memref_slice %arg4[%add3A_53] : memref<320000xi32, #tpu.memory_space<hbm>> -> memref<80xi32, #tpu.memory_space<hbm>>
        tpu.enqueue_dma source(%dma_start3A_154 : memref<80xi32, #tpu.memory_space<hbm>>) target(%arg12 : memref<80xi32, #tpu.memory_space<vmem>>) target_semaphore(%run_scoped3A : memref<!tpu.dma_semaphore, #tpu.memory_space<semaphore_mem>>)
        %dma_wait3A = tpu.memref_slice %arg4[%add3A_53] : memref<320000xi32, #tpu.memory_space<hbm>> -> memref<80xi32, #tpu.memory_space<hbm>>
        %dma_wait3A_155 = tpu.memref_slice %arg4[%add3A_53] : memref<320000xi32, #tpu.memory_space<hbm>> -> memref<80xi32, #tpu.memory_space<hbm>>
        tpu.wait_dma2 semaphore(%run_scoped3A : memref<!tpu.dma_semaphore, #tpu.memory_space<semaphore_mem>>) src(%dma_wait3A_155 : memref<80xi32, #tpu.memory_space<hbm>>) dst(%arg12 : memref<80xi32, #tpu.memory_space<vmem>>)
        tpu.yield
      }) : () -> ()
      "tpu.region"() ({
        %run_scoped3A = tpu.sem_alloc : memref<!tpu.dma_semaphore, #tpu.memory_space<semaphore_mem>>
        %dma_start3A = tpu.memref_slice %arg5[%add3A_53] : memref<320000xi32, #tpu.memory_space<hbm>> -> memref<80xi32, #tpu.memory_space<hbm>>
        %dma_start3A_154 = tpu.memref_slice %arg5[%add3A_53] : memref<320000xi32, #tpu.memory_space<hbm>> -> memref<80xi32, #tpu.memory_space<hbm>>
        tpu.enqueue_dma source(%dma_start3A_154 : memref<80xi32, #tpu.memory_space<hbm>>) target(%arg13 : memref<80xi32, #tpu.memory_space<vmem>>) target_semaphore(%run_scoped3A : memref<!tpu.dma_semaphore, #tpu.memory_space<semaphore_mem>>)
        %dma_wait3A = tpu.memref_slice %arg5[%add3A_53] : memref<320000xi32, #tpu.memory_space<hbm>> -> memref<80xi32, #tpu.memory_space<hbm>>
        %dma_wait3A_155 = tpu.memref_slice %arg5[%add3A_53] : memref<320000xi32, #tpu.memory_space<hbm>> -> memref<80xi32, #tpu.memory_space<hbm>>
        tpu.wait_dma2 semaphore(%run_scoped3A : memref<!tpu.dma_semaphore, #tpu.memory_space<semaphore_mem>>) src(%dma_wait3A_155 : memref<80xi32, #tpu.memory_space<hbm>>) dst(%arg13 : memref<80xi32, #tpu.memory_space<vmem>>)
        tpu.yield
      }) : () -> ()
      "tpu.region"() ({
        %run_scoped3A = tpu.sem_alloc : memref<!tpu.dma_semaphore, #tpu.memory_space<semaphore_mem>>
        %dma_start3A = arith.constant 0 : i32
        %dma_start3A_154 = tpu.memref_slice %arg6[%add3A_53, %dma_start3A] : memref<320000x2xf32, #tpu.memory_space<hbm>> -> memref<80x2xf32, #tpu.memory_space<hbm>>
        %dma_start3A_155 = arith.constant 0 : i32
        %dma_start3A_156 = tpu.memref_slice %arg6[%add3A_53, %dma_start3A_155] : memref<320000x2xf32, #tpu.memory_space<hbm>> -> memref<80x2xf32, #tpu.memory_space<hbm>>
        tpu.enqueue_dma source(%dma_start3A_156 : memref<80x2xf32, #tpu.memory_space<hbm>>) target(%arg16 : memref<80x2xf32, #tpu.memory_space<vmem>>) target_semaphore(%run_scoped3A : memref<!tpu.dma_semaphore, #tpu.memory_space<semaphore_mem>>)
        %dma_wait3A = arith.constant 0 : i32
        %dma_wait3A_157 = tpu.memref_slice %arg6[%add3A_53, %dma_wait3A] : memref<320000x2xf32, #tpu.memory_space<hbm>> -> memref<80x2xf32, #tpu.memory_space<hbm>>
        %dma_wait3A_158 = arith.constant 0 : i32
        %dma_wait3A_159 = tpu.memref_slice %arg6[%add3A_53, %dma_wait3A_158] : memref<320000x2xf32, #tpu.memory_space<hbm>> -> memref<80x2xf32, #tpu.memory_space<hbm>>
        tpu.wait_dma2 semaphore(%run_scoped3A : memref<!tpu.dma_semaphore, #tpu.memory_space<semaphore_mem>>) src(%dma_wait3A_159 : memref<80x2xf32, #tpu.memory_space<hbm>>) dst(%arg16 : memref<80x2xf32, #tpu.memory_space<vmem>>)
        tpu.yield
      }) : () -> ()
      "tpu.region"() ({
        %run_scoped3A = tpu.sem_alloc : memref<!tpu.dma_semaphore, #tpu.memory_space<semaphore_mem>>
        %dma_start3A = arith.constant 0 : i32
        %dma_start3A_154 = arith.constant 0 : i32
        %dma_start3A_155 = tpu.memref_slice %arg3[%dma_start3A, %dma_start3A_154] : memref<10000x256xf32, #tpu.memory_space<hbm>> -> memref<10000x256xf32, #tpu.memory_space<hbm>>
        tpu.enqueue_indirect_dma source(%dma_start3A_155 : memref<10000x256xf32, #tpu.memory_space<hbm>>) target(%arg15 : memref<80x256xf32, #tpu.memory_space<vmem>>) offsets(%arg12 : memref<80xi32, #tpu.memory_space<vmem>>) semaphore(%run_scoped3A : memref<!tpu.dma_semaphore, #tpu.memory_space<semaphore_mem>>)
        %dma_wait3A = arith.constant 0 : i32
        %dma_wait3A_156 = arith.constant 0 : i32
        %dma_wait3A_157 = tpu.memref_slice %arg3[%dma_wait3A, %dma_wait3A_156] : memref<10000x256xf32, #tpu.memory_space<hbm>> -> memref<10000x256xf32, #tpu.memory_space<hbm>>
        tpu.wait_indirect_dma semaphore(%run_scoped3A : memref<!tpu.dma_semaphore, #tpu.memory_space<semaphore_mem>>) src(%dma_wait3A_157 : memref<10000x256xf32, #tpu.memory_space<hbm>>) dst(%arg15 : memref<80x256xf32, #tpu.memory_space<vmem>>)
        tpu.yield
      }) : () -> ()
      "tpu.region"() ({
        %run_scoped3A = tpu.sem_alloc : memref<!tpu.dma_semaphore, #tpu.memory_space<semaphore_mem>>
        %dma_start3A = arith.constant 0 : i32
        %dma_start3A_154 = arith.constant 0 : i32
        %dma_start3A_155 = tpu.memref_slice %arg2[%dma_start3A, %dma_start3A_154] : memref<10000x160xf32, #tpu.memory_space<hbm>> -> memref<10000x160xf32, #tpu.memory_space<hbm>>
        tpu.enqueue_indirect_dma source(%dma_start3A_155 : memref<10000x160xf32, #tpu.memory_space<hbm>>) target(%arg14 : memref<80x160xf32, #tpu.memory_space<vmem>>) offsets(%arg13 : memref<80xi32, #tpu.memory_space<vmem>>) semaphore(%run_scoped3A : memref<!tpu.dma_semaphore, #tpu.memory_space<semaphore_mem>>)
        %dma_wait3A = arith.constant 0 : i32
        %dma_wait3A_156 = arith.constant 0 : i32
        %dma_wait3A_157 = tpu.memref_slice %arg2[%dma_wait3A, %dma_wait3A_156] : memref<10000x160xf32, #tpu.memory_space<hbm>> -> memref<10000x160xf32, #tpu.memory_space<hbm>>
        tpu.wait_indirect_dma semaphore(%run_scoped3A : memref<!tpu.dma_semaphore, #tpu.memory_space<semaphore_mem>>) src(%dma_wait3A_157 : memref<10000x160xf32, #tpu.memory_space<hbm>>) dst(%arg14 : memref<80x160xf32, #tpu.memory_space<vmem>>)
        tpu.yield
      }) : () -> ()
      %get3A = arith.constant 0 : i32
      %get3A_54 = arith.index_cast %get3A : i32 to index
      %get3A_55 = arith.constant 0 : index
      %get3A_56 = tpu.vector_load %arg19[%get3A_54, %get3A_55] {strides = array<i32>} : memref<3x128xf32, #tpu.memory_space<vmem>>, vector<16xf32>,
      %get3A_57 = arith.constant 0 : i32
      %get3A_58 = arith.index_cast %get3A_57 : i32 to index
      %get3A_59 = arith.constant 16 : index
      %get3A_60 = tpu.vector_load %arg19[%get3A_58, %get3A_59] {strides = array<i32>} : memref<3x128xf32, #tpu.memory_space<vmem>>, vector<16xf32>,
      %get3A_61 = arith.constant 0 : i32
      %get3A_62 = arith.index_cast %get3A_61 : i32 to index
      %get3A_63 = arith.constant 32 : index
      %get3A_64 = tpu.vector_load %arg19[%get3A_62, %get3A_63] {strides = array<i32>} : memref<3x128xf32, #tpu.memory_space<vmem>>, vector<16xf32>,
      %get3A_65 = arith.constant 0 : i32
      %get3A_66 = arith.index_cast %get3A_65 : i32 to index
      %get3A_67 = arith.constant 48 : index
      %get3A_68 = tpu.vector_load %arg19[%get3A_66, %get3A_67] {strides = array<i32>} : memref<3x128xf32, #tpu.memory_space<vmem>>, vector<16xf32>,
      %get3A_69 = arith.constant 0 : i32
      %get3A_70 = arith.index_cast %get3A_69 : i32 to index
      %get3A_71 = arith.constant 64 : index
      %get3A_72 = tpu.vector_load %arg19[%get3A_70, %get3A_71] {strides = array<i32>} : memref<3x128xf32, #tpu.memory_space<vmem>>, vector<16xf32>,
      %get3A_73 = arith.constant 0 : i32
      %get3A_74 = arith.index_cast %get3A_73 : i32 to index
      %get3A_75 = arith.constant 80 : index
      %get3A_76 = tpu.vector_load %arg19[%get3A_74, %get3A_75] {strides = array<i32>} : memref<3x128xf32, #tpu.memory_space<vmem>>, vector<16xf32>,
      %get3A_77 = arith.constant 0 : i32
      %get3A_78 = arith.index_cast %get3A_77 : i32 to index
      %get3A_79 = arith.constant 96 : index
      %get3A_80 = tpu.vector_load %arg19[%get3A_78, %get3A_79] {strides = array<i32>} : memref<3x128xf32, #tpu.memory_space<vmem>>, vector<16xf32>,
      %get3A_81 = arith.constant 0 : i32
      %get3A_82 = arith.index_cast %get3A_81 : i32 to index
      %get3A_83 = arith.constant 112 : index
      %get3A_84 = tpu.vector_load %arg19[%get3A_82, %get3A_83] {strides = array<i32>} : memref<3x128xf32, #tpu.memory_space<vmem>>, vector<16xf32>,
      %get3A_85 = arith.constant 1 : i32
      %get3A_86 = arith.index_cast %get3A_85 : i32 to index
      %get3A_87 = arith.constant 0 : index
      %get3A_88 = tpu.vector_load %arg19[%get3A_86, %get3A_87] {strides = array<i32>} : memref<3x128xf32, #tpu.memory_space<vmem>>, vector<16xf32>,
      %get3A_89 = arith.constant 1 : i32
      %get3A_90 = arith.index_cast %get3A_89 : i32 to index
      %get3A_91 = arith.constant 16 : index
      %get3A_92 = tpu.vector_load %arg19[%get3A_90, %get3A_91] {strides = array<i32>} : memref<3x128xf32, #tpu.memory_space<vmem>>, vector<16xf32>,
      %get3A_93 = arith.constant 1 : i32
      %get3A_94 = arith.index_cast %get3A_93 : i32 to index
      %get3A_95 = arith.constant 32 : index
      %get3A_96 = tpu.vector_load %arg19[%get3A_94, %get3A_95] {strides = array<i32>} : memref<3x128xf32, #tpu.memory_space<vmem>>, vector<16xf32>,
      %get3A_97 = arith.constant 1 : i32
      %get3A_98 = arith.index_cast %get3A_97 : i32 to index
      %get3A_99 = arith.constant 48 : index
      %get3A_100 = tpu.vector_load %arg19[%get3A_98, %get3A_99] {strides = array<i32>} : memref<3x128xf32, #tpu.memory_space<vmem>>, vector<16xf32>,
      %get3A_101 = arith.constant 1 : i32
      %get3A_102 = arith.index_cast %get3A_101 : i32 to index
      %get3A_103 = arith.constant 64 : index
      %get3A_104 = tpu.vector_load %arg19[%get3A_102, %get3A_103] {strides = array<i32>} : memref<3x128xf32, #tpu.memory_space<vmem>>, vector<16xf32>,
      %get3A_105 = arith.constant 1 : i32
      %get3A_106 = arith.index_cast %get3A_105 : i32 to index
      %get3A_107 = arith.constant 80 : index
      %get3A_108 = tpu.vector_load %arg19[%get3A_106, %get3A_107] {strides = array<i32>} : memref<3x128xf32, #tpu.memory_space<vmem>>, vector<16xf32>,
      %get3A_109 = arith.constant 1 : i32
      %get3A_110 = arith.index_cast %get3A_109 : i32 to index
      %get3A_111 = arith.constant 96 : index
      %get3A_112 = tpu.vector_load %arg19[%get3A_110, %get3A_111] {strides = array<i32>} : memref<3x128xf32, #tpu.memory_space<vmem>>, vector<16xf32>,
      %get3A_113 = arith.constant 1 : i32
      %get3A_114 = arith.index_cast %get3A_113 : i32 to index
      %get3A_115 = arith.constant 112 : index
      %get3A_116 = tpu.vector_load %arg19[%get3A_114, %get3A_115] {strides = array<i32>} : memref<3x128xf32, #tpu.memory_space<vmem>>, vector<16xf32>,
      %get3A_117 = arith.constant 2 : i32
      %get3A_118 = arith.index_cast %get3A_117 : i32 to index
      %get3A_119 = arith.constant 0 : index
      %get3A_120 = tpu.vector_load %arg19[%get3A_118, %get3A_119] {strides = array<i32>} : memref<3x128xf32, #tpu.memory_space<vmem>>, vector<16xf32>,
      %get3A_121 = arith.constant 2 : i32
      %get3A_122 = arith.index_cast %get3A_121 : i32 to index
      %get3A_123 = arith.constant 16 : index
      %get3A_124 = tpu.vector_load %arg19[%get3A_122, %get3A_123] {strides = array<i32>} : memref<3x128xf32, #tpu.memory_space<vmem>>, vector<16xf32>,
      %get3A_125 = arith.constant 2 : i32
      %get3A_126 = arith.index_cast %get3A_125 : i32 to index
      %get3A_127 = arith.constant 32 : index
      %get3A_128 = tpu.vector_load %arg19[%get3A_126, %get3A_127] {strides = array<i32>} : memref<3x128xf32, #tpu.memory_space<vmem>>, vector<16xf32>,
      %get3A_129 = arith.constant 2 : i32
      %get3A_130 = arith.index_cast %get3A_129 : i32 to index
      %get3A_131 = arith.constant 48 : index
      %get3A_132 = tpu.vector_load %arg19[%get3A_130, %get3A_131] {strides = array<i32>} : memref<3x128xf32, #tpu.memory_space<vmem>>, vector<16xf32>,
      %get3A_133 = arith.constant 2 : i32
      %get3A_134 = arith.index_cast %get3A_133 : i32 to index
      %get3A_135 = arith.constant 64 : index
      %get3A_136 = tpu.vector_load %arg19[%get3A_134, %get3A_135] {strides = array<i32>} : memref<3x128xf32, #tpu.memory_space<vmem>>, vector<16xf32>,
      %get3A_137 = arith.constant 2 : i32
      %get3A_138 = arith.index_cast %get3A_137 : i32 to index
      %get3A_139 = arith.constant 80 : index
      %get3A_140 = tpu.vector_load %arg19[%get3A_138, %get3A_139] {strides = array<i32>} : memref<3x128xf32, #tpu.memory_space<vmem>>, vector<16xf32>,
      %get3A_141 = arith.constant 2 : i32
      %get3A_142 = arith.index_cast %get3A_141 : i32 to index
      %get3A_143 = arith.constant 96 : index
      %get3A_144 = tpu.vector_load %arg19[%get3A_142, %get3A_143] {strides = array<i32>} : memref<3x128xf32, #tpu.memory_space<vmem>>, vector<16xf32>,
      %get3A_145 = arith.constant 2 : i32
      %get3A_146 = arith.index_cast %get3A_145 : i32 to index
      %get3A_147 = arith.constant 112 : index
      %get3A_148 = tpu.vector_load %arg19[%get3A_146, %get3A_147] {strides = array<i32>} : memref<3x128xf32, #tpu.memory_space<vmem>>, vector<16xf32>,
      %scan3A_149 = arith.constant 0 : i32
      %scan3A_150 = arith.constant 40 : i32
      %scan3A_151 = arith.addi %scan3A_149, %scan3A_150 : i32
      %scan3A_152 = arith.constant 1 : i32
      scf.for %scan3A_154 = %scan3A_149 to %scan3A_151 step %scan3A_152  : i32 {
        %mul3A_155 = arith.constant 2 : i32
        %mul3A_156 = arith.muli %scan3A_154, %mul3A_155 : i32
        %add3A_157 = arith.constant 0 : i32
        %add3A_158 = arith.addi %add3A_157, %mul3A_156 : i32
        %add3A_159 = arith.constant 1 : i32
        %add3A_160 = arith.addi %add3A_158, %add3A_159 : i32
        %broadcast_in_dim3A_161 = vector.broadcast %add3A_158 : i32 to vector<16xi32>
        %broadcast_in_dim3A_162 = vector.broadcast %add3A_160 : i32 to vector<16xi32>
        %gather3A = tpu.vector_load_idx %arg16[%broadcast_in_dim3A_161, %broadcast_in_dim3A_5] : memref<80x2xf32, #tpu.memory_space<vmem>>[vector<16xi32>, vector<16xi32>], vector<16xf32>,
        %gather3A_163 = tpu.vector_load_idx %arg16[%broadcast_in_dim3A_162, %broadcast_in_dim3A_5] : memref<80x2xf32, #tpu.memory_space<vmem>>[vector<16xi32>, vector<16xi32>], vector<16xf32>,
        %gather3A_164 = tpu.vector_load_idx %arg16[%broadcast_in_dim3A_161, %broadcast_in_dim3A_7] : memref<80x2xf32, #tpu.memory_space<vmem>>[vector<16xi32>, vector<16xi32>], vector<16xf32>,
        %gather3A_165 = tpu.vector_load_idx %arg16[%broadcast_in_dim3A_162, %broadcast_in_dim3A_7] : memref<80x2xf32, #tpu.memory_space<vmem>>[vector<16xi32>, vector<16xi32>], vector<16xf32>,
        %get3A_166 = arith.index_cast %add3A_158 : i32 to index
        %get3A_167 = arith.constant 0 : index
        %get3A_168 = tpu.vector_load %arg14[%get3A_166, %get3A_167] {strides = array<i32>} : memref<80x160xf32, #tpu.memory_space<vmem>>, vector<16xf32>,
        %get3A_169 = arith.index_cast %add3A_158 : i32 to index
        %get3A_170 = arith.constant 0 : index
        %get3A_171 = tpu.vector_load %arg15[%get3A_169, %get3A_170] {strides = array<i32>} : memref<80x256xf32, #tpu.memory_space<vmem>>, vector<16xf32>,
        %mul3A_172 = arith.mulf %get3A_168, %get3A_171 : vector<16xf32>
        %get3A_173 = arith.index_cast %add3A_158 : i32 to index
        %get3A_174 = arith.constant 16 : index
        %get3A_175 = tpu.vector_load %arg14[%get3A_173, %get3A_174] {strides = array<i32>} : memref<80x160xf32, #tpu.memory_space<vmem>>, vector<16xf32>,
        %get3A_176 = arith.index_cast %add3A_158 : i32 to index
        %get3A_177 = arith.constant 16 : index
        %get3A_178 = tpu.vector_load %arg15[%get3A_176, %get3A_177] {strides = array<i32>} : memref<80x256xf32, #tpu.memory_space<vmem>>, vector<16xf32>,
        %mul3A_179 = arith.mulf %get3A_175, %get3A_178 : vector<16xf32>
        %get3A_180 = arith.index_cast %add3A_158 : i32 to index
        %get3A_181 = arith.constant 32 : index
        %get3A_182 = tpu.vector_load %arg14[%get3A_180, %get3A_181] {strides = array<i32>} : memref<80x160xf32, #tpu.memory_space<vmem>>, vector<16xf32>,
        %get3A_183 = arith.index_cast %add3A_158 : i32 to index
        %get3A_184 = arith.constant 32 : index
        %get3A_185 = tpu.vector_load %arg15[%get3A_183, %get3A_184] {strides = array<i32>} : memref<80x256xf32, #tpu.memory_space<vmem>>, vector<16xf32>,
        %mul3A_186 = arith.mulf %get3A_182, %get3A_185 : vector<16xf32>
        %get3A_187 = arith.index_cast %add3A_158 : i32 to index
        %get3A_188 = arith.constant 48 : index
        %get3A_189 = tpu.vector_load %arg14[%get3A_187, %get3A_188] {strides = array<i32>} : memref<80x160xf32, #tpu.memory_space<vmem>>, vector<16xf32>,
        %get3A_190 = arith.index_cast %add3A_158 : i32 to index
        %get3A_191 = arith.constant 48 : index
        %get3A_192 = tpu.vector_load %arg15[%get3A_190, %get3A_191] {strides = array<i32>} : memref<80x256xf32, #tpu.memory_space<vmem>>, vector<16xf32>,
        %mul3A_193 = arith.mulf %get3A_189, %get3A_192 : vector<16xf32>
        %get3A_194 = arith.index_cast %add3A_158 : i32 to index
        %get3A_195 = arith.constant 64 : index
        %get3A_196 = tpu.vector_load %arg14[%get3A_194, %get3A_195] {strides = array<i32>} : memref<80x160xf32, #tpu.memory_space<vmem>>, vector<16xf32>,
        %get3A_197 = arith.index_cast %add3A_158 : i32 to index
        %get3A_198 = arith.constant 64 : index
        %get3A_199 = tpu.vector_load %arg15[%get3A_197, %get3A_198] {strides = array<i32>} : memref<80x256xf32, #tpu.memory_space<vmem>>, vector<16xf32>,
        %mul3A_200 = arith.mulf %get3A_196, %get3A_199 : vector<16xf32>
        %get3A_201 = arith.index_cast %add3A_158 : i32 to index
        %get3A_202 = arith.constant 80 : index
        %get3A_203 = tpu.vector_load %arg14[%get3A_201, %get3A_202] {strides = array<i32>} : memref<80x160xf32, #tpu.memory_space<vmem>>, vector<16xf32>,
        %get3A_204 = arith.index_cast %add3A_158 : i32 to index
        %get3A_205 = arith.constant 80 : index
        %get3A_206 = tpu.vector_load %arg15[%get3A_204, %get3A_205] {strides = array<i32>} : memref<80x256xf32, #tpu.memory_space<vmem>>, vector<16xf32>,
        %mul3A_207 = arith.mulf %get3A_203, %get3A_206 : vector<16xf32>
        %get3A_208 = arith.index_cast %add3A_158 : i32 to index
        %get3A_209 = arith.constant 96 : index
        %get3A_210 = tpu.vector_load %arg14[%get3A_208, %get3A_209] {strides = array<i32>} : memref<80x160xf32, #tpu.memory_space<vmem>>, vector<16xf32>,
        %get3A_211 = arith.index_cast %add3A_158 : i32 to index
        %get3A_212 = arith.constant 96 : index
        %get3A_213 = tpu.vector_load %arg15[%get3A_211, %get3A_212] {strides = array<i32>} : memref<80x256xf32, #tpu.memory_space<vmem>>, vector<16xf32>,
        %mul3A_214 = arith.mulf %get3A_210, %get3A_213 : vector<16xf32>
        %get3A_215 = arith.index_cast %add3A_158 : i32 to index
        %get3A_216 = arith.constant 112 : index
        %get3A_217 = tpu.vector_load %arg14[%get3A_215, %get3A_216] {strides = array<i32>} : memref<80x160xf32, #tpu.memory_space<vmem>>, vector<16xf32>,
        %get3A_218 = arith.index_cast %add3A_158 : i32 to index
        %get3A_219 = arith.constant 112 : index
        %get3A_220 = tpu.vector_load %arg15[%get3A_218, %get3A_219] {strides = array<i32>} : memref<80x256xf32, #tpu.memory_space<vmem>>, vector<16xf32>,
        %mul3A_221 = arith.mulf %get3A_217, %get3A_220 : vector<16xf32>
        %get3A_222 = arith.index_cast %add3A_160 : i32 to index
        %get3A_223 = arith.constant 0 : index
        %get3A_224 = tpu.vector_load %arg14[%get3A_222, %get3A_223] {strides = array<i32>} : memref<80x160xf32, #tpu.memory_space<vmem>>, vector<16xf32>,
        %get3A_225 = arith.index_cast %add3A_160 : i32 to index
        %get3A_226 = arith.constant 0 : index
        %get3A_227 = tpu.vector_load %arg15[%get3A_225, %get3A_226] {strides = array<i32>} : memref<80x256xf32, #tpu.memory_space<vmem>>, vector<16xf32>,
        %mul3A_228 = arith.mulf %get3A_224, %get3A_227 : vector<16xf32>
        %get3A_229 = arith.index_cast %add3A_160 : i32 to index
        %get3A_230 = arith.constant 16 : index
        %get3A_231 = tpu.vector_load %arg14[%get3A_229, %get3A_230] {strides = array<i32>} : memref<80x160xf32, #tpu.memory_space<vmem>>, vector<16xf32>,
        %get3A_232 = arith.index_cast %add3A_160 : i32 to index
        %get3A_233 = arith.constant 16 : index
        %get3A_234 = tpu.vector_load %arg15[%get3A_232, %get3A_233] {strides = array<i32>} : memref<80x256xf32, #tpu.memory_space<vmem>>, vector<16xf32>,
        %mul3A_235 = arith.mulf %get3A_231, %get3A_234 : vector<16xf32>
        %get3A_236 = arith.index_cast %add3A_160 : i32 to index
        %get3A_237 = arith.constant 32 : index
        %get3A_238 = tpu.vector_load %arg14[%get3A_236, %get3A_237] {strides = array<i32>} : memref<80x160xf32, #tpu.memory_space<vmem>>, vector<16xf32>,
        %get3A_239 = arith.index_cast %add3A_160 : i32 to index
        %get3A_240 = arith.constant 32 : index
        %get3A_241 = tpu.vector_load %arg15[%get3A_239, %get3A_240] {strides = array<i32>} : memref<80x256xf32, #tpu.memory_space<vmem>>, vector<16xf32>,
        %mul3A_242 = arith.mulf %get3A_238, %get3A_241 : vector<16xf32>
        %get3A_243 = arith.index_cast %add3A_160 : i32 to index
        %get3A_244 = arith.constant 48 : index
        %get3A_245 = tpu.vector_load %arg14[%get3A_243, %get3A_244] {strides = array<i32>} : memref<80x160xf32, #tpu.memory_space<vmem>>, vector<16xf32>,
        %get3A_246 = arith.index_cast %add3A_160 : i32 to index
        %get3A_247 = arith.constant 48 : index
        %get3A_248 = tpu.vector_load %arg15[%get3A_246, %get3A_247] {strides = array<i32>} : memref<80x256xf32, #tpu.memory_space<vmem>>, vector<16xf32>,
        %mul3A_249 = arith.mulf %get3A_245, %get3A_248 : vector<16xf32>
        %get3A_250 = arith.index_cast %add3A_160 : i32 to index
        %get3A_251 = arith.constant 64 : index
        %get3A_252 = tpu.vector_load %arg14[%get3A_250, %get3A_251] {strides = array<i32>} : memref<80x160xf32, #tpu.memory_space<vmem>>, vector<16xf32>,
        %get3A_253 = arith.index_cast %add3A_160 : i32 to index
        %get3A_254 = arith.constant 64 : index
        %get3A_255 = tpu.vector_load %arg15[%get3A_253, %get3A_254] {strides = array<i32>} : memref<80x256xf32, #tpu.memory_space<vmem>>, vector<16xf32>,
        %mul3A_256 = arith.mulf %get3A_252, %get3A_255 : vector<16xf32>
        %get3A_257 = arith.index_cast %add3A_160 : i32 to index
        %get3A_258 = arith.constant 80 : index
        %get3A_259 = tpu.vector_load %arg14[%get3A_257, %get3A_258] {strides = array<i32>} : memref<80x160xf32, #tpu.memory_space<vmem>>, vector<16xf32>,
        %get3A_260 = arith.index_cast %add3A_160 : i32 to index
        %get3A_261 = arith.constant 80 : index
        %get3A_262 = tpu.vector_load %arg15[%get3A_260, %get3A_261] {strides = array<i32>} : memref<80x256xf32, #tpu.memory_space<vmem>>, vector<16xf32>,
        %mul3A_263 = arith.mulf %get3A_259, %get3A_262 : vector<16xf32>
        %get3A_264 = arith.index_cast %add3A_160 : i32 to index
        %get3A_265 = arith.constant 96 : index
        %get3A_266 = tpu.vector_load %arg14[%get3A_264, %get3A_265] {strides = array<i32>} : memref<80x160xf32, #tpu.memory_space<vmem>>, vector<16xf32>,
        %get3A_267 = arith.index_cast %add3A_160 : i32 to index
        %get3A_268 = arith.constant 96 : index
        %get3A_269 = tpu.vector_load %arg15[%get3A_267, %get3A_268] {strides = array<i32>} : memref<80x256xf32, #tpu.memory_space<vmem>>, vector<16xf32>,
        %mul3A_270 = arith.mulf %get3A_266, %get3A_269 : vector<16xf32>
        %get3A_271 = arith.index_cast %add3A_160 : i32 to index
        %get3A_272 = arith.constant 112 : index
        %get3A_273 = tpu.vector_load %arg14[%get3A_271, %get3A_272] {strides = array<i32>} : memref<80x160xf32, #tpu.memory_space<vmem>>, vector<16xf32>,
        %get3A_274 = arith.index_cast %add3A_160 : i32 to index
        %get3A_275 = arith.constant 112 : index
        %get3A_276 = tpu.vector_load %arg15[%get3A_274, %get3A_275] {strides = array<i32>} : memref<80x256xf32, #tpu.memory_space<vmem>>, vector<16xf32>,
        %mul3A_277 = arith.mulf %get3A_273, %get3A_276 : vector<16xf32>
        %add3A_278 = arith.addf %mul3A_172, %mul3A_179 : vector<16xf32>
        %add3A_279 = arith.addf %mul3A_186, %mul3A_193 : vector<16xf32>
        %add3A_280 = arith.addf %add3A_278, %add3A_279 : vector<16xf32>
        %add3A_281 = arith.addf %mul3A_200, %mul3A_207 : vector<16xf32>
        %add3A_282 = arith.addf %mul3A_214, %mul3A_221 : vector<16xf32>
        %add3A_283 = arith.addf %add3A_281, %add3A_282 : vector<16xf32>
        %add3A_284 = arith.addf %add3A_280, %add3A_283 : vector<16xf32>
        %add3A_285 = arith.addf %mul3A_228, %mul3A_235 : vector<16xf32>
        %add3A_286 = arith.addf %mul3A_242, %mul3A_249 : vector<16xf32>
        %add3A_287 = arith.addf %add3A_285, %add3A_286 : vector<16xf32>
        %add3A_288 = arith.addf %mul3A_256, %mul3A_263 : vector<16xf32>
        %add3A_289 = arith.addf %mul3A_270, %mul3A_277 : vector<16xf32>
        %add3A_290 = arith.addf %add3A_288, %add3A_289 : vector<16xf32>
        %add3A_291 = arith.addf %add3A_287, %add3A_290 : vector<16xf32>
        %gather3A_292 = vector.shape_cast %broadcast_in_dim3A_14 : vector<16x1xi32> to vector<16xi32>
        %gather3A_293 = tpu.dynamic_gather %add3A_284[%gather3A_292] in [0] : vector<16xf32>, vector<16xi32> -> vector<16xf32>
        %add3A_294 = arith.addf %add3A_284, %gather3A_293 : vector<16xf32>
        %gather3A_295 = vector.shape_cast %broadcast_in_dim3A_14 : vector<16x1xi32> to vector<16xi32>
        %gather3A_296 = tpu.dynamic_gather %add3A_291[%gather3A_295] in [0] : vector<16xf32>, vector<16xi32> -> vector<16xf32>
        %add3A_297 = arith.addf %add3A_291, %gather3A_296 : vector<16xf32>
        %get3A_298 = arith.index_cast %add3A_158 : i32 to index
        %get3A_299 = arith.constant 128 : index
        %get3A_300 = tpu.vector_load %arg14[%get3A_298, %get3A_299] {strides = array<i32>} : memref<80x160xf32, #tpu.memory_space<vmem>>, vector<16xf32>,
        %get3A_301 = arith.index_cast %add3A_160 : i32 to index
        %get3A_302 = arith.constant 128 : index
        %get3A_303 = tpu.vector_load %arg14[%get3A_301, %get3A_302] {strides = array<i32>} : memref<80x160xf32, #tpu.memory_space<vmem>>, vector<16xf32>,
        %get3A_304 = arith.index_cast %add3A_158 : i32 to index
        %get3A_305 = arith.constant 144 : index
        %get3A_306 = tpu.vector_load %arg14[%get3A_304, %get3A_305] {strides = array<i32>} : memref<80x160xf32, #tpu.memory_space<vmem>>, vector<16xf32>,
        %get3A_307 = arith.index_cast %add3A_160 : i32 to index
        %get3A_308 = arith.constant 144 : index
        %get3A_309 = tpu.vector_load %arg14[%get3A_307, %get3A_308] {strides = array<i32>} : memref<80x160xf32, #tpu.memory_space<vmem>>, vector<16xf32>,
        %mul3A_310 = arith.mulf %gather3A, %get3A_300 : vector<16xf32>
        %add3A_311 = arith.addf %add3A_294, %mul3A_310 : vector<16xf32>
        %gather3A_312 = vector.shape_cast %broadcast_in_dim3A_14 : vector<16x1xi32> to vector<16xi32>
        %gather3A_313 = tpu.dynamic_gather %get3A_300[%gather3A_312] in [0] : vector<16xf32>, vector<16xi32> -> vector<16xf32>
        %mul3A_314 = arith.mulf %gather3A_164, %gather3A_313 : vector<16xf32>
        %add3A_315 = arith.addf %add3A_311, %mul3A_314 : vector<16xf32>
        %add3A_316 = arith.addf %add3A_315, %get3A_306 : vector<16xf32>
        %mul3A_317 = arith.mulf %gather3A_163, %get3A_303 : vector<16xf32>
        %add3A_318 = arith.addf %add3A_297, %mul3A_317 : vector<16xf32>
        %gather3A_319 = vector.shape_cast %broadcast_in_dim3A_14 : vector<16x1xi32> to vector<16xi32>
        %gather3A_320 = tpu.dynamic_gather %get3A_303[%gather3A_319] in [0] : vector<16xf32>, vector<16xi32> -> vector<16xf32>
        %mul3A_321 = arith.mulf %gather3A_165, %gather3A_320 : vector<16xf32>
        %add3A_322 = arith.addf %add3A_318, %mul3A_321 : vector<16xf32>
        %add3A_323 = arith.addf %add3A_322, %get3A_309 : vector<16xf32>
        %min3A = arith.constant 6.000000e+01 : f32
        %min3A_324 = vector.broadcast %min3A : f32 to vector<16xf32>
        %min3A_325 = arith.minimumf %add3A_316, %min3A_324 : vector<16xf32>
        %exp3A = math.exp %min3A_325 : vector<16xf32>
        %min3A_326 = arith.constant 6.000000e+01 : f32
        %min3A_327 = vector.broadcast %min3A_326 : f32 to vector<16xf32>
        %min3A_328 = arith.minimumf %add3A_323, %min3A_327 : vector<16xf32>
        %exp3A_329 = math.exp %min3A_328 : vector<16xf32>
        %select_n3A = arith.select %lt3A_9, %broadcast_in_dim3A_161, %broadcast_in_dim3A_162 : vector<16xi1>, vector<16xi32>
        %gather3A_330 = vector.shape_cast %broadcast_in_dim3A_14 : vector<16x1xi32> to vector<16xi32>
        %gather3A_331 = tpu.dynamic_gather %exp3A_329[%gather3A_330] in [0] : vector<16xf32>, vector<16xi32> -> vector<16xf32>
        %select_n3A_332 = arith.select %lt3A_9, %exp3A, %gather3A_331 : vector<16xi1>, vector<16xf32>
        tpu.vector_store_idx %arg18[%select_n3A, %and3A_11], %select_n3A_332 : memref<80x8xf32, #tpu.memory_space<vmem>>[vector<16xi32>, vector<16xi32>], vector<16xf32>,
        %mul3A_333 = arith.mulf %gather3A, %get3A_56 : vector<16xf32>
        %mul3A_334 = arith.mulf %gather3A_164, %get3A_88 : vector<16xf32>
        %add3A_335 = arith.addf %mul3A_333, %mul3A_334 : vector<16xf32>
        %add3A_336 = arith.addf %add3A_335, %get3A_120 : vector<16xf32>
        %get3A_337 = arith.index_cast %add3A_158 : i32 to index
        %get3A_338 = arith.constant 128 : index
        %get3A_339 = tpu.vector_load %arg15[%get3A_337, %get3A_338] {strides = array<i32>} : memref<80x256xf32, #tpu.memory_space<vmem>>, vector<16xf32>,
        %add3A_340 = arith.addf %get3A_339, %add3A_336 : vector<16xf32>
        %gather3A_341 = vector.shape_cast %broadcast_in_dim3A_16 : vector<16x1xi32> to vector<16xi32>
        %gather3A_342 = tpu.dynamic_gather %exp3A[%gather3A_341] in [0] : vector<16xf32>, vector<16xi32> -> vector<16xf32>
        %mul3A_343 = arith.mulf %add3A_340, %gather3A_342 : vector<16xf32>
        %swap3A = arith.index_cast %add3A_158 : i32 to index
        %swap3A_344 = arith.constant 0 : index
        %swap3A_345 = tpu.vector_load %arg17[%swap3A, %swap3A_344] {strides = array<i32>} : memref<80x128xf32, #tpu.memory_space<vmem>>, vector<16xf32>,
        tpu.vector_store %arg17[%swap3A, %swap3A_344], %mul3A_343 {strides = array<i32>} : memref<80x128xf32, #tpu.memory_space<vmem>>, vector<16xf32>,
        %mul3A_346 = arith.mulf %gather3A_163, %get3A_56 : vector<16xf32>
        %mul3A_347 = arith.mulf %gather3A_165, %get3A_88 : vector<16xf32>
        %add3A_348 = arith.addf %mul3A_346, %mul3A_347 : vector<16xf32>
        %add3A_349 = arith.addf %add3A_348, %get3A_120 : vector<16xf32>
        %get3A_350 = arith.index_cast %add3A_160 : i32 to index
        %get3A_351 = arith.constant 128 : index
        %get3A_352 = tpu.vector_load %arg15[%get3A_350, %get3A_351] {strides = array<i32>} : memref<80x256xf32, #tpu.memory_space<vmem>>, vector<16xf32>,
        %add3A_353 = arith.addf %get3A_352, %add3A_349 : vector<16xf32>
        %gather3A_354 = vector.shape_cast %broadcast_in_dim3A_16 : vector<16x1xi32> to vector<16xi32>
        %gather3A_355 = tpu.dynamic_gather %exp3A_329[%gather3A_354] in [0] : vector<16xf32>, vector<16xi32> -> vector<16xf32>
        %mul3A_356 = arith.mulf %add3A_353, %gather3A_355 : vector<16xf32>
        %swap3A_357 = arith.index_cast %add3A_160 : i32 to index
        %swap3A_358 = arith.constant 0 : index
        %swap3A_359 = tpu.vector_load %arg17[%swap3A_357, %swap3A_358] {strides = array<i32>} : memref<80x128xf32, #tpu.memory_space<vmem>>, vector<16xf32>,
        tpu.vector_store %arg17[%swap3A_357, %swap3A_358], %mul3A_356 {strides = array<i32>} : memref<80x128xf32, #tpu.memory_space<vmem>>, vector<16xf32>,
        %mul3A_360 = arith.mulf %gather3A, %get3A_60 : vector<16xf32>
        %mul3A_361 = arith.mulf %gather3A_164, %get3A_92 : vector<16xf32>
        %add3A_362 = arith.addf %mul3A_360, %mul3A_361 : vector<16xf32>
        %add3A_363 = arith.addf %add3A_362, %get3A_124 : vector<16xf32>
        %get3A_364 = arith.index_cast %add3A_158 : i32 to index
        %get3A_365 = arith.constant 144 : index
        %get3A_366 = tpu.vector_load %arg15[%get3A_364, %get3A_365] {strides = array<i32>} : memref<80x256xf32, #tpu.memory_space<vmem>>, vector<16xf32>,
        %add3A_367 = arith.addf %get3A_366, %add3A_363 : vector<16xf32>
        %gather3A_368 = vector.shape_cast %broadcast_in_dim3A_18 : vector<16x1xi32> to vector<16xi32>
        %gather3A_369 = tpu.dynamic_gather %exp3A[%gather3A_368] in [0] : vector<16xf32>, vector<16xi32> -> vector<16xf32>
        %mul3A_370 = arith.mulf %add3A_367, %gather3A_369 : vector<16xf32>
        %swap3A_371 = arith.index_cast %add3A_158 : i32 to index
        %swap3A_372 = arith.constant 16 : index
        %swap3A_373 = tpu.vector_load %arg17[%swap3A_371, %swap3A_372] {strides = array<i32>} : memref<80x128xf32, #tpu.memory_space<vmem>>, vector<16xf32>,
        tpu.vector_store %arg17[%swap3A_371, %swap3A_372], %mul3A_370 {strides = array<i32>} : memref<80x128xf32, #tpu.memory_space<vmem>>, vector<16xf32>,
        %mul3A_374 = arith.mulf %gather3A_163, %get3A_60 : vector<16xf32>
        %mul3A_375 = arith.mulf %gather3A_165, %get3A_92 : vector<16xf32>
        %add3A_376 = arith.addf %mul3A_374, %mul3A_375 : vector<16xf32>
        %add3A_377 = arith.addf %add3A_376, %get3A_124 : vector<16xf32>
        %get3A_378 = arith.index_cast %add3A_160 : i32 to index
        %get3A_379 = arith.constant 144 : index
        %get3A_380 = tpu.vector_load %arg15[%get3A_378, %get3A_379] {strides = array<i32>} : memref<80x256xf32, #tpu.memory_space<vmem>>, vector<16xf32>,
        %add3A_381 = arith.addf %get3A_380, %add3A_377 : vector<16xf32>
        %gather3A_382 = vector.shape_cast %broadcast_in_dim3A_18 : vector<16x1xi32> to vector<16xi32>
        %gather3A_383 = tpu.dynamic_gather %exp3A_329[%gather3A_382] in [0] : vector<16xf32>, vector<16xi32> -> vector<16xf32>
        %mul3A_384 = arith.mulf %add3A_381, %gather3A_383 : vector<16xf32>
        %swap3A_385 = arith.index_cast %add3A_160 : i32 to index
        %swap3A_386 = arith.constant 16 : index
        %swap3A_387 = tpu.vector_load %arg17[%swap3A_385, %swap3A_386] {strides = array<i32>} : memref<80x128xf32, #tpu.memory_space<vmem>>, vector<16xf32>,
        tpu.vector_store %arg17[%swap3A_385, %swap3A_386], %mul3A_384 {strides = array<i32>} : memref<80x128xf32, #tpu.memory_space<vmem>>, vector<16xf32>,
        %mul3A_388 = arith.mulf %gather3A, %get3A_64 : vector<16xf32>
        %mul3A_389 = arith.mulf %gather3A_164, %get3A_96 : vector<16xf32>
        %add3A_390 = arith.addf %mul3A_388, %mul3A_389 : vector<16xf32>
        %add3A_391 = arith.addf %add3A_390, %get3A_128 : vector<16xf32>
        %get3A_392 = arith.index_cast %add3A_158 : i32 to index
        %get3A_393 = arith.constant 160 : index
        %get3A_394 = tpu.vector_load %arg15[%get3A_392, %get3A_393] {strides = array<i32>} : memref<80x256xf32, #tpu.memory_space<vmem>>, vector<16xf32>,
        %add3A_395 = arith.addf %get3A_394, %add3A_391 : vector<16xf32>
        %gather3A_396 = vector.shape_cast %broadcast_in_dim3A_20 : vector<16x1xi32> to vector<16xi32>
        %gather3A_397 = tpu.dynamic_gather %exp3A[%gather3A_396] in [0] : vector<16xf32>, vector<16xi32> -> vector<16xf32>
        %mul3A_398 = arith.mulf %add3A_395, %gather3A_397 : vector<16xf32>
        %swap3A_399 = arith.index_cast %add3A_158 : i32 to index
        %swap3A_400 = arith.constant 32 : index
        %swap3A_401 = tpu.vector_load %arg17[%swap3A_399, %swap3A_400] {strides = array<i32>} : memref<80x128xf32, #tpu.memory_space<vmem>>, vector<16xf32>,
        tpu.vector_store %arg17[%swap3A_399, %swap3A_400], %mul3A_398 {strides = array<i32>} : memref<80x128xf32, #tpu.memory_space<vmem>>, vector<16xf32>,
        %mul3A_402 = arith.mulf %gather3A_163, %get3A_64 : vector<16xf32>
        %mul3A_403 = arith.mulf %gather3A_165, %get3A_96 : vector<16xf32>
        %add3A_404 = arith.addf %mul3A_402, %mul3A_403 : vector<16xf32>
        %add3A_405 = arith.addf %add3A_404, %get3A_128 : vector<16xf32>
        %get3A_406 = arith.index_cast %add3A_160 : i32 to index
        %get3A_407 = arith.constant 160 : index
        %get3A_408 = tpu.vector_load %arg15[%get3A_406, %get3A_407] {strides = array<i32>} : memref<80x256xf32, #tpu.memory_space<vmem>>, vector<16xf32>,
        %add3A_409 = arith.addf %get3A_408, %add3A_405 : vector<16xf32>
        %gather3A_410 = vector.shape_cast %broadcast_in_dim3A_20 : vector<16x1xi32> to vector<16xi32>
        %gather3A_411 = tpu.dynamic_gather %exp3A_329[%gather3A_410] in [0] : vector<16xf32>, vector<16xi32> -> vector<16xf32>
        %mul3A_412 = arith.mulf %add3A_409, %gather3A_411 : vector<16xf32>
        %swap3A_413 = arith.index_cast %add3A_160 : i32 to index
        %swap3A_414 = arith.constant 32 : index
        %swap3A_415 = tpu.vector_load %arg17[%swap3A_413, %swap3A_414] {strides = array<i32>} : memref<80x128xf32, #tpu.memory_space<vmem>>, vector<16xf32>,
        tpu.vector_store %arg17[%swap3A_413, %swap3A_414], %mul3A_412 {strides = array<i32>} : memref<80x128xf32, #tpu.memory_space<vmem>>, vector<16xf32>,
        %mul3A_416 = arith.mulf %gather3A, %get3A_68 : vector<16xf32>
        %mul3A_417 = arith.mulf %gather3A_164, %get3A_100 : vector<16xf32>
        %add3A_418 = arith.addf %mul3A_416, %mul3A_417 : vector<16xf32>
        %add3A_419 = arith.addf %add3A_418, %get3A_132 : vector<16xf32>
        %get3A_420 = arith.index_cast %add3A_158 : i32 to index
        %get3A_421 = arith.constant 176 : index
        %get3A_422 = tpu.vector_load %arg15[%get3A_420, %get3A_421] {strides = array<i32>} : memref<80x256xf32, #tpu.memory_space<vmem>>, vector<16xf32>,
        %add3A_423 = arith.addf %get3A_422, %add3A_419 : vector<16xf32>
        %gather3A_424 = vector.shape_cast %broadcast_in_dim3A_22 : vector<16x1xi32> to vector<16xi32>
        %gather3A_425 = tpu.dynamic_gather %exp3A[%gather3A_424] in [0] : vector<16xf32>, vector<16xi32> -> vector<16xf32>
        %mul3A_426 = arith.mulf %add3A_423, %gather3A_425 : vector<16xf32>
        %swap3A_427 = arith.index_cast %add3A_158 : i32 to index
        %swap3A_428 = arith.constant 48 : index
        %swap3A_429 = tpu.vector_load %arg17[%swap3A_427, %swap3A_428] {strides = array<i32>} : memref<80x128xf32, #tpu.memory_space<vmem>>, vector<16xf32>,
        tpu.vector_store %arg17[%swap3A_427, %swap3A_428], %mul3A_426 {strides = array<i32>} : memref<80x128xf32, #tpu.memory_space<vmem>>, vector<16xf32>,
        %mul3A_430 = arith.mulf %gather3A_163, %get3A_68 : vector<16xf32>
        %mul3A_431 = arith.mulf %gather3A_165, %get3A_100 : vector<16xf32>
        %add3A_432 = arith.addf %mul3A_430, %mul3A_431 : vector<16xf32>
        %add3A_433 = arith.addf %add3A_432, %get3A_132 : vector<16xf32>
        %get3A_434 = arith.index_cast %add3A_160 : i32 to index
        %get3A_435 = arith.constant 176 : index
        %get3A_436 = tpu.vector_load %arg15[%get3A_434, %get3A_435] {strides = array<i32>} : memref<80x256xf32, #tpu.memory_space<vmem>>, vector<16xf32>,
        %add3A_437 = arith.addf %get3A_436, %add3A_433 : vector<16xf32>
        %gather3A_438 = vector.shape_cast %broadcast_in_dim3A_22 : vector<16x1xi32> to vector<16xi32>
        %gather3A_439 = tpu.dynamic_gather %exp3A_329[%gather3A_438] in [0] : vector<16xf32>, vector<16xi32> -> vector<16xf32>
        %mul3A_440 = arith.mulf %add3A_437, %gather3A_439 : vector<16xf32>
        %swap3A_441 = arith.index_cast %add3A_160 : i32 to index
        %swap3A_442 = arith.constant 48 : index
        %swap3A_443 = tpu.vector_load %arg17[%swap3A_441, %swap3A_442] {strides = array<i32>} : memref<80x128xf32, #tpu.memory_space<vmem>>, vector<16xf32>,
        tpu.vector_store %arg17[%swap3A_441, %swap3A_442], %mul3A_440 {strides = array<i32>} : memref<80x128xf32, #tpu.memory_space<vmem>>, vector<16xf32>,
        %mul3A_444 = arith.mulf %gather3A, %get3A_72 : vector<16xf32>
        %mul3A_445 = arith.mulf %gather3A_164, %get3A_104 : vector<16xf32>
        %add3A_446 = arith.addf %mul3A_444, %mul3A_445 : vector<16xf32>
        %add3A_447 = arith.addf %add3A_446, %get3A_136 : vector<16xf32>
        %get3A_448 = arith.index_cast %add3A_158 : i32 to index
        %get3A_449 = arith.constant 192 : index
        %get3A_450 = tpu.vector_load %arg15[%get3A_448, %get3A_449] {strides = array<i32>} : memref<80x256xf32, #tpu.memory_space<vmem>>, vector<16xf32>,
        %add3A_451 = arith.addf %get3A_450, %add3A_447 : vector<16xf32>
        %gather3A_452 = vector.shape_cast %broadcast_in_dim3A_24 : vector<16x1xi32> to vector<16xi32>
        %gather3A_453 = tpu.dynamic_gather %exp3A[%gather3A_452] in [0] : vector<16xf32>, vector<16xi32> -> vector<16xf32>
        %mul3A_454 = arith.mulf %add3A_451, %gather3A_453 : vector<16xf32>
        %swap3A_455 = arith.index_cast %add3A_158 : i32 to index
        %swap3A_456 = arith.constant 64 : index
        %swap3A_457 = tpu.vector_load %arg17[%swap3A_455, %swap3A_456] {strides = array<i32>} : memref<80x128xf32, #tpu.memory_space<vmem>>, vector<16xf32>,
        tpu.vector_store %arg17[%swap3A_455, %swap3A_456], %mul3A_454 {strides = array<i32>} : memref<80x128xf32, #tpu.memory_space<vmem>>, vector<16xf32>,
        %mul3A_458 = arith.mulf %gather3A_163, %get3A_72 : vector<16xf32>
        %mul3A_459 = arith.mulf %gather3A_165, %get3A_104 : vector<16xf32>
        %add3A_460 = arith.addf %mul3A_458, %mul3A_459 : vector<16xf32>
        %add3A_461 = arith.addf %add3A_460, %get3A_136 : vector<16xf32>
        %get3A_462 = arith.index_cast %add3A_160 : i32 to index
        %get3A_463 = arith.constant 192 : index
        %get3A_464 = tpu.vector_load %arg15[%get3A_462, %get3A_463] {strides = array<i32>} : memref<80x256xf32, #tpu.memory_space<vmem>>, vector<16xf32>,
        %add3A_465 = arith.addf %get3A_464, %add3A_461 : vector<16xf32>
        %gather3A_466 = vector.shape_cast %broadcast_in_dim3A_24 : vector<16x1xi32> to vector<16xi32>
        %gather3A_467 = tpu.dynamic_gather %exp3A_329[%gather3A_466] in [0] : vector<16xf32>, vector<16xi32> -> vector<16xf32>
        %mul3A_468 = arith.mulf %add3A_465, %gather3A_467 : vector<16xf32>
        %swap3A_469 = arith.index_cast %add3A_160 : i32 to index
        %swap3A_470 = arith.constant 64 : index
        %swap3A_471 = tpu.vector_load %arg17[%swap3A_469, %swap3A_470] {strides = array<i32>} : memref<80x128xf32, #tpu.memory_space<vmem>>, vector<16xf32>,
        tpu.vector_store %arg17[%swap3A_469, %swap3A_470], %mul3A_468 {strides = array<i32>} : memref<80x128xf32, #tpu.memory_space<vmem>>, vector<16xf32>,
        %mul3A_472 = arith.mulf %gather3A, %get3A_76 : vector<16xf32>
        %mul3A_473 = arith.mulf %gather3A_164, %get3A_108 : vector<16xf32>
        %add3A_474 = arith.addf %mul3A_472, %mul3A_473 : vector<16xf32>
        %add3A_475 = arith.addf %add3A_474, %get3A_140 : vector<16xf32>
        %get3A_476 = arith.index_cast %add3A_158 : i32 to index
        %get3A_477 = arith.constant 208 : index
        %get3A_478 = tpu.vector_load %arg15[%get3A_476, %get3A_477] {strides = array<i32>} : memref<80x256xf32, #tpu.memory_space<vmem>>, vector<16xf32>,
        %add3A_479 = arith.addf %get3A_478, %add3A_475 : vector<16xf32>
        %gather3A_480 = vector.shape_cast %broadcast_in_dim3A_26 : vector<16x1xi32> to vector<16xi32>
        %gather3A_481 = tpu.dynamic_gather %exp3A[%gather3A_480] in [0] : vector<16xf32>, vector<16xi32> -> vector<16xf32>
        %mul3A_482 = arith.mulf %add3A_479, %gather3A_481 : vector<16xf32>
        %swap3A_483 = arith.index_cast %add3A_158 : i32 to index
        %swap3A_484 = arith.constant 80 : index
        %swap3A_485 = tpu.vector_load %arg17[%swap3A_483, %swap3A_484] {strides = array<i32>} : memref<80x128xf32, #tpu.memory_space<vmem>>, vector<16xf32>,
        tpu.vector_store %arg17[%swap3A_483, %swap3A_484], %mul3A_482 {strides = array<i32>} : memref<80x128xf32, #tpu.memory_space<vmem>>, vector<16xf32>,
        %mul3A_486 = arith.mulf %gather3A_163, %get3A_76 : vector<16xf32>
        %mul3A_487 = arith.mulf %gather3A_165, %get3A_108 : vector<16xf32>
        %add3A_488 = arith.addf %mul3A_486, %mul3A_487 : vector<16xf32>
        %add3A_489 = arith.addf %add3A_488, %get3A_140 : vector<16xf32>
        %get3A_490 = arith.index_cast %add3A_160 : i32 to index
        %get3A_491 = arith.constant 208 : index
        %get3A_492 = tpu.vector_load %arg15[%get3A_490, %get3A_491] {strides = array<i32>} : memref<80x256xf32, #tpu.memory_space<vmem>>, vector<16xf32>,
        %add3A_493 = arith.addf %get3A_492, %add3A_489 : vector<16xf32>
        %gather3A_494 = vector.shape_cast %broadcast_in_dim3A_26 : vector<16x1xi32> to vector<16xi32>
        %gather3A_495 = tpu.dynamic_gather %exp3A_329[%gather3A_494] in [0] : vector<16xf32>, vector<16xi32> -> vector<16xf32>
        %mul3A_496 = arith.mulf %add3A_493, %gather3A_495 : vector<16xf32>
        %swap3A_497 = arith.index_cast %add3A_160 : i32 to index
        %swap3A_498 = arith.constant 80 : index
        %swap3A_499 = tpu.vector_load %arg17[%swap3A_497, %swap3A_498] {strides = array<i32>} : memref<80x128xf32, #tpu.memory_space<vmem>>, vector<16xf32>,
        tpu.vector_store %arg17[%swap3A_497, %swap3A_498], %mul3A_496 {strides = array<i32>} : memref<80x128xf32, #tpu.memory_space<vmem>>, vector<16xf32>,
        %mul3A_500 = arith.mulf %gather3A, %get3A_80 : vector<16xf32>
        %mul3A_501 = arith.mulf %gather3A_164, %get3A_112 : vector<16xf32>
        %add3A_502 = arith.addf %mul3A_500, %mul3A_501 : vector<16xf32>
        %add3A_503 = arith.addf %add3A_502, %get3A_144 : vector<16xf32>
        %get3A_504 = arith.index_cast %add3A_158 : i32 to index
        %get3A_505 = arith.constant 224 : index
        %get3A_506 = tpu.vector_load %arg15[%get3A_504, %get3A_505] {strides = array<i32>} : memref<80x256xf32, #tpu.memory_space<vmem>>, vector<16xf32>,
        %add3A_507 = arith.addf %get3A_506, %add3A_503 : vector<16xf32>
        %gather3A_508 = vector.shape_cast %broadcast_in_dim3A_28 : vector<16x1xi32> to vector<16xi32>
        %gather3A_509 = tpu.dynamic_gather %exp3A[%gather3A_508] in [0] : vector<16xf32>, vector<16xi32> -> vector<16xf32>
        %mul3A_510 = arith.mulf %add3A_507, %gather3A_509 : vector<16xf32>
        %swap3A_511 = arith.index_cast %add3A_158 : i32 to index
        %swap3A_512 = arith.constant 96 : index
        %swap3A_513 = tpu.vector_load %arg17[%swap3A_511, %swap3A_512] {strides = array<i32>} : memref<80x128xf32, #tpu.memory_space<vmem>>, vector<16xf32>,
        tpu.vector_store %arg17[%swap3A_511, %swap3A_512], %mul3A_510 {strides = array<i32>} : memref<80x128xf32, #tpu.memory_space<vmem>>, vector<16xf32>,
        %mul3A_514 = arith.mulf %gather3A_163, %get3A_80 : vector<16xf32>
        %mul3A_515 = arith.mulf %gather3A_165, %get3A_112 : vector<16xf32>
        %add3A_516 = arith.addf %mul3A_514, %mul3A_515 : vector<16xf32>
        %add3A_517 = arith.addf %add3A_516, %get3A_144 : vector<16xf32>
        %get3A_518 = arith.index_cast %add3A_160 : i32 to index
        %get3A_519 = arith.constant 224 : index
        %get3A_520 = tpu.vector_load %arg15[%get3A_518, %get3A_519] {strides = array<i32>} : memref<80x256xf32, #tpu.memory_space<vmem>>, vector<16xf32>,
        %add3A_521 = arith.addf %get3A_520, %add3A_517 : vector<16xf32>
        %gather3A_522 = vector.shape_cast %broadcast_in_dim3A_28 : vector<16x1xi32> to vector<16xi32>
        %gather3A_523 = tpu.dynamic_gather %exp3A_329[%gather3A_522] in [0] : vector<16xf32>, vector<16xi32> -> vector<16xf32>
        %mul3A_524 = arith.mulf %add3A_521, %gather3A_523 : vector<16xf32>
        %swap3A_525 = arith.index_cast %add3A_160 : i32 to index
        %swap3A_526 = arith.constant 96 : index
        %swap3A_527 = tpu.vector_load %arg17[%swap3A_525, %swap3A_526] {strides = array<i32>} : memref<80x128xf32, #tpu.memory_space<vmem>>, vector<16xf32>,
        tpu.vector_store %arg17[%swap3A_525, %swap3A_526], %mul3A_524 {strides = array<i32>} : memref<80x128xf32, #tpu.memory_space<vmem>>, vector<16xf32>,
        %mul3A_528 = arith.mulf %gather3A, %get3A_84 : vector<16xf32>
        %mul3A_529 = arith.mulf %gather3A_164, %get3A_116 : vector<16xf32>
        %add3A_530 = arith.addf %mul3A_528, %mul3A_529 : vector<16xf32>
        %add3A_531 = arith.addf %add3A_530, %get3A_148 : vector<16xf32>
        %get3A_532 = arith.index_cast %add3A_158 : i32 to index
        %get3A_533 = arith.constant 240 : index
        %get3A_534 = tpu.vector_load %arg15[%get3A_532, %get3A_533] {strides = array<i32>} : memref<80x256xf32, #tpu.memory_space<vmem>>, vector<16xf32>,
        %add3A_535 = arith.addf %get3A_534, %add3A_531 : vector<16xf32>
        %gather3A_536 = vector.shape_cast %broadcast_in_dim3A_30 : vector<16x1xi32> to vector<16xi32>
        %gather3A_537 = tpu.dynamic_gather %exp3A[%gather3A_536] in [0] : vector<16xf32>, vector<16xi32> -> vector<16xf32>
        %mul3A_538 = arith.mulf %add3A_535, %gather3A_537 : vector<16xf32>
        %swap3A_539 = arith.index_cast %add3A_158 : i32 to index
        %swap3A_540 = arith.constant 112 : index
        %swap3A_541 = tpu.vector_load %arg17[%swap3A_539, %swap3A_540] {strides = array<i32>} : memref<80x128xf32, #tpu.memory_space<vmem>>, vector<16xf32>,
        tpu.vector_store %arg17[%swap3A_539, %swap3A_540], %mul3A_538 {strides = array<i32>} : memref<80x128xf32, #tpu.memory_space<vmem>>, vector<16xf32>,
        %mul3A_542 = arith.mulf %gather3A_163, %get3A_84 : vector<16xf32>
        %mul3A_543 = arith.mulf %gather3A_165, %get3A_116 : vector<16xf32>
        %add3A_544 = arith.addf %mul3A_542, %mul3A_543 : vector<16xf32>
        %add3A_545 = arith.addf %add3A_544, %get3A_148 : vector<16xf32>
        %get3A_546 = arith.index_cast %add3A_160 : i32 to index
        %get3A_547 = arith.constant 240 : index
        %get3A_548 = tpu.vector_load %arg15[%get3A_546, %get3A_547] {strides = array<i32>} : memref<80x256xf32, #tpu.memory_space<vmem>>, vector<16xf32>,
        %add3A_549 = arith.addf %get3A_548, %add3A_545 : vector<16xf32>
        %gather3A_550 = vector.shape_cast %broadcast_in_dim3A_30 : vector<16x1xi32> to vector<16xi32>
        %gather3A_551 = tpu.dynamic_gather %exp3A_329[%gather3A_550] in [0] : vector<16xf32>, vector<16xi32> -> vector<16xf32>
        %mul3A_552 = arith.mulf %add3A_549, %gather3A_551 : vector<16xf32>
        %swap3A_553 = arith.index_cast %add3A_160 : i32 to index
        %swap3A_554 = arith.constant 112 : index
        %swap3A_555 = tpu.vector_load %arg17[%swap3A_553, %swap3A_554] {strides = array<i32>} : memref<80x128xf32, #tpu.memory_space<vmem>>, vector<16xf32>,
        tpu.vector_store %arg17[%swap3A_553, %swap3A_554], %mul3A_552 {strides = array<i32>} : memref<80x128xf32, #tpu.memory_space<vmem>>, vector<16xf32>,
      }
      %scan3A_153 = arith.constant 40 : i32
      "tpu.region"() ({
        %run_scoped3A = tpu.sem_alloc : memref<!tpu.dma_semaphore, #tpu.memory_space<semaphore_mem>>
        %dma_start3A = arith.constant 0 : i32
        %dma_start3A_154 = arith.constant 0 : i32
        %dma_start3A_155 = tpu.memref_slice %arg20[%dma_start3A, %dma_start3A_154] : memref<10000x128xf32, #tpu.memory_space<vmem_shared>> -> memref<10000x128xf32, #tpu.memory_space<vmem_shared>>
        tpu.enqueue_indirect_dma source(%arg17 : memref<80x128xf32, #tpu.memory_space<vmem>>) target(%dma_start3A_155 : memref<10000x128xf32, #tpu.memory_space<vmem_shared>>) offsets(%arg13 : memref<80xi32, #tpu.memory_space<vmem>>) semaphore(%run_scoped3A : memref<!tpu.dma_semaphore, #tpu.memory_space<semaphore_mem>>) {add = true}
        %dma_wait3A = arith.constant 0 : i32
        %dma_wait3A_156 = arith.constant 0 : i32
        %dma_wait3A_157 = tpu.memref_slice %arg20[%dma_wait3A, %dma_wait3A_156] : memref<10000x128xf32, #tpu.memory_space<vmem_shared>> -> memref<10000x128xf32, #tpu.memory_space<vmem_shared>>
        tpu.wait_indirect_dma semaphore(%run_scoped3A : memref<!tpu.dma_semaphore, #tpu.memory_space<semaphore_mem>>) src(%arg17 : memref<80x128xf32, #tpu.memory_space<vmem>>) dst(%dma_wait3A_157 : memref<10000x128xf32, #tpu.memory_space<vmem_shared>>)
        tpu.yield
      }) : () -> ()
      "tpu.region"() ({
        %run_scoped3A = tpu.sem_alloc : memref<!tpu.dma_semaphore, #tpu.memory_space<semaphore_mem>>
        %dma_start3A = arith.constant 0 : i32
        %dma_start3A_154 = arith.constant 0 : i32
        %dma_start3A_155 = tpu.memref_slice %arg21[%dma_start3A, %dma_start3A_154] : memref<10000x8xf32, #tpu.memory_space<vmem_shared>> -> memref<10000x8xf32, #tpu.memory_space<vmem_shared>>
        tpu.enqueue_indirect_dma source(%arg18 : memref<80x8xf32, #tpu.memory_space<vmem>>) target(%dma_start3A_155 : memref<10000x8xf32, #tpu.memory_space<vmem_shared>>) offsets(%arg13 : memref<80xi32, #tpu.memory_space<vmem>>) semaphore(%run_scoped3A : memref<!tpu.dma_semaphore, #tpu.memory_space<semaphore_mem>>) {add = true}
        %dma_wait3A = arith.constant 0 : i32
        %dma_wait3A_156 = arith.constant 0 : i32
        %dma_wait3A_157 = tpu.memref_slice %arg21[%dma_wait3A, %dma_wait3A_156] : memref<10000x8xf32, #tpu.memory_space<vmem_shared>> -> memref<10000x8xf32, #tpu.memory_space<vmem_shared>>
        tpu.wait_indirect_dma semaphore(%run_scoped3A : memref<!tpu.dma_semaphore, #tpu.memory_space<semaphore_mem>>) src(%arg18 : memref<80x8xf32, #tpu.memory_space<vmem>>) dst(%dma_wait3A_157 : memref<10000x8xf32, #tpu.memory_space<vmem_shared>>)
        tpu.yield
      }) : () -> ()
    }
    %scan3A_34 = arith.constant 125 : i32
    %barrier3A_35 = arith.constant 0 : index
    tpu.barrier barrier_id(%barrier3A_35)
    %mul3A_36 = arith.constant 625 : i32
    %mul3A_37 = arith.muli %arg1, %mul3A_36 : i32
    %mul3A_38 = arith.constant 625 : i32
    %mul3A_39 = arith.muli %arg1, %mul3A_38 : i32
    "tpu.region"() ({
      %run_scoped3A = tpu.sem_alloc : memref<!tpu.dma_semaphore, #tpu.memory_space<semaphore_mem>>
      %dma_start3A = arith.constant 0 : i32
      %dma_start3A_44 = tpu.memref_slice %arg10[%arg0, %mul3A_39, %dma_start3A] : memref<2x10000x128xf32, #tpu.memory_space<hbm>> -> memref<1x625x128xf32, #tpu.memory_space<hbm>>
      %dma_start3A_45 = tpu.memref_squeeze %dma_start3A_44 : memref<1x625x128xf32, #tpu.memory_space<hbm>> -> memref<625x128xf32, #tpu.memory_space<hbm>>
      %dma_start3A_46 = arith.constant 0 : i32
      %dma_start3A_47 = tpu.memref_slice %arg20[%mul3A_37, %dma_start3A_46] : memref<10000x128xf32, #tpu.memory_space<vmem_shared>> -> memref<625x128xf32, #tpu.memory_space<vmem_shared>>
      tpu.enqueue_dma source(%dma_start3A_47 : memref<625x128xf32, #tpu.memory_space<vmem_shared>>) target(%dma_start3A_45 : memref<625x128xf32, #tpu.memory_space<hbm>>) target_semaphore(%run_scoped3A : memref<!tpu.dma_semaphore, #tpu.memory_space<semaphore_mem>>)
      %dma_wait3A = arith.constant 0 : i32
      %dma_wait3A_48 = tpu.memref_slice %arg10[%arg0, %mul3A_39, %dma_wait3A] : memref<2x10000x128xf32, #tpu.memory_space<hbm>> -> memref<1x625x128xf32, #tpu.memory_space<hbm>>
      %dma_wait3A_49 = tpu.memref_squeeze %dma_wait3A_48 : memref<1x625x128xf32, #tpu.memory_space<hbm>> -> memref<625x128xf32, #tpu.memory_space<hbm>>
      %dma_wait3A_50 = arith.constant 0 : i32
      %dma_wait3A_51 = tpu.memref_slice %arg20[%mul3A_37, %dma_wait3A_50] : memref<10000x128xf32, #tpu.memory_space<vmem_shared>> -> memref<625x128xf32, #tpu.memory_space<vmem_shared>>
      tpu.wait_dma2 semaphore(%run_scoped3A : memref<!tpu.dma_semaphore, #tpu.memory_space<semaphore_mem>>) src(%dma_wait3A_51 : memref<625x128xf32, #tpu.memory_space<vmem_shared>>) dst(%dma_wait3A_49 : memref<625x128xf32, #tpu.memory_space<hbm>>)
      tpu.yield
    }) : () -> ()
    %mul3A_40 = arith.constant 625 : i32
    %mul3A_41 = arith.muli %arg1, %mul3A_40 : i32
    %mul3A_42 = arith.constant 625 : i32
    %mul3A_43 = arith.muli %arg1, %mul3A_42 : i32
    "tpu.region"() ({
      %run_scoped3A = tpu.sem_alloc : memref<!tpu.dma_semaphore, #tpu.memory_space<semaphore_mem>>
      %dma_start3A = arith.constant 0 : i32
      %dma_start3A_44 = tpu.memref_slice %arg11[%arg0, %mul3A_43, %dma_start3A] : memref<2x10000x8xf32, #tpu.memory_space<hbm>> -> memref<1x625x8xf32, #tpu.memory_space<hbm>>
      %dma_start3A_45 = tpu.memref_squeeze %dma_start3A_44 : memref<1x625x8xf32, #tpu.memory_space<hbm>> -> memref<625x8xf32, #tpu.memory_space<hbm>>
      %dma_start3A_46 = arith.constant 0 : i32
      %dma_start3A_47 = tpu.memref_slice %arg21[%mul3A_41, %dma_start3A_46] : memref<10000x8xf32, #tpu.memory_space<vmem_shared>> -> memref<625x8xf32, #tpu.memory_space<vmem_shared>>
      tpu.enqueue_dma source(%dma_start3A_47 : memref<625x8xf32, #tpu.memory_space<vmem_shared>>) target(%dma_start3A_45 : memref<625x8xf32, #tpu.memory_space<hbm>>) target_semaphore(%run_scoped3A : memref<!tpu.dma_semaphore, #tpu.memory_space<semaphore_mem>>)
      %dma_wait3A = arith.constant 0 : i32
      %dma_wait3A_48 = tpu.memref_slice %arg11[%arg0, %mul3A_43, %dma_wait3A] : memref<2x10000x8xf32, #tpu.memory_space<hbm>> -> memref<1x625x8xf32, #tpu.memory_space<hbm>>
      %dma_wait3A_49 = tpu.memref_squeeze %dma_wait3A_48 : memref<1x625x8xf32, #tpu.memory_space<hbm>> -> memref<625x8xf32, #tpu.memory_space<hbm>>
      %dma_wait3A_50 = arith.constant 0 : i32
      %dma_wait3A_51 = tpu.memref_slice %arg21[%mul3A_41, %dma_wait3A_50] : memref<10000x8xf32, #tpu.memory_space<vmem_shared>> -> memref<625x8xf32, #tpu.memory_space<vmem_shared>>
      tpu.wait_dma2 semaphore(%run_scoped3A : memref<!tpu.dma_semaphore, #tpu.memory_space<semaphore_mem>>) src(%dma_wait3A_51 : memref<625x8xf32, #tpu.memory_space<vmem_shared>>) dst(%dma_wait3A_49 : memref<625x8xf32, #tpu.memory_space<hbm>>)
      tpu.yield
    }) : () -> ()
    return
  }
}

#map = affine_map<(d0, d1) -> (0, 0)>
#map1 = affine_map<(d0, d1) -> (0)>
#map2 = affine_map<(d0, d1) -> (0, 0, 0)>
module attributes {stable_mosaic.version = 14 : i64} {
  func.func @_edge_body(%arg0: i32, %arg1: i32, %arg2: memref<10000x160xf32, #tpu.memory_space<hbm>>, %arg3: memref<10000x256xf32, #tpu.memory_space<hbm>>, %arg4: memref<320000xi32, #tpu.memory_space<hbm>>, %arg5: memref<320000xi32, #tpu.memory_space<hbm>>, %arg6: memref<320000x2xf32, #tpu.memory_space<hbm>>, %arg7: memref<3x128xf32, #tpu.memory_space<hbm>>, %arg8: memref<625x128xf32, #tpu.memory_space<hbm>>, %arg9: memref<625x8xf32, #tpu.memory_space<hbm>>, %arg10: memref<2x10000x128xf32, #tpu.memory_space<hbm>>, %arg11: memref<2x10000x8xf32, #tpu.memory_space<hbm>>, %arg12: memref<80xi32, #tpu.memory_space<vmem>>, %arg13: memref<80xi32, #tpu.memory_space<vmem>>, %arg14: memref<80x160xf32, #tpu.memory_space<vmem>>, %arg15: memref<80x256xf32, #tpu.memory_space<vmem>>, %arg16: memref<80x2xf32, #tpu.memory_space<vmem>>, %arg17: memref<80x128xf32, #tpu.memory_space<vmem>>, %arg18: memref<80x8xf32, #tpu.memory_space<vmem>>, %arg19: memref<3x128xf32, #tpu.memory_space<vmem>>, %arg20: memref<10000x128xf32, #tpu.memory_space<vmem_shared>>, %arg21: memref<10000x8xf32, #tpu.memory_space<vmem_shared>>) attributes {dimension_semantics = [#tpu.dimension_semantics<core_parallel>, #tpu.dimension_semantics<subcore_parallel>], iteration_bounds = array<i64: 2, 16>, scalar_prefetch = 0 : i64, scratch_operands = 10 : i64, tpu.core_type = #tpu.core_type<sc_vector_subcore>, window_params = [{transform_indices = #map}, {transform_indices = #map}, {transform_indices = #map1}, {transform_indices = #map1}, {transform_indices = #map}, {transform_indices = #map}, {transform_indices = #map}, {transform_indices = #map}, {transform_indices = #map2}, {transform_indices = #map2}]} {
    %mul3A = arith.constant 2 : i32
    %mul3A_0 = arith.muli %arg1, %mul3A : i32
    %add3A = arith.addi %mul3A_0, %arg0 : i32
    %mul3A_1 = arith.constant 625 : i32
    %mul3A_2 = arith.muli %arg1, %mul3A_1 : i32
    "tpu.region"() ({
      %run_scoped3A = tpu.sem_alloc : memref<!tpu.dma_semaphore, #tpu.memory_space<semaphore_mem>>
      %dma_start3A = arith.constant 0 : i32
      %dma_start3A_44 = tpu.memref_slice %arg20[%mul3A_2, %dma_start3A] : memref<10000x128xf32, #tpu.memory_space<vmem_shared>> -> memref<625x128xf32, #tpu.memory_space<vmem_shared>>
      tpu.enqueue_dma source(%arg8 : memref<625x128xf32, #tpu.memory_space<hbm>>) target(%dma_start3A_44 : memref<625x128xf32, #tpu.memory_space<vmem_shared>>) target_semaphore(%run_scoped3A : memref<!tpu.dma_semaphore, #tpu.memory_space<semaphore_mem>>)
      %dma_wait3A = arith.constant 0 : i32
      %dma_wait3A_45 = tpu.memref_slice %arg20[%mul3A_2, %dma_wait3A] : memref<10000x128xf32, #tpu.memory_space<vmem_shared>> -> memref<625x128xf32, #tpu.memory_space<vmem_shared>>
      tpu.wait_dma2 semaphore(%run_scoped3A : memref<!tpu.dma_semaphore, #tpu.memory_space<semaphore_mem>>) src(%arg8 : memref<625x128xf32, #tpu.memory_space<hbm>>) dst(%dma_wait3A_45 : memref<625x128xf32, #tpu.memory_space<vmem_shared>>)
      tpu.yield
    }) : () -> ()
    %mul3A_3 = arith.constant 625 : i32
    %mul3A_4 = arith.muli %arg1, %mul3A_3 : i32
    "tpu.region"() ({
      %run_scoped3A = tpu.sem_alloc : memref<!tpu.dma_semaphore, #tpu.memory_space<semaphore_mem>>
      %dma_start3A = arith.constant 0 : i32
      %dma_start3A_44 = tpu.memref_slice %arg21[%mul3A_4, %dma_start3A] : memref<10000x8xf32, #tpu.memory_space<vmem_shared>> -> memref<625x8xf32, #tpu.memory_space<vmem_shared>>
      tpu.enqueue_dma source(%arg9 : memref<625x8xf32, #tpu.memory_space<hbm>>) target(%dma_start3A_44 : memref<625x8xf32, #tpu.memory_space<vmem_shared>>) target_semaphore(%run_scoped3A : memref<!tpu.dma_semaphore, #tpu.memory_space<semaphore_mem>>)
      %dma_wait3A = arith.constant 0 : i32
      %dma_wait3A_45 = tpu.memref_slice %arg21[%mul3A_4, %dma_wait3A] : memref<10000x8xf32, #tpu.memory_space<vmem_shared>> -> memref<625x8xf32, #tpu.memory_space<vmem_shared>>
      tpu.wait_dma2 semaphore(%run_scoped3A : memref<!tpu.dma_semaphore, #tpu.memory_space<semaphore_mem>>) src(%arg9 : memref<625x8xf32, #tpu.memory_space<hbm>>) dst(%dma_wait3A_45 : memref<625x8xf32, #tpu.memory_space<vmem_shared>>)
      tpu.yield
    }) : () -> ()
    "tpu.region"() ({
      %run_scoped3A = tpu.sem_alloc : memref<!tpu.dma_semaphore, #tpu.memory_space<semaphore_mem>>
      tpu.enqueue_dma source(%arg7 : memref<3x128xf32, #tpu.memory_space<hbm>>) target(%arg19 : memref<3x128xf32, #tpu.memory_space<vmem>>) target_semaphore(%run_scoped3A : memref<!tpu.dma_semaphore, #tpu.memory_space<semaphore_mem>>)
      tpu.wait_dma2 semaphore(%run_scoped3A : memref<!tpu.dma_semaphore, #tpu.memory_space<semaphore_mem>>) src(%arg7 : memref<3x128xf32, #tpu.memory_space<hbm>>) dst(%arg19 : memref<3x128xf32, #tpu.memory_space<vmem>>)
      tpu.yield
    }) : () -> ()
    %barrier3A = arith.constant 0 : index
    tpu.barrier barrier_id(%barrier3A)
    %iota3A = tpu.iota {dimensions = array<i32: 0>} : vector<16xi32>
    %broadcast_in_dim3A = arith.constant 0 : i32
    %broadcast_in_dim3A_5 = vector.broadcast %broadcast_in_dim3A : i32 to vector<16xi32>
    %broadcast_in_dim3A_6 = arith.constant 1 : i32
    %broadcast_in_dim3A_7 = vector.broadcast %broadcast_in_dim3A_6 : i32 to vector<16xi32>
    %lt3A = arith.constant 8 : i32
    %lt3A_8 = vector.broadcast %lt3A : i32 to vector<16xi32>
    %lt3A_9 = arith.cmpi slt, %iota3A, %lt3A_8 : vector<16xi32>
    %and3A = arith.constant 7 : i32
    %and3A_10 = vector.broadcast %and3A : i32 to vector<16xi32>
    %and3A_11 = arith.andi %iota3A, %and3A_10 : vector<16xi32>
    %xor3A = arith.constant 8 : i32
    %xor3A_12 = vector.broadcast %xor3A : i32 to vector<16xi32>
    %xor3A_13 = arith.xori %iota3A, %xor3A_12 : vector<16xi32>
    %broadcast_in_dim3A_14 = vector.shape_cast %xor3A_13 : vector<16xi32> to vector<16x1xi32>
    %broadcast_in_dim3A_15 = arith.constant 0 : i32
    %broadcast_in_dim3A_16 = vector.broadcast %broadcast_in_dim3A_15 : i32 to vector<16x1xi32>
    %broadcast_in_dim3A_17 = arith.constant 1 : i32
    %broadcast_in_dim3A_18 = vector.broadcast %broadcast_in_dim3A_17 : i32 to vector<16x1xi32>
    %broadcast_in_dim3A_19 = arith.constant 2 : i32
    %broadcast_in_dim3A_20 = vector.broadcast %broadcast_in_dim3A_19 : i32 to vector<16x1xi32>
    %broadcast_in_dim3A_21 = arith.constant 3 : i32
    %broadcast_in_dim3A_22 = vector.broadcast %broadcast_in_dim3A_21 : i32 to vector<16x1xi32>
    %broadcast_in_dim3A_23 = arith.constant 4 : i32
    %broadcast_in_dim3A_24 = vector.broadcast %broadcast_in_dim3A_23 : i32 to vector<16x1xi32>
    %broadcast_in_dim3A_25 = arith.constant 5 : i32
    %broadcast_in_dim3A_26 = vector.broadcast %broadcast_in_dim3A_25 : i32 to vector<16x1xi32>
    %broadcast_in_dim3A_27 = arith.constant 6 : i32
    %broadcast_in_dim3A_28 = vector.broadcast %broadcast_in_dim3A_27 : i32 to vector<16x1xi32>
    %broadcast_in_dim3A_29 = arith.constant 7 : i32
    %broadcast_in_dim3A_30 = vector.broadcast %broadcast_in_dim3A_29 : i32 to vector<16x1xi32>
    %scan3A = arith.constant 0 : i32
    %scan3A_31 = arith.constant 125 : i32
    %scan3A_32 = arith.addi %scan3A, %scan3A_31 : i32
    %scan3A_33 = arith.constant 1 : i32
    scf.for %scan3A_44 = %scan3A to %scan3A_32 step %scan3A_33  : i32 {
      %mul3A_45 = arith.constant 1 : i32
      %mul3A_46 = arith.muli %scan3A_44, %mul3A_45 : i32
      %add3A_47 = arith.constant 0 : i32
      %add3A_48 = arith.addi %add3A_47, %mul3A_46 : i32
      %mul3A_49 = arith.constant 10000 : i32
      %mul3A_50 = arith.muli %add3A, %mul3A_49 : i32
      %mul3A_51 = arith.constant 80 : i32
      %mul3A_52 = arith.muli %add3A_48, %mul3A_51 : i32
      %add3A_53 = arith.addi %mul3A_50, %mul3A_52 : i32
      "tpu.region"() ({
        %run_scoped3A = tpu.sem_alloc : memref<!tpu.dma_semaphore, #tpu.memory_space<semaphore_mem>>
        %dma_start3A = tpu.memref_slice %arg4[%add3A_53] : memref<320000xi32, #tpu.memory_space<hbm>> -> memref<80xi32, #tpu.memory_space<hbm>>
        %dma_start3A_154 = tpu.memref_slice %arg4[%add3A_53] : memref<320000xi32, #tpu.memory_space<hbm>> -> memref<80xi32, #tpu.memory_space<hbm>>
        tpu.enqueue_dma source(%dma_start3A_154 : memref<80xi32, #tpu.memory_space<hbm>>) target(%arg12 : memref<80xi32, #tpu.memory_space<vmem>>) target_semaphore(%run_scoped3A : memref<!tpu.dma_semaphore, #tpu.memory_space<semaphore_mem>>)
        %dma_wait3A = tpu.memref_slice %arg4[%add3A_53] : memref<320000xi32, #tpu.memory_space<hbm>> -> memref<80xi32, #tpu.memory_space<hbm>>
        %dma_wait3A_155 = tpu.memref_slice %arg4[%add3A_53] : memref<320000xi32, #tpu.memory_space<hbm>> -> memref<80xi32, #tpu.memory_space<hbm>>
        tpu.wait_dma2 semaphore(%run_scoped3A : memref<!tpu.dma_semaphore, #tpu.memory_space<semaphore_mem>>) src(%dma_wait3A_155 : memref<80xi32, #tpu.memory_space<hbm>>) dst(%arg12 : memref<80xi32, #tpu.memory_space<vmem>>)
        tpu.yield
      }) : () -> ()
      "tpu.region"() ({
        %run_scoped3A = tpu.sem_alloc : memref<!tpu.dma_semaphore, #tpu.memory_space<semaphore_mem>>
        %dma_start3A = tpu.memref_slice %arg5[%add3A_53] : memref<320000xi32, #tpu.memory_space<hbm>> -> memref<80xi32, #tpu.memory_space<hbm>>
        %dma_start3A_154 = tpu.memref_slice %arg5[%add3A_53] : memref<320000xi32, #tpu.memory_space<hbm>> -> memref<80xi32, #tpu.memory_space<hbm>>
        tpu.enqueue_dma source(%dma_start3A_154 : memref<80xi32, #tpu.memory_space<hbm>>) target(%arg13 : memref<80xi32, #tpu.memory_space<vmem>>) target_semaphore(%run_scoped3A : memref<!tpu.dma_semaphore, #tpu.memory_space<semaphore_mem>>)
        %dma_wait3A = tpu.memref_slice %arg5[%add3A_53] : memref<320000xi32, #tpu.memory_space<hbm>> -> memref<80xi32, #tpu.memory_space<hbm>>
        %dma_wait3A_155 = tpu.memref_slice %arg5[%add3A_53] : memref<320000xi32, #tpu.memory_space<hbm>> -> memref<80xi32, #tpu.memory_space<hbm>>
        tpu.wait_dma2 semaphore(%run_scoped3A : memref<!tpu.dma_semaphore, #tpu.memory_space<semaphore_mem>>) src(%dma_wait3A_155 : memref<80xi32, #tpu.memory_space<hbm>>) dst(%arg13 : memref<80xi32, #tpu.memory_space<vmem>>)
        tpu.yield
      }) : () -> ()
      "tpu.region"() ({
        %run_scoped3A = tpu.sem_alloc : memref<!tpu.dma_semaphore, #tpu.memory_space<semaphore_mem>>
        %dma_start3A = arith.constant 0 : i32
        %dma_start3A_154 = tpu.memref_slice %arg6[%add3A_53, %dma_start3A] : memref<320000x2xf32, #tpu.memory_space<hbm>> -> memref<80x2xf32, #tpu.memory_space<hbm>>
        %dma_start3A_155 = arith.constant 0 : i32
        %dma_start3A_156 = tpu.memref_slice %arg6[%add3A_53, %dma_start3A_155] : memref<320000x2xf32, #tpu.memory_space<hbm>> -> memref<80x2xf32, #tpu.memory_space<hbm>>
        tpu.enqueue_dma source(%dma_start3A_156 : memref<80x2xf32, #tpu.memory_space<hbm>>) target(%arg16 : memref<80x2xf32, #tpu.memory_space<vmem>>) target_semaphore(%run_scoped3A : memref<!tpu.dma_semaphore, #tpu.memory_space<semaphore_mem>>)
        %dma_wait3A = arith.constant 0 : i32
        %dma_wait3A_157 = tpu.memref_slice %arg6[%add3A_53, %dma_wait3A] : memref<320000x2xf32, #tpu.memory_space<hbm>> -> memref<80x2xf32, #tpu.memory_space<hbm>>
        %dma_wait3A_158 = arith.constant 0 : i32
        %dma_wait3A_159 = tpu.memref_slice %arg6[%add3A_53, %dma_wait3A_158] : memref<320000x2xf32, #tpu.memory_space<hbm>> -> memref<80x2xf32, #tpu.memory_space<hbm>>
        tpu.wait_dma2 semaphore(%run_scoped3A : memref<!tpu.dma_semaphore, #tpu.memory_space<semaphore_mem>>) src(%dma_wait3A_159 : memref<80x2xf32, #tpu.memory_space<hbm>>) dst(%arg16 : memref<80x2xf32, #tpu.memory_space<vmem>>)
        tpu.yield
      }) : () -> ()
      "tpu.region"() ({
        %run_scoped3A = tpu.sem_alloc : memref<!tpu.dma_semaphore, #tpu.memory_space<semaphore_mem>>
        %dma_start3A = arith.constant 0 : i32
        %dma_start3A_154 = arith.constant 0 : i32
        %dma_start3A_155 = tpu.memref_slice %arg3[%dma_start3A, %dma_start3A_154] : memref<10000x256xf32, #tpu.memory_space<hbm>> -> memref<10000x256xf32, #tpu.memory_space<hbm>>
        tpu.enqueue_indirect_dma source(%dma_start3A_155 : memref<10000x256xf32, #tpu.memory_space<hbm>>) target(%arg15 : memref<80x256xf32, #tpu.memory_space<vmem>>) offsets(%arg12 : memref<80xi32, #tpu.memory_space<vmem>>) semaphore(%run_scoped3A : memref<!tpu.dma_semaphore, #tpu.memory_space<semaphore_mem>>)
        %dma_wait3A = arith.constant 0 : i32
        %dma_wait3A_156 = arith.constant 0 : i32
        %dma_wait3A_157 = tpu.memref_slice %arg3[%dma_wait3A, %dma_wait3A_156] : memref<10000x256xf32, #tpu.memory_space<hbm>> -> memref<10000x256xf32, #tpu.memory_space<hbm>>
        tpu.wait_indirect_dma semaphore(%run_scoped3A : memref<!tpu.dma_semaphore, #tpu.memory_space<semaphore_mem>>) src(%dma_wait3A_157 : memref<10000x256xf32, #tpu.memory_space<hbm>>) dst(%arg15 : memref<80x256xf32, #tpu.memory_space<vmem>>)
        tpu.yield
      }) : () -> ()
      "tpu.region"() ({
        %run_scoped3A = tpu.sem_alloc : memref<!tpu.dma_semaphore, #tpu.memory_space<semaphore_mem>>
        %dma_start3A = arith.constant 0 : i32
        %dma_start3A_154 = arith.constant 0 : i32
        %dma_start3A_155 = tpu.memref_slice %arg2[%dma_start3A, %dma_start3A_154] : memref<10000x160xf32, #tpu.memory_space<hbm>> -> memref<10000x160xf32, #tpu.memory_space<hbm>>
        tpu.enqueue_indirect_dma source(%dma_start3A_155 : memref<10000x160xf32, #tpu.memory_space<hbm>>) target(%arg14 : memref<80x160xf32, #tpu.memory_space<vmem>>) offsets(%arg13 : memref<80xi32, #tpu.memory_space<vmem>>) semaphore(%run_scoped3A : memref<!tpu.dma_semaphore, #tpu.memory_space<semaphore_mem>>)
        %dma_wait3A = arith.constant 0 : i32
        %dma_wait3A_156 = arith.constant 0 : i32
        %dma_wait3A_157 = tpu.memref_slice %arg2[%dma_wait3A, %dma_wait3A_156] : memref<10000x160xf32, #tpu.memory_space<hbm>> -> memref<10000x160xf32, #tpu.memory_space<hbm>>
        tpu.wait_indirect_dma semaphore(%run_scoped3A : memref<!tpu.dma_semaphore, #tpu.memory_space<semaphore_mem>>) src(%dma_wait3A_157 : memref<10000x160xf32, #tpu.memory_space<hbm>>) dst(%arg14 : memref<80x160xf32, #tpu.memory_space<vmem>>)
        tpu.yield
      }) : () -> ()
      %get3A = arith.constant 0 : i32
      %get3A_54 = arith.index_cast %get3A : i32 to index
      %get3A_55 = arith.constant 0 : index
      %get3A_56 = tpu.vector_load %arg19[%get3A_54, %get3A_55] {strides = array<i32>} : memref<3x128xf32, #tpu.memory_space<vmem>>, vector<16xf32>,
      %get3A_57 = arith.constant 0 : i32
      %get3A_58 = arith.index_cast %get3A_57 : i32 to index
      %get3A_59 = arith.constant 16 : index
      %get3A_60 = tpu.vector_load %arg19[%get3A_58, %get3A_59] {strides = array<i32>} : memref<3x128xf32, #tpu.memory_space<vmem>>, vector<16xf32>,
      %get3A_61 = arith.constant 0 : i32
      %get3A_62 = arith.index_cast %get3A_61 : i32 to index
      %get3A_63 = arith.constant 32 : index
      %get3A_64 = tpu.vector_load %arg19[%get3A_62, %get3A_63] {strides = array<i32>} : memref<3x128xf32, #tpu.memory_space<vmem>>, vector<16xf32>,
      %get3A_65 = arith.constant 0 : i32
      %get3A_66 = arith.index_cast %get3A_65 : i32 to index
      %get3A_67 = arith.constant 48 : index
      %get3A_68 = tpu.vector_load %arg19[%get3A_66, %get3A_67] {strides = array<i32>} : memref<3x128xf32, #tpu.memory_space<vmem>>, vector<16xf32>,
      %get3A_69 = arith.constant 0 : i32
      %get3A_70 = arith.index_cast %get3A_69 : i32 to index
      %get3A_71 = arith.constant 64 : index
      %get3A_72 = tpu.vector_load %arg19[%get3A_70, %get3A_71] {strides = array<i32>} : memref<3x128xf32, #tpu.memory_space<vmem>>, vector<16xf32>,
      %get3A_73 = arith.constant 0 : i32
      %get3A_74 = arith.index_cast %get3A_73 : i32 to index
      %get3A_75 = arith.constant 80 : index
      %get3A_76 = tpu.vector_load %arg19[%get3A_74, %get3A_75] {strides = array<i32>} : memref<3x128xf32, #tpu.memory_space<vmem>>, vector<16xf32>,
      %get3A_77 = arith.constant 0 : i32
      %get3A_78 = arith.index_cast %get3A_77 : i32 to index
      %get3A_79 = arith.constant 96 : index
      %get3A_80 = tpu.vector_load %arg19[%get3A_78, %get3A_79] {strides = array<i32>} : memref<3x128xf32, #tpu.memory_space<vmem>>, vector<16xf32>,
      %get3A_81 = arith.constant 0 : i32
      %get3A_82 = arith.index_cast %get3A_81 : i32 to index
      %get3A_83 = arith.constant 112 : index
      %get3A_84 = tpu.vector_load %arg19[%get3A_82, %get3A_83] {strides = array<i32>} : memref<3x128xf32, #tpu.memory_space<vmem>>, vector<16xf32>,
      %get3A_85 = arith.constant 1 : i32
      %get3A_86 = arith.index_cast %get3A_85 : i32 to index
      %get3A_87 = arith.constant 0 : index
      %get3A_88 = tpu.vector_load %arg19[%get3A_86, %get3A_87] {strides = array<i32>} : memref<3x128xf32, #tpu.memory_space<vmem>>, vector<16xf32>,
      %get3A_89 = arith.constant 1 : i32
      %get3A_90 = arith.index_cast %get3A_89 : i32 to index
      %get3A_91 = arith.constant 16 : index
      %get3A_92 = tpu.vector_load %arg19[%get3A_90, %get3A_91] {strides = array<i32>} : memref<3x128xf32, #tpu.memory_space<vmem>>, vector<16xf32>,
      %get3A_93 = arith.constant 1 : i32
      %get3A_94 = arith.index_cast %get3A_93 : i32 to index
      %get3A_95 = arith.constant 32 : index
      %get3A_96 = tpu.vector_load %arg19[%get3A_94, %get3A_95] {strides = array<i32>} : memref<3x128xf32, #tpu.memory_space<vmem>>, vector<16xf32>,
      %get3A_97 = arith.constant 1 : i32
      %get3A_98 = arith.index_cast %get3A_97 : i32 to index
      %get3A_99 = arith.constant 48 : index
      %get3A_100 = tpu.vector_load %arg19[%get3A_98, %get3A_99] {strides = array<i32>} : memref<3x128xf32, #tpu.memory_space<vmem>>, vector<16xf32>,
      %get3A_101 = arith.constant 1 : i32
      %get3A_102 = arith.index_cast %get3A_101 : i32 to index
      %get3A_103 = arith.constant 64 : index
      %get3A_104 = tpu.vector_load %arg19[%get3A_102, %get3A_103] {strides = array<i32>} : memref<3x128xf32, #tpu.memory_space<vmem>>, vector<16xf32>,
      %get3A_105 = arith.constant 1 : i32
      %get3A_106 = arith.index_cast %get3A_105 : i32 to index
      %get3A_107 = arith.constant 80 : index
      %get3A_108 = tpu.vector_load %arg19[%get3A_106, %get3A_107] {strides = array<i32>} : memref<3x128xf32, #tpu.memory_space<vmem>>, vector<16xf32>,
      %get3A_109 = arith.constant 1 : i32
      %get3A_110 = arith.index_cast %get3A_109 : i32 to index
      %get3A_111 = arith.constant 96 : index
      %get3A_112 = tpu.vector_load %arg19[%get3A_110, %get3A_111] {strides = array<i32>} : memref<3x128xf32, #tpu.memory_space<vmem>>, vector<16xf32>,
      %get3A_113 = arith.constant 1 : i32
      %get3A_114 = arith.index_cast %get3A_113 : i32 to index
      %get3A_115 = arith.constant 112 : index
      %get3A_116 = tpu.vector_load %arg19[%get3A_114, %get3A_115] {strides = array<i32>} : memref<3x128xf32, #tpu.memory_space<vmem>>, vector<16xf32>,
      %get3A_117 = arith.constant 2 : i32
      %get3A_118 = arith.index_cast %get3A_117 : i32 to index
      %get3A_119 = arith.constant 0 : index
      %get3A_120 = tpu.vector_load %arg19[%get3A_118, %get3A_119] {strides = array<i32>} : memref<3x128xf32, #tpu.memory_space<vmem>>, vector<16xf32>,
      %get3A_121 = arith.constant 2 : i32
      %get3A_122 = arith.index_cast %get3A_121 : i32 to index
      %get3A_123 = arith.constant 16 : index
      %get3A_124 = tpu.vector_load %arg19[%get3A_122, %get3A_123] {strides = array<i32>} : memref<3x128xf32, #tpu.memory_space<vmem>>, vector<16xf32>,
      %get3A_125 = arith.constant 2 : i32
      %get3A_126 = arith.index_cast %get3A_125 : i32 to index
      %get3A_127 = arith.constant 32 : index
      %get3A_128 = tpu.vector_load %arg19[%get3A_126, %get3A_127] {strides = array<i32>} : memref<3x128xf32, #tpu.memory_space<vmem>>, vector<16xf32>,
      %get3A_129 = arith.constant 2 : i32
      %get3A_130 = arith.index_cast %get3A_129 : i32 to index
      %get3A_131 = arith.constant 48 : index
      %get3A_132 = tpu.vector_load %arg19[%get3A_130, %get3A_131] {strides = array<i32>} : memref<3x128xf32, #tpu.memory_space<vmem>>, vector<16xf32>,
      %get3A_133 = arith.constant 2 : i32
      %get3A_134 = arith.index_cast %get3A_133 : i32 to index
      %get3A_135 = arith.constant 64 : index
      %get3A_136 = tpu.vector_load %arg19[%get3A_134, %get3A_135] {strides = array<i32>} : memref<3x128xf32, #tpu.memory_space<vmem>>, vector<16xf32>,
      %get3A_137 = arith.constant 2 : i32
      %get3A_138 = arith.index_cast %get3A_137 : i32 to index
      %get3A_139 = arith.constant 80 : index
      %get3A_140 = tpu.vector_load %arg19[%get3A_138, %get3A_139] {strides = array<i32>} : memref<3x128xf32, #tpu.memory_space<vmem>>, vector<16xf32>,
      %get3A_141 = arith.constant 2 : i32
      %get3A_142 = arith.index_cast %get3A_141 : i32 to index
      %get3A_143 = arith.constant 96 : index
      %get3A_144 = tpu.vector_load %arg19[%get3A_142, %get3A_143] {strides = array<i32>} : memref<3x128xf32, #tpu.memory_space<vmem>>, vector<16xf32>,
      %get3A_145 = arith.constant 2 : i32
      %get3A_146 = arith.index_cast %get3A_145 : i32 to index
      %get3A_147 = arith.constant 112 : index
      %get3A_148 = tpu.vector_load %arg19[%get3A_146, %get3A_147] {strides = array<i32>} : memref<3x128xf32, #tpu.memory_space<vmem>>, vector<16xf32>,
      %scan3A_149 = arith.constant 0 : i32
      %scan3A_150 = arith.constant 40 : i32
      %scan3A_151 = arith.addi %scan3A_149, %scan3A_150 : i32
      %scan3A_152 = arith.constant 1 : i32
      scf.for %scan3A_154 = %scan3A_149 to %scan3A_151 step %scan3A_152  : i32 {
        %mul3A_155 = arith.constant 2 : i32
        %mul3A_156 = arith.muli %scan3A_154, %mul3A_155 : i32
        %add3A_157 = arith.constant 0 : i32
        %add3A_158 = arith.addi %add3A_157, %mul3A_156 : i32
        %add3A_159 = arith.constant 1 : i32
        %add3A_160 = arith.addi %add3A_158, %add3A_159 : i32
        %broadcast_in_dim3A_161 = vector.broadcast %add3A_158 : i32 to vector<16xi32>
        %broadcast_in_dim3A_162 = vector.broadcast %add3A_160 : i32 to vector<16xi32>
        %gather3A = tpu.vector_load_idx %arg16[%broadcast_in_dim3A_161, %broadcast_in_dim3A_5] : memref<80x2xf32, #tpu.memory_space<vmem>>[vector<16xi32>, vector<16xi32>], vector<16xf32>,
        %gather3A_163 = tpu.vector_load_idx %arg16[%broadcast_in_dim3A_162, %broadcast_in_dim3A_5] : memref<80x2xf32, #tpu.memory_space<vmem>>[vector<16xi32>, vector<16xi32>], vector<16xf32>,
        %gather3A_164 = tpu.vector_load_idx %arg16[%broadcast_in_dim3A_161, %broadcast_in_dim3A_7] : memref<80x2xf32, #tpu.memory_space<vmem>>[vector<16xi32>, vector<16xi32>], vector<16xf32>,
        %gather3A_165 = tpu.vector_load_idx %arg16[%broadcast_in_dim3A_162, %broadcast_in_dim3A_7] : memref<80x2xf32, #tpu.memory_space<vmem>>[vector<16xi32>, vector<16xi32>], vector<16xf32>,
        %get3A_166 = arith.index_cast %add3A_158 : i32 to index
        %get3A_167 = arith.constant 0 : index
        %get3A_168 = tpu.vector_load %arg14[%get3A_166, %get3A_167] {strides = array<i32>} : memref<80x160xf32, #tpu.memory_space<vmem>>, vector<16xf32>,
        %get3A_169 = arith.index_cast %add3A_158 : i32 to index
        %get3A_170 = arith.constant 0 : index
        %get3A_171 = tpu.vector_load %arg15[%get3A_169, %get3A_170] {strides = array<i32>} : memref<80x256xf32, #tpu.memory_space<vmem>>, vector<16xf32>,
        %mul3A_172 = arith.mulf %get3A_168, %get3A_171 : vector<16xf32>
        %get3A_173 = arith.index_cast %add3A_158 : i32 to index
        %get3A_174 = arith.constant 16 : index
        %get3A_175 = tpu.vector_load %arg14[%get3A_173, %get3A_174] {strides = array<i32>} : memref<80x160xf32, #tpu.memory_space<vmem>>, vector<16xf32>,
        %get3A_176 = arith.index_cast %add3A_158 : i32 to index
        %get3A_177 = arith.constant 16 : index
        %get3A_178 = tpu.vector_load %arg15[%get3A_176, %get3A_177] {strides = array<i32>} : memref<80x256xf32, #tpu.memory_space<vmem>>, vector<16xf32>,
        %mul3A_179 = arith.mulf %get3A_175, %get3A_178 : vector<16xf32>
        %get3A_180 = arith.index_cast %add3A_158 : i32 to index
        %get3A_181 = arith.constant 32 : index
        %get3A_182 = tpu.vector_load %arg14[%get3A_180, %get3A_181] {strides = array<i32>} : memref<80x160xf32, #tpu.memory_space<vmem>>, vector<16xf32>,
        %get3A_183 = arith.index_cast %add3A_158 : i32 to index
        %get3A_184 = arith.constant 32 : index
        %get3A_185 = tpu.vector_load %arg15[%get3A_183, %get3A_184] {strides = array<i32>} : memref<80x256xf32, #tpu.memory_space<vmem>>, vector<16xf32>,
        %mul3A_186 = arith.mulf %get3A_182, %get3A_185 : vector<16xf32>
        %get3A_187 = arith.index_cast %add3A_158 : i32 to index
        %get3A_188 = arith.constant 48 : index
        %get3A_189 = tpu.vector_load %arg14[%get3A_187, %get3A_188] {strides = array<i32>} : memref<80x160xf32, #tpu.memory_space<vmem>>, vector<16xf32>,
        %get3A_190 = arith.index_cast %add3A_158 : i32 to index
        %get3A_191 = arith.constant 48 : index
        %get3A_192 = tpu.vector_load %arg15[%get3A_190, %get3A_191] {strides = array<i32>} : memref<80x256xf32, #tpu.memory_space<vmem>>, vector<16xf32>,
        %mul3A_193 = arith.mulf %get3A_189, %get3A_192 : vector<16xf32>
        %get3A_194 = arith.index_cast %add3A_158 : i32 to index
        %get3A_195 = arith.constant 64 : index
        %get3A_196 = tpu.vector_load %arg14[%get3A_194, %get3A_195] {strides = array<i32>} : memref<80x160xf32, #tpu.memory_space<vmem>>, vector<16xf32>,
        %get3A_197 = arith.index_cast %add3A_158 : i32 to index
        %get3A_198 = arith.constant 64 : index
        %get3A_199 = tpu.vector_load %arg15[%get3A_197, %get3A_198] {strides = array<i32>} : memref<80x256xf32, #tpu.memory_space<vmem>>, vector<16xf32>,
        %mul3A_200 = arith.mulf %get3A_196, %get3A_199 : vector<16xf32>
        %get3A_201 = arith.index_cast %add3A_158 : i32 to index
        %get3A_202 = arith.constant 80 : index
        %get3A_203 = tpu.vector_load %arg14[%get3A_201, %get3A_202] {strides = array<i32>} : memref<80x160xf32, #tpu.memory_space<vmem>>, vector<16xf32>,
        %get3A_204 = arith.index_cast %add3A_158 : i32 to index
        %get3A_205 = arith.constant 80 : index
        %get3A_206 = tpu.vector_load %arg15[%get3A_204, %get3A_205] {strides = array<i32>} : memref<80x256xf32, #tpu.memory_space<vmem>>, vector<16xf32>,
        %mul3A_207 = arith.mulf %get3A_203, %get3A_206 : vector<16xf32>
        %get3A_208 = arith.index_cast %add3A_158 : i32 to index
        %get3A_209 = arith.constant 96 : index
        %get3A_210 = tpu.vector_load %arg14[%get3A_208, %get3A_209] {strides = array<i32>} : memref<80x160xf32, #tpu.memory_space<vmem>>, vector<16xf32>,
        %get3A_211 = arith.index_cast %add3A_158 : i32 to index
        %get3A_212 = arith.constant 96 : index
        %get3A_213 = tpu.vector_load %arg15[%get3A_211, %get3A_212] {strides = array<i32>} : memref<80x256xf32, #tpu.memory_space<vmem>>, vector<16xf32>,
        %mul3A_214 = arith.mulf %get3A_210, %get3A_213 : vector<16xf32>
        %get3A_215 = arith.index_cast %add3A_158 : i32 to index
        %get3A_216 = arith.constant 112 : index
        %get3A_217 = tpu.vector_load %arg14[%get3A_215, %get3A_216] {strides = array<i32>} : memref<80x160xf32, #tpu.memory_space<vmem>>, vector<16xf32>,
        %get3A_218 = arith.index_cast %add3A_158 : i32 to index
        %get3A_219 = arith.constant 112 : index
        %get3A_220 = tpu.vector_load %arg15[%get3A_218, %get3A_219] {strides = array<i32>} : memref<80x256xf32, #tpu.memory_space<vmem>>, vector<16xf32>,
        %mul3A_221 = arith.mulf %get3A_217, %get3A_220 : vector<16xf32>
        %get3A_222 = arith.index_cast %add3A_160 : i32 to index
        %get3A_223 = arith.constant 0 : index
        %get3A_224 = tpu.vector_load %arg14[%get3A_222, %get3A_223] {strides = array<i32>} : memref<80x160xf32, #tpu.memory_space<vmem>>, vector<16xf32>,
        %get3A_225 = arith.index_cast %add3A_160 : i32 to index
        %get3A_226 = arith.constant 0 : index
        %get3A_227 = tpu.vector_load %arg15[%get3A_225, %get3A_226] {strides = array<i32>} : memref<80x256xf32, #tpu.memory_space<vmem>>, vector<16xf32>,
        %mul3A_228 = arith.mulf %get3A_224, %get3A_227 : vector<16xf32>
        %get3A_229 = arith.index_cast %add3A_160 : i32 to index
        %get3A_230 = arith.constant 16 : index
        %get3A_231 = tpu.vector_load %arg14[%get3A_229, %get3A_230] {strides = array<i32>} : memref<80x160xf32, #tpu.memory_space<vmem>>, vector<16xf32>,
        %get3A_232 = arith.index_cast %add3A_160 : i32 to index
        %get3A_233 = arith.constant 16 : index
        %get3A_234 = tpu.vector_load %arg15[%get3A_232, %get3A_233] {strides = array<i32>} : memref<80x256xf32, #tpu.memory_space<vmem>>, vector<16xf32>,
        %mul3A_235 = arith.mulf %get3A_231, %get3A_234 : vector<16xf32>
        %get3A_236 = arith.index_cast %add3A_160 : i32 to index
        %get3A_237 = arith.constant 32 : index
        %get3A_238 = tpu.vector_load %arg14[%get3A_236, %get3A_237] {strides = array<i32>} : memref<80x160xf32, #tpu.memory_space<vmem>>, vector<16xf32>,
        %get3A_239 = arith.index_cast %add3A_160 : i32 to index
        %get3A_240 = arith.constant 32 : index
        %get3A_241 = tpu.vector_load %arg15[%get3A_239, %get3A_240] {strides = array<i32>} : memref<80x256xf32, #tpu.memory_space<vmem>>, vector<16xf32>,
        %mul3A_242 = arith.mulf %get3A_238, %get3A_241 : vector<16xf32>
        %get3A_243 = arith.index_cast %add3A_160 : i32 to index
        %get3A_244 = arith.constant 48 : index
        %get3A_245 = tpu.vector_load %arg14[%get3A_243, %get3A_244] {strides = array<i32>} : memref<80x160xf32, #tpu.memory_space<vmem>>, vector<16xf32>,
        %get3A_246 = arith.index_cast %add3A_160 : i32 to index
        %get3A_247 = arith.constant 48 : index
        %get3A_248 = tpu.vector_load %arg15[%get3A_246, %get3A_247] {strides = array<i32>} : memref<80x256xf32, #tpu.memory_space<vmem>>, vector<16xf32>,
        %mul3A_249 = arith.mulf %get3A_245, %get3A_248 : vector<16xf32>
        %get3A_250 = arith.index_cast %add3A_160 : i32 to index
        %get3A_251 = arith.constant 64 : index
        %get3A_252 = tpu.vector_load %arg14[%get3A_250, %get3A_251] {strides = array<i32>} : memref<80x160xf32, #tpu.memory_space<vmem>>, vector<16xf32>,
        %get3A_253 = arith.index_cast %add3A_160 : i32 to index
        %get3A_254 = arith.constant 64 : index
        %get3A_255 = tpu.vector_load %arg15[%get3A_253, %get3A_254] {strides = array<i32>} : memref<80x256xf32, #tpu.memory_space<vmem>>, vector<16xf32>,
        %mul3A_256 = arith.mulf %get3A_252, %get3A_255 : vector<16xf32>
        %get3A_257 = arith.index_cast %add3A_160 : i32 to index
        %get3A_258 = arith.constant 80 : index
        %get3A_259 = tpu.vector_load %arg14[%get3A_257, %get3A_258] {strides = array<i32>} : memref<80x160xf32, #tpu.memory_space<vmem>>, vector<16xf32>,
        %get3A_260 = arith.index_cast %add3A_160 : i32 to index
        %get3A_261 = arith.constant 80 : index
        %get3A_262 = tpu.vector_load %arg15[%get3A_260, %get3A_261] {strides = array<i32>} : memref<80x256xf32, #tpu.memory_space<vmem>>, vector<16xf32>,
        %mul3A_263 = arith.mulf %get3A_259, %get3A_262 : vector<16xf32>
        %get3A_264 = arith.index_cast %add3A_160 : i32 to index
        %get3A_265 = arith.constant 96 : index
        %get3A_266 = tpu.vector_load %arg14[%get3A_264, %get3A_265] {strides = array<i32>} : memref<80x160xf32, #tpu.memory_space<vmem>>, vector<16xf32>,
        %get3A_267 = arith.index_cast %add3A_160 : i32 to index
        %get3A_268 = arith.constant 96 : index
        %get3A_269 = tpu.vector_load %arg15[%get3A_267, %get3A_268] {strides = array<i32>} : memref<80x256xf32, #tpu.memory_space<vmem>>, vector<16xf32>,
        %mul3A_270 = arith.mulf %get3A_266, %get3A_269 : vector<16xf32>
        %get3A_271 = arith.index_cast %add3A_160 : i32 to index
        %get3A_272 = arith.constant 112 : index
        %get3A_273 = tpu.vector_load %arg14[%get3A_271, %get3A_272] {strides = array<i32>} : memref<80x160xf32, #tpu.memory_space<vmem>>, vector<16xf32>,
        %get3A_274 = arith.index_cast %add3A_160 : i32 to index
        %get3A_275 = arith.constant 112 : index
        %get3A_276 = tpu.vector_load %arg15[%get3A_274, %get3A_275] {strides = array<i32>} : memref<80x256xf32, #tpu.memory_space<vmem>>, vector<16xf32>,
        %mul3A_277 = arith.mulf %get3A_273, %get3A_276 : vector<16xf32>
        %add3A_278 = arith.addf %mul3A_172, %mul3A_179 : vector<16xf32>
        %add3A_279 = arith.addf %mul3A_186, %mul3A_193 : vector<16xf32>
        %add3A_280 = arith.addf %add3A_278, %add3A_279 : vector<16xf32>
        %add3A_281 = arith.addf %mul3A_200, %mul3A_207 : vector<16xf32>
        %add3A_282 = arith.addf %mul3A_214, %mul3A_221 : vector<16xf32>
        %add3A_283 = arith.addf %add3A_281, %add3A_282 : vector<16xf32>
        %add3A_284 = arith.addf %add3A_280, %add3A_283 : vector<16xf32>
        %add3A_285 = arith.addf %mul3A_228, %mul3A_235 : vector<16xf32>
        %add3A_286 = arith.addf %mul3A_242, %mul3A_249 : vector<16xf32>
        %add3A_287 = arith.addf %add3A_285, %add3A_286 : vector<16xf32>
        %add3A_288 = arith.addf %mul3A_256, %mul3A_263 : vector<16xf32>
        %add3A_289 = arith.addf %mul3A_270, %mul3A_277 : vector<16xf32>
        %add3A_290 = arith.addf %add3A_288, %add3A_289 : vector<16xf32>
        %add3A_291 = arith.addf %add3A_287, %add3A_290 : vector<16xf32>
        %gather3A_292 = vector.shape_cast %broadcast_in_dim3A_14 : vector<16x1xi32> to vector<16xi32>
        %gather3A_293 = tpu.dynamic_gather %add3A_284[%gather3A_292] in [0] : vector<16xf32>, vector<16xi32> -> vector<16xf32>
        %add3A_294 = arith.addf %add3A_284, %gather3A_293 : vector<16xf32>
        %gather3A_295 = vector.shape_cast %broadcast_in_dim3A_14 : vector<16x1xi32> to vector<16xi32>
        %gather3A_296 = tpu.dynamic_gather %add3A_291[%gather3A_295] in [0] : vector<16xf32>, vector<16xi32> -> vector<16xf32>
        %add3A_297 = arith.addf %add3A_291, %gather3A_296 : vector<16xf32>
        %get3A_298 = arith.index_cast %add3A_158 : i32 to index
        %get3A_299 = arith.constant 128 : index
        %get3A_300 = tpu.vector_load %arg14[%get3A_298, %get3A_299] {strides = array<i32>} : memref<80x160xf32, #tpu.memory_space<vmem>>, vector<16xf32>,
        %get3A_301 = arith.index_cast %add3A_160 : i32 to index
        %get3A_302 = arith.constant 128 : index
        %get3A_303 = tpu.vector_load %arg14[%get3A_301, %get3A_302] {strides = array<i32>} : memref<80x160xf32, #tpu.memory_space<vmem>>, vector<16xf32>,
        %get3A_304 = arith.index_cast %add3A_158 : i32 to index
        %get3A_305 = arith.constant 144 : index
        %get3A_306 = tpu.vector_load %arg14[%get3A_304, %get3A_305] {strides = array<i32>} : memref<80x160xf32, #tpu.memory_space<vmem>>, vector<16xf32>,
        %get3A_307 = arith.index_cast %add3A_160 : i32 to index
        %get3A_308 = arith.constant 144 : index
        %get3A_309 = tpu.vector_load %arg14[%get3A_307, %get3A_308] {strides = array<i32>} : memref<80x160xf32, #tpu.memory_space<vmem>>, vector<16xf32>,
        %mul3A_310 = arith.mulf %gather3A, %get3A_300 : vector<16xf32>
        %add3A_311 = arith.addf %add3A_294, %mul3A_310 : vector<16xf32>
        %gather3A_312 = vector.shape_cast %broadcast_in_dim3A_14 : vector<16x1xi32> to vector<16xi32>
        %gather3A_313 = tpu.dynamic_gather %get3A_300[%gather3A_312] in [0] : vector<16xf32>, vector<16xi32> -> vector<16xf32>
        %mul3A_314 = arith.mulf %gather3A_164, %gather3A_313 : vector<16xf32>
        %add3A_315 = arith.addf %add3A_311, %mul3A_314 : vector<16xf32>
        %add3A_316 = arith.addf %add3A_315, %get3A_306 : vector<16xf32>
        %mul3A_317 = arith.mulf %gather3A_163, %get3A_303 : vector<16xf32>
        %add3A_318 = arith.addf %add3A_297, %mul3A_317 : vector<16xf32>
        %gather3A_319 = vector.shape_cast %broadcast_in_dim3A_14 : vector<16x1xi32> to vector<16xi32>
        %gather3A_320 = tpu.dynamic_gather %get3A_303[%gather3A_319] in [0] : vector<16xf32>, vector<16xi32> -> vector<16xf32>
        %mul3A_321 = arith.mulf %gather3A_165, %gather3A_320 : vector<16xf32>
        %add3A_322 = arith.addf %add3A_318, %mul3A_321 : vector<16xf32>
        %add3A_323 = arith.addf %add3A_322, %get3A_309 : vector<16xf32>
        %min3A = arith.constant 6.000000e+01 : f32
        %min3A_324 = vector.broadcast %min3A : f32 to vector<16xf32>
        %min3A_325 = arith.minimumf %add3A_316, %min3A_324 : vector<16xf32>
        %exp3A = math.exp %min3A_325 : vector<16xf32>
        %min3A_326 = arith.constant 6.000000e+01 : f32
        %min3A_327 = vector.broadcast %min3A_326 : f32 to vector<16xf32>
        %min3A_328 = arith.minimumf %add3A_323, %min3A_327 : vector<16xf32>
        %exp3A_329 = math.exp %min3A_328 : vector<16xf32>
        %select_n3A = arith.select %lt3A_9, %broadcast_in_dim3A_161, %broadcast_in_dim3A_162 : vector<16xi1>, vector<16xi32>
        %gather3A_330 = vector.shape_cast %broadcast_in_dim3A_14 : vector<16x1xi32> to vector<16xi32>
        %gather3A_331 = tpu.dynamic_gather %exp3A_329[%gather3A_330] in [0] : vector<16xf32>, vector<16xi32> -> vector<16xf32>
        %select_n3A_332 = arith.select %lt3A_9, %exp3A, %gather3A_331 : vector<16xi1>, vector<16xf32>
        tpu.vector_store_idx %arg18[%select_n3A, %and3A_11], %select_n3A_332 : memref<80x8xf32, #tpu.memory_space<vmem>>[vector<16xi32>, vector<16xi32>], vector<16xf32>,
        %mul3A_333 = arith.mulf %gather3A, %get3A_56 : vector<16xf32>
        %mul3A_334 = arith.mulf %gather3A_164, %get3A_88 : vector<16xf32>
        %add3A_335 = arith.addf %mul3A_333, %mul3A_334 : vector<16xf32>
        %add3A_336 = arith.addf %add3A_335, %get3A_120 : vector<16xf32>
        %get3A_337 = arith.index_cast %add3A_158 : i32 to index
        %get3A_338 = arith.constant 128 : index
        %get3A_339 = tpu.vector_load %arg15[%get3A_337, %get3A_338] {strides = array<i32>} : memref<80x256xf32, #tpu.memory_space<vmem>>, vector<16xf32>,
        %add3A_340 = arith.addf %get3A_339, %add3A_336 : vector<16xf32>
        %gather3A_341 = vector.shape_cast %broadcast_in_dim3A_16 : vector<16x1xi32> to vector<16xi32>
        %gather3A_342 = tpu.dynamic_gather %exp3A[%gather3A_341] in [0] : vector<16xf32>, vector<16xi32> -> vector<16xf32>
        %mul3A_343 = arith.mulf %add3A_340, %gather3A_342 : vector<16xf32>
        %swap3A = arith.index_cast %add3A_158 : i32 to index
        %swap3A_344 = arith.constant 0 : index
        %swap3A_345 = tpu.vector_load %arg17[%swap3A, %swap3A_344] {strides = array<i32>} : memref<80x128xf32, #tpu.memory_space<vmem>>, vector<16xf32>,
        tpu.vector_store %arg17[%swap3A, %swap3A_344], %mul3A_343 {strides = array<i32>} : memref<80x128xf32, #tpu.memory_space<vmem>>, vector<16xf32>,
        %mul3A_346 = arith.mulf %gather3A_163, %get3A_56 : vector<16xf32>
        %mul3A_347 = arith.mulf %gather3A_165, %get3A_88 : vector<16xf32>
        %add3A_348 = arith.addf %mul3A_346, %mul3A_347 : vector<16xf32>
        %add3A_349 = arith.addf %add3A_348, %get3A_120 : vector<16xf32>
        %get3A_350 = arith.index_cast %add3A_160 : i32 to index
        %get3A_351 = arith.constant 128 : index
        %get3A_352 = tpu.vector_load %arg15[%get3A_350, %get3A_351] {strides = array<i32>} : memref<80x256xf32, #tpu.memory_space<vmem>>, vector<16xf32>,
        %add3A_353 = arith.addf %get3A_352, %add3A_349 : vector<16xf32>
        %gather3A_354 = vector.shape_cast %broadcast_in_dim3A_16 : vector<16x1xi32> to vector<16xi32>
        %gather3A_355 = tpu.dynamic_gather %exp3A_329[%gather3A_354] in [0] : vector<16xf32>, vector<16xi32> -> vector<16xf32>
        %mul3A_356 = arith.mulf %add3A_353, %gather3A_355 : vector<16xf32>
        %swap3A_357 = arith.index_cast %add3A_160 : i32 to index
        %swap3A_358 = arith.constant 0 : index
        %swap3A_359 = tpu.vector_load %arg17[%swap3A_357, %swap3A_358] {strides = array<i32>} : memref<80x128xf32, #tpu.memory_space<vmem>>, vector<16xf32>,
        tpu.vector_store %arg17[%swap3A_357, %swap3A_358], %mul3A_356 {strides = array<i32>} : memref<80x128xf32, #tpu.memory_space<vmem>>, vector<16xf32>,
        %mul3A_360 = arith.mulf %gather3A, %get3A_60 : vector<16xf32>
        %mul3A_361 = arith.mulf %gather3A_164, %get3A_92 : vector<16xf32>
        %add3A_362 = arith.addf %mul3A_360, %mul3A_361 : vector<16xf32>
        %add3A_363 = arith.addf %add3A_362, %get3A_124 : vector<16xf32>
        %get3A_364 = arith.index_cast %add3A_158 : i32 to index
        %get3A_365 = arith.constant 144 : index
        %get3A_366 = tpu.vector_load %arg15[%get3A_364, %get3A_365] {strides = array<i32>} : memref<80x256xf32, #tpu.memory_space<vmem>>, vector<16xf32>,
        %add3A_367 = arith.addf %get3A_366, %add3A_363 : vector<16xf32>
        %gather3A_368 = vector.shape_cast %broadcast_in_dim3A_18 : vector<16x1xi32> to vector<16xi32>
        %gather3A_369 = tpu.dynamic_gather %exp3A[%gather3A_368] in [0] : vector<16xf32>, vector<16xi32> -> vector<16xf32>
        %mul3A_370 = arith.mulf %add3A_367, %gather3A_369 : vector<16xf32>
        %swap3A_371 = arith.index_cast %add3A_158 : i32 to index
        %swap3A_372 = arith.constant 16 : index
        %swap3A_373 = tpu.vector_load %arg17[%swap3A_371, %swap3A_372] {strides = array<i32>} : memref<80x128xf32, #tpu.memory_space<vmem>>, vector<16xf32>,
        tpu.vector_store %arg17[%swap3A_371, %swap3A_372], %mul3A_370 {strides = array<i32>} : memref<80x128xf32, #tpu.memory_space<vmem>>, vector<16xf32>,
        %mul3A_374 = arith.mulf %gather3A_163, %get3A_60 : vector<16xf32>
        %mul3A_375 = arith.mulf %gather3A_165, %get3A_92 : vector<16xf32>
        %add3A_376 = arith.addf %mul3A_374, %mul3A_375 : vector<16xf32>
        %add3A_377 = arith.addf %add3A_376, %get3A_124 : vector<16xf32>
        %get3A_378 = arith.index_cast %add3A_160 : i32 to index
        %get3A_379 = arith.constant 144 : index
        %get3A_380 = tpu.vector_load %arg15[%get3A_378, %get3A_379] {strides = array<i32>} : memref<80x256xf32, #tpu.memory_space<vmem>>, vector<16xf32>,
        %add3A_381 = arith.addf %get3A_380, %add3A_377 : vector<16xf32>
        %gather3A_382 = vector.shape_cast %broadcast_in_dim3A_18 : vector<16x1xi32> to vector<16xi32>
        %gather3A_383 = tpu.dynamic_gather %exp3A_329[%gather3A_382] in [0] : vector<16xf32>, vector<16xi32> -> vector<16xf32>
        %mul3A_384 = arith.mulf %add3A_381, %gather3A_383 : vector<16xf32>
        %swap3A_385 = arith.index_cast %add3A_160 : i32 to index
        %swap3A_386 = arith.constant 16 : index
        %swap3A_387 = tpu.vector_load %arg17[%swap3A_385, %swap3A_386] {strides = array<i32>} : memref<80x128xf32, #tpu.memory_space<vmem>>, vector<16xf32>,
        tpu.vector_store %arg17[%swap3A_385, %swap3A_386], %mul3A_384 {strides = array<i32>} : memref<80x128xf32, #tpu.memory_space<vmem>>, vector<16xf32>,
        %mul3A_388 = arith.mulf %gather3A, %get3A_64 : vector<16xf32>
        %mul3A_389 = arith.mulf %gather3A_164, %get3A_96 : vector<16xf32>
        %add3A_390 = arith.addf %mul3A_388, %mul3A_389 : vector<16xf32>
        %add3A_391 = arith.addf %add3A_390, %get3A_128 : vector<16xf32>
        %get3A_392 = arith.index_cast %add3A_158 : i32 to index
        %get3A_393 = arith.constant 160 : index
        %get3A_394 = tpu.vector_load %arg15[%get3A_392, %get3A_393] {strides = array<i32>} : memref<80x256xf32, #tpu.memory_space<vmem>>, vector<16xf32>,
        %add3A_395 = arith.addf %get3A_394, %add3A_391 : vector<16xf32>
        %gather3A_396 = vector.shape_cast %broadcast_in_dim3A_20 : vector<16x1xi32> to vector<16xi32>
        %gather3A_397 = tpu.dynamic_gather %exp3A[%gather3A_396] in [0] : vector<16xf32>, vector<16xi32> -> vector<16xf32>
        %mul3A_398 = arith.mulf %add3A_395, %gather3A_397 : vector<16xf32>
        %swap3A_399 = arith.index_cast %add3A_158 : i32 to index
        %swap3A_400 = arith.constant 32 : index
        %swap3A_401 = tpu.vector_load %arg17[%swap3A_399, %swap3A_400] {strides = array<i32>} : memref<80x128xf32, #tpu.memory_space<vmem>>, vector<16xf32>,
        tpu.vector_store %arg17[%swap3A_399, %swap3A_400], %mul3A_398 {strides = array<i32>} : memref<80x128xf32, #tpu.memory_space<vmem>>, vector<16xf32>,
        %mul3A_402 = arith.mulf %gather3A_163, %get3A_64 : vector<16xf32>
        %mul3A_403 = arith.mulf %gather3A_165, %get3A_96 : vector<16xf32>
        %add3A_404 = arith.addf %mul3A_402, %mul3A_403 : vector<16xf32>
        %add3A_405 = arith.addf %add3A_404, %get3A_128 : vector<16xf32>
        %get3A_406 = arith.index_cast %add3A_160 : i32 to index
        %get3A_407 = arith.constant 160 : index
        %get3A_408 = tpu.vector_load %arg15[%get3A_406, %get3A_407] {strides = array<i32>} : memref<80x256xf32, #tpu.memory_space<vmem>>, vector<16xf32>,
        %add3A_409 = arith.addf %get3A_408, %add3A_405 : vector<16xf32>
        %gather3A_410 = vector.shape_cast %broadcast_in_dim3A_20 : vector<16x1xi32> to vector<16xi32>
        %gather3A_411 = tpu.dynamic_gather %exp3A_329[%gather3A_410] in [0] : vector<16xf32>, vector<16xi32> -> vector<16xf32>
        %mul3A_412 = arith.mulf %add3A_409, %gather3A_411 : vector<16xf32>
        %swap3A_413 = arith.index_cast %add3A_160 : i32 to index
        %swap3A_414 = arith.constant 32 : index
        %swap3A_415 = tpu.vector_load %arg17[%swap3A_413, %swap3A_414] {strides = array<i32>} : memref<80x128xf32, #tpu.memory_space<vmem>>, vector<16xf32>,
        tpu.vector_store %arg17[%swap3A_413, %swap3A_414], %mul3A_412 {strides = array<i32>} : memref<80x128xf32, #tpu.memory_space<vmem>>, vector<16xf32>,
        %mul3A_416 = arith.mulf %gather3A, %get3A_68 : vector<16xf32>
        %mul3A_417 = arith.mulf %gather3A_164, %get3A_100 : vector<16xf32>
        %add3A_418 = arith.addf %mul3A_416, %mul3A_417 : vector<16xf32>
        %add3A_419 = arith.addf %add3A_418, %get3A_132 : vector<16xf32>
        %get3A_420 = arith.index_cast %add3A_158 : i32 to index
        %get3A_421 = arith.constant 176 : index
        %get3A_422 = tpu.vector_load %arg15[%get3A_420, %get3A_421] {strides = array<i32>} : memref<80x256xf32, #tpu.memory_space<vmem>>, vector<16xf32>,
        %add3A_423 = arith.addf %get3A_422, %add3A_419 : vector<16xf32>
        %gather3A_424 = vector.shape_cast %broadcast_in_dim3A_22 : vector<16x1xi32> to vector<16xi32>
        %gather3A_425 = tpu.dynamic_gather %exp3A[%gather3A_424] in [0] : vector<16xf32>, vector<16xi32> -> vector<16xf32>
        %mul3A_426 = arith.mulf %add3A_423, %gather3A_425 : vector<16xf32>
        %swap3A_427 = arith.index_cast %add3A_158 : i32 to index
        %swap3A_428 = arith.constant 48 : index
        %swap3A_429 = tpu.vector_load %arg17[%swap3A_427, %swap3A_428] {strides = array<i32>} : memref<80x128xf32, #tpu.memory_space<vmem>>, vector<16xf32>,
        tpu.vector_store %arg17[%swap3A_427, %swap3A_428], %mul3A_426 {strides = array<i32>} : memref<80x128xf32, #tpu.memory_space<vmem>>, vector<16xf32>,
        %mul3A_430 = arith.mulf %gather3A_163, %get3A_68 : vector<16xf32>
        %mul3A_431 = arith.mulf %gather3A_165, %get3A_100 : vector<16xf32>
        %add3A_432 = arith.addf %mul3A_430, %mul3A_431 : vector<16xf32>
        %add3A_433 = arith.addf %add3A_432, %get3A_132 : vector<16xf32>
        %get3A_434 = arith.index_cast %add3A_160 : i32 to index
        %get3A_435 = arith.constant 176 : index
        %get3A_436 = tpu.vector_load %arg15[%get3A_434, %get3A_435] {strides = array<i32>} : memref<80x256xf32, #tpu.memory_space<vmem>>, vector<16xf32>,
        %add3A_437 = arith.addf %get3A_436, %add3A_433 : vector<16xf32>
        %gather3A_438 = vector.shape_cast %broadcast_in_dim3A_22 : vector<16x1xi32> to vector<16xi32>
        %gather3A_439 = tpu.dynamic_gather %exp3A_329[%gather3A_438] in [0] : vector<16xf32>, vector<16xi32> -> vector<16xf32>
        %mul3A_440 = arith.mulf %add3A_437, %gather3A_439 : vector<16xf32>
        %swap3A_441 = arith.index_cast %add3A_160 : i32 to index
        %swap3A_442 = arith.constant 48 : index
        %swap3A_443 = tpu.vector_load %arg17[%swap3A_441, %swap3A_442] {strides = array<i32>} : memref<80x128xf32, #tpu.memory_space<vmem>>, vector<16xf32>,
        tpu.vector_store %arg17[%swap3A_441, %swap3A_442], %mul3A_440 {strides = array<i32>} : memref<80x128xf32, #tpu.memory_space<vmem>>, vector<16xf32>,
        %mul3A_444 = arith.mulf %gather3A, %get3A_72 : vector<16xf32>
        %mul3A_445 = arith.mulf %gather3A_164, %get3A_104 : vector<16xf32>
        %add3A_446 = arith.addf %mul3A_444, %mul3A_445 : vector<16xf32>
        %add3A_447 = arith.addf %add3A_446, %get3A_136 : vector<16xf32>
        %get3A_448 = arith.index_cast %add3A_158 : i32 to index
        %get3A_449 = arith.constant 192 : index
        %get3A_450 = tpu.vector_load %arg15[%get3A_448, %get3A_449] {strides = array<i32>} : memref<80x256xf32, #tpu.memory_space<vmem>>, vector<16xf32>,
        %add3A_451 = arith.addf %get3A_450, %add3A_447 : vector<16xf32>
        %gather3A_452 = vector.shape_cast %broadcast_in_dim3A_24 : vector<16x1xi32> to vector<16xi32>
        %gather3A_453 = tpu.dynamic_gather %exp3A[%gather3A_452] in [0] : vector<16xf32>, vector<16xi32> -> vector<16xf32>
        %mul3A_454 = arith.mulf %add3A_451, %gather3A_453 : vector<16xf32>
        %swap3A_455 = arith.index_cast %add3A_158 : i32 to index
        %swap3A_456 = arith.constant 64 : index
        %swap3A_457 = tpu.vector_load %arg17[%swap3A_455, %swap3A_456] {strides = array<i32>} : memref<80x128xf32, #tpu.memory_space<vmem>>, vector<16xf32>,
        tpu.vector_store %arg17[%swap3A_455, %swap3A_456], %mul3A_454 {strides = array<i32>} : memref<80x128xf32, #tpu.memory_space<vmem>>, vector<16xf32>,
        %mul3A_458 = arith.mulf %gather3A_163, %get3A_72 : vector<16xf32>
        %mul3A_459 = arith.mulf %gather3A_165, %get3A_104 : vector<16xf32>
        %add3A_460 = arith.addf %mul3A_458, %mul3A_459 : vector<16xf32>
        %add3A_461 = arith.addf %add3A_460, %get3A_136 : vector<16xf32>
        %get3A_462 = arith.index_cast %add3A_160 : i32 to index
        %get3A_463 = arith.constant 192 : index
        %get3A_464 = tpu.vector_load %arg15[%get3A_462, %get3A_463] {strides = array<i32>} : memref<80x256xf32, #tpu.memory_space<vmem>>, vector<16xf32>,
        %add3A_465 = arith.addf %get3A_464, %add3A_461 : vector<16xf32>
        %gather3A_466 = vector.shape_cast %broadcast_in_dim3A_24 : vector<16x1xi32> to vector<16xi32>
        %gather3A_467 = tpu.dynamic_gather %exp3A_329[%gather3A_466] in [0] : vector<16xf32>, vector<16xi32> -> vector<16xf32>
        %mul3A_468 = arith.mulf %add3A_465, %gather3A_467 : vector<16xf32>
        %swap3A_469 = arith.index_cast %add3A_160 : i32 to index
        %swap3A_470 = arith.constant 64 : index
        %swap3A_471 = tpu.vector_load %arg17[%swap3A_469, %swap3A_470] {strides = array<i32>} : memref<80x128xf32, #tpu.memory_space<vmem>>, vector<16xf32>,
        tpu.vector_store %arg17[%swap3A_469, %swap3A_470], %mul3A_468 {strides = array<i32>} : memref<80x128xf32, #tpu.memory_space<vmem>>, vector<16xf32>,
        %mul3A_472 = arith.mulf %gather3A, %get3A_76 : vector<16xf32>
        %mul3A_473 = arith.mulf %gather3A_164, %get3A_108 : vector<16xf32>
        %add3A_474 = arith.addf %mul3A_472, %mul3A_473 : vector<16xf32>
        %add3A_475 = arith.addf %add3A_474, %get3A_140 : vector<16xf32>
        %get3A_476 = arith.index_cast %add3A_158 : i32 to index
        %get3A_477 = arith.constant 208 : index
        %get3A_478 = tpu.vector_load %arg15[%get3A_476, %get3A_477] {strides = array<i32>} : memref<80x256xf32, #tpu.memory_space<vmem>>, vector<16xf32>,
        %add3A_479 = arith.addf %get3A_478, %add3A_475 : vector<16xf32>
        %gather3A_480 = vector.shape_cast %broadcast_in_dim3A_26 : vector<16x1xi32> to vector<16xi32>
        %gather3A_481 = tpu.dynamic_gather %exp3A[%gather3A_480] in [0] : vector<16xf32>, vector<16xi32> -> vector<16xf32>
        %mul3A_482 = arith.mulf %add3A_479, %gather3A_481 : vector<16xf32>
        %swap3A_483 = arith.index_cast %add3A_158 : i32 to index
        %swap3A_484 = arith.constant 80 : index
        %swap3A_485 = tpu.vector_load %arg17[%swap3A_483, %swap3A_484] {strides = array<i32>} : memref<80x128xf32, #tpu.memory_space<vmem>>, vector<16xf32>,
        tpu.vector_store %arg17[%swap3A_483, %swap3A_484], %mul3A_482 {strides = array<i32>} : memref<80x128xf32, #tpu.memory_space<vmem>>, vector<16xf32>,
        %mul3A_486 = arith.mulf %gather3A_163, %get3A_76 : vector<16xf32>
        %mul3A_487 = arith.mulf %gather3A_165, %get3A_108 : vector<16xf32>
        %add3A_488 = arith.addf %mul3A_486, %mul3A_487 : vector<16xf32>
        %add3A_489 = arith.addf %add3A_488, %get3A_140 : vector<16xf32>
        %get3A_490 = arith.index_cast %add3A_160 : i32 to index
        %get3A_491 = arith.constant 208 : index
        %get3A_492 = tpu.vector_load %arg15[%get3A_490, %get3A_491] {strides = array<i32>} : memref<80x256xf32, #tpu.memory_space<vmem>>, vector<16xf32>,
        %add3A_493 = arith.addf %get3A_492, %add3A_489 : vector<16xf32>
        %gather3A_494 = vector.shape_cast %broadcast_in_dim3A_26 : vector<16x1xi32> to vector<16xi32>
        %gather3A_495 = tpu.dynamic_gather %exp3A_329[%gather3A_494] in [0] : vector<16xf32>, vector<16xi32> -> vector<16xf32>
        %mul3A_496 = arith.mulf %add3A_493, %gather3A_495 : vector<16xf32>
        %swap3A_497 = arith.index_cast %add3A_160 : i32 to index
        %swap3A_498 = arith.constant 80 : index
        %swap3A_499 = tpu.vector_load %arg17[%swap3A_497, %swap3A_498] {strides = array<i32>} : memref<80x128xf32, #tpu.memory_space<vmem>>, vector<16xf32>,
        tpu.vector_store %arg17[%swap3A_497, %swap3A_498], %mul3A_496 {strides = array<i32>} : memref<80x128xf32, #tpu.memory_space<vmem>>, vector<16xf32>,
        %mul3A_500 = arith.mulf %gather3A, %get3A_80 : vector<16xf32>
        %mul3A_501 = arith.mulf %gather3A_164, %get3A_112 : vector<16xf32>
        %add3A_502 = arith.addf %mul3A_500, %mul3A_501 : vector<16xf32>
        %add3A_503 = arith.addf %add3A_502, %get3A_144 : vector<16xf32>
        %get3A_504 = arith.index_cast %add3A_158 : i32 to index
        %get3A_505 = arith.constant 224 : index
        %get3A_506 = tpu.vector_load %arg15[%get3A_504, %get3A_505] {strides = array<i32>} : memref<80x256xf32, #tpu.memory_space<vmem>>, vector<16xf32>,
        %add3A_507 = arith.addf %get3A_506, %add3A_503 : vector<16xf32>
        %gather3A_508 = vector.shape_cast %broadcast_in_dim3A_28 : vector<16x1xi32> to vector<16xi32>
        %gather3A_509 = tpu.dynamic_gather %exp3A[%gather3A_508] in [0] : vector<16xf32>, vector<16xi32> -> vector<16xf32>
        %mul3A_510 = arith.mulf %add3A_507, %gather3A_509 : vector<16xf32>
        %swap3A_511 = arith.index_cast %add3A_158 : i32 to index
        %swap3A_512 = arith.constant 96 : index
        %swap3A_513 = tpu.vector_load %arg17[%swap3A_511, %swap3A_512] {strides = array<i32>} : memref<80x128xf32, #tpu.memory_space<vmem>>, vector<16xf32>,
        tpu.vector_store %arg17[%swap3A_511, %swap3A_512], %mul3A_510 {strides = array<i32>} : memref<80x128xf32, #tpu.memory_space<vmem>>, vector<16xf32>,
        %mul3A_514 = arith.mulf %gather3A_163, %get3A_80 : vector<16xf32>
        %mul3A_515 = arith.mulf %gather3A_165, %get3A_112 : vector<16xf32>
        %add3A_516 = arith.addf %mul3A_514, %mul3A_515 : vector<16xf32>
        %add3A_517 = arith.addf %add3A_516, %get3A_144 : vector<16xf32>
        %get3A_518 = arith.index_cast %add3A_160 : i32 to index
        %get3A_519 = arith.constant 224 : index
        %get3A_520 = tpu.vector_load %arg15[%get3A_518, %get3A_519] {strides = array<i32>} : memref<80x256xf32, #tpu.memory_space<vmem>>, vector<16xf32>,
        %add3A_521 = arith.addf %get3A_520, %add3A_517 : vector<16xf32>
        %gather3A_522 = vector.shape_cast %broadcast_in_dim3A_28 : vector<16x1xi32> to vector<16xi32>
        %gather3A_523 = tpu.dynamic_gather %exp3A_329[%gather3A_522] in [0] : vector<16xf32>, vector<16xi32> -> vector<16xf32>
        %mul3A_524 = arith.mulf %add3A_521, %gather3A_523 : vector<16xf32>
        %swap3A_525 = arith.index_cast %add3A_160 : i32 to index
        %swap3A_526 = arith.constant 96 : index
        %swap3A_527 = tpu.vector_load %arg17[%swap3A_525, %swap3A_526] {strides = array<i32>} : memref<80x128xf32, #tpu.memory_space<vmem>>, vector<16xf32>,
        tpu.vector_store %arg17[%swap3A_525, %swap3A_526], %mul3A_524 {strides = array<i32>} : memref<80x128xf32, #tpu.memory_space<vmem>>, vector<16xf32>,
        %mul3A_528 = arith.mulf %gather3A, %get3A_84 : vector<16xf32>
        %mul3A_529 = arith.mulf %gather3A_164, %get3A_116 : vector<16xf32>
        %add3A_530 = arith.addf %mul3A_528, %mul3A_529 : vector<16xf32>
        %add3A_531 = arith.addf %add3A_530, %get3A_148 : vector<16xf32>
        %get3A_532 = arith.index_cast %add3A_158 : i32 to index
        %get3A_533 = arith.constant 240 : index
        %get3A_534 = tpu.vector_load %arg15[%get3A_532, %get3A_533] {strides = array<i32>} : memref<80x256xf32, #tpu.memory_space<vmem>>, vector<16xf32>,
        %add3A_535 = arith.addf %get3A_534, %add3A_531 : vector<16xf32>
        %gather3A_536 = vector.shape_cast %broadcast_in_dim3A_30 : vector<16x1xi32> to vector<16xi32>
        %gather3A_537 = tpu.dynamic_gather %exp3A[%gather3A_536] in [0] : vector<16xf32>, vector<16xi32> -> vector<16xf32>
        %mul3A_538 = arith.mulf %add3A_535, %gather3A_537 : vector<16xf32>
        %swap3A_539 = arith.index_cast %add3A_158 : i32 to index
        %swap3A_540 = arith.constant 112 : index
        %swap3A_541 = tpu.vector_load %arg17[%swap3A_539, %swap3A_540] {strides = array<i32>} : memref<80x128xf32, #tpu.memory_space<vmem>>, vector<16xf32>,
        tpu.vector_store %arg17[%swap3A_539, %swap3A_540], %mul3A_538 {strides = array<i32>} : memref<80x128xf32, #tpu.memory_space<vmem>>, vector<16xf32>,
        %mul3A_542 = arith.mulf %gather3A_163, %get3A_84 : vector<16xf32>
        %mul3A_543 = arith.mulf %gather3A_165, %get3A_116 : vector<16xf32>
        %add3A_544 = arith.addf %mul3A_542, %mul3A_543 : vector<16xf32>
        %add3A_545 = arith.addf %add3A_544, %get3A_148 : vector<16xf32>
        %get3A_546 = arith.index_cast %add3A_160 : i32 to index
        %get3A_547 = arith.constant 240 : index
        %get3A_548 = tpu.vector_load %arg15[%get3A_546, %get3A_547] {strides = array<i32>} : memref<80x256xf32, #tpu.memory_space<vmem>>, vector<16xf32>,
        %add3A_549 = arith.addf %get3A_548, %add3A_545 : vector<16xf32>
        %gather3A_550 = vector.shape_cast %broadcast_in_dim3A_30 : vector<16x1xi32> to vector<16xi32>
        %gather3A_551 = tpu.dynamic_gather %exp3A_329[%gather3A_550] in [0] : vector<16xf32>, vector<16xi32> -> vector<16xf32>
        %mul3A_552 = arith.mulf %add3A_549, %gather3A_551 : vector<16xf32>
        %swap3A_553 = arith.index_cast %add3A_160 : i32 to index
        %swap3A_554 = arith.constant 112 : index
        %swap3A_555 = tpu.vector_load %arg17[%swap3A_553, %swap3A_554] {strides = array<i32>} : memref<80x128xf32, #tpu.memory_space<vmem>>, vector<16xf32>,
        tpu.vector_store %arg17[%swap3A_553, %swap3A_554], %mul3A_552 {strides = array<i32>} : memref<80x128xf32, #tpu.memory_space<vmem>>, vector<16xf32>,
      }
      %scan3A_153 = arith.constant 40 : i32
      "tpu.region"() ({
        %run_scoped3A = tpu.sem_alloc : memref<!tpu.dma_semaphore, #tpu.memory_space<semaphore_mem>>
        %dma_start3A = arith.constant 0 : i32
        %dma_start3A_154 = arith.constant 0 : i32
        %dma_start3A_155 = tpu.memref_slice %arg20[%dma_start3A, %dma_start3A_154] : memref<10000x128xf32, #tpu.memory_space<vmem_shared>> -> memref<10000x128xf32, #tpu.memory_space<vmem_shared>>
        tpu.enqueue_indirect_dma source(%arg17 : memref<80x128xf32, #tpu.memory_space<vmem>>) target(%dma_start3A_155 : memref<10000x128xf32, #tpu.memory_space<vmem_shared>>) offsets(%arg13 : memref<80xi32, #tpu.memory_space<vmem>>) semaphore(%run_scoped3A : memref<!tpu.dma_semaphore, #tpu.memory_space<semaphore_mem>>) {add = true}
        %dma_wait3A = arith.constant 0 : i32
        %dma_wait3A_156 = arith.constant 0 : i32
        %dma_wait3A_157 = tpu.memref_slice %arg20[%dma_wait3A, %dma_wait3A_156] : memref<10000x128xf32, #tpu.memory_space<vmem_shared>> -> memref<10000x128xf32, #tpu.memory_space<vmem_shared>>
        tpu.wait_indirect_dma semaphore(%run_scoped3A : memref<!tpu.dma_semaphore, #tpu.memory_space<semaphore_mem>>) src(%arg17 : memref<80x128xf32, #tpu.memory_space<vmem>>) dst(%dma_wait3A_157 : memref<10000x128xf32, #tpu.memory_space<vmem_shared>>)
        tpu.yield
      }) : () -> ()
      "tpu.region"() ({
        %run_scoped3A = tpu.sem_alloc : memref<!tpu.dma_semaphore, #tpu.memory_space<semaphore_mem>>
        %dma_start3A = arith.constant 0 : i32
        %dma_start3A_154 = arith.constant 0 : i32
        %dma_start3A_155 = tpu.memref_slice %arg21[%dma_start3A, %dma_start3A_154] : memref<10000x8xf32, #tpu.memory_space<vmem_shared>> -> memref<10000x8xf32, #tpu.memory_space<vmem_shared>>
        tpu.enqueue_indirect_dma source(%arg18 : memref<80x8xf32, #tpu.memory_space<vmem>>) target(%dma_start3A_155 : memref<10000x8xf32, #tpu.memory_space<vmem_shared>>) offsets(%arg13 : memref<80xi32, #tpu.memory_space<vmem>>) semaphore(%run_scoped3A : memref<!tpu.dma_semaphore, #tpu.memory_space<semaphore_mem>>) {add = true}
        %dma_wait3A = arith.constant 0 : i32
        %dma_wait3A_156 = arith.constant 0 : i32
        %dma_wait3A_157 = tpu.memref_slice %arg21[%dma_wait3A, %dma_wait3A_156] : memref<10000x8xf32, #tpu.memory_space<vmem_shared>> -> memref<10000x8xf32, #tpu.memory_space<vmem_shared>>
        tpu.wait_indirect_dma semaphore(%run_scoped3A : memref<!tpu.dma_semaphore, #tpu.memory_space<semaphore_mem>>) src(%arg18 : memref<80x8xf32, #tpu.memory_space<vmem>>) dst(%dma_wait3A_157 : memref<10000x8xf32, #tpu.memory_space<vmem_shared>>)
        tpu.yield
      }) : () -> ()
    }
    %scan3A_34 = arith.constant 125 : i32
    %barrier3A_35 = arith.constant 0 : index
    tpu.barrier barrier_id(%barrier3A_35)
    %mul3A_36 = arith.constant 625 : i32
    %mul3A_37 = arith.muli %arg1, %mul3A_36 : i32
    %mul3A_38 = arith.constant 625 : i32
    %mul3A_39 = arith.muli %arg1, %mul3A_38 : i32
    "tpu.region"() ({
      %run_scoped3A = tpu.sem_alloc : memref<!tpu.dma_semaphore, #tpu.memory_space<semaphore_mem>>
      %dma_start3A = arith.constant 0 : i32
      %dma_start3A_44 = tpu.memref_slice %arg10[%arg0, %mul3A_39, %dma_start3A] : memref<2x10000x128xf32, #tpu.memory_space<hbm>> -> memref<1x625x128xf32, #tpu.memory_space<hbm>>
      %dma_start3A_45 = tpu.memref_squeeze %dma_start3A_44 : memref<1x625x128xf32, #tpu.memory_space<hbm>> -> memref<625x128xf32, #tpu.memory_space<hbm>>
      %dma_start3A_46 = arith.constant 0 : i32
      %dma_start3A_47 = tpu.memref_slice %arg20[%mul3A_37, %dma_start3A_46] : memref<10000x128xf32, #tpu.memory_space<vmem_shared>> -> memref<625x128xf32, #tpu.memory_space<vmem_shared>>
      tpu.enqueue_dma source(%dma_start3A_47 : memref<625x128xf32, #tpu.memory_space<vmem_shared>>) target(%dma_start3A_45 : memref<625x128xf32, #tpu.memory_space<hbm>>) target_semaphore(%run_scoped3A : memref<!tpu.dma_semaphore, #tpu.memory_space<semaphore_mem>>)
      %dma_wait3A = arith.constant 0 : i32
      %dma_wait3A_48 = tpu.memref_slice %arg10[%arg0, %mul3A_39, %dma_wait3A] : memref<2x10000x128xf32, #tpu.memory_space<hbm>> -> memref<1x625x128xf32, #tpu.memory_space<hbm>>
      %dma_wait3A_49 = tpu.memref_squeeze %dma_wait3A_48 : memref<1x625x128xf32, #tpu.memory_space<hbm>> -> memref<625x128xf32, #tpu.memory_space<hbm>>
      %dma_wait3A_50 = arith.constant 0 : i32
      %dma_wait3A_51 = tpu.memref_slice %arg20[%mul3A_37, %dma_wait3A_50] : memref<10000x128xf32, #tpu.memory_space<vmem_shared>> -> memref<625x128xf32, #tpu.memory_space<vmem_shared>>
      tpu.wait_dma2 semaphore(%run_scoped3A : memref<!tpu.dma_semaphore, #tpu.memory_space<semaphore_mem>>) src(%dma_wait3A_51 : memref<625x128xf32, #tpu.memory_space<vmem_shared>>) dst(%dma_wait3A_49 : memref<625x128xf32, #tpu.memory_space<hbm>>)
      tpu.yield
    }) : () -> ()
    %mul3A_40 = arith.constant 625 : i32
    %mul3A_41 = arith.muli %arg1, %mul3A_40 : i32
    %mul3A_42 = arith.constant 625 : i32
    %mul3A_43 = arith.muli %arg1, %mul3A_42 : i32
    "tpu.region"() ({
      %run_scoped3A = tpu.sem_alloc : memref<!tpu.dma_semaphore, #tpu.memory_space<semaphore_mem>>
      %dma_start3A = arith.constant 0 : i32
      %dma_start3A_44 = tpu.memref_slice %arg11[%arg0, %mul3A_43, %dma_start3A] : memref<2x10000x8xf32, #tpu.memory_space<hbm>> -> memref<1x625x8xf32, #tpu.memory_space<hbm>>
      %dma_start3A_45 = tpu.memref_squeeze %dma_start3A_44 : memref<1x625x8xf32, #tpu.memory_space<hbm>> -> memref<625x8xf32, #tpu.memory_space<hbm>>
      %dma_start3A_46 = arith.constant 0 : i32
      %dma_start3A_47 = tpu.memref_slice %arg21[%mul3A_41, %dma_start3A_46] : memref<10000x8xf32, #tpu.memory_space<vmem_shared>> -> memref<625x8xf32, #tpu.memory_space<vmem_shared>>
      tpu.enqueue_dma source(%dma_start3A_47 : memref<625x8xf32, #tpu.memory_space<vmem_shared>>) target(%dma_start3A_45 : memref<625x8xf32, #tpu.memory_space<hbm>>) target_semaphore(%run_scoped3A : memref<!tpu.dma_semaphore, #tpu.memory_space<semaphore_mem>>)
      %dma_wait3A = arith.constant 0 : i32
      %dma_wait3A_48 = tpu.memref_slice %arg11[%arg0, %mul3A_43, %dma_wait3A] : memref<2x10000x8xf32, #tpu.memory_space<hbm>> -> memref<1x625x8xf32, #tpu.memory_space<hbm>>
      %dma_wait3A_49 = tpu.memref_squeeze %dma_wait3A_48 : memref<1x625x8xf32, #tpu.memory_space<hbm>> -> memref<625x8xf32, #tpu.memory_space<hbm>>
      %dma_wait3A_50 = arith.constant 0 : i32
      %dma_wait3A_51 = tpu.memref_slice %arg21[%mul3A_41, %dma_wait3A_50] : memref<10000x8xf32, #tpu.memory_space<vmem_shared>> -> memref<625x8xf32, #tpu.memory_space<vmem_shared>>
      tpu.wait_dma2 semaphore(%run_scoped3A : memref<!tpu.dma_semaphore, #tpu.memory_space<semaphore_mem>>) src(%dma_wait3A_51 : memref<625x8xf32, #tpu.memory_space<vmem_shared>>) dst(%dma_wait3A_49 : memref<625x8xf32, #tpu.memory_space<hbm>>)
      tpu.yield
    }) : () -> ()
    return
  }
}

module attributes {stable_mosaic.version = 14 : i64} {
  func.func @_embed_body(%arg0: i32, %arg1: memref<1000x128xf32, #tpu.memory_space<vmem>>, %arg2: memref<1000x8xf32, #tpu.memory_space<vmem>>, %arg3: memref<128x128xf32, #tpu.memory_space<vmem>>, %arg4: memref<1x128xf32, #tpu.memory_space<vmem>>, %arg5: memref<1x128xf32, #tpu.memory_space<vmem>>, %arg6: memref<1x128xf32, #tpu.memory_space<vmem>>, %arg7: memref<8x128xf32, #tpu.memory_space<vmem>>, %arg8: memref<1x128xf32, #tpu.memory_space<vmem>>, %arg9: memref<1000x128xf32, #tpu.memory_space<vmem>>) attributes {dimension_semantics = [#tpu.dimension_semantics<arbitrary>], iteration_bounds = array<i64: 10>, scalar_prefetch = 0 : i64, scratch_operands = 0 : i64, tpu.core_type = #tpu.core_type<tc>, window_params = [{transform_indices = @transform_0, window_bounds = array<i64: 1000, 128>}, {transform_indices = @transform_1, window_bounds = array<i64: 1000, 8>}, {pipeline_mode = #tpu.pipeline_mode<synchronous>, transform_indices = @transform_2, window_bounds = array<i64: 128, 128>}, {pipeline_mode = #tpu.pipeline_mode<synchronous>, transform_indices = @transform_3, window_bounds = array<i64: 1, 128>}, {pipeline_mode = #tpu.pipeline_mode<synchronous>, transform_indices = @transform_4, window_bounds = array<i64: 1, 128>}, {pipeline_mode = #tpu.pipeline_mode<synchronous>, transform_indices = @transform_5, window_bounds = array<i64: 1, 128>}, {pipeline_mode = #tpu.pipeline_mode<synchronous>, transform_indices = @transform_6, window_bounds = array<i64: 8, 128>}, {pipeline_mode = #tpu.pipeline_mode<synchronous>, transform_indices = @transform_7, window_bounds = array<i64: 1, 128>}, {transform_indices = @transform_8, window_bounds = array<i64: 1000, 128>}]} {
    %get3A = arith.constant 0 : index
    %get3A_0 = arith.constant 0 : index
    %get3A_1 = vector.load %arg1[%get3A, %get3A_0] : memref<1000x128xf32, #tpu.memory_space<vmem>>, vector<1000x128xf32>
    %get3A_2 = arith.constant 0 : index
    %get3A_3 = arith.constant 0 : index
    %get3A_4 = vector.load %arg3[%get3A_2, %get3A_3] : memref<128x128xf32, #tpu.memory_space<vmem>>, vector<128x128xf32>
    %dot_general3A = arith.constant dense<0.000000e+00> : vector<1000x128xf32>
    %dot_general3A_5 = tpu.matmul %get3A_1, %get3A_4, %dot_general3A {dimension_numbers = #tpu.dot_dimension_numbers<[1], [0], [0], [1], [0, 0, 1, 1], [], []>, precision = #tpu.contract_precision<fp32>, transpose_lhs_hint = false} : vector<1000x128xf32>, vector<128x128xf32>, vector<1000x128xf32> -> vector<1000x128xf32>
    %get3A_6 = arith.constant 0 : index
    %get3A_7 = arith.constant 0 : index
    %get3A_8 = vector.load %arg4[%get3A_6, %get3A_7] : memref<1x128xf32, #tpu.memory_space<vmem>>, vector<1x128xf32>
    %add3A = vector.broadcast %get3A_8 : vector<1x128xf32> to vector<1000x128xf32>
    %add3A_9 = arith.addf %dot_general3A_5, %add3A : vector<1000x128xf32>
    %get3A_10 = arith.constant 0 : index
    %get3A_11 = arith.constant 0 : index
    %get3A_12 = vector.load %arg5[%get3A_10, %get3A_11] : memref<1x128xf32, #tpu.memory_space<vmem>>, vector<1x128xf32>
    %get3A_13 = arith.constant 0 : index
    %get3A_14 = arith.constant 0 : index
    %get3A_15 = vector.load %arg6[%get3A_13, %get3A_14] : memref<1x128xf32, #tpu.memory_space<vmem>>, vector<1x128xf32>
    %reduce_sum3A = arith.constant dense<0.000000e+00> : vector<1000xf32>
    %reduce_sum3A_16 = vector.multi_reduction <add>, %add3A_9, %reduce_sum3A [1] : vector<1000x128xf32> to vector<1000xf32>
    %broadcast_in_dim3A = vector.shape_cast %reduce_sum3A_16 : vector<1000xf32> to vector<1000x1xf32>
    %div3A = arith.constant 1.280000e+02 : f32
    %div3A_17 = vector.broadcast %div3A : f32 to vector<1000x1xf32>
    %div3A_18 = arith.divf %broadcast_in_dim3A, %div3A_17 : vector<1000x1xf32>
    %sub3A = vector.broadcast %div3A_18 : vector<1000x1xf32> to vector<1000x128xf32>
    %sub3A_19 = arith.subf %add3A_9, %sub3A : vector<1000x128xf32>
    %integer_pow3A = arith.mulf %sub3A_19, %sub3A_19 : vector<1000x128xf32>
    %reduce_sum3A_20 = arith.constant dense<0.000000e+00> : vector<1000xf32>
    %reduce_sum3A_21 = vector.multi_reduction <add>, %integer_pow3A, %reduce_sum3A_20 [1] : vector<1000x128xf32> to vector<1000xf32>
    %broadcast_in_dim3A_22 = vector.shape_cast %reduce_sum3A_21 : vector<1000xf32> to vector<1000x1xf32>
    %div3A_23 = arith.constant 1.280000e+02 : f32
    %div3A_24 = vector.broadcast %div3A_23 : f32 to vector<1000x1xf32>
    %div3A_25 = arith.divf %broadcast_in_dim3A_22, %div3A_24 : vector<1000x1xf32>
    %sub3A_26 = vector.broadcast %div3A_18 : vector<1000x1xf32> to vector<1000x128xf32>
    %sub3A_27 = arith.subf %add3A_9, %sub3A_26 : vector<1000x128xf32>
    %add3A_28 = arith.constant 9.99999974E-6 : f32
    %add3A_29 = vector.broadcast %add3A_28 : f32 to vector<1000x1xf32>
    %add3A_30 = arith.addf %div3A_25, %add3A_29 : vector<1000x1xf32>
    %sqrt3A = math.sqrt %add3A_30 : vector<1000x1xf32>
    %div3A_31 = vector.broadcast %sqrt3A : vector<1000x1xf32> to vector<1000x128xf32>
    %div3A_32 = arith.divf %sub3A_27, %div3A_31 : vector<1000x128xf32>
    %mul3A = vector.broadcast %get3A_12 : vector<1x128xf32> to vector<1000x128xf32>
    %mul3A_33 = arith.mulf %div3A_32, %mul3A : vector<1000x128xf32>
    %add3A_34 = vector.broadcast %get3A_15 : vector<1x128xf32> to vector<1000x128xf32>
    %add3A_35 = arith.addf %mul3A_33, %add3A_34 : vector<1000x128xf32>
    %get3A_36 = arith.constant 0 : index
    %get3A_37 = arith.constant 0 : index
    %get3A_38 = vector.load %arg2[%get3A_36, %get3A_37] : memref<1000x8xf32, #tpu.memory_space<vmem>>, vector<1000x8xf32>
    %get3A_39 = arith.constant 0 : index
    %get3A_40 = arith.constant 0 : index
    %get3A_41 = vector.load %arg7[%get3A_39, %get3A_40] : memref<8x128xf32, #tpu.memory_space<vmem>>, vector<8x128xf32>
    %dot_general3A_42 = arith.constant dense<0.000000e+00> : vector<1000x128xf32>
    %dot_general3A_43 = tpu.matmul %get3A_38, %get3A_41, %dot_general3A_42 {dimension_numbers = #tpu.dot_dimension_numbers<[1], [0], [0], [1], [0, 0, 1, 1], [], []>, precision = #tpu.contract_precision<fp32>, transpose_lhs_hint = false} : vector<1000x8xf32>, vector<8x128xf32>, vector<1000x128xf32> -> vector<1000x128xf32>
    %add3A_44 = arith.addf %add3A_35, %dot_general3A_43 : vector<1000x128xf32>
    %get3A_45 = arith.constant 0 : index
    %get3A_46 = arith.constant 0 : index
    %get3A_47 = vector.load %arg8[%get3A_45, %get3A_46] : memref<1x128xf32, #tpu.memory_space<vmem>>, vector<1x128xf32>
    %add3A_48 = vector.broadcast %get3A_47 : vector<1x128xf32> to vector<1000x128xf32>
    %add3A_49 = arith.addf %add3A_44, %add3A_48 : vector<1000x128xf32>
    %swap3A = arith.constant 0 : index
    %swap3A_50 = arith.constant 0 : index
    %swap3A_51 = vector.load %arg9[%swap3A, %swap3A_50] : memref<1000x128xf32, #tpu.memory_space<vmem>>, vector<1000x128xf32>
    tpu.vector_store %arg9[%swap3A, %swap3A_50], %add3A_49 {strides = array<i32>} : memref<1000x128xf32, #tpu.memory_space<vmem>>, vector<1000x128xf32>,
    return
  }
  func.func @transform_0(%arg0: i32) -> (i32, i32) {
    %c0_i32 = arith.constant 0 : i32
    %c0_i32_0 = arith.constant 0 : i32
    return %arg0, %c0_i32 : i32, i32
  }
  func.func @transform_1(%arg0: i32) -> (i32, i32) {
    %c0_i32 = arith.constant 0 : i32
    %c0_i32_0 = arith.constant 0 : i32
    return %arg0, %c0_i32 : i32, i32
  }
  func.func @transform_2(%arg0: i32) -> (i32, i32) {
    %c0_i32 = arith.constant 0 : i32
    %c0_i32_0 = arith.constant 0 : i32
    %c0_i32_1 = arith.constant 0 : i32
    return %c0_i32, %c0_i32_0 : i32, i32
  }
  func.func @transform_3(%arg0: i32) -> (i32, i32) {
    %c0_i32 = arith.constant 0 : i32
    %c0_i32_0 = arith.constant 0 : i32
    %c0_i32_1 = arith.constant 0 : i32
    return %c0_i32, %c0_i32_0 : i32, i32
  }
  func.func @transform_4(%arg0: i32) -> (i32, i32) {
    %c0_i32 = arith.constant 0 : i32
    %c0_i32_0 = arith.constant 0 : i32
    %c0_i32_1 = arith.constant 0 : i32
    return %c0_i32, %c0_i32_0 : i32, i32
  }
  func.func @transform_5(%arg0: i32) -> (i32, i32) {
    %c0_i32 = arith.constant 0 : i32
    %c0_i32_0 = arith.constant 0 : i32
    %c0_i32_1 = arith.constant 0 : i32
    return %c0_i32, %c0_i32_0 : i32, i32
  }
  func.func @transform_6(%arg0: i32) -> (i32, i32) {
    %c0_i32 = arith.constant 0 : i32
    %c0_i32_0 = arith.constant 0 : i32
    %c0_i32_1 = arith.constant 0 : i32
    return %c0_i32, %c0_i32_0 : i32, i32
  }
  func.func @transform_7(%arg0: i32) -> (i32, i32) {
    %c0_i32 = arith.constant 0 : i32
    %c0_i32_0 = arith.constant 0 : i32
    %c0_i32_1 = arith.constant 0 : i32
    return %c0_i32, %c0_i32_0 : i32, i32
  }
  func.func @transform_8(%arg0: i32) -> (i32, i32) {
    %c0_i32 = arith.constant 0 : i32
    %c0_i32_0 = arith.constant 0 : i32
    return %arg0, %c0_i32 : i32, i32
  }
}

module attributes {stable_mosaic.version = 14 : i64} {
  func.func @_proj_body(%arg0: i32, %arg1: memref<1000x128xf32, #tpu.memory_space<vmem>>, %arg2: memref<128x160xf32, #tpu.memory_space<vmem>>, %arg3: memref<1x160xf32, #tpu.memory_space<vmem>>, %arg4: memref<128x256xf32, #tpu.memory_space<vmem>>, %arg5: memref<1x256xf32, #tpu.memory_space<vmem>>, %arg6: memref<1000x160xf32, #tpu.memory_space<vmem>>, %arg7: memref<1000x256xf32, #tpu.memory_space<vmem>>) attributes {dimension_semantics = [#tpu.dimension_semantics<arbitrary>], iteration_bounds = array<i64: 10>, scalar_prefetch = 0 : i64, scratch_operands = 0 : i64, tpu.core_type = #tpu.core_type<tc>, window_params = [{transform_indices = @transform_0, window_bounds = array<i64: 1000, 128>}, {pipeline_mode = #tpu.pipeline_mode<synchronous>, transform_indices = @transform_1, window_bounds = array<i64: 128, 160>}, {pipeline_mode = #tpu.pipeline_mode<synchronous>, transform_indices = @transform_2, window_bounds = array<i64: 1, 160>}, {pipeline_mode = #tpu.pipeline_mode<synchronous>, transform_indices = @transform_3, window_bounds = array<i64: 128, 256>}, {pipeline_mode = #tpu.pipeline_mode<synchronous>, transform_indices = @transform_4, window_bounds = array<i64: 1, 256>}, {transform_indices = @transform_5, window_bounds = array<i64: 1000, 160>}, {transform_indices = @transform_6, window_bounds = array<i64: 1000, 256>}]} {
    %get3A = arith.constant 0 : index
    %get3A_0 = arith.constant 0 : index
    %get3A_1 = vector.load %arg1[%get3A, %get3A_0] : memref<1000x128xf32, #tpu.memory_space<vmem>>, vector<1000x128xf32>
    %get3A_2 = arith.constant 0 : index
    %get3A_3 = arith.constant 0 : index
    %get3A_4 = vector.load %arg2[%get3A_2, %get3A_3] : memref<128x160xf32, #tpu.memory_space<vmem>>, vector<128x160xf32>
    %dot_general3A = arith.constant dense<0.000000e+00> : vector<1000x160xf32>
    %dot_general3A_5 = tpu.matmul %get3A_1, %get3A_4, %dot_general3A {dimension_numbers = #tpu.dot_dimension_numbers<[1], [0], [0], [1], [0, 0, 1, 1], [], []>, precision = #tpu.contract_precision<fp32>, transpose_lhs_hint = false} : vector<1000x128xf32>, vector<128x160xf32>, vector<1000x160xf32> -> vector<1000x160xf32>
    %get3A_6 = arith.constant 0 : index
    %get3A_7 = arith.constant 0 : index
    %get3A_8 = vector.load %arg3[%get3A_6, %get3A_7] : memref<1x160xf32, #tpu.memory_space<vmem>>, vector<1x160xf32>
    %add3A = vector.broadcast %get3A_8 : vector<1x160xf32> to vector<1000x160xf32>
    %add3A_9 = arith.addf %dot_general3A_5, %add3A : vector<1000x160xf32>
    %swap3A = arith.constant 0 : index
    %swap3A_10 = arith.constant 0 : index
    %swap3A_11 = vector.load %arg6[%swap3A, %swap3A_10] : memref<1000x160xf32, #tpu.memory_space<vmem>>, vector<1000x160xf32>
    tpu.vector_store %arg6[%swap3A, %swap3A_10], %add3A_9 {strides = array<i32>} : memref<1000x160xf32, #tpu.memory_space<vmem>>, vector<1000x160xf32>,
    %get3A_12 = arith.constant 0 : index
    %get3A_13 = arith.constant 0 : index
    %get3A_14 = vector.load %arg4[%get3A_12, %get3A_13] : memref<128x256xf32, #tpu.memory_space<vmem>>, vector<128x256xf32>
    %dot_general3A_15 = arith.constant dense<0.000000e+00> : vector<1000x256xf32>
    %dot_general3A_16 = tpu.matmul %get3A_1, %get3A_14, %dot_general3A_15 {dimension_numbers = #tpu.dot_dimension_numbers<[1], [0], [0], [1], [0, 0, 1, 1], [], []>, precision = #tpu.contract_precision<fp32>, transpose_lhs_hint = false} : vector<1000x128xf32>, vector<128x256xf32>, vector<1000x256xf32> -> vector<1000x256xf32>
    %get3A_17 = arith.constant 0 : index
    %get3A_18 = arith.constant 0 : index
    %get3A_19 = vector.load %arg5[%get3A_17, %get3A_18] : memref<1x256xf32, #tpu.memory_space<vmem>>, vector<1x256xf32>
    %add3A_20 = vector.broadcast %get3A_19 : vector<1x256xf32> to vector<1000x256xf32>
    %add3A_21 = arith.addf %dot_general3A_16, %add3A_20 : vector<1000x256xf32>
    %swap3A_22 = arith.constant 0 : index
    %swap3A_23 = arith.constant 0 : index
    %swap3A_24 = vector.load %arg7[%swap3A_22, %swap3A_23] : memref<1000x256xf32, #tpu.memory_space<vmem>>, vector<1000x256xf32>
    tpu.vector_store %arg7[%swap3A_22, %swap3A_23], %add3A_21 {strides = array<i32>} : memref<1000x256xf32, #tpu.memory_space<vmem>>, vector<1000x256xf32>,
    return
  }
  func.func @transform_0(%arg0: i32) -> (i32, i32) {
    %c0_i32 = arith.constant 0 : i32
    %c0_i32_0 = arith.constant 0 : i32
    return %arg0, %c0_i32 : i32, i32
  }
  func.func @transform_1(%arg0: i32) -> (i32, i32) {
    %c0_i32 = arith.constant 0 : i32
    %c0_i32_0 = arith.constant 0 : i32
    %c0_i32_1 = arith.constant 0 : i32
    return %c0_i32, %c0_i32_0 : i32, i32
  }
  func.func @transform_2(%arg0: i32) -> (i32, i32) {
    %c0_i32 = arith.constant 0 : i32
    %c0_i32_0 = arith.constant 0 : i32
    %c0_i32_1 = arith.constant 0 : i32
    return %c0_i32, %c0_i32_0 : i32, i32
  }
  func.func @transform_3(%arg0: i32) -> (i32, i32) {
    %c0_i32 = arith.constant 0 : i32
    %c0_i32_0 = arith.constant 0 : i32
    %c0_i32_1 = arith.constant 0 : i32
    return %c0_i32, %c0_i32_0 : i32, i32
  }
  func.func @transform_4(%arg0: i32) -> (i32, i32) {
    %c0_i32 = arith.constant 0 : i32
    %c0_i32_0 = arith.constant 0 : i32
    %c0_i32_1 = arith.constant 0 : i32
    return %c0_i32, %c0_i32_0 : i32, i32
  }
  func.func @transform_5(%arg0: i32) -> (i32, i32) {
    %c0_i32 = arith.constant 0 : i32
    %c0_i32_0 = arith.constant 0 : i32
    return %arg0, %c0_i32 : i32, i32
  }
  func.func @transform_6(%arg0: i32) -> (i32, i32) {
    %c0_i32 = arith.constant 0 : i32
    %c0_i32_0 = arith.constant 0 : i32
    return %arg0, %c0_i32 : i32, i32
  }
}

module attributes {stable_mosaic.version = 14 : i64} {
  func.func @_post_body(%arg0: i32, %arg1: memref<2x1000x128xf32, #tpu.memory_space<vmem>>, %arg2: memref<2x1000x8xf32, #tpu.memory_space<vmem>>, %arg3: memref<1000x128xf32, #tpu.memory_space<vmem>>, %arg4: memref<8x128xf32, #tpu.memory_space<vmem>>, %arg5: memref<128x128xf32, #tpu.memory_space<vmem>>, %arg6: memref<1x128xf32, #tpu.memory_space<vmem>>, %arg7: memref<1x128xf32, #tpu.memory_space<vmem>>, %arg8: memref<1x128xf32, #tpu.memory_space<vmem>>, %arg9: memref<128x512xf32, #tpu.memory_space<vmem>>, %arg10: memref<1x512xf32, #tpu.memory_space<vmem>>, %arg11: memref<512x128xf32, #tpu.memory_space<vmem>>, %arg12: memref<1x128xf32, #tpu.memory_space<vmem>>, %arg13: memref<1000x128xf32, #tpu.memory_space<vmem>>) attributes {dimension_semantics = [#tpu.dimension_semantics<arbitrary>], iteration_bounds = array<i64: 10>, scalar_prefetch = 0 : i64, scratch_operands = 0 : i64, tpu.core_type = #tpu.core_type<tc>, window_params = [{transform_indices = @transform_0, window_bounds = array<i64: 2, 1000, 128>}, {transform_indices = @transform_1, window_bounds = array<i64: 2, 1000, 8>}, {transform_indices = @transform_2, window_bounds = array<i64: 1000, 128>}, {pipeline_mode = #tpu.pipeline_mode<synchronous>, transform_indices = @transform_3, window_bounds = array<i64: 8, 128>}, {pipeline_mode = #tpu.pipeline_mode<synchronous>, transform_indices = @transform_4, window_bounds = array<i64: 128, 128>}, {pipeline_mode = #tpu.pipeline_mode<synchronous>, transform_indices = @transform_5, window_bounds = array<i64: 1, 128>}, {pipeline_mode = #tpu.pipeline_mode<synchronous>, transform_indices = @transform_6, window_bounds = array<i64: 1, 128>}, {pipeline_mode = #tpu.pipeline_mode<synchronous>, transform_indices = @transform_7, window_bounds = array<i64: 1, 128>}, {pipeline_mode = #tpu.pipeline_mode<synchronous>, transform_indices = @transform_8, window_bounds = array<i64: 128, 512>}, {pipeline_mode = #tpu.pipeline_mode<synchronous>, transform_indices = @transform_9, window_bounds = array<i64: 1, 512>}, {pipeline_mode = #tpu.pipeline_mode<synchronous>, transform_indices = @transform_10, window_bounds = array<i64: 512, 128>}, {pipeline_mode = #tpu.pipeline_mode<synchronous>, transform_indices = @transform_11, window_bounds = array<i64: 1, 128>}, {transform_indices = @transform_12, window_bounds = array<i64: 1000, 128>}]} {
    %get3A = arith.constant 0 : index
    %get3A_0 = arith.constant 0 : index
    %get3A_1 = arith.constant 0 : index
    %get3A_2 = vector.load %arg1[%get3A, %get3A_0, %get3A_1] : memref<2x1000x128xf32, #tpu.memory_space<vmem>>, vector<1x1000x128xf32>
    %get3A_3 = vector.shape_cast %get3A_2 : vector<1x1000x128xf32> to vector<1000x128xf32>
    %get3A_4 = arith.constant 1 : index
    %get3A_5 = arith.constant 0 : index
    %get3A_6 = arith.constant 0 : index
    %get3A_7 = vector.load %arg1[%get3A_4, %get3A_5, %get3A_6] : memref<2x1000x128xf32, #tpu.memory_space<vmem>>, vector<1x1000x128xf32>
    %get3A_8 = vector.shape_cast %get3A_7 : vector<1x1000x128xf32> to vector<1000x128xf32>
    %add3A = arith.addf %get3A_3, %get3A_8 : vector<1000x128xf32>
    %get3A_9 = arith.constant 0 : index
    %get3A_10 = arith.constant 0 : index
    %get3A_11 = arith.constant 0 : index
    %get3A_12 = vector.load %arg2[%get3A_9, %get3A_10, %get3A_11] : memref<2x1000x8xf32, #tpu.memory_space<vmem>>, vector<1x1000x8xf32>
    %get3A_13 = vector.shape_cast %get3A_12 : vector<1x1000x8xf32> to vector<1000x8xf32>
    %get3A_14 = arith.constant 1 : index
    %get3A_15 = arith.constant 0 : index
    %get3A_16 = arith.constant 0 : index
    %get3A_17 = vector.load %arg2[%get3A_14, %get3A_15, %get3A_16] : memref<2x1000x8xf32, #tpu.memory_space<vmem>>, vector<1x1000x8xf32>
    %get3A_18 = vector.shape_cast %get3A_17 : vector<1x1000x8xf32> to vector<1000x8xf32>
    %add3A_19 = arith.addf %get3A_13, %get3A_18 : vector<1000x8xf32>
    %get3A_20 = arith.constant 0 : index
    %get3A_21 = arith.constant 0 : index
    %get3A_22 = vector.load %arg4[%get3A_20, %get3A_21] : memref<8x128xf32, #tpu.memory_space<vmem>>, vector<8x128xf32>
    %dot_general3A = arith.constant dense<0.000000e+00> : vector<1000x128xf32>
    %dot_general3A_23 = tpu.matmul %add3A_19, %get3A_22, %dot_general3A {dimension_numbers = #tpu.dot_dimension_numbers<[1], [0], [0], [1], [0, 0, 1, 1], [], []>, precision = #tpu.contract_precision<fp32>, transpose_lhs_hint = false} : vector<1000x8xf32>, vector<8x128xf32>, vector<1000x128xf32> -> vector<1000x128xf32>
    %add3A_24 = arith.constant 1.000000e-16 : f32
    %add3A_25 = vector.broadcast %add3A_24 : f32 to vector<1000x128xf32>
    %add3A_26 = arith.addf %dot_general3A_23, %add3A_25 : vector<1000x128xf32>
    %div3A = arith.divf %add3A, %add3A_26 : vector<1000x128xf32>
    %get3A_27 = arith.constant 0 : index
    %get3A_28 = arith.constant 0 : index
    %get3A_29 = vector.load %arg3[%get3A_27, %get3A_28] : memref<1000x128xf32, #tpu.memory_space<vmem>>, vector<1000x128xf32>
    %get3A_30 = arith.constant 0 : index
    %get3A_31 = arith.constant 0 : index
    %get3A_32 = vector.load %arg5[%get3A_30, %get3A_31] : memref<128x128xf32, #tpu.memory_space<vmem>>, vector<128x128xf32>
    %dot_general3A_33 = arith.constant dense<0.000000e+00> : vector<1000x128xf32>
    %dot_general3A_34 = tpu.matmul %get3A_29, %get3A_32, %dot_general3A_33 {dimension_numbers = #tpu.dot_dimension_numbers<[1], [0], [0], [1], [0, 0, 1, 1], [], []>, precision = #tpu.contract_precision<fp32>, transpose_lhs_hint = false} : vector<1000x128xf32>, vector<128x128xf32>, vector<1000x128xf32> -> vector<1000x128xf32>
    %add3A_35 = arith.addf %div3A, %dot_general3A_34 : vector<1000x128xf32>
    %get3A_36 = arith.constant 0 : index
    %get3A_37 = arith.constant 0 : index
    %get3A_38 = vector.load %arg6[%get3A_36, %get3A_37] : memref<1x128xf32, #tpu.memory_space<vmem>>, vector<1x128xf32>
    %add3A_39 = vector.broadcast %get3A_38 : vector<1x128xf32> to vector<1000x128xf32>
    %add3A_40 = arith.addf %add3A_35, %add3A_39 : vector<1000x128xf32>
    %add3A_41 = arith.addf %get3A_29, %add3A_40 : vector<1000x128xf32>
    %get3A_42 = arith.constant 0 : index
    %get3A_43 = arith.constant 0 : index
    %get3A_44 = vector.load %arg7[%get3A_42, %get3A_43] : memref<1x128xf32, #tpu.memory_space<vmem>>, vector<1x128xf32>
    %get3A_45 = arith.constant 0 : index
    %get3A_46 = arith.constant 0 : index
    %get3A_47 = vector.load %arg8[%get3A_45, %get3A_46] : memref<1x128xf32, #tpu.memory_space<vmem>>, vector<1x128xf32>
    %reduce_sum3A = arith.constant dense<0.000000e+00> : vector<1000xf32>
    %reduce_sum3A_48 = vector.multi_reduction <add>, %add3A_41, %reduce_sum3A [1] : vector<1000x128xf32> to vector<1000xf32>
    %broadcast_in_dim3A = vector.shape_cast %reduce_sum3A_48 : vector<1000xf32> to vector<1000x1xf32>
    %div3A_49 = arith.constant 1.280000e+02 : f32
    %div3A_50 = vector.broadcast %div3A_49 : f32 to vector<1000x1xf32>
    %div3A_51 = arith.divf %broadcast_in_dim3A, %div3A_50 : vector<1000x1xf32>
    %sub3A = vector.broadcast %div3A_51 : vector<1000x1xf32> to vector<1000x128xf32>
    %sub3A_52 = arith.subf %add3A_41, %sub3A : vector<1000x128xf32>
    %integer_pow3A = arith.mulf %sub3A_52, %sub3A_52 : vector<1000x128xf32>
    %reduce_sum3A_53 = arith.constant dense<0.000000e+00> : vector<1000xf32>
    %reduce_sum3A_54 = vector.multi_reduction <add>, %integer_pow3A, %reduce_sum3A_53 [1] : vector<1000x128xf32> to vector<1000xf32>
    %broadcast_in_dim3A_55 = vector.shape_cast %reduce_sum3A_54 : vector<1000xf32> to vector<1000x1xf32>
    %div3A_56 = arith.constant 1.280000e+02 : f32
    %div3A_57 = vector.broadcast %div3A_56 : f32 to vector<1000x1xf32>
    %div3A_58 = arith.divf %broadcast_in_dim3A_55, %div3A_57 : vector<1000x1xf32>
    %sub3A_59 = vector.broadcast %div3A_51 : vector<1000x1xf32> to vector<1000x128xf32>
    %sub3A_60 = arith.subf %add3A_41, %sub3A_59 : vector<1000x128xf32>
    %add3A_61 = arith.constant 9.99999974E-6 : f32
    %add3A_62 = vector.broadcast %add3A_61 : f32 to vector<1000x1xf32>
    %add3A_63 = arith.addf %div3A_58, %add3A_62 : vector<1000x1xf32>
    %sqrt3A = math.sqrt %add3A_63 : vector<1000x1xf32>
    %div3A_64 = vector.broadcast %sqrt3A : vector<1000x1xf32> to vector<1000x128xf32>
    %div3A_65 = arith.divf %sub3A_60, %div3A_64 : vector<1000x128xf32>
    %mul3A = vector.broadcast %get3A_44 : vector<1x128xf32> to vector<1000x128xf32>
    %mul3A_66 = arith.mulf %div3A_65, %mul3A : vector<1000x128xf32>
    %add3A_67 = vector.broadcast %get3A_47 : vector<1x128xf32> to vector<1000x128xf32>
    %add3A_68 = arith.addf %mul3A_66, %add3A_67 : vector<1000x128xf32>
    %get3A_69 = arith.constant 0 : index
    %get3A_70 = arith.constant 0 : index
    %get3A_71 = vector.load %arg9[%get3A_69, %get3A_70] : memref<128x512xf32, #tpu.memory_space<vmem>>, vector<128x512xf32>
    %dot_general3A_72 = arith.constant dense<0.000000e+00> : vector<1000x512xf32>
    %dot_general3A_73 = tpu.matmul %add3A_68, %get3A_71, %dot_general3A_72 {dimension_numbers = #tpu.dot_dimension_numbers<[1], [0], [0], [1], [0, 0, 1, 1], [], []>, precision = #tpu.contract_precision<fp32>, transpose_lhs_hint = false} : vector<1000x128xf32>, vector<128x512xf32>, vector<1000x512xf32> -> vector<1000x512xf32>
    %get3A_74 = arith.constant 0 : index
    %get3A_75 = arith.constant 0 : index
    %get3A_76 = vector.load %arg10[%get3A_74, %get3A_75] : memref<1x512xf32, #tpu.memory_space<vmem>>, vector<1x512xf32>
    %add3A_77 = vector.broadcast %get3A_76 : vector<1x512xf32> to vector<1000x512xf32>
    %add3A_78 = arith.addf %dot_general3A_73, %add3A_77 : vector<1000x512xf32>
    %max3A = arith.constant 0.000000e+00 : f32
    %max3A_79 = vector.broadcast %max3A : f32 to vector<1000x512xf32>
    %max3A_80 = arith.maximumf %add3A_78, %max3A_79 : vector<1000x512xf32>
    %get3A_81 = arith.constant 0 : index
    %get3A_82 = arith.constant 0 : index
    %get3A_83 = vector.load %arg11[%get3A_81, %get3A_82] : memref<512x128xf32, #tpu.memory_space<vmem>>, vector<512x128xf32>
    %dot_general3A_84 = arith.constant dense<0.000000e+00> : vector<1000x128xf32>
    %dot_general3A_85 = tpu.matmul %max3A_80, %get3A_83, %dot_general3A_84 {dimension_numbers = #tpu.dot_dimension_numbers<[1], [0], [0], [1], [0, 0, 1, 1], [], []>, precision = #tpu.contract_precision<fp32>, transpose_lhs_hint = false} : vector<1000x512xf32>, vector<512x128xf32>, vector<1000x128xf32> -> vector<1000x128xf32>
    %get3A_86 = arith.constant 0 : index
    %get3A_87 = arith.constant 0 : index
    %get3A_88 = vector.load %arg12[%get3A_86, %get3A_87] : memref<1x128xf32, #tpu.memory_space<vmem>>, vector<1x128xf32>
    %add3A_89 = vector.broadcast %get3A_88 : vector<1x128xf32> to vector<1000x128xf32>
    %add3A_90 = arith.addf %dot_general3A_85, %add3A_89 : vector<1000x128xf32>
    %add3A_91 = arith.addf %add3A_68, %add3A_90 : vector<1000x128xf32>
    %get3A_92 = arith.constant 0 : index
    %get3A_93 = arith.constant 0 : index
    %get3A_94 = vector.load %arg7[%get3A_92, %get3A_93] : memref<1x128xf32, #tpu.memory_space<vmem>>, vector<1x128xf32>
    %get3A_95 = arith.constant 0 : index
    %get3A_96 = arith.constant 0 : index
    %get3A_97 = vector.load %arg8[%get3A_95, %get3A_96] : memref<1x128xf32, #tpu.memory_space<vmem>>, vector<1x128xf32>
    %reduce_sum3A_98 = arith.constant dense<0.000000e+00> : vector<1000xf32>
    %reduce_sum3A_99 = vector.multi_reduction <add>, %add3A_91, %reduce_sum3A_98 [1] : vector<1000x128xf32> to vector<1000xf32>
    %broadcast_in_dim3A_100 = vector.shape_cast %reduce_sum3A_99 : vector<1000xf32> to vector<1000x1xf32>
    %div3A_101 = arith.constant 1.280000e+02 : f32
    %div3A_102 = vector.broadcast %div3A_101 : f32 to vector<1000x1xf32>
    %div3A_103 = arith.divf %broadcast_in_dim3A_100, %div3A_102 : vector<1000x1xf32>
    %sub3A_104 = vector.broadcast %div3A_103 : vector<1000x1xf32> to vector<1000x128xf32>
    %sub3A_105 = arith.subf %add3A_91, %sub3A_104 : vector<1000x128xf32>
    %integer_pow3A_106 = arith.mulf %sub3A_105, %sub3A_105 : vector<1000x128xf32>
    %reduce_sum3A_107 = arith.constant dense<0.000000e+00> : vector<1000xf32>
    %reduce_sum3A_108 = vector.multi_reduction <add>, %integer_pow3A_106, %reduce_sum3A_107 [1] : vector<1000x128xf32> to vector<1000xf32>
    %broadcast_in_dim3A_109 = vector.shape_cast %reduce_sum3A_108 : vector<1000xf32> to vector<1000x1xf32>
    %div3A_110 = arith.constant 1.280000e+02 : f32
    %div3A_111 = vector.broadcast %div3A_110 : f32 to vector<1000x1xf32>
    %div3A_112 = arith.divf %broadcast_in_dim3A_109, %div3A_111 : vector<1000x1xf32>
    %sub3A_113 = vector.broadcast %div3A_103 : vector<1000x1xf32> to vector<1000x128xf32>
    %sub3A_114 = arith.subf %add3A_91, %sub3A_113 : vector<1000x128xf32>
    %add3A_115 = arith.constant 9.99999974E-6 : f32
    %add3A_116 = vector.broadcast %add3A_115 : f32 to vector<1000x1xf32>
    %add3A_117 = arith.addf %div3A_112, %add3A_116 : vector<1000x1xf32>
    %sqrt3A_118 = math.sqrt %add3A_117 : vector<1000x1xf32>
    %div3A_119 = vector.broadcast %sqrt3A_118 : vector<1000x1xf32> to vector<1000x128xf32>
    %div3A_120 = arith.divf %sub3A_114, %div3A_119 : vector<1000x128xf32>
    %mul3A_121 = vector.broadcast %get3A_94 : vector<1x128xf32> to vector<1000x128xf32>
    %mul3A_122 = arith.mulf %div3A_120, %mul3A_121 : vector<1000x128xf32>
    %add3A_123 = vector.broadcast %get3A_97 : vector<1x128xf32> to vector<1000x128xf32>
    %add3A_124 = arith.addf %mul3A_122, %add3A_123 : vector<1000x128xf32>
    %swap3A = arith.constant 0 : index
    %swap3A_125 = arith.constant 0 : index
    %swap3A_126 = vector.load %arg13[%swap3A, %swap3A_125] : memref<1000x128xf32, #tpu.memory_space<vmem>>, vector<1000x128xf32>
    tpu.vector_store %arg13[%swap3A, %swap3A_125], %add3A_124 {strides = array<i32>} : memref<1000x128xf32, #tpu.memory_space<vmem>>, vector<1000x128xf32>,
    return
  }
  func.func @transform_0(%arg0: i32) -> (i32, i32, i32) {
    %c0_i32 = arith.constant 0 : i32
    %c0_i32_0 = arith.constant 0 : i32
    %c0_i32_1 = arith.constant 0 : i32
    return %c0_i32, %arg0, %c0_i32_0 : i32, i32, i32
  }
  func.func @transform_1(%arg0: i32) -> (i32, i32, i32) {
    %c0_i32 = arith.constant 0 : i32
    %c0_i32_0 = arith.constant 0 : i32
    %c0_i32_1 = arith.constant 0 : i32
    return %c0_i32, %arg0, %c0_i32_0 : i32, i32, i32
  }
  func.func @transform_2(%arg0: i32) -> (i32, i32) {
    %c0_i32 = arith.constant 0 : i32
    %c0_i32_0 = arith.constant 0 : i32
    return %arg0, %c0_i32 : i32, i32
  }
  func.func @transform_3(%arg0: i32) -> (i32, i32) {
    %c0_i32 = arith.constant 0 : i32
    %c0_i32_0 = arith.constant 0 : i32
    %c0_i32_1 = arith.constant 0 : i32
    return %c0_i32, %c0_i32_0 : i32, i32
  }
  func.func @transform_4(%arg0: i32) -> (i32, i32) {
    %c0_i32 = arith.constant 0 : i32
    %c0_i32_0 = arith.constant 0 : i32
    %c0_i32_1 = arith.constant 0 : i32
    return %c0_i32, %c0_i32_0 : i32, i32
  }
  func.func @transform_5(%arg0: i32) -> (i32, i32) {
    %c0_i32 = arith.constant 0 : i32
    %c0_i32_0 = arith.constant 0 : i32
    %c0_i32_1 = arith.constant 0 : i32
    return %c0_i32, %c0_i32_0 : i32, i32
  }
  func.func @transform_6(%arg0: i32) -> (i32, i32) {
    %c0_i32 = arith.constant 0 : i32
    %c0_i32_0 = arith.constant 0 : i32
    %c0_i32_1 = arith.constant 0 : i32
    return %c0_i32, %c0_i32_0 : i32, i32
  }
  func.func @transform_7(%arg0: i32) -> (i32, i32) {
    %c0_i32 = arith.constant 0 : i32
    %c0_i32_0 = arith.constant 0 : i32
    %c0_i32_1 = arith.constant 0 : i32
    return %c0_i32, %c0_i32_0 : i32, i32
  }
  func.func @transform_8(%arg0: i32) -> (i32, i32) {
    %c0_i32 = arith.constant 0 : i32
    %c0_i32_0 = arith.constant 0 : i32
    %c0_i32_1 = arith.constant 0 : i32
    return %c0_i32, %c0_i32_0 : i32, i32
  }
  func.func @transform_9(%arg0: i32) -> (i32, i32) {
    %c0_i32 = arith.constant 0 : i32
    %c0_i32_0 = arith.constant 0 : i32
    %c0_i32_1 = arith.constant 0 : i32
    return %c0_i32, %c0_i32_0 : i32, i32
  }
  func.func @transform_10(%arg0: i32) -> (i32, i32) {
    %c0_i32 = arith.constant 0 : i32
    %c0_i32_0 = arith.constant 0 : i32
    %c0_i32_1 = arith.constant 0 : i32
    return %c0_i32, %c0_i32_0 : i32, i32
  }
  func.func @transform_11(%arg0: i32) -> (i32, i32) {
    %c0_i32 = arith.constant 0 : i32
    %c0_i32_0 = arith.constant 0 : i32
    %c0_i32_1 = arith.constant 0 : i32
    return %c0_i32, %c0_i32_0 : i32, i32
  }
  func.func @transform_12(%arg0: i32) -> (i32, i32) {
    %c0_i32 = arith.constant 0 : i32
    %c0_i32_0 = arith.constant 0 : i32
    return %arg0, %c0_i32 : i32, i32
  }
}

module attributes {stable_mosaic.version = 14 : i64} {
  func.func @_pool_body(%arg0: i32, %arg1: memref<1000x128xf32, #tpu.memory_space<vmem>>, %arg2: memref<1x1x1000xf32, #tpu.memory_space<vmem>>, %arg3: memref<128x64xf32, #tpu.memory_space<vmem>>, %arg4: memref<1x64xf32, #tpu.memory_space<vmem>>, %arg5: memref<64x128xf32, #tpu.memory_space<vmem>>, %arg6: memref<1x128xf32, #tpu.memory_space<vmem>>, %arg7: memref<128x64xf32, #tpu.memory_space<vmem>>, %arg8: memref<1x64xf32, #tpu.memory_space<vmem>>, %arg9: memref<64x128xf32, #tpu.memory_space<vmem>>, %arg10: memref<1x128xf32, #tpu.memory_space<vmem>>, %arg11: memref<16x128xf32, #tpu.memory_space<vmem>>, %arg12: memref<16x128xf32, #tpu.memory_space<vmem>>, %arg13: memref<16x128xf32, #tpu.memory_space<vmem>>, %arg14: memref<16x128xf32, #tpu.memory_space<vmem>>) attributes {dimension_semantics = [#tpu.dimension_semantics<arbitrary>], iteration_bounds = array<i64: 10>, scalar_prefetch = 0 : i64, scratch_operands = 2 : i64, tpu.core_type = #tpu.core_type<tc>, window_params = [{transform_indices = @transform_0, window_bounds = array<i64: 1000, 128>}, {transform_indices = @transform_1, window_bounds = array<i64: 1, 1, 1000>}, {pipeline_mode = #tpu.pipeline_mode<synchronous>, transform_indices = @transform_2, window_bounds = array<i64: 128, 64>}, {pipeline_mode = #tpu.pipeline_mode<synchronous>, transform_indices = @transform_3, window_bounds = array<i64: 1, 64>}, {pipeline_mode = #tpu.pipeline_mode<synchronous>, transform_indices = @transform_4, window_bounds = array<i64: 64, 128>}, {pipeline_mode = #tpu.pipeline_mode<synchronous>, transform_indices = @transform_5, window_bounds = array<i64: 1, 128>}, {pipeline_mode = #tpu.pipeline_mode<synchronous>, transform_indices = @transform_6, window_bounds = array<i64: 128, 64>}, {pipeline_mode = #tpu.pipeline_mode<synchronous>, transform_indices = @transform_7, window_bounds = array<i64: 1, 64>}, {pipeline_mode = #tpu.pipeline_mode<synchronous>, transform_indices = @transform_8, window_bounds = array<i64: 64, 128>}, {pipeline_mode = #tpu.pipeline_mode<synchronous>, transform_indices = @transform_9, window_bounds = array<i64: 1, 128>}, {pipeline_mode = #tpu.pipeline_mode<synchronous>, transform_indices = @transform_10, window_bounds = array<i64: 16, 128>}, {pipeline_mode = #tpu.pipeline_mode<synchronous>, transform_indices = @transform_11, window_bounds = array<i64: 16, 128>}]} {
    %eq3A = arith.constant 0 : i32
    %eq3A_0 = arith.cmpi eq, %arg0, %eq3A : i32
    %convert_element_type3A = arith.extui %eq3A_0 : i1 to i32
    %cond3A = arith.constant 0 : i32
    %cond3A_1 = arith.cmpi ne, %convert_element_type3A, %cond3A : i32
    scf.if %cond3A_1 {
      %broadcast_in_dim3A_36 = arith.constant 0.000000e+00 : f32
      %broadcast_in_dim3A_37 = vector.broadcast %broadcast_in_dim3A_36 : f32 to vector<16x128xf32>
      %swap3A_38 = arith.constant 0 : index
      %swap3A_39 = arith.constant 0 : index
      %swap3A_40 = vector.load %arg13[%swap3A_38, %swap3A_39] : memref<16x128xf32, #tpu.memory_space<vmem>>, vector<16x128xf32>
      tpu.vector_store %arg13[%swap3A_38, %swap3A_39], %broadcast_in_dim3A_37 {strides = array<i32>} : memref<16x128xf32, #tpu.memory_space<vmem>>, vector<16x128xf32>,
      %broadcast_in_dim3A_41 = arith.constant 0.000000e+00 : f32
      %broadcast_in_dim3A_42 = vector.broadcast %broadcast_in_dim3A_41 : f32 to vector<16x128xf32>
      %swap3A_43 = arith.constant 0 : index
      %swap3A_44 = arith.constant 0 : index
      %swap3A_45 = vector.load %arg14[%swap3A_43, %swap3A_44] : memref<16x128xf32, #tpu.memory_space<vmem>>, vector<16x128xf32>
      tpu.vector_store %arg14[%swap3A_43, %swap3A_44], %broadcast_in_dim3A_42 {strides = array<i32>} : memref<16x128xf32, #tpu.memory_space<vmem>>, vector<16x128xf32>,
    } else {
    }
    %get3A = arith.constant 0 : index
    %get3A_2 = arith.constant 0 : index
    %get3A_3 = arith.constant 0 : index
    %get3A_4 = vector.load %arg2[%get3A, %get3A_2, %get3A_3] : memref<1x1x1000xf32, #tpu.memory_space<vmem>>, vector<1x1x1000xf32>
    %get3A_5 = vector.shape_cast %get3A_4 : vector<1x1x1000xf32> to vector<1x1000xf32>
    %broadcast_in_dim3A = vector.shape_cast %get3A_5 : vector<1x1000xf32> to vector<1x1000xf32>
    %broadcast_in_dim3A_6 = vector.broadcast %broadcast_in_dim3A : vector<1x1000xf32> to vector<16x1000xf32>
    %iota3A = tpu.iota {dimensions = array<i32: 0>} : vector<16x1000xi32>
    %convert_element_type3A_7 = arith.sitofp %iota3A : vector<16x1000xi32> to vector<16x1000xf32>
    %eq3A_8 = arith.cmpf oeq, %convert_element_type3A_7, %broadcast_in_dim3A_6 : vector<16x1000xf32>
    %convert_element_type3A_9 = arith.extui %eq3A_8 : vector<16x1000xi1> to vector<16x1000xi32>
    %convert_element_type3A_10 = arith.sitofp %convert_element_type3A_9 : vector<16x1000xi32> to vector<16x1000xf32>
    %get3A_11 = arith.constant 0 : index
    %get3A_12 = arith.constant 0 : index
    %get3A_13 = vector.load %arg13[%get3A_11, %get3A_12] : memref<16x128xf32, #tpu.memory_space<vmem>>, vector<16x128xf32>
    %get3A_14 = arith.constant 0 : index
    %get3A_15 = arith.constant 0 : index
    %get3A_16 = vector.load %arg1[%get3A_14, %get3A_15] : memref<1000x128xf32, #tpu.memory_space<vmem>>, vector<1000x128xf32>
    %dot_general3A = arith.constant dense<0.000000e+00> : vector<16x128xf32>
    %dot_general3A_17 = tpu.matmul %convert_element_type3A_10, %get3A_16, %dot_general3A {dimension_numbers = #tpu.dot_dimension_numbers<[1], [0], [0], [1], [0, 0, 1, 1], [], []>, precision = #tpu.contract_precision<fp32>, transpose_lhs_hint = false} : vector<16x1000xf32>, vector<1000x128xf32>, vector<16x128xf32> -> vector<16x128xf32>
    %add3A = arith.addf %get3A_13, %dot_general3A_17 : vector<16x128xf32>
    %swap3A = arith.constant 0 : index
    %swap3A_18 = arith.constant 0 : index
    %swap3A_19 = vector.load %arg13[%swap3A, %swap3A_18] : memref<16x128xf32, #tpu.memory_space<vmem>>, vector<16x128xf32>
    tpu.vector_store %arg13[%swap3A, %swap3A_18], %add3A {strides = array<i32>} : memref<16x128xf32, #tpu.memory_space<vmem>>, vector<16x128xf32>,
    %get3A_20 = arith.constant 0 : index
    %get3A_21 = arith.constant 0 : index
    %get3A_22 = vector.load %arg14[%get3A_20, %get3A_21] : memref<16x128xf32, #tpu.memory_space<vmem>>, vector<16x128xf32>
    %reduce_sum3A = arith.constant dense<0.000000e+00> : vector<16xf32>
    %reduce_sum3A_23 = vector.multi_reduction <add>, %convert_element_type3A_10, %reduce_sum3A [1] : vector<16x1000xf32> to vector<16xf32>
    %broadcast_in_dim3A_24 = vector.shape_cast %reduce_sum3A_23 : vector<16xf32> to vector<16x1xf32>
    %broadcast_in_dim3A_25 = vector.shape_cast %broadcast_in_dim3A_24 : vector<16x1xf32> to vector<16x1xf32>
    %broadcast_in_dim3A_26 = vector.broadcast %broadcast_in_dim3A_25 : vector<16x1xf32> to vector<16x128xf32>
    %add3A_27 = arith.addf %get3A_22, %broadcast_in_dim3A_26 : vector<16x128xf32>
    %swap3A_28 = arith.constant 0 : index
    %swap3A_29 = arith.constant 0 : index
    %swap3A_30 = vector.load %arg14[%swap3A_28, %swap3A_29] : memref<16x128xf32, #tpu.memory_space<vmem>>, vector<16x128xf32>
    tpu.vector_store %arg14[%swap3A_28, %swap3A_29], %add3A_27 {strides = array<i32>} : memref<16x128xf32, #tpu.memory_space<vmem>>, vector<16x128xf32>,
    %eq3A_31 = arith.constant 9 : i32
    %eq3A_32 = arith.cmpi eq, %arg0, %eq3A_31 : i32
    %convert_element_type3A_33 = arith.extui %eq3A_32 : i1 to i32
    %cond3A_34 = arith.constant 0 : i32
    %cond3A_35 = arith.cmpi ne, %convert_element_type3A_33, %cond3A_34 : i32
    scf.if %cond3A_35 {
      %get3A_36 = arith.constant 0 : index
      %get3A_37 = arith.constant 0 : index
      %get3A_38 = vector.load %arg13[%get3A_36, %get3A_37] : memref<16x128xf32, #tpu.memory_space<vmem>>, vector<16x128xf32>
      %get3A_39 = arith.constant 0 : index
      %get3A_40 = arith.constant 0 : index
      %get3A_41 = vector.load %arg14[%get3A_39, %get3A_40] : memref<16x128xf32, #tpu.memory_space<vmem>>, vector<16x128xf32>
      %max3A = arith.constant 1.000000e+00 : f32
      %max3A_42 = vector.broadcast %max3A : f32 to vector<16x128xf32>
      %max3A_43 = arith.maximumf %get3A_41, %max3A_42 : vector<16x128xf32>
      %div3A = arith.divf %get3A_38, %max3A_43 : vector<16x128xf32>
      %get3A_44 = arith.constant 0 : index
      %get3A_45 = arith.constant 0 : index
      %get3A_46 = vector.load %arg3[%get3A_44, %get3A_45] : memref<128x64xf32, #tpu.memory_space<vmem>>, vector<128x64xf32>
      %dot_general3A_47 = arith.constant dense<0.000000e+00> : vector<16x64xf32>
      %dot_general3A_48 = tpu.matmul %div3A, %get3A_46, %dot_general3A_47 {dimension_numbers = #tpu.dot_dimension_numbers<[1], [0], [0], [1], [0, 0, 1, 1], [], []>, precision = #tpu.contract_precision<fp32>, transpose_lhs_hint = false} : vector<16x128xf32>, vector<128x64xf32>, vector<16x64xf32> -> vector<16x64xf32>
      %get3A_49 = arith.constant 0 : index
      %get3A_50 = arith.constant 0 : index
      %get3A_51 = vector.load %arg4[%get3A_49, %get3A_50] : memref<1x64xf32, #tpu.memory_space<vmem>>, vector<1x64xf32>
      %add3A_52 = vector.broadcast %get3A_51 : vector<1x64xf32> to vector<16x64xf32>
      %add3A_53 = arith.addf %dot_general3A_48, %add3A_52 : vector<16x64xf32>
      %max3A_54 = arith.constant 0.000000e+00 : f32
      %max3A_55 = vector.broadcast %max3A_54 : f32 to vector<16x64xf32>
      %max3A_56 = arith.maximumf %add3A_53, %max3A_55 : vector<16x64xf32>
      %get3A_57 = arith.constant 0 : index
      %get3A_58 = arith.constant 0 : index
      %get3A_59 = vector.load %arg5[%get3A_57, %get3A_58] : memref<64x128xf32, #tpu.memory_space<vmem>>, vector<64x128xf32>
      %dot_general3A_60 = arith.constant dense<0.000000e+00> : vector<16x128xf32>
      %dot_general3A_61 = tpu.matmul %max3A_56, %get3A_59, %dot_general3A_60 {dimension_numbers = #tpu.dot_dimension_numbers<[1], [0], [0], [1], [0, 0, 1, 1], [], []>, precision = #tpu.contract_precision<fp32>, transpose_lhs_hint = false} : vector<16x64xf32>, vector<64x128xf32>, vector<16x128xf32> -> vector<16x128xf32>
      %get3A_62 = arith.constant 0 : index
      %get3A_63 = arith.constant 0 : index
      %get3A_64 = vector.load %arg6[%get3A_62, %get3A_63] : memref<1x128xf32, #tpu.memory_space<vmem>>, vector<1x128xf32>
      %add3A_65 = vector.broadcast %get3A_64 : vector<1x128xf32> to vector<16x128xf32>
      %add3A_66 = arith.addf %dot_general3A_61, %add3A_65 : vector<16x128xf32>
      %slice3A = vector.extract_strided_slice %add3A_66 {offsets = [0, 0], sizes = [16, 1], strides = [1, 1]} : vector<16x128xf32> to vector<16x1xf32>
      %broadcast_in_dim3A_67 = vector.shape_cast %slice3A : vector<16x1xf32> to vector<16x1xf32>
      %broadcast_in_dim3A_68 = vector.broadcast %broadcast_in_dim3A_67 : vector<16x1xf32> to vector<16x128xf32>
      %swap3A_69 = arith.constant 0 : index
      %swap3A_70 = arith.constant 0 : index
      %swap3A_71 = vector.load %arg11[%swap3A_69, %swap3A_70] : memref<16x128xf32, #tpu.memory_space<vmem>>, vector<16x128xf32>
      tpu.vector_store %arg11[%swap3A_69, %swap3A_70], %broadcast_in_dim3A_68 {strides = array<i32>} : memref<16x128xf32, #tpu.memory_space<vmem>>, vector<16x128xf32>,
      %get3A_72 = arith.constant 0 : index
      %get3A_73 = arith.constant 0 : index
      %get3A_74 = vector.load %arg7[%get3A_72, %get3A_73] : memref<128x64xf32, #tpu.memory_space<vmem>>, vector<128x64xf32>
      %dot_general3A_75 = arith.constant dense<0.000000e+00> : vector<16x64xf32>
      %dot_general3A_76 = tpu.matmul %div3A, %get3A_74, %dot_general3A_75 {dimension_numbers = #tpu.dot_dimension_numbers<[1], [0], [0], [1], [0, 0, 1, 1], [], []>, precision = #tpu.contract_precision<fp32>, transpose_lhs_hint = false} : vector<16x128xf32>, vector<128x64xf32>, vector<16x64xf32> -> vector<16x64xf32>
      %get3A_77 = arith.constant 0 : index
      %get3A_78 = arith.constant 0 : index
      %get3A_79 = vector.load %arg8[%get3A_77, %get3A_78] : memref<1x64xf32, #tpu.memory_space<vmem>>, vector<1x64xf32>
      %add3A_80 = vector.broadcast %get3A_79 : vector<1x64xf32> to vector<16x64xf32>
      %add3A_81 = arith.addf %dot_general3A_76, %add3A_80 : vector<16x64xf32>
      %max3A_82 = arith.constant 0.000000e+00 : f32
      %max3A_83 = vector.broadcast %max3A_82 : f32 to vector<16x64xf32>
      %max3A_84 = arith.maximumf %add3A_81, %max3A_83 : vector<16x64xf32>
      %get3A_85 = arith.constant 0 : index
      %get3A_86 = arith.constant 0 : index
      %get3A_87 = vector.load %arg9[%get3A_85, %get3A_86] : memref<64x128xf32, #tpu.memory_space<vmem>>, vector<64x128xf32>
      %dot_general3A_88 = arith.constant dense<0.000000e+00> : vector<16x128xf32>
      %dot_general3A_89 = tpu.matmul %max3A_84, %get3A_87, %dot_general3A_88 {dimension_numbers = #tpu.dot_dimension_numbers<[1], [0], [0], [1], [0, 0, 1, 1], [], []>, precision = #tpu.contract_precision<fp32>, transpose_lhs_hint = false} : vector<16x64xf32>, vector<64x128xf32>, vector<16x128xf32> -> vector<16x128xf32>
      %get3A_90 = arith.constant 0 : index
      %get3A_91 = arith.constant 0 : index
      %get3A_92 = vector.load %arg10[%get3A_90, %get3A_91] : memref<1x128xf32, #tpu.memory_space<vmem>>, vector<1x128xf32>
      %add3A_93 = vector.broadcast %get3A_92 : vector<1x128xf32> to vector<16x128xf32>
      %add3A_94 = arith.addf %dot_general3A_89, %add3A_93 : vector<16x128xf32>
      %logistic3A = arith.negf %add3A_94 : vector<16x128xf32>
      %logistic3A_95 = math.exp %logistic3A : vector<16x128xf32>
      %logistic3A_96 = arith.constant 1.000000e+00 : f32
      %logistic3A_97 = vector.broadcast %logistic3A_96 : f32 to vector<16x128xf32>
      %logistic3A_98 = arith.addf %logistic3A_97, %logistic3A_95 : vector<16x128xf32>
      %logistic3A_99 = arith.divf %logistic3A_97, %logistic3A_98 : vector<16x128xf32>
      %mul3A = arith.constant 2.000000e+00 : f32
      %mul3A_100 = vector.broadcast %mul3A : f32 to vector<16x128xf32>
      %mul3A_101 = arith.mulf %logistic3A_99, %mul3A_100 : vector<16x128xf32>
      %slice3A_102 = vector.extract_strided_slice %mul3A_101 {offsets = [0, 0], sizes = [16, 1], strides = [1, 1]} : vector<16x128xf32> to vector<16x1xf32>
      %broadcast_in_dim3A_103 = vector.shape_cast %slice3A_102 : vector<16x1xf32> to vector<16x1xf32>
      %broadcast_in_dim3A_104 = vector.broadcast %broadcast_in_dim3A_103 : vector<16x1xf32> to vector<16x128xf32>
      %swap3A_105 = arith.constant 0 : index
      %swap3A_106 = arith.constant 0 : index
      %swap3A_107 = vector.load %arg12[%swap3A_105, %swap3A_106] : memref<16x128xf32, #tpu.memory_space<vmem>>, vector<16x128xf32>
      tpu.vector_store %arg12[%swap3A_105, %swap3A_106], %broadcast_in_dim3A_104 {strides = array<i32>} : memref<16x128xf32, #tpu.memory_space<vmem>>, vector<16x128xf32>,
    } else {
    }
    return
  }
  func.func @transform_0(%arg0: i32) -> (i32, i32) {
    %c0_i32 = arith.constant 0 : i32
    %c0_i32_0 = arith.constant 0 : i32
    return %arg0, %c0_i32 : i32, i32
  }
  func.func @transform_1(%arg0: i32) -> (i32, i32, i32) {
    %c0_i32 = arith.constant 0 : i32
    %c0_i32_0 = arith.constant 0 : i32
    %c0_i32_1 = arith.constant 0 : i32
    return %arg0, %c0_i32, %c0_i32_0 : i32, i32, i32
  }
  func.func @transform_2(%arg0: i32) -> (i32, i32) {
    %c0_i32 = arith.constant 0 : i32
    %c0_i32_0 = arith.constant 0 : i32
    %c0_i32_1 = arith.constant 0 : i32
    return %c0_i32, %c0_i32_0 : i32, i32
  }
  func.func @transform_3(%arg0: i32) -> (i32, i32) {
    %c0_i32 = arith.constant 0 : i32
    %c0_i32_0 = arith.constant 0 : i32
    %c0_i32_1 = arith.constant 0 : i32
    return %c0_i32, %c0_i32_0 : i32, i32
  }
  func.func @transform_4(%arg0: i32) -> (i32, i32) {
    %c0_i32 = arith.constant 0 : i32
    %c0_i32_0 = arith.constant 0 : i32
    %c0_i32_1 = arith.constant 0 : i32
    return %c0_i32, %c0_i32_0 : i32, i32
  }
  func.func @transform_5(%arg0: i32) -> (i32, i32) {
    %c0_i32 = arith.constant 0 : i32
    %c0_i32_0 = arith.constant 0 : i32
    %c0_i32_1 = arith.constant 0 : i32
    return %c0_i32, %c0_i32_0 : i32, i32
  }
  func.func @transform_6(%arg0: i32) -> (i32, i32) {
    %c0_i32 = arith.constant 0 : i32
    %c0_i32_0 = arith.constant 0 : i32
    %c0_i32_1 = arith.constant 0 : i32
    return %c0_i32, %c0_i32_0 : i32, i32
  }
  func.func @transform_7(%arg0: i32) -> (i32, i32) {
    %c0_i32 = arith.constant 0 : i32
    %c0_i32_0 = arith.constant 0 : i32
    %c0_i32_1 = arith.constant 0 : i32
    return %c0_i32, %c0_i32_0 : i32, i32
  }
  func.func @transform_8(%arg0: i32) -> (i32, i32) {
    %c0_i32 = arith.constant 0 : i32
    %c0_i32_0 = arith.constant 0 : i32
    %c0_i32_1 = arith.constant 0 : i32
    return %c0_i32, %c0_i32_0 : i32, i32
  }
  func.func @transform_9(%arg0: i32) -> (i32, i32) {
    %c0_i32 = arith.constant 0 : i32
    %c0_i32_0 = arith.constant 0 : i32
    %c0_i32_1 = arith.constant 0 : i32
    return %c0_i32, %c0_i32_0 : i32, i32
  }
  func.func @transform_10(%arg0: i32) -> (i32, i32) {
    %c0_i32 = arith.constant 0 : i32
    %c0_i32_0 = arith.constant 0 : i32
    %c0_i32_1 = arith.constant 0 : i32
    return %c0_i32, %c0_i32_0 : i32, i32
  }
  func.func @transform_11(%arg0: i32) -> (i32, i32) {
    %c0_i32 = arith.constant 0 : i32
    %c0_i32_0 = arith.constant 0 : i32
    %c0_i32_1 = arith.constant 0 : i32
    return %c0_i32, %c0_i32_0 : i32, i32
  }
}

</mosaic_0001>

<sc_bundles>
// kernel: kernel.16.cloned.1.call-start
scs
__scs_entry_jumppad:
0x0: {  	(pc) =	sbr.rel $0x88, $3  }
0x1: {  	(tag) =	ssettag $0x0;
	lr =	simm.s32 $0x1  }
0x2: {  	[smem:$0x3F4E] =	sst lr;
	_ =	strace $0xD0000000  }
0x3: {  	_ = 	snop  }
0x4: {  	_ = 	snop  }
0x5: {  	_ = 	snop  }
0x6: {  	_ = 	snop  }
0x7: {  	_ = 	snop  }
__scs_overlays_trampoline_lowered:
0x8: {  	[smem:$0x3F5D] =	sst s0  }
0x9: {  	[smem:$0x3F5E] =	sst s1  }
0xa: {  	[smem:$0x3F5F] =	sst s2  }
0xb: {  	[smem:$0x3F60] =	sst s3  }
0xc: {  	[smem:$0x3F61] =	sst s4  }
0xd: {  	[smem:$0x3F62] =	sst s5  }
0xe: {  	[smem:$0x3F63] =	sst s6  }
0xf: {  	[smem:$0x3F64] =	sst s7  }
0x10: {  	[smem:$0x3F65] =	sst s8  }
0x11: {  	[smem:$0x3F66] =	sst s9;
	s0 =	simm.s32 @!p0 $0x0  }
0x12: {  	s1 =	sld [smem:$0x3F4C];
	s0 =	simm.s32 @p0 $0x1  }
0x13: {  	[smem:$0x3F67] =	sst s0;
	s0 =	simm.s32 @!p1 $0x0  }
0x14: {  	s2 =	sld [smem:$0x3F4B];
	s0 =	simm.s32 @p1 $0x1  }
0x15: {  	[smem:$0x3F68] =	sst s0;
	s0 =	simm.s32 @!p2 $0x0  }
0x16: {  	s3 =	sld [smem:$0x3FDB];
	s0 =	simm.s32 @p2 $0x1  }
0x17: {  	s4 =	simm.s32 $0x1BF5;
	[smem:$0x3F6A] =	sst s0  }
0x18: {  	s0 =	sld [smem:$0x3F4D];
	_ =	swait.ge [sflag:s4], $0x0  }
0x19: {  	s7 =	sld [smem:$0x3F4E]  }
0x1a: {  	s8 =	sadd.s32 $0xFFFFE003, lr  }
0x1b: {  	s9 =	sadd.s32 $0xFFFFFEF7, lr;
	s5 =	simm.s32 $0xFFFFFFFF;
	p2 =	slt.u32 s8, $0xFFFFF086  }
0x1c: {  	p1 =	slt.u32 s9, $0xF7A;
	s5 =	simm.s32 @!p2 $0x0  }
0x1d: {  	s5 =	simm.s32 @p1 $0x1;
	p0 =	seq.s32 s7, s2  }
0x1e: {  	s7 =	smul.u32 @!p0 $0xF7A, s2;
	p2 =	seq.s32 @!p0 s5, $0x0  }
0x1f: {  	s9 =	smul.u32 $0xF7A, s1;
	s8 =	simm.s32 @!p0 $0x1BF5;
	p2 =	por !p2, p0  }
0x20: {  	[sflag:s8] =	ssyncset.s32 @!p0 $0xFFFFF086;
	s6 =	sadd.s32 @!p0 s3, s7;
	s7 =	simm.s32 @!p0 $0x108  }
0x21: {  	s3 =	sadd.s32 s3, s9;
	s6 =	sadd.s32 @!p0 $0x88, s6;
	s7 =	simm.s32 @p2 $0x1082  }
0x22: {  	[simem:s7], [sflag:s8] =	dma.local @!p0 [hbm:s6], $0xF7A  }
0x23: {  	s9 =	sor.u32 $0xD0000000, s2;
	s6 =	simm.s32 $0x108;
	_ =	swait.ge @!p0 [sflag:s8], $0x0  }
0x24: {  	s3 =	sadd.s32 $0x88, s3;
	s6 =	simm.s32 @!p1 $0x1082;
	[sflag:s4] =	ssyncset.s32 $0xFFFFF086  }
0x25: {  	[simem:s6], [sflag:s4] =	dma.local [hbm:s3], $0xF7A  }
0x26: {  	[smem:$0x3F4E] =	sst s1;
	(tag) =	ssettag s2;
	_ =	strace s9  }
0x27: {  	s1 =	sld [smem:$0x3F5E]  }
0x28: {  	s2 =	sld [smem:$0x3F5F]  }
0x29: {  	s4 =	sld [smem:$0x3F61]  }
0x2a: {  	p0 =	seq.s32 s5, $0x0;
	s5 =	sld [smem:$0x3F62]  }
0x2b: {  	s6 =	sld [smem:$0x3F63]  }
0x2c: {  	s7 =	sld [smem:$0x3F64]  }
0x2d: {  	s3 =	simm.s32 $0x108;
	s8 =	sld [smem:$0x3F65]  }
0x2e: {  	s3 =	simm.s32 @!p0 $0x1082;
	s9 =	sld [smem:$0x3F66]  }
0x2f: {  	lr =	sadd.s32 s0, s3;
	s0 =	sld [smem:$0x3F5D]  }
0x30: {  	s3 =	sld [smem:$0x3F60]  }
0x31: {  	[smem:$0x3F69] =	sst s10  }
0x32: {  	s10 =	sld [smem:$0x3F67];
	_ =	sdelay $0x3  }
0x33: {  	p0 =	seq.s32 s10, $0x1;
	s10 =	sld [smem:$0x3F69];
	_ =	sdelay $0x3  }
0x34: {  	[smem:$0x3F69] =	sst s10  }
0x35: {  	s10 =	sld [smem:$0x3F68];
	_ =	sdelay $0x3  }
0x36: {  	p1 =	seq.s32 s10, $0x1;
	s10 =	sld [smem:$0x3F69];
	_ =	sdelay $0x3  }
0x37: {  	[smem:$0x3F69] =	sst s10  }
0x38: {  	s10 =	sld [smem:$0x3F6A]  }
0x39: {  	_ = 	snop;
	(pc) =	sbr.ind lr, $3  }
0x3a: {  	_ = 	snop  }
0x3b: {  	_ = 	snop  }
0x3c: {  	p2 =	seq.s32 s10, $0x1;
	s10 =	sld [smem:$0x3F69]  }
0x3d: {  	_ =	shalt  }
0x3e: {  	_ =	shalt  }
0x3f: {  	_ =	shalt  }
0x40: {  	_ =	shalt  }
0x41: {  	_ =	shalt  }
0x42: {  	_ =	shalt  }
0x43: {  	_ =	shalt  }
0x44: {  	_ =	shalt  }
0x45: {  	_ =	shalt  }
0x46: {  	_ =	shalt  }
0x47: {  	_ =	shalt  }
0x48: {  	_ =	shalt  }
0x49: {  	_ =	shalt  }
0x4a: {  	_ =	shalt  }
0x4b: {  	_ =	shalt  }
0x4c: {  	_ =	shalt  }
0x4d: {  	_ =	shalt  }
0x4e: {  	_ =	shalt  }
0x4f: {  	_ =	shalt  }
0x50: {  	_ =	shalt  }
0x51: {  	_ =	shalt  }
0x52: {  	_ =	shalt  }
0x53: {  	_ =	shalt  }
0x54: {  	_ =	shalt  }
0x55: {  	_ =	shalt  }
0x56: {  	_ =	shalt  }
0x57: {  	_ =	shalt  }
0x58: {  	_ =	shalt  }
0x59: {  	_ =	shalt  }
0x5a: {  	_ =	shalt  }
0x5b: {  	_ =	shalt  }
0x5c: {  	_ =	shalt  }
0x5d: {  	_ =	shalt  }
0x5e: {  	_ =	shalt  }
0x5f: {  	_ =	shalt  }
0x60: {  	_ =	shalt  }
0x61: {  	_ =	shalt  }
0x62: {  	_ =	shalt  }
0x63: {  	_ =	shalt  }
0x64: {  	_ =	shalt  }
0x65: {  	_ =	shalt  }
0x66: {  	_ =	shalt  }
0x67: {  	_ =	shalt  }
0x68: {  	_ =	shalt  }
0x69: {  	_ =	shalt  }
0x6a: {  	_ =	shalt  }
0x6b: {  	_ =	shalt  }
0x6c: {  	_ =	shalt  }
0x6d: {  	_ =	shalt  }
0x6e: {  	_ =	shalt  }
0x6f: {  	_ =	shalt  }
0x70: {  	_ =	shalt  }
0x71: {  	_ =	shalt  }
0x72: {  	_ =	shalt  }
0x73: {  	_ =	shalt  }
0x74: {  	_ =	shalt  }
0x75: {  	_ =	shalt  }
0x76: {  	_ =	shalt  }
0x77: {  	_ =	shalt  }
0x78: {  	_ =	shalt  }
0x79: {  	_ =	shalt  }
0x7a: {  	_ =	shalt  }
0x7b: {  	_ =	shalt  }
0x7c: {  	_ =	shalt  }
0x7d: {  	_ =	shalt  }
0x7e: {  	_ =	shalt  }
0x7f: {  	_ =	shalt  }
0x80: {  	_ =	shalt  }
0x81: {  	_ =	shalt  }
0x82: {  	_ =	shalt  }
0x83: {  	_ =	shalt  }
0x84: {  	_ =	shalt  }
0x85: {  	_ =	shalt  }
0x86: {  	_ =	shalt  }
0x87: {  	_ =	shalt  }
.Lfunc_end0:
.L_simem_size_0:
called_computation_lowered:
.L_overlay_start_0:
0x88: {  	s2 =	sld [smem:$0x3FD9]  }
0x89: {  	s3 =	sld [smem:$0x3FFE];
	_ =	sdelay $0x1  }
0x8a: {  	s1 =	srdreg.scid  }
0x8b: {  	s0 =	sand.u32 $0x1, s1  }
0x8c: {  	s16 =	sshll.u32 s0, $0xA;
	s2 =	sadd.s32 s3, s2  }
0x8d: {  	s2 =	sadd.s32 s2, s16  }
0x8e: {  	[smem:$0x3F75] =	sst s2  }
0x8f: {  	_ = 	snop  }
0x90: {  	(tm) =	ssettm $0x1  }
0x91: {  	s17 =	sld [smem:$0x3FFB];
	_ =	sdelay $0x3  }
0x92: {  	_ =	strace s17  }
0x93: {  	s2 =	sld [smem:$0x3FFC];
	_ =	sdelay $0x3  }
0x94: {  	_ =	strace s2  }
0x95: {  	s2 =	sld [smem:$0x3FFD];
	_ =	sdelay $0x3  }
0x96: {  	_ =	strace s2  }
0x97: {  	_ =	strace $0x8FFFFFFF  }
0x98: {  	s18 =	sld [smem:$0x3FDB];
	_ =	sdelay $0x1  }
0x99: {  	s19 =	simm.s32 $_scs_section_size  }
0x9a: {  	s4 =	simm.s32 $_size__tile_overlayer_lowered;
	s5 =	simm.s32 $_tile_overlayer_lowered  }
0x9b: {  	s22 =	simm.s32 $0x1BFF;
	s21 =	sshll.u32 s5, $0x1;
	s2 =	sadd.s32 s19, s18  }
0x9c: {  	s6 =	simm.s32 $0x0;
	s20 =	sshll.u32 s4, $0x1;
	s4 =	sadd.s32 s21, s2  }
0x9d: {  	[timem:s6], [sflag:s22] =	dma.local [hbm:s4], s20  }
0x9e: {  	_ =	swait.ge [sflag:s22], s20  }
0x9f: {  	s3 =	ssub.s32 $0x0, s20;
	[sflag:s22] =	ssyncset.done $0x0  }
0xa0: {  	[sflag:s22] =	ssyncadd.s32 s3;
	_ =	sdelay $0x1  }
0xa1: {  	s23 =	simm.s32 $0x1B8B  }
0xa2: {  	_ =	swait.ge [sflag:s23], $0x1  }
0xa3: {  	[sflag:s23] =	ssyncset.done $0x0  }
0xa4: {  	s25 =	simm.s32 $0x1B8E;
	s24 =	sld [smem:$0x3FFE];
	[sflag:s23] =	ssyncadd.s32 $0xFFFFFFFF  }
0xa5: {  	s26 =	simm.s32 $execute0_lowered;
	[smem:$0x3FD2] =	sst s25  }
0xa6: {  	s4 =	sshll.u32 s26, $0x1;
	_ =	strace $0x80000046;
	[dreg:$0x1] =	wrdreg $0xFFFFFFFF  }
0xa7: {  	s28 =	simm.s32 $_size_execute0_lowered;
	s2 =	sadd.s32 s2, s4;
	[dreg:$0x0] =	wrdreg $0x0  }
0xa8: {  	s4 =	sshll.u32 s28, $0x1;
	[dreg:$0x2] =	wrdreg s2  }
0xa9: {  	[dreg:$0x3] =	wrdreg s4  }
0xaa: {  	[dreg:$0x4] =	wrdreg $0xC0  }
0xab: {  	_ =	task [dreg:s6], $0x5FFFF  }
0xac: {  	[dreg:$0x1] =	wrdreg $0xFFFFFFFF  }
0xad: {  	[dreg:$0x0] =	wrdreg $0x60  }
0xae: {  	[dreg:$0x2] =	wrdreg s24  }
0xaf: {  	[dreg:$0x3] =	wrdreg $0xB1200  }
0xb0: {  	[dreg:$0x4] =	wrdreg $0x1E9A00  }
0xb1: {  	[dreg:$0x5] =	wrdreg $0x9  }
0xb2: {  	_ =	task.clear_ibuf [dreg:s6], $0x6FFFF;
	_ =	strace $0x90000046  }
0xb3: {  	s29 =	simm.s32 $0x9;
	_ =	strace $0x80000048  }
0xb4: {  	_ =	swait.ge [sflag:s29], $0x1  }
0xb5: {  	[sflag:s29] =	ssyncadd.s32 $0xFFFFFFFF  }
0xb6: {  	_ =	strace $0x90000048  }
0xb7: {  	_ =	sfence  }
0xb8: {  	s30 =	sld [smem:$0x0];
	_ =	sdelay $0x2  }
0xb9: {  	s31 =	sshll.u32 s1, $0xD;
	s1 =	sshrl.u32 s1, $0x2  }
0xba: {  	s3 =	sand.u32 $0x4000, s31;
	s1 =	sadd.s32 s1, s30  }
0xbb: {  	s0 =	sor.u32 s3, s0;
	s1 =	sshll.u32 s1, $0x11  }
0xbc: {  	s0 =	sor.u32 s1, s0  }
0xbd: {  	s0 =	sadd.s32 $0x8F2B, s0  }
0xbe: {  	[sflag:s0] =	ssyncadd.remote.s32 $0x1  }
0xbf: {  	_ =	sfence.sel $0xFFFF  }
0xc0: {  	[dreg:$0x0] =	wrdreg $0xFFFFFFFF;
	(pc) =	sbr.abs _section_cstart, $3  }
0xc1: {  	[dreg:$0x1] =	wrdreg $0xFFFFFFFF  }
0xc2: {  	_ =	task.clear_ibuf [dreg:s6], $0x2FFFF;
	_ =	strace $0x9FFFFFFF  }
0xc3: {  	(tm) =	ssettm $0x7FFFFFFF  }
tec
execute0_lowered:
.L_overlay_start_1:
0x0: {  	(tag) =	ssettag $0x1  }
0x1: {  	s0 =	rddreg [dreg:$0x0]  }
0x2: {  	s1 =	rddreg [dreg:$0x1]  }
0x3: {  	s2 =	rddreg [dreg:$0x2];
	s4 =	simm.s32 $0x0;
	s3 =	srdreg.scid  }
0x4: {  	s16 =	stileid.u32;
	s19 =	simm.s32 $0x1;
	s22 =	simm.s32 $0x50  }
0x5: {  	s23 =	simm.s32 $0x82A0;
	s28 =	simm.s32 $0x8520;
	s29 =	simm.s32 $0x0  }
0x6: {  	[smem:$0x7FF] =	sst s4;
	s3 =	sand.u32 $0x1, s3;
	s10 =	smul.u32 $0x13880, s16  }
0x7: {  	s5 =	sadd.s32 $0x36800, s0;
	s6 =	sadd.s32 $0x84A00, s0;
	s7 =	sadd.s32 $0x71400, s0  }
0x8: {  	s12 =	smul.u32 $0x1388, s16;
	s8 =	sadd.s32 $0x67600, s0;
	s9 =	sadd.s32 $0xD2C00, s0  }
0x9: {  	s14 =	sadd.s32 $0x7B200, s0;
	s24 =	sadd.s32 $0x7B400, s0;
	s25 =	sadd.s32 $0x7DC00, s0  }
0xa: {  	s15 =	sshll.u32 s16, $0x1;
	_ =	strace $0x80000047;
	[dreg:$0x4] =	wrdreg s14  }
0xb: {  	s31 =	sshll.u32 s16, $0x6;
	s11 =	smul.u32 $0x138800, s3;
	[dreg:$0x5] =	wrdreg s24  }
0xc: {  	s13 =	smul.u32 $0x13880, s3;
	[dreg:$0x6] =	wrdreg s25;
	s26 =	ssub.s32 $0x2, s3  }
0xd: {  	v0 =	vimm.s32 $0xFEDCBA98;
	s3 =	sor.u32 s3, s15;
	s24 =	simm.s32 $0x32A0;
	s25 =	simm.s32 $0xA0  }
0xe: {  	v1 =	vimm.s32 $0x76543210;
	v4 =	vlaneseq.u32;
	v0 =	vunpack.c.l.s4.s8 v0;
	s30 =	sshrl.u32 s26, $0x1;
	s14 =	smul.u32 $0x2710, s3;
	s11 =	sadd.s32 s10, s11  }
0xf: {  	vm0 =	vmmov $0xff;
	v5 =	vimm.s32 $0x2;
	v1 =	vunpack.c.l.s4.s8 v1;
	s13 =	sadd.s32 s12, s13;
	s17 =	ssub.s32 s26, s30;
	s10 =	sadd.s32 s10, s1  }
0x10: {  	v6 =	vimm.s32 $0x4;
	v7 =	vimm.s32 $0x5;
	v2 =	vunpack.c.0.s8.s32 v0;
	s12 =	sadd.s32 s12, s2;
	s26 =	simm.s32 $0xAD20;
	s11 =	sshrl.u32 s11, $0x3  }
0x11: {  	v8 =	vimm.s32 $0x6;
	v9 =	vimm.s32 $0x7;
	v3 =	vunpack.c.0.s8.s32 v1;
	s13 =	sshrl.u32 s13, $0x3;
	s17 =	smax.u32 s17, $0x1;
	s18 =	sshrl.u32 s10, $0x3  }
0x12: {  	v0 =	vimm.s32 $0x3;
	v1 =	vimm.s32 $0x1;
	v2 =	vand.u32 $0xF, v2;
	s20 =	sshrl.u32 s12, $0x3;
	s11 =	sadd.s32 s11, s0;
	s0 =	sadd.s32 s13, s0  }
0x13: {  	s13 =	sor.u32 $0x1C01, s31;
	v2 =	vcombine.low v2, v3;
	v3 =	vand.u32 $0x7, v4;
	v4 =	vimm.s32 $0x0;
	s15 =	sadd.s32 $0x120E00, s11;
	s16 =	sadd.s32 $0x7E000, s0  }
.LBB2_1:
0x14: {  	s0 =	rddreg [dreg:$0x5]  }
0x15: {  	[spmem:s18], [sflag:s13] =	dma.local [hbm:s0], $0x2710  }
0x16: {  	_ =	swait.ge [sflag:s19], $0x2710  }
0x17: {  	[sflag:s19] =	ssyncset.done $0x0  }
0x18: {  	s21 =	rddreg [dreg:$0x6];
	[sflag:s19] =	ssyncadd.s32 $0xFFFFD8F0  }
0x19: {  	[spmem:s20], [sflag:s13] =	dma.local [hbm:s21], $0x271  }
0x1a: {  	_ =	swait.ge [sflag:s19], $0x271  }
0x1b: {  	[sflag:s19] =	ssyncset.done $0x0  }
0x1c: {  	s3 =	simm.s32 $0xAFA0;
	s31 =	rddreg [dreg:$0x4];
	[sflag:s19] =	ssyncadd.s32 $0xFFFFFD8F  }
0x1d: {  	[tilespmem:s3], [sflag:$0x1] =	stream.linear.gather [hbm4b:s31+s4], $0x180, $0x38;
	[tilespmem:$0x1FD28] =	vst v63  }
0x1e: {  	_ =	swait.ge [sflag:s19], $0x180  }
0x1f: {  	[sflag:s19] =	ssyncset.done $0x0  }
0x20: {  	[sflag:s19] =	ssyncadd.s32 $0xFFFFFE80  }
0x21: {  	s30 =	simm.s32 $0x0;
	[bflag:$0x0] =	sbarrier.arrive $0xFFFF  }
.LBB2_2:
0x22: {  	s0 =	smul.u32 $0x50, s30;
	_ =	sdelay $0x1  }
0x23: {  	s0 =	sadd.s32 s14, s0  }
0x24: {  	s3 =	sshrl.u32 s0, $0x3  }
0x25: {  	s12 =	simm.s32 $0x1;
	s10 =	sadd.s32 s7, s3  }
0x26: {  	[tilespmem:s4], [sflag:$0x1] =	stream.linear.gather [hbm4b:s10+s4], $0x50, $0x38;
	[tilespmem:$0x1FD28] =	vst v63  }
0x27: {  	_ =	swait.ge [sflag:s12], $0x50  }
0x28: {  	[sflag:s12] =	ssyncset.done $0x0  }
0x29: {  	s3 =	sadd.s32 s8, s3;
	[sflag:s12] =	ssyncadd.s32 $0xFFFFFFB0  }
0x2a: {  	[tilespmem:s22], [sflag:$0x1] =	stream.linear.gather [hbm4b:s3+s4], $0x50, $0x38;
	[tilespmem:$0x1FD28] =	vst v63  }
0x2b: {  	_ =	swait.ge [sflag:s12], $0x50  }
0x2c: {  	[sflag:s12] =	ssyncset.done $0x0  }
0x2d: {  	s0 =	sadd.s32 s9, s0;
	[sflag:s12] =	ssyncadd.s32 $0xFFFFFFB0  }
0x2e: {  	[tilespmem:s23], [sflag:$0x1] =	stream.linear.gather [hbm4b:s0+s4], $0x280, $0x38;
	[tilespmem:$0x1FD28] =	vst v63  }
0x2f: {  	_ =	swait.ge [sflag:s12], $0x280  }
0x30: {  	[sflag:s12] =	ssyncset.done $0x0  }
0x31: {  	[sflag:s12] =	ssyncadd.s32 $0xFFFFFD80  }
0x32: {  	[tilespmem:s24], [sflag:$0x1] =	stream.indirect.gather [hbm4b:s6+s22], $0x100, s4, s22, $0xb8;
	[tilespmem:$0x1FD28] =	vst v63  }
0x33: {  	_ =	swait.ge [sflag:s12], $0x5000  }
0x34: {  	[sflag:s12] =	ssyncset.done $0x0  }
0x35: {  	[sflag:s12] =	ssyncadd.s32 $0xFFFFB000  }
0x36: {  	[tilespmem:s25], [sflag:$0x1] =	stream.indirect.gather [hbm4b:s5+s22], $0xA0, s22, s22, $0xb8;
	[tilespmem:$0x1FD28] =	vst v63  }
0x37: {  	_ =	swait.ge [sflag:s12], $0x3200  }
0x38: {  	[sflag:s12] =	ssyncset.done $0x0  }
0x39: {  	s31 =	simm.s32 $0x33A0;
	[sflag:s12] =	ssyncadd.s32 $0xFFFFCE00  }
0x3a: {  	v10 =	vld [tilespmem:s31+$0xFFFFFF00]  }
0x3b: {  	s0 =	simm.s32 $0x140;
	v11 =	vld [tilespmem:s31+$0x10]  }
0x3c: {  	v12 =	vld [tilespmem:s0+$0xFFFFFF60]  }
0x3d: {  	v13 =	vld [tilespmem:s0+$0x0]  }
0x3e: {  	v14 =	vld [tilespmem:s31+$0x0]  }
0x3f: {  	v15 =	vld [tilespmem:s0+$0x20]  }
0x40: {  	v16 =	vld [tilespmem:s31+$0x20]  }
0x41: {  	v17 =	vld [tilespmem:s0+$0x30]  }
0x42: {  	v18 =	vld [tilespmem:s31+$0x30]  }
0x43: {  	v19 =	vld [tilespmem:s0+$0x40]  }
0x44: {  	v20 =	vld [tilespmem:s31+$0x40]  }
0x45: {  	v21 =	vld [tilespmem:s0+$0x50]  }
0x46: {  	v22 =	vld [tilespmem:s31+$0x50]  }
0x47: {  	v23 =	vld [tilespmem:s0+$0x60]  }
0x48: {  	v24 =	vld [tilespmem:s31+$0x60]  }
0x49: {  	v25 =	vld [tilespmem:s0+$0x70]  }
0x4a: {  	v26 =	vld [tilespmem:s31+$0x70]  }
0x4b: {  	v27 =	vld [tilespmem:s0+$0xFFFFFF70]  }
0x4c: {  	v28 =	vld [tilespmem:s31+$0xFFFFFF10]  }
0x4d: {  	v29 =	vld [tilespmem:s0+$0xFFFFFF80]  }
0x4e: {  	v30 =	vld [tilespmem:s31+$0xFFFFFF20]  }
0x4f: {  	v31 =	vld [tilespmem:s0+$0xFFFFFF90]  }
0x50: {  	v32 =	vld [tilespmem:s31+$0xFFFFFF30]  }
0x51: {  	v33 =	vld [tilespmem:s0+$0xFFFFFFA0]  }
0x52: {  	v34 =	vld [tilespmem:s31+$0xFFFFFF40]  }
0x53: {  	v35 =	vld [tilespmem:s0+$0xFFFFFFC0]  }
0x54: {  	v36 =	vld [tilespmem:s0+$0xFFFFFFB0]  }
0x55: {  	v37 =	vld [tilespmem:s31+$0xFFFFFF50];
	v23 =	vmul.f32 v24, v23;
	v24 =	vmul.f32 v26, v25  }
0x56: {  	v25 =	vld [tilespmem:s0+$0xFFFFFFD0];
	v21 =	vmul.f32 v22, v21;
	v19 =	vmul.f32 v20, v19  }
0x57: {  	v22 =	vld [tilespmem:s0+$0x10];
	v20 =	vmul.f32 v28, v27;
	v17 =	vmul.f32 v18, v17  }
0x58: {  	v28 =	vmov s12;
	v15 =	vmul.f32 v16, v15;
	v16 =	vld [tilespmem:s31+$0xFFFFFF60];
	v26 =	vmul.f32 v32, v31  }
0x59: {  	v13 =	vmul.f32 v14, v13;
	v12 =	vmul.f32 v10, v12;
	v23 =	vadd.f32 v24, v23;
	v24 =	vld [tilespmem:s31+$0xFFFFFF70]  }
0x5a: {  	s21 =	simm.s32 $0x0;
	v18 =	vadd.f32 v21, v19;
	v19 =	vmul.f32 v30, v29;
	v21 =	vshll.u32 v28, $0x3  }
0x5b: {  	v14 =	vadd.f32 v17, v15;
	v15 =	vmov s21;
	v17 =	vmul.f32 v34, v33  }
0x5c: {  	v29 =	vmul.f32 v37, v36;
	v27 =	vor.u32 $0x1, v21;
	v11 =	vmul.f32 v11, v22  }
0x5d: {  	v12 =	vadd.f32 v20, v12;
	v15 =	vshll.u32 v15, $0x3;
	v19 =	vadd.f32 v26, v19  }
0x5e: {  	v16 =	vmul.f32 v16, v35;
	v22 =	vmul.f32 v24, v25;
	v11 =	vadd.f32 v11, v13  }
0x5f: {  	v20 =	vld [tilespmem:s0+$0x80];
	v18 =	vadd.f32 v23, v18;
	v13 =	vadd.f32 v29, v17  }
0x60: {  	v35 =	vld.idx.msk [tilespmem:v21+s23+$0x0], $0xffff;
	v17 =	vor.u32 $0x1, v15;
	v16 =	vadd.f32 v22, v16;
	v11 =	vadd.f32 v14, v11  }
0x61: {  	v12 =	vadd.f32 v19, v12;
	v36 =	vld.idx.msk [tilespmem:v27+s23+$0x0], $0xffff  }
0x62: {  	v14 =	vld [tilespmem:s0+$0xFFFFFFE0];
	v13 =	vadd.f32 v16, v13;
	v16 =	vadd.f32 v18, v11  }
0x63: {  	v37 =	vld.idx.msk [tilespmem:v15+s23+$0x0], $0xffff  }
0x64: {  	v10 =	vld [tilespmem:$0xAFA0];
	v13 =	vadd.f32 v13, v12;
	v15 =	vperm.xlane v16, v2  }
0x65: {  	v18 =	vperm.xlane v20, v2;
	v38 =	vld.idx.msk [tilespmem:v17+s23+$0x0], $0xffff  }
0x66: {  	v32 =	vld [tilespmem:$0xB0F0];
	v17 =	vperm.xlane v13, v2;
	v15 =	vadd.f32 v16, v15;
	v16 =	vmul.f32 v20, v35  }
0x67: {  	v19 =	vld [tilespmem:s0+$0x90];
	v18 =	vmul.f32 v18, v36;
	v20 =	vperm.xlane v14, v2  }
0x68: {  	v31 =	vld [tilespmem:$0xB110];
	v17 =	vadd.f32 v17, v13;
	v15 =	vadd.f32 v16, v15;
	v16 =	vmul.f32 v14, v37  }
0x69: {  	v21 =	vld [tilespmem:s0+$0xFFFFFFF0]  }
0x6a: {  	v33 =	vld [tilespmem:$0xB100];
	v20 =	vmul.f32 v20, v38;
	v18 =	vadd.f32 v18, v15;
	v17 =	vadd.f32 v16, v17  }
0x6b: {  	v26 =	vld [tilespmem:$0xB0A0]  }
0x6c: {  	v25 =	vld [tilespmem:$0xB090];
	v19 =	vadd.f32 v18, v19;
	v20 =	vadd.f32 v20, v17  }
0x6d: {  	v29 =	vsel vm0, s21, v28;
	v28 =	vld [tilespmem:$0xB0C0]  }
0x6e: {  	v27 =	vld [tilespmem:$0xB0B0];
	v22 =	vmin.f32 v19, $6.000000000e+01;
	v21 =	vadd.f32 v20, v21  }
0x6f: {  	v30 =	vshll.u32 v29, $0x3;
	v29 =	vld [tilespmem:$0xB0D0];
	v22 =	vmul.f32 $1.442695020e+00, v22  }
0x70: {  	v40 =	vor.u32 v3, v30;
	v30 =	vld [tilespmem:$0xB0E0];
	v23 =	vmin.f32 v21, $6.000000000e+01  }
0x71: {  	v11 =	vld [tilespmem:$0xAFB0];
	(erf) = vpow2.f32 v22;
	v24 =	vmul.f32 $1.442695020e+00, v23  }
0x72: {  	v12 =	vld [tilespmem:$0xAFC0]  }
0x73: {  	v13 =	vld [tilespmem:$0xAFD0];
	(erf) = vpow2.f32 v24  }
0x74: {  	v14 =	vld [tilespmem:$0xAFE0]  }
0x75: {  	v15 =	vld [tilespmem:$0xAFF0]  }
0x76: {  	v16 =	vld [tilespmem:$0xB000]  }
0x77: {  	v17 =	vld [tilespmem:$0xB010]  }
0x78: {  	v18 =	vld [tilespmem:$0xB020]  }
0x79: {  	v19 =	vld [tilespmem:$0xB030]  }
0x7a: {  	v20 =	vld [tilespmem:$0xB040];
	v34 =	vpop (erf)  }
0x7b: {  	v21 =	vld [tilespmem:$0xB050];
	v41 =	vperm.xlane v34, v2  }
0x7c: {  	v22 =	vld [tilespmem:$0xB060];
	v39 =	vpop (erf)  }
0x7d: {  	v23 =	vld [tilespmem:$0xB070];
	v41 =	vsel vm0, v39, v41  }
0x7e: {  	v42 =	vmul.f32 v37, v10;
	v43 =	vmul.f32 v38, v18;
	v24 =	vld [tilespmem:$0xB080];
	[tilespmem:v40+s26+$0x0] =	vst.idx.msk $0xffff, v41  }
0x7f: {  	v40 =	vld [tilespmem:s31+$0xFFFFFF80]  }
0x80: {  	v61 =	vadd.f32 v43, v42;
	_ =	sdelay $0x1  }
0x81: {  	v41 =	vadd.f32 v61, v26;
	_ =	sdelay $0x1  }
0x82: {  	v62 =	vperm.xlane v39, v4;
	v40 =	vadd.f32 v40, v41;
	_ =	sdelay $0x1  }
0x83: {  	v40 =	vmul.f32 v62, v40  }
0x84: {  	s3 =	simm.s32 $0x85A0  }
0x85: {  	v63 =	vmul.f32 v35, v10;
	v45 =	vmul.f32 v36, v18;
	[tilespmem:s3+$0xFFFFFF80] =	vst v40  }
0x86: {  	v40 =	vld [tilespmem:s31+$0x80]  }
0x87: {  	v41 =	vadd.f32 v45, v63;
	_ =	sdelay $0x1  }
0x88: {  	v41 =	vadd.f32 v41, v26;
	_ =	sdelay $0x1  }
0x89: {  	v46 =	vperm.xlane v34, v4;
	v40 =	vadd.f32 v40, v41;
	_ =	sdelay $0x1  }
0x8a: {  	v40 =	vmul.f32 v46, v40;
	_ =	sdelay $0x1  }
0x8b: {  	v48 =	vmul.f32 v37, v11;
	v47 =	vmul.f32 v38, v19;
	[tilespmem:s3+$0x0] =	vst v40  }
0x8c: {  	v40 =	vld [tilespmem:s31+$0xFFFFFF90]  }
0x8d: {  	v41 =	vadd.f32 v47, v48;
	_ =	sdelay $0x1  }
0x8e: {  	v41 =	vadd.f32 v41, v27;
	_ =	sdelay $0x1  }
0x8f: {  	v49 =	vperm.xlane v39, v1;
	v40 =	vadd.f32 v40, v41;
	_ =	sdelay $0x1  }
0x90: {  	v40 =	vmul.f32 v49, v40;
	_ =	sdelay $0x1  }
0x91: {  	v51 =	vmul.f32 v35, v11;
	v50 =	vmul.f32 v36, v19;
	[tilespmem:s3+$0xFFFFFF90] =	vst v40  }
0x92: {  	v40 =	vld [tilespmem:s31+$0x90]  }
0x93: {  	v41 =	vadd.f32 v50, v51;
	_ =	sdelay $0x1  }
0x94: {  	v41 =	vadd.f32 v41, v27;
	_ =	sdelay $0x1  }
0x95: {  	v52 =	vperm.xlane v34, v1;
	v40 =	vadd.f32 v40, v41;
	_ =	sdelay $0x1  }
0x96: {  	v40 =	vmul.f32 v52, v40;
	_ =	sdelay $0x1  }
0x97: {  	v53 =	vmul.f32 v37, v12;
	v54 =	vmul.f32 v38, v20;
	[tilespmem:s3+$0x10] =	vst v40  }
0x98: {  	v40 =	vld [tilespmem:s31+$0xFFFFFFA0]  }
0x99: {  	v41 =	vadd.f32 v54, v53;
	_ =	sdelay $0x1  }
0x9a: {  	v41 =	vadd.f32 v41, v28;
	_ =	sdelay $0x1  }
0x9b: {  	v55 =	vperm.xlane v39, v5;
	v40 =	vadd.f32 v40, v41;
	_ =	sdelay $0x1  }
0x9c: {  	v40 =	vmul.f32 v55, v40;
	_ =	sdelay $0x1  }
0x9d: {  	v56 =	vmul.f32 v35, v12;
	v57 =	vmul.f32 v36, v20;
	[tilespmem:s3+$0xFFFFFFA0] =	vst v40  }
0x9e: {  	v40 =	vld [tilespmem:s31+$0xA0]  }
0x9f: {  	v41 =	vadd.f32 v57, v56;
	_ =	sdelay $0x1  }
0xa0: {  	v41 =	vadd.f32 v41, v28;
	_ =	sdelay $0x1  }
0xa1: {  	v58 =	vperm.xlane v34, v5;
	v40 =	vadd.f32 v40, v41;
	_ =	sdelay $0x1  }
0xa2: {  	v40 =	vmul.f32 v58, v40;
	_ =	sdelay $0x1  }
0xa3: {  	v60 =	vmul.f32 v37, v13;
	v59 =	vmul.f32 v38, v21;
	[tilespmem:s3+$0x20] =	vst v40  }
0xa4: {  	v40 =	vld [tilespmem:s31+$0xFFFFFFB0]  }
0xa5: {  	v41 =	vadd.f32 v59, v60;
	_ =	sdelay $0x1  }
0xa6: {  	v41 =	vadd.f32 v41, v29;
	_ =	sdelay $0x1  }
0xa7: {  	v61 =	vperm.xlane v39, v0;
	v40 =	vadd.f32 v40, v41;
	_ =	sdelay $0x1  }
0xa8: {  	v40 =	vmul.f32 v61, v40;
	_ =	sdelay $0x1  }
0xa9: {  	v63 =	vmul.f32 v36, v21;
	v62 =	vmul.f32 v35, v13;
	[tilespmem:s3+$0xFFFFFFB0] =	vst v40  }
0xaa: {  	v40 =	vld [tilespmem:s31+$0xB0]  }
0xab: {  	v41 =	vadd.f32 v63, v62;
	_ =	sdelay $0x1  }
0xac: {  	v41 =	vadd.f32 v41, v29;
	_ =	sdelay $0x1  }
0xad: {  	v45 =	vperm.xlane v34, v0;
	v40 =	vadd.f32 v40, v41;
	_ =	sdelay $0x1  }
0xae: {  	v40 =	vmul.f32 v45, v40;
	_ =	sdelay $0x1  }
0xaf: {  	v47 =	vmul.f32 v38, v22;
	v46 =	vmul.f32 v37, v14;
	[tilespmem:s3+$0x30] =	vst v40  }
0xb0: {  	v40 =	vld [tilespmem:s31+$0xFFFFFFC0]  }
0xb1: {  	v41 =	vadd.f32 v47, v46;
	_ =	sdelay $0x1  }
0xb2: {  	v41 =	vadd.f32 v41, v30;
	_ =	sdelay $0x1  }
0xb3: {  	v48 =	vperm.xlane v39, v6;
	v40 =	vadd.f32 v40, v41;
	_ =	sdelay $0x1  }
0xb4: {  	v40 =	vmul.f32 v48, v40;
	_ =	sdelay $0x1  }
0xb5: {  	v50 =	vmul.f32 v36, v22;
	v49 =	vmul.f32 v35, v14;
	[tilespmem:s3+$0xFFFFFFC0] =	vst v40  }
0xb6: {  	v40 =	vld [tilespmem:s31+$0xC0]  }
0xb7: {  	v41 =	vadd.f32 v50, v49;
	_ =	sdelay $0x1  }
0xb8: {  	v41 =	vadd.f32 v41, v30;
	_ =	sdelay $0x1  }
0xb9: {  	v51 =	vperm.xlane v34, v6;
	v40 =	vadd.f32 v40, v41;
	_ =	sdelay $0x1  }
0xba: {  	v40 =	vmul.f32 v51, v40;
	_ =	sdelay $0x1  }
0xbb: {  	v53 =	vmul.f32 v38, v23;
	v52 =	vmul.f32 v37, v15;
	[tilespmem:s3+$0x40] =	vst v40  }
0xbc: {  	v40 =	vld [tilespmem:s31+$0xFFFFFFD0]  }
0xbd: {  	v41 =	vadd.f32 v53, v52;
	_ =	sdelay $0x1  }
0xbe: {  	v41 =	vadd.f32 v41, v32;
	_ =	sdelay $0x1  }
0xbf: {  	v54 =	vperm.xlane v39, v7;
	v40 =	vadd.f32 v40, v41;
	_ =	sdelay $0x1  }
0xc0: {  	v40 =	vmul.f32 v54, v40;
	_ =	sdelay $0x1  }
0xc1: {  	v56 =	vmul.f32 v36, v23;
	v55 =	vmul.f32 v35, v15;
	[tilespmem:s3+$0xFFFFFFD0] =	vst v40  }
0xc2: {  	v40 =	vld [tilespmem:s31+$0xD0]  }
0xc3: {  	v41 =	vadd.f32 v56, v55;
	_ =	sdelay $0x1  }
0xc4: {  	v41 =	vadd.f32 v41, v32;
	_ =	sdelay $0x1  }
0xc5: {  	v57 =	vperm.xlane v34, v7;
	v40 =	vadd.f32 v40, v41;
	_ =	sdelay $0x1  }
0xc6: {  	v40 =	vmul.f32 v57, v40;
	_ =	sdelay $0x1  }
0xc7: {  	v59 =	vmul.f32 v37, v16;
	v58 =	vmul.f32 v38, v24;
	[tilespmem:s3+$0x50] =	vst v40  }
0xc8: {  	v40 =	vld [tilespmem:s31+$0xFFFFFFE0]  }
0xc9: {  	v41 =	vadd.f32 v58, v59;
	_ =	sdelay $0x1  }
0xca: {  	v41 =	vadd.f32 v41, v33;
	_ =	sdelay $0x1  }
0xcb: {  	v60 =	vperm.xlane v39, v8;
	v40 =	vadd.f32 v40, v41;
	_ =	sdelay $0x1  }
0xcc: {  	v40 =	vmul.f32 v60, v40;
	_ =	sdelay $0x1  }
0xcd: {  	v62 =	vmul.f32 v36, v24;
	v61 =	vmul.f32 v35, v16;
	[tilespmem:s3+$0xFFFFFFE0] =	vst v40  }
0xce: {  	v40 =	vld [tilespmem:s31+$0xE0]  }
0xcf: {  	v41 =	vadd.f32 v62, v61;
	_ =	sdelay $0x1  }
0xd0: {  	v41 =	vadd.f32 v41, v33;
	_ =	sdelay $0x1  }
0xd1: {  	v63 =	vperm.xlane v34, v8;
	v40 =	vadd.f32 v40, v41;
	_ =	sdelay $0x1  }
0xd2: {  	v40 =	vmul.f32 v63, v40;
	_ =	sdelay $0x1  }
0xd3: {  	v37 =	vmul.f32 v37, v17;
	v38 =	vmul.f32 v38, v25;
	[tilespmem:s3+$0x60] =	vst v40  }
0xd4: {  	v40 =	vld [tilespmem:s31+$0xFFFFFFF0]  }
0xd5: {  	v37 =	vadd.f32 v38, v37;
	_ =	sdelay $0x1  }
0xd6: {  	v37 =	vadd.f32 v37, v31;
	v36 =	vmul.f32 v36, v25;
	v35 =	vmul.f32 v35, v17;
	_ =	sdelay $0x1  }
0xd7: {  	s11 =	simm.s32 $0x33A0;
	s10 =	simm.s32 $0x3;
	s21 =	simm.s32 $0x85A0;
	v35 =	vadd.f32 v36, v35;
	v36 =	vadd.f32 v40, v37;
	v37 =	vperm.xlane v39, v9  }
.LBB2_3:
0xd8: {  	_ = 	snop  }
0xd9: {  	s0 =	sadd.s32 $0x140, s0;
	s31 =	sadd.s32 $0x200, s31;
	s3 =	sadd.s32 $0x100, s3;
	v36 =	vmul.f32 v37, v36  }
0xda: {  	p0 =	sne.s32 s10, $0x4F;
	s12 =	smov.u32 s10;
	s10 =	sadd.s32 $0x2, s10  }
0xdb: {  	[tilespmem:s21+$0xFFFFFFF0] =	vst v36  }
0xdc: {  	v36 =	vld [tilespmem:s11+$0xF0];
	s11 =	smov.u32 s31;
	_ =	sdelay $0x2  }
0xdd: {  	v35 =	vadd.f32 v35, v31;
	_ =	sdelay $0x1  }
0xde: {  	v34 =	vperm.xlane v34, v9;
	v35 =	vadd.f32 v36, v35;
	_ =	sdelay $0x1  }
0xdf: {  	v34 =	vmul.f32 v34, v35;
	_ =	sdelay $0x1  }
0xe0: {  	[tilespmem:s21+$0x70] =	vst v34;
	s21 =	smov.u32 s3  }
0xe1: {  	v34 =	vld [tilespmem:s31+$0xFFFFFF00]  }
0xe2: {  	v35 =	vld [tilespmem:s31+$0x10]  }
0xe3: {  	v36 =	vld [tilespmem:s0+$0xFFFFFF60]  }
0xe4: {  	v37 =	vld [tilespmem:s0+$0x0]  }
0xe5: {  	v38 =	vld [tilespmem:s31+$0x0]  }
0xe6: {  	v39 =	vld [tilespmem:s0+$0x20]  }
0xe7: {  	v40 =	vld [tilespmem:s31+$0x20]  }
0xe8: {  	v41 =	vld [tilespmem:s0+$0x30]  }
0xe9: {  	v42 =	vld [tilespmem:s31+$0x30]  }
0xea: {  	v43 =	vld [tilespmem:s0+$0x40]  }
0xeb: {  	v44 =	vld [tilespmem:s31+$0x40]  }
0xec: {  	v45 =	vld [tilespmem:s0+$0x50]  }
0xed: {  	v46 =	vld [tilespmem:s31+$0x50]  }
0xee: {  	v47 =	vld [tilespmem:s0+$0x60]  }
0xef: {  	v48 =	vld [tilespmem:s31+$0x60]  }
0xf0: {  	v49 =	vld [tilespmem:s0+$0x70]  }
0xf1: {  	v50 =	vld [tilespmem:s31+$0x70]  }
0xf2: {  	v51 =	vld [tilespmem:s0+$0xFFFFFF70]  }
0xf3: {  	v52 =	vld [tilespmem:s31+$0xFFFFFF10]  }
0xf4: {  	v53 =	vld [tilespmem:s0+$0xFFFFFF80];
	v47 =	vmul.f32 v48, v47  }
0xf5: {  	v45 =	vmul.f32 v46, v45;
	v48 =	vld [tilespmem:s31+$0xFFFFFF20]  }
0xf6: {  	v46 =	vld [tilespmem:s0+$0xFFFFFF90];
	v49 =	vmul.f32 v50, v49  }
0xf7: {  	v43 =	vmul.f32 v44, v43;
	v50 =	vld [tilespmem:s31+$0xFFFFFF30]  }
0xf8: {  	v44 =	vmul.f32 v52, v51;
	v51 =	vld [tilespmem:s0+$0xFFFFFFA0];
	v47 =	vadd.f32 v49, v47  }
0xf9: {  	v41 =	vmul.f32 v42, v41;
	v42 =	vadd.f32 v45, v43;
	v49 =	vld [tilespmem:s31+$0xFFFFFF40]  }
0xfa: {  	v43 =	vmul.f32 v48, v53;
	v45 =	vld [tilespmem:s0+$0xFFFFFFC0]  }
0xfb: {  	v39 =	vmul.f32 v40, v39;
	v48 =	vmov s12;
	v52 =	vld [tilespmem:s0+$0xFFFFFFB0]  }
0xfc: {  	s12 =	sadd.s32 $0xFFFFFFFF, s12;
	v40 =	vshll.u32 v48, $0x3;
	v46 =	vmul.f32 v50, v46;
	v50 =	vld [tilespmem:s31+$0xFFFFFF50]  }
0xfd: {  	v37 =	vmul.f32 v38, v37;
	v38 =	vadd.f32 v41, v39;
	v53 =	vld [tilespmem:s0+$0xFFFFFFD0]  }
0xfe: {  	v39 =	vmov s12;
	v41 =	vor.u32 $0x1, v40;
	v49 =	vmul.f32 v49, v51;
	v51 =	vld [tilespmem:s0+$0x10]  }
0xff: {  	v34 =	vmul.f32 v34, v36;
	v39 =	vshll.u32 v39, $0x3;
	v43 =	vadd.f32 v46, v43;
	v36 =	vld [tilespmem:s31+$0xFFFFFF70]  }
0x100: {  	v48 =	vsel vm0, s12, v48;
	v46 =	vor.u32 $0x1, v39;
	v54 =	vld [tilespmem:s31+$0xFFFFFF60]  }
0x101: {  	v34 =	vadd.f32 v44, v34;
	v40 =	vld.idx.msk [tilespmem:v40+s23+$0x0], $0xffff;
	v50 =	vmul.f32 v50, v52  }
0x102: {  	v48 =	vshll.u32 v48, $0x3;
	v44 =	vld [tilespmem:s0+$0x80]  }
0x103: {  	v34 =	vadd.f32 v43, v34;
	v52 =	vld.idx.msk [tilespmem:v41+s23+$0x0], $0xffff;
	v35 =	vmul.f32 v35, v51  }
0x104: {  	v36 =	vmul.f32 v36, v53;
	v43 =	vld [tilespmem:s0+$0xFFFFFFE0]  }
0x105: {  	v41 =	vmul.f32 v54, v45;
	v45 =	vadd.f32 v50, v49;
	v35 =	vadd.f32 v35, v37  }
0x106: {  	v37 =	vadd.f32 v47, v42  }
0x107: {  	v42 =	vmul.f32 v40, v17;
	v35 =	vadd.f32 v38, v35;
	v38 =	vmul.f32 v40, v15  }
0x108: {  	v49 =	vmul.f32 v40, v10;
	v47 =	vmul.f32 v40, v16;
	v36 =	vadd.f32 v36, v41  }
0x109: {  	v51 =	vmul.f32 v40, v12;
	v35 =	vadd.f32 v37, v35;
	v37 =	vld [tilespmem:s0+$0x90];
	v50 =	vperm.xlane v43, v2  }
0x10a: {  	v36 =	vadd.f32 v36, v45;
	v45 =	vmul.f32 v52, v24;
	v41 =	vld.idx.msk [tilespmem:v39+s23+$0x0], $0xffff;
	v39 =	vperm.xlane v44, v2  }
0x10b: {  	v55 =	vmul.f32 v52, v25;
	v53 =	vperm.xlane v35, v2;
	v54 =	vld [tilespmem:s0+$0xFFFFFFF0]  }
0x10c: {  	v34 =	vadd.f32 v36, v34;
	v36 =	vadd.f32 v45, v47;
	v56 =	vld.idx.msk [tilespmem:v46+s23+$0x0], $0xffff;
	v46 =	vmul.f32 v52, v18  }
0x10d: {  	v47 =	vmul.f32 v40, v13;
	v45 =	vadd.f32 v35, v53;
	v35 =	vadd.f32 v55, v42  }
0x10e: {  	v42 =	vperm.xlane v34, v2;
	v53 =	vmul.f32 v52, v19  }
0x10f: {  	v44 =	vmul.f32 v44, v40;
	v55 =	vmul.f32 v40, v11  }
0x110: {  	v39 =	vmul.f32 v39, v52;
	v34 =	vadd.f32 v42, v34;
	v57 =	vmul.f32 v41, v17  }
0x111: {  	v53 =	vadd.f32 v53, v55;
	v42 =	vmul.f32 v52, v21;
	v55 =	vmul.f32 v41, v15  }
0x112: {  	v45 =	vadd.f32 v44, v45;
	v50 =	vmul.f32 v50, v56;
	v58 =	vmul.f32 v56, v25  }
0x113: {  	v60 =	vmul.f32 v52, v20;
	v59 =	vmul.f32 v41, v12;
	v44 =	vadd.f32 v42, v47  }
0x114: {  	v39 =	vadd.f32 v39, v45;
	v42 =	vmul.f32 v56, v19;
	v45 =	vmul.f32 v56, v20  }
0x115: {  	v43 =	vmul.f32 v43, v41;
	v61 =	vmul.f32 v41, v11;
	v47 =	vadd.f32 v60, v51  }
0x116: {  	v49 =	vadd.f32 v46, v49;
	v37 =	vadd.f32 v39, v37;
	v39 =	vmul.f32 v40, v14  }
0x117: {  	v34 =	vadd.f32 v43, v34;
	v51 =	vmul.f32 v41, v10;
	v40 =	vmul.f32 v52, v22  }
0x118: {  	v46 =	vmul.f32 v56, v21;
	v60 =	vadd.f32 v42, v61;
	v37 =	vmin.f32 v37, $6.000000000e+01  }
0x119: {  	v34 =	vadd.f32 v50, v34;
	v43 =	vadd.f32 v40, v39;
	v39 =	vmul.f32 v52, v23  }
0x11a: {  	v50 =	vadd.f32 v45, v59;
	v42 =	vmul.f32 v56, v24;
	v37 =	vmul.f32 $1.442695020e+00, v37  }
0x11b: {  	v34 =	vadd.f32 v34, v54;
	v40 =	vadd.f32 v39, v38;
	v38 =	vmul.f32 v41, v16  }
0x11c: {  	v45 =	vmul.f32 v41, v14;
	(erf) = vpow2.f32 v37  }
0x11d: {  	v34 =	vmin.f32 v34, $6.000000000e+01;
	v39 =	vadd.f32 v42, v38;
	v37 =	vmul.f32 v56, v22  }
0x11e: {  	v34 =	vmul.f32 $1.442695020e+00, v34;
	v38 =	vmul.f32 v56, v23  }
0x11f: {  	v45 =	vadd.f32 v37, v45  }
0x120: {  	v42 =	vadd.f32 v38, v55;
	v37 =	vadd.f32 v58, v57;
	(erf) = vpow2.f32 v34;
	_ =	sdelay $0x1  }
0x121: {  	v48 =	vor.u32 v3, v48;
	_ =	sdelay $0x2  }
0x122: {  	v34 =	vpop (erf);
	_ =	sdelay $0x2  }
0x123: {  	v52 =	vperm.xlane v34, v2  }
0x124: {  	v54 =	vmul.f32 v56, v18;
	v38 =	vpop (erf)  }
0x125: {  	v52 =	vsel vm0, v38, v52  }
0x126: {  	[tilespmem:v48+s26+$0x0] =	vst.idx.msk $0xffff, v52;
	v48 =	vadd.f32 v54, v51  }
0x127: {  	v51 =	vld [tilespmem:s31+$0xFFFFFF80]  }
0x128: {  	v49 =	vadd.f32 v49, v26;
	v48 =	vadd.f32 v48, v26;
	_ =	sdelay $0x3  }
0x129: {  	v48 =	vadd.f32 v51, v48;
	v51 =	vperm.xlane v38, v4;
	_ =	sdelay $0x1  }
0x12a: {  	v48 =	vmul.f32 v51, v48;
	_ =	sdelay $0x1  }
0x12b: {  	[tilespmem:s3+$0xFFFFFF80] =	vst v48  }
0x12c: {  	v48 =	vld [tilespmem:s31+$0x80];
	_ =	sdelay $0x4  }
0x12d: {  	v48 =	vadd.f32 v48, v49;
	v49 =	vperm.xlane v34, v4;
	_ =	sdelay $0x1  }
0x12e: {  	v48 =	vmul.f32 v49, v48;
	_ =	sdelay $0x1  }
0x12f: {  	[tilespmem:s3+$0x0] =	vst v48;
	v48 =	vadd.f32 v60, v27  }
0x130: {  	v49 =	vld [tilespmem:s31+$0xFFFFFF90];
	_ =	sdelay $0x1  }
0x131: {  	v51 =	vadd.f32 v53, v27;
	_ =	sdelay $0x2  }
0x132: {  	v48 =	vadd.f32 v49, v48;
	v49 =	vperm.xlane v38, v1;
	_ =	sdelay $0x1  }
0x133: {  	v48 =	vmul.f32 v49, v48;
	_ =	sdelay $0x1  }
0x134: {  	[tilespmem:s3+$0xFFFFFF90] =	vst v48  }
0x135: {  	v48 =	vld [tilespmem:s31+$0x90];
	_ =	sdelay $0x4  }
0x136: {  	v49 =	vperm.xlane v34, v1;
	v48 =	vadd.f32 v48, v51;
	_ =	sdelay $0x1  }
0x137: {  	v48 =	vmul.f32 v49, v48;
	_ =	sdelay $0x1  }
0x138: {  	[tilespmem:s3+$0x10] =	vst v48  }
0x139: {  	v48 =	vld [tilespmem:s31+$0xFFFFFFA0]  }
0x13a: {  	v49 =	vadd.f32 v50, v28;
	_ =	sdelay $0x1  }
0x13b: {  	v47 =	vadd.f32 v47, v28;
	_ =	sdelay $0x1  }
0x13c: {  	v48 =	vadd.f32 v48, v49;
	v49 =	vperm.xlane v38, v5;
	_ =	sdelay $0x1  }
0x13d: {  	v48 =	vmul.f32 v49, v48;
	_ =	sdelay $0x1  }
0x13e: {  	[tilespmem:s3+$0xFFFFFFA0] =	vst v48  }
0x13f: {  	v48 =	vld [tilespmem:s31+$0xA0];
	_ =	sdelay $0x4  }
0x140: {  	v47 =	vadd.f32 v48, v47;
	v48 =	vperm.xlane v34, v5;
	_ =	sdelay $0x1  }
0x141: {  	v41 =	vmul.f32 v41, v13;
	v47 =	vmul.f32 v48, v47;
	_ =	sdelay $0x1  }
0x142: {  	v41 =	vadd.f32 v46, v41;
	[tilespmem:s3+$0x20] =	vst v47  }
0x143: {  	v46 =	vld [tilespmem:s31+$0xFFFFFFB0]  }
0x144: {  	v41 =	vadd.f32 v41, v29;
	_ =	sdelay $0x3  }
0x145: {  	v44 =	vadd.f32 v44, v29;
	v41 =	vadd.f32 v46, v41;
	v46 =	vperm.xlane v38, v0;
	_ =	sdelay $0x1  }
0x146: {  	v41 =	vmul.f32 v46, v41;
	_ =	sdelay $0x1  }
0x147: {  	[tilespmem:s3+$0xFFFFFFB0] =	vst v41  }
0x148: {  	v41 =	vld [tilespmem:s31+$0xB0];
	_ =	sdelay $0x4  }
0x149: {  	v41 =	vadd.f32 v41, v44;
	v44 =	vperm.xlane v34, v0;
	_ =	sdelay $0x1  }
0x14a: {  	v41 =	vmul.f32 v44, v41;
	_ =	sdelay $0x1  }
0x14b: {  	[tilespmem:s3+$0x30] =	vst v41  }
0x14c: {  	v41 =	vld [tilespmem:s31+$0xFFFFFFC0]  }
0x14d: {  	v44 =	vadd.f32 v45, v30;
	_ =	sdelay $0x3  }
0x14e: {  	v41 =	vadd.f32 v41, v44;
	v44 =	vperm.xlane v38, v6  }
0x14f: {  	v43 =	vadd.f32 v43, v30  }
0x150: {  	v41 =	vmul.f32 v44, v41;
	_ =	sdelay $0x1  }
0x151: {  	[tilespmem:s3+$0xFFFFFFC0] =	vst v41  }
0x152: {  	v41 =	vld [tilespmem:s31+$0xC0];
	_ =	sdelay $0x4  }
0x153: {  	v41 =	vadd.f32 v41, v43;
	v43 =	vperm.xlane v34, v6;
	_ =	sdelay $0x1  }
0x154: {  	v41 =	vmul.f32 v43, v41;
	_ =	sdelay $0x1  }
0x155: {  	[tilespmem:s3+$0x40] =	vst v41  }
0x156: {  	v41 =	vld [tilespmem:s31+$0xFFFFFFD0]  }
0x157: {  	v42 =	vadd.f32 v42, v32;
	_ =	sdelay $0x3  }
0x158: {  	v41 =	vadd.f32 v41, v42;
	v42 =	vperm.xlane v38, v7;
	_ =	sdelay $0x1  }
0x159: {  	v41 =	vmul.f32 v42, v41;
	_ =	sdelay $0x1  }
0x15a: {  	[tilespmem:s3+$0xFFFFFFD0] =	vst v41  }
0x15b: {  	v41 =	vld [tilespmem:s31+$0xD0];
	_ =	sdelay $0x1  }
0x15c: {  	v40 =	vadd.f32 v40, v32;
	_ =	sdelay $0x2  }
0x15d: {  	v40 =	vadd.f32 v41, v40;
	v41 =	vperm.xlane v34, v7;
	_ =	sdelay $0x1  }
0x15e: {  	v40 =	vmul.f32 v41, v40;
	_ =	sdelay $0x1  }
0x15f: {  	[tilespmem:s3+$0x50] =	vst v40  }
0x160: {  	v40 =	vld [tilespmem:s31+$0xFFFFFFE0];
	_ =	sdelay $0x1  }
0x161: {  	v39 =	vadd.f32 v39, v33;
	_ =	sdelay $0x2  }
0x162: {  	v39 =	vadd.f32 v40, v39;
	v40 =	vperm.xlane v38, v8;
	_ =	sdelay $0x1  }
0x163: {  	v39 =	vmul.f32 v40, v39;
	_ =	sdelay $0x1  }
0x164: {  	[tilespmem:s3+$0xFFFFFFE0] =	vst v39  }
0x165: {  	v39 =	vld [tilespmem:s31+$0xE0];
	_ =	sdelay $0x1  }
0x166: {  	v36 =	vadd.f32 v36, v33;
	_ =	sdelay $0x2  }
0x167: {  	v36 =	vadd.f32 v39, v36;
	v39 =	vperm.xlane v34, v8;
	_ =	sdelay $0x1  }
0x168: {  	v36 =	vmul.f32 v39, v36;
	_ =	sdelay $0x1  }
0x169: {  	[tilespmem:s3+$0x60] =	vst v36  }
0x16a: {  	v36 =	vld [tilespmem:s31+$0xFFFFFFF0]  }
.Ltmp0:
0x16b: {  	(pc) =	sbr.rel @p0 .LBB2_3-.Ltmp0, $2  }
0x16c: {  	v37 =	vadd.f32 v37, v31;
	_ =	sdelay $0x2  }
0x16d: {  	v36 =	vadd.f32 v36, v37;
	v37 =	vperm.xlane v38, v9  }
0x16e: {  	_ = 	snop  }
0x16f: {  	v10 =	vmul.f32 v37, v36;
	_ =	sdelay $0x1  }
0x170: {  	[tilespmem:s21+$0xFFFFFFF0] =	vst v10  }
0x171: {  	v10 =	vld [tilespmem:s11+$0xF0];
	_ =	sdelay $0x2  }
0x172: {  	v11 =	vadd.f32 v35, v31;
	_ =	sdelay $0x1  }
0x173: {  	v10 =	vadd.f32 v10, v11;
	v11 =	vperm.xlane v34, v9;
	_ =	sdelay $0x1  }
0x174: {  	v10 =	vmul.f32 v11, v10;
	_ =	sdelay $0x1  }
0x175: {  	[tilespmem:s21+$0x70] =	vst v10  }
0x176: {  	[spmem:s1] =	stream.indirect.scatter.add.f32 [tilespmem:s28], [sflag:$0x1], $0x80, s22, s22, $0xb8;
	[tilespmem:$0x1FD28] =	vst v63  }
0x177: {  	s30 =	sadd.s32 $0x1, s30;
	_ =	swait.ge [sflag:s19], $0x2800  }
0x178: {  	p0 =	sne.s32 s30, $0x7D;
	[sflag:s19] =	ssyncset.done $0x0  }
.Ltmp1:
0x179: {  	[sflag:s19] =	ssyncadd.s32 $0xFFFFD800;
	(pc) =	sbr.rel @p0 .LBB2_2-.Ltmp1, $4  }
0x17a: {  	[spmem:s2] =	stream.indirect.scatter.add.f32 [tilespmem:s26], [sflag:$0x1], $0x8, s22, s22, $0xb8;
	[tilespmem:$0x1FD28] =	vst v63  }
0x17b: {  	_ =	swait.ge [sflag:s19], $0x280  }
0x17c: {  	[sflag:s19] =	ssyncset.done $0x0  }
0x17d: {  	[sflag:s19] =	ssyncadd.s32 $0xFFFFFD80  }
0x17e: {  	[bflag:$0x0] =	sbarrier.arrive $0xFFFF  }
0x17f: {  	[hbm:s15], [sflag:s13] =	dma.local [spmem:s18], $0x2710  }
0x180: {  	s29 =	sadd.s32 $0x1, s29;
	_ =	swait.ge [sflag:s19], $0x2710  }
0x181: {  	p0 =	sne.s32 s29, s17;
	[sflag:s19] =	ssyncset.done $0x0  }
.Ltmp2:
0x182: {  	[sflag:s19] =	ssyncadd.s32 $0xFFFFD8F0;
	(pc) =	sbr.rel @p0 .LBB2_1-.Ltmp2, $4  }
0x183: {  	[hbm:s16], [sflag:s13] =	dma.local [spmem:s20], $0x271  }
0x184: {  	_ =	swait.ge [sflag:s19], $0x271  }
0x185: {  	[sflag:s19] =	ssyncset.done $0x0  }
0x186: {  	[sflag:s19] =	ssyncadd.s32 $0xFFFFFD8F  }
0x187: {  	_ =	sfence.sel $0x180000  }
0x188: {  	[bflag:$0x0] =	sbarrier.arrive $0xFFFF  }
0x189: {  	_ =	strace $0x90000047  }
0x18a: {  	s0 =	stileid.u32;
	[bflag:$0x2] =	sbarrier.arrive $0xFFFF  }
0x18b: {  	p0 =	sne.s32 s0, $0x0;
	s0 =	rddreg [dreg:$0x3]  }
0x18c: {  	s0 =	sadd.s32 @!p0 $0x100000, s0  }
0x18d: {  	[sflag:s0] =	ssyncadd.tile.s32 @!p0 $0x1;
	_ =	shalt  }
.Lfunc_end2:
_tile_overlayer_lowered:
.L_overlay_start_2:
0x18e: {  	(tag) =	ssettag $0x2  }
0x18f: {  	s0 =	rddreg [dreg:$0x0];
	s2 =	stileid.u32  }
0x190: {  	s1 =	rddreg [dreg:$0x1];
	p0 =	sne.s32 s2, $0x0  }
0x191: {  	s3 =	rddreg [dreg:$0x2];
	[bflag:$0x3] =	sbarrier.arrive $0xFFFF;
	s2 =	simm.s32 @!p0 $0x1C01  }
0x192: {  	[timem:s3], [sflag:s2] =	dma.local @!p0 [hbm:s0], s1  }
0x193: {  	s0 =	simm.s32 @!p0 $0x1  }
0x194: {  	_ =	swait.ge @!p0 [sflag:s0], s1  }
0x195: {  	s1 =	ssub.s32 @!p0 $0x0, s1;
	[sflag:s0] =	ssyncset.done @!p0 $0x0  }
0x196: {  	[sflag:s0] =	ssyncadd.s32 @!p0 s1  }
0x197: {  	[bflag:$0x3] =	sbarrier.arrive $0xFFFF  }
0x198: {  	_ =	shalt  }

// kernel: kernel.19.cloned.1.call-start
scs
__scs_entry_jumppad:
0x0: {  	(pc) =	sbr.rel $0x88, $3  }
0x1: {  	(tag) =	ssettag $0x0;
	lr =	simm.s32 $0x1  }
0x2: {  	[smem:$0x3F4E] =	sst lr;
	_ =	strace $0xD0000000  }
0x3: {  	_ = 	snop  }
0x4: {  	_ = 	snop  }
0x5: {  	_ = 	snop  }
0x6: {  	_ = 	snop  }
0x7: {  	_ = 	snop  }
__scs_overlays_trampoline_lowered:
0x8: {  	[smem:$0x3F5D] =	sst s0  }
0x9: {  	[smem:$0x3F5E] =	sst s1  }
0xa: {  	[smem:$0x3F5F] =	sst s2  }
0xb: {  	[smem:$0x3F60] =	sst s3  }
0xc: {  	[smem:$0x3F61] =	sst s4  }
0xd: {  	[smem:$0x3F62] =	sst s5  }
0xe: {  	[smem:$0x3F63] =	sst s6  }
0xf: {  	[smem:$0x3F64] =	sst s7  }
0x10: {  	[smem:$0x3F65] =	sst s8  }
0x11: {  	[smem:$0x3F66] =	sst s9;
	s0 =	simm.s32 @!p0 $0x0  }
0x12: {  	s1 =	sld [smem:$0x3F4C];
	s0 =	simm.s32 @p0 $0x1  }
0x13: {  	[smem:$0x3F67] =	sst s0;
	s0 =	simm.s32 @!p1 $0x0  }
0x14: {  	s2 =	sld [smem:$0x3F4B];
	s0 =	simm.s32 @p1 $0x1  }
0x15: {  	[smem:$0x3F68] =	sst s0;
	s0 =	simm.s32 @!p2 $0x0  }
0x16: {  	s3 =	sld [smem:$0x3FDB];
	s0 =	simm.s32 @p2 $0x1  }
0x17: {  	s4 =	simm.s32 $0x1BF5;
	[smem:$0x3F6A] =	sst s0  }
0x18: {  	s0 =	sld [smem:$0x3F4D];
	_ =	swait.ge [sflag:s4], $0x0  }
0x19: {  	s7 =	sld [smem:$0x3F4E]  }
0x1a: {  	s8 =	sadd.s32 $0xFFFFE003, lr  }
0x1b: {  	s9 =	sadd.s32 $0xFFFFFEF7, lr;
	s5 =	simm.s32 $0xFFFFFFFF;
	p2 =	slt.u32 s8, $0xFFFFF086  }
0x1c: {  	p1 =	slt.u32 s9, $0xF7A;
	s5 =	simm.s32 @!p2 $0x0  }
0x1d: {  	s5 =	simm.s32 @p1 $0x1;
	p0 =	seq.s32 s7, s2  }
0x1e: {  	s7 =	smul.u32 @!p0 $0xF7A, s2;
	p2 =	seq.s32 @!p0 s5, $0x0  }
0x1f: {  	s9 =	smul.u32 $0xF7A, s1;
	s8 =	simm.s32 @!p0 $0x1BF5;
	p2 =	por !p2, p0  }
0x20: {  	[sflag:s8] =	ssyncset.s32 @!p0 $0xFFFFF086;
	s6 =	sadd.s32 @!p0 s3, s7;
	s7 =	simm.s32 @!p0 $0x108  }
0x21: {  	s3 =	sadd.s32 s3, s9;
	s6 =	sadd.s32 @!p0 $0x88, s6;
	s7 =	simm.s32 @p2 $0x1082  }
0x22: {  	[simem:s7], [sflag:s8] =	dma.local @!p0 [hbm:s6], $0xF7A  }
0x23: {  	s9 =	sor.u32 $0xD0000000, s2;
	s6 =	simm.s32 $0x108;
	_ =	swait.ge @!p0 [sflag:s8], $0x0  }
0x24: {  	s3 =	sadd.s32 $0x88, s3;
	s6 =	simm.s32 @!p1 $0x1082;
	[sflag:s4] =	ssyncset.s32 $0xFFFFF086  }
0x25: {  	[simem:s6], [sflag:s4] =	dma.local [hbm:s3], $0xF7A  }
0x26: {  	[smem:$0x3F4E] =	sst s1;
	(tag) =	ssettag s2;
	_ =	strace s9  }
0x27: {  	s1 =	sld [smem:$0x3F5E]  }
0x28: {  	s2 =	sld [smem:$0x3F5F]  }
0x29: {  	s4 =	sld [smem:$0x3F61]  }
0x2a: {  	p0 =	seq.s32 s5, $0x0;
	s5 =	sld [smem:$0x3F62]  }
0x2b: {  	s6 =	sld [smem:$0x3F63]  }
0x2c: {  	s7 =	sld [smem:$0x3F64]  }
0x2d: {  	s3 =	simm.s32 $0x108;
	s8 =	sld [smem:$0x3F65]  }
0x2e: {  	s3 =	simm.s32 @!p0 $0x1082;
	s9 =	sld [smem:$0x3F66]  }
0x2f: {  	lr =	sadd.s32 s0, s3;
	s0 =	sld [smem:$0x3F5D]  }
0x30: {  	s3 =	sld [smem:$0x3F60]  }
0x31: {  	[smem:$0x3F69] =	sst s10  }
0x32: {  	s10 =	sld [smem:$0x3F67];
	_ =	sdelay $0x3  }
0x33: {  	p0 =	seq.s32 s10, $0x1;
	s10 =	sld [smem:$0x3F69];
	_ =	sdelay $0x3  }
0x34: {  	[smem:$0x3F69] =	sst s10  }
0x35: {  	s10 =	sld [smem:$0x3F68];
	_ =	sdelay $0x3  }
0x36: {  	p1 =	seq.s32 s10, $0x1;
	s10 =	sld [smem:$0x3F69];
	_ =	sdelay $0x3  }
0x37: {  	[smem:$0x3F69] =	sst s10  }
0x38: {  	s10 =	sld [smem:$0x3F6A]  }
0x39: {  	_ = 	snop;
	(pc) =	sbr.ind lr, $3  }
0x3a: {  	_ = 	snop  }
0x3b: {  	_ = 	snop  }
0x3c: {  	p2 =	seq.s32 s10, $0x1;
	s10 =	sld [smem:$0x3F69]  }
0x3d: {  	_ =	shalt  }
0x3e: {  	_ =	shalt  }
0x3f: {  	_ =	shalt  }
0x40: {  	_ =	shalt  }
0x41: {  	_ =	shalt  }
0x42: {  	_ =	shalt  }
0x43: {  	_ =	shalt  }
0x44: {  	_ =	shalt  }
0x45: {  	_ =	shalt  }
0x46: {  	_ =	shalt  }
0x47: {  	_ =	shalt  }
0x48: {  	_ =	shalt  }
0x49: {  	_ =	shalt  }
0x4a: {  	_ =	shalt  }
0x4b: {  	_ =	shalt  }
0x4c: {  	_ =	shalt  }
0x4d: {  	_ =	shalt  }
0x4e: {  	_ =	shalt  }
0x4f: {  	_ =	shalt  }
0x50: {  	_ =	shalt  }
0x51: {  	_ =	shalt  }
0x52: {  	_ =	shalt  }
0x53: {  	_ =	shalt  }
0x54: {  	_ =	shalt  }
0x55: {  	_ =	shalt  }
0x56: {  	_ =	shalt  }
0x57: {  	_ =	shalt  }
0x58: {  	_ =	shalt  }
0x59: {  	_ =	shalt  }
0x5a: {  	_ =	shalt  }
0x5b: {  	_ =	shalt  }
0x5c: {  	_ =	shalt  }
0x5d: {  	_ =	shalt  }
0x5e: {  	_ =	shalt  }
0x5f: {  	_ =	shalt  }
0x60: {  	_ =	shalt  }
0x61: {  	_ =	shalt  }
0x62: {  	_ =	shalt  }
0x63: {  	_ =	shalt  }
0x64: {  	_ =	shalt  }
0x65: {  	_ =	shalt  }
0x66: {  	_ =	shalt  }
0x67: {  	_ =	shalt  }
0x68: {  	_ =	shalt  }
0x69: {  	_ =	shalt  }
0x6a: {  	_ =	shalt  }
0x6b: {  	_ =	shalt  }
0x6c: {  	_ =	shalt  }
0x6d: {  	_ =	shalt  }
0x6e: {  	_ =	shalt  }
0x6f: {  	_ =	shalt  }
0x70: {  	_ =	shalt  }
0x71: {  	_ =	shalt  }
0x72: {  	_ =	shalt  }
0x73: {  	_ =	shalt  }
0x74: {  	_ =	shalt  }
0x75: {  	_ =	shalt  }
0x76: {  	_ =	shalt  }
0x77: {  	_ =	shalt  }
0x78: {  	_ =	shalt  }
0x79: {  	_ =	shalt  }
0x7a: {  	_ =	shalt  }
0x7b: {  	_ =	shalt  }
0x7c: {  	_ =	shalt  }
0x7d: {  	_ =	shalt  }
0x7e: {  	_ =	shalt  }
0x7f: {  	_ =	shalt  }
0x80: {  	_ =	shalt  }
0x81: {  	_ =	shalt  }
0x82: {  	_ =	shalt  }
0x83: {  	_ =	shalt  }
0x84: {  	_ =	shalt  }
0x85: {  	_ =	shalt  }
0x86: {  	_ =	shalt  }
0x87: {  	_ =	shalt  }
.Lfunc_end0:
.L_simem_size_0:
called_computation.1_lowered:
.L_overlay_start_0:
0x88: {  	s2 =	sld [smem:$0x3FD9]  }
0x89: {  	s3 =	sld [smem:$0x3FFE];
	_ =	sdelay $0x1  }
0x8a: {  	s1 =	srdreg.scid  }
0x8b: {  	s0 =	sand.u32 $0x1, s1  }
0x8c: {  	s16 =	sshll.u32 s0, $0xA;
	s2 =	sadd.s32 s3, s2  }
0x8d: {  	s2 =	sadd.s32 s2, s16  }
0x8e: {  	[smem:$0x3F75] =	sst s2  }
0x8f: {  	_ = 	snop  }
0x90: {  	(tm) =	ssettm $0x1  }
0x91: {  	s17 =	sld [smem:$0x3FFB];
	_ =	sdelay $0x3  }
0x92: {  	_ =	strace s17  }
0x93: {  	s2 =	sld [smem:$0x3FFC];
	_ =	sdelay $0x3  }
0x94: {  	_ =	strace s2  }
0x95: {  	s2 =	sld [smem:$0x3FFD];
	_ =	sdelay $0x3  }
0x96: {  	_ =	strace s2  }
0x97: {  	_ =	strace $0x8FFFFFFF  }
0x98: {  	s18 =	sld [smem:$0x3FDB];
	_ =	sdelay $0x1  }
0x99: {  	s19 =	simm.s32 $_scs_section_size  }
0x9a: {  	s4 =	simm.s32 $_size__tile_overlayer_lowered;
	s5 =	simm.s32 $_tile_overlayer_lowered  }
0x9b: {  	s22 =	simm.s32 $0x1BFF;
	s21 =	sshll.u32 s5, $0x1;
	s2 =	sadd.s32 s19, s18  }
0x9c: {  	s6 =	simm.s32 $0x0;
	s20 =	sshll.u32 s4, $0x1;
	s4 =	sadd.s32 s21, s2  }
0x9d: {  	[timem:s6], [sflag:s22] =	dma.local [hbm:s4], s20  }
0x9e: {  	_ =	swait.ge [sflag:s22], s20  }
0x9f: {  	s3 =	ssub.s32 $0x0, s20;
	[sflag:s22] =	ssyncset.done $0x0  }
0xa0: {  	[sflag:s22] =	ssyncadd.s32 s3;
	_ =	sdelay $0x1  }
0xa1: {  	s23 =	simm.s32 $0x1B8B  }
0xa2: {  	_ =	swait.ge [sflag:s23], $0x1  }
0xa3: {  	[sflag:s23] =	ssyncset.done $0x0  }
0xa4: {  	s25 =	simm.s32 $0x1B8E;
	s24 =	sld [smem:$0x3FFE];
	[sflag:s23] =	ssyncadd.s32 $0xFFFFFFFF  }
0xa5: {  	s26 =	simm.s32 $execute0_lowered;
	[smem:$0x3FD2] =	sst s25  }
0xa6: {  	s4 =	sshll.u32 s26, $0x1;
	_ =	strace $0x80000049;
	[dreg:$0x1] =	wrdreg $0xFFFFFFFF  }
0xa7: {  	s28 =	simm.s32 $_size_execute0_lowered;
	s2 =	sadd.s32 s2, s4;
	[dreg:$0x0] =	wrdreg $0x0  }
0xa8: {  	s4 =	sshll.u32 s28, $0x1;
	[dreg:$0x2] =	wrdreg s2  }
0xa9: {  	[dreg:$0x3] =	wrdreg s4  }
0xaa: {  	[dreg:$0x4] =	wrdreg $0xC0  }
0xab: {  	_ =	task [dreg:s6], $0x5FFFF  }
0xac: {  	[dreg:$0x1] =	wrdreg $0xFFFFFFFF  }
0xad: {  	[dreg:$0x0] =	wrdreg $0x60  }
0xae: {  	[dreg:$0x2] =	wrdreg s24  }
0xaf: {  	[dreg:$0x3] =	wrdreg $0xB1200  }
0xb0: {  	[dreg:$0x4] =	wrdreg $0x1E9A00  }
0xb1: {  	[dreg:$0x5] =	wrdreg $0x9  }
0xb2: {  	_ =	task.clear_ibuf [dreg:s6], $0x6FFFF;
	_ =	strace $0x90000049  }
0xb3: {  	s29 =	simm.s32 $0x9;
	_ =	strace $0x8000004B  }
0xb4: {  	_ =	swait.ge [sflag:s29], $0x1  }
0xb5: {  	[sflag:s29] =	ssyncadd.s32 $0xFFFFFFFF  }
0xb6: {  	_ =	strace $0x9000004B  }
0xb7: {  	_ =	sfence  }
0xb8: {  	s30 =	sld [smem:$0x0];
	_ =	sdelay $0x2  }
0xb9: {  	s31 =	sshll.u32 s1, $0xD;
	s1 =	sshrl.u32 s1, $0x2  }
0xba: {  	s3 =	sand.u32 $0x4000, s31;
	s1 =	sadd.s32 s1, s30  }
0xbb: {  	s0 =	sor.u32 s3, s0;
	s1 =	sshll.u32 s1, $0x11  }
0xbc: {  	s0 =	sor.u32 s1, s0  }
0xbd: {  	s0 =	sadd.s32 $0x8F2B, s0  }
0xbe: {  	[sflag:s0] =	ssyncadd.remote.s32 $0x1  }
0xbf: {  	_ =	sfence.sel $0xFFFF  }
0xc0: {  	[dreg:$0x0] =	wrdreg $0xFFFFFFFF;
	(pc) =	sbr.abs _section_cstart, $3  }
0xc1: {  	[dreg:$0x1] =	wrdreg $0xFFFFFFFF  }
0xc2: {  	_ =	task.clear_ibuf [dreg:s6], $0x2FFFF;
	_ =	strace $0x9FFFFFFF  }
0xc3: {  	(tm) =	ssettm $0x7FFFFFFF  }
tec
execute0_lowered:
.L_overlay_start_1:
0x0: {  	(tag) =	ssettag $0x1  }
0x1: {  	s0 =	rddreg [dreg:$0x0]  }
0x2: {  	s1 =	rddreg [dreg:$0x1]  }
0x3: {  	s2 =	rddreg [dreg:$0x2];
	s4 =	simm.s32 $0x0;
	s3 =	srdreg.scid  }
0x4: {  	s16 =	stileid.u32;
	s19 =	simm.s32 $0x1;
	s22 =	simm.s32 $0x50  }
0x5: {  	s23 =	simm.s32 $0x82A0;
	s28 =	simm.s32 $0x8520;
	s29 =	simm.s32 $0x0  }
0x6: {  	[smem:$0x7FF] =	sst s4;
	s3 =	sand.u32 $0x1, s3;
	s10 =	smul.u32 $0x13880, s16  }
0x7: {  	s5 =	sadd.s32 $0x7E000, s0;
	s6 =	sadd.s32 $0xF600, s0;
	s7 =	sadd.s32 $0x71400, s0  }
0x8: {  	s12 =	smul.u32 $0x1388, s16;
	s8 =	sadd.s32 $0x67600, s0;
	s9 =	sadd.s32 $0xD2C00, s0  }
0x9: {  	s14 =	sadd.s32 $0xE200, s0;
	s24 =	sadd.s32 $0x7B400, s0;
	s25 =	sadd.s32 $0x7DC00, s0  }
0xa: {  	s15 =	sshll.u32 s16, $0x1;
	_ =	strace $0x8000004A;
	[dreg:$0x4] =	wrdreg s14  }
0xb: {  	s31 =	sshll.u32 s16, $0x6;
	s11 =	smul.u32 $0x138800, s3;
	[dreg:$0x5] =	wrdreg s24  }
0xc: {  	s13 =	smul.u32 $0x13880, s3;
	[dreg:$0x6] =	wrdreg s25;
	s26 =	ssub.s32 $0x2, s3  }
0xd: {  	v0 =	vimm.s32 $0xFEDCBA98;
	s3 =	sor.u32 s3, s15;
	s24 =	simm.s32 $0x32A0;
	s25 =	simm.s32 $0xA0  }
0xe: {  	v1 =	vimm.s32 $0x76543210;
	v4 =	vlaneseq.u32;
	v0 =	vunpack.c.l.s4.s8 v0;
	s30 =	sshrl.u32 s26, $0x1;
	s14 =	smul.u32 $0x2710, s3;
	s11 =	sadd.s32 s10, s11  }
0xf: {  	vm0 =	vmmov $0xff;
	v5 =	vimm.s32 $0x2;
	v1 =	vunpack.c.l.s4.s8 v1;
	s13 =	sadd.s32 s12, s13;
	s17 =	ssub.s32 s26, s30;
	s10 =	sadd.s32 s10, s1  }
0x10: {  	v6 =	vimm.s32 $0x4;
	v7 =	vimm.s32 $0x5;
	v2 =	vunpack.c.0.s8.s32 v0;
	s12 =	sadd.s32 s12, s2;
	s26 =	simm.s32 $0xAD20;
	s11 =	sshrl.u32 s11, $0x3  }
0x11: {  	v8 =	vimm.s32 $0x6;
	v9 =	vimm.s32 $0x7;
	v3 =	vunpack.c.0.s8.s32 v1;
	s13 =	sshrl.u32 s13, $0x3;
	s17 =	smax.u32 s17, $0x1;
	s18 =	sshrl.u32 s10, $0x3  }
0x12: {  	v0 =	vimm.s32 $0x3;
	v1 =	vimm.s32 $0x1;
	v2 =	vand.u32 $0xF, v2;
	s20 =	sshrl.u32 s12, $0x3;
	s11 =	sadd.s32 s11, s0;
	s0 =	sadd.s32 s13, s0  }
0x13: {  	s13 =	sor.u32 $0x1C01, s31;
	v2 =	vcombine.low v2, v3;
	v3 =	vand.u32 $0x7, v4;
	v4 =	vimm.s32 $0x0;
	s15 =	sadd.s32 $0x120E00, s11;
	s16 =	sadd.s32 $0x5D800, s0  }
.LBB2_1:
0x14: {  	s0 =	rddreg [dreg:$0x5]  }
0x15: {  	[spmem:s18], [sflag:s13] =	dma.local [hbm:s0], $0x2710  }
0x16: {  	_ =	swait.ge [sflag:s19], $0x2710  }
0x17: {  	[sflag:s19] =	ssyncset.done $0x0  }
0x18: {  	s21 =	rddreg [dreg:$0x6];
	[sflag:s19] =	ssyncadd.s32 $0xFFFFD8F0  }
0x19: {  	[spmem:s20], [sflag:s13] =	dma.local [hbm:s21], $0x271  }
0x1a: {  	_ =	swait.ge [sflag:s19], $0x271  }
0x1b: {  	[sflag:s19] =	ssyncset.done $0x0  }
0x1c: {  	s3 =	simm.s32 $0xAFA0;
	s31 =	rddreg [dreg:$0x4];
	[sflag:s19] =	ssyncadd.s32 $0xFFFFFD8F  }
0x1d: {  	[tilespmem:s3], [sflag:$0x1] =	stream.linear.gather [hbm4b:s31+s4], $0x180, $0x38;
	[tilespmem:$0x1FD28] =	vst v63  }
0x1e: {  	_ =	swait.ge [sflag:s19], $0x180  }
0x1f: {  	[sflag:s19] =	ssyncset.done $0x0  }
0x20: {  	[sflag:s19] =	ssyncadd.s32 $0xFFFFFE80  }
0x21: {  	s30 =	simm.s32 $0x0;
	[bflag:$0x0] =	sbarrier.arrive $0xFFFF  }
.LBB2_2:
0x22: {  	s0 =	smul.u32 $0x50, s30;
	_ =	sdelay $0x1  }
0x23: {  	s0 =	sadd.s32 s14, s0  }
0x24: {  	s3 =	sshrl.u32 s0, $0x3  }
0x25: {  	s12 =	simm.s32 $0x1;
	s10 =	sadd.s32 s7, s3  }
0x26: {  	[tilespmem:s4], [sflag:$0x1] =	stream.linear.gather [hbm4b:s10+s4], $0x50, $0x38;
	[tilespmem:$0x1FD28] =	vst v63  }
0x27: {  	_ =	swait.ge [sflag:s12], $0x50  }
0x28: {  	[sflag:s12] =	ssyncset.done $0x0  }
0x29: {  	s3 =	sadd.s32 s8, s3;
	[sflag:s12] =	ssyncadd.s32 $0xFFFFFFB0  }
0x2a: {  	[tilespmem:s22], [sflag:$0x1] =	stream.linear.gather [hbm4b:s3+s4], $0x50, $0x38;
	[tilespmem:$0x1FD28] =	vst v63  }
0x2b: {  	_ =	swait.ge [sflag:s12], $0x50  }
0x2c: {  	[sflag:s12] =	ssyncset.done $0x0  }
0x2d: {  	s0 =	sadd.s32 s9, s0;
	[sflag:s12] =	ssyncadd.s32 $0xFFFFFFB0  }
0x2e: {  	[tilespmem:s23], [sflag:$0x1] =	stream.linear.gather [hbm4b:s0+s4], $0x280, $0x38;
	[tilespmem:$0x1FD28] =	vst v63  }
0x2f: {  	_ =	swait.ge [sflag:s12], $0x280  }
0x30: {  	[sflag:s12] =	ssyncset.done $0x0  }
0x31: {  	[sflag:s12] =	ssyncadd.s32 $0xFFFFFD80  }
0x32: {  	[tilespmem:s24], [sflag:$0x1] =	stream.indirect.gather [hbm4b:s6+s22], $0x100, s4, s22, $0xb8;
	[tilespmem:$0x1FD28] =	vst v63  }
0x33: {  	_ =	swait.ge [sflag:s12], $0x5000  }
0x34: {  	[sflag:s12] =	ssyncset.done $0x0  }
0x35: {  	[sflag:s12] =	ssyncadd.s32 $0xFFFFB000  }
0x36: {  	[tilespmem:s25], [sflag:$0x1] =	stream.indirect.gather [hbm4b:s5+s22], $0xA0, s22, s22, $0xb8;
	[tilespmem:$0x1FD28] =	vst v63  }
0x37: {  	_ =	swait.ge [sflag:s12], $0x3200  }
0x38: {  	[sflag:s12] =	ssyncset.done $0x0  }
0x39: {  	s31 =	simm.s32 $0x33A0;
	[sflag:s12] =	ssyncadd.s32 $0xFFFFCE00  }
0x3a: {  	v10 =	vld [tilespmem:s31+$0xFFFFFF00]  }
0x3b: {  	s0 =	simm.s32 $0x140;
	v11 =	vld [tilespmem:s31+$0x10]  }
0x3c: {  	v12 =	vld [tilespmem:s0+$0xFFFFFF60]  }
0x3d: {  	v13 =	vld [tilespmem:s0+$0x0]  }
0x3e: {  	v14 =	vld [tilespmem:s31+$0x0]  }
0x3f: {  	v15 =	vld [tilespmem:s0+$0x20]  }
0x40: {  	v16 =	vld [tilespmem:s31+$0x20]  }
0x41: {  	v17 =	vld [tilespmem:s0+$0x30]  }
0x42: {  	v18 =	vld [tilespmem:s31+$0x30]  }
0x43: {  	v19 =	vld [tilespmem:s0+$0x40]  }
0x44: {  	v20 =	vld [tilespmem:s31+$0x40]  }
0x45: {  	v21 =	vld [tilespmem:s0+$0x50]  }
0x46: {  	v22 =	vld [tilespmem:s31+$0x50]  }
0x47: {  	v23 =	vld [tilespmem:s0+$0x60]  }
0x48: {  	v24 =	vld [tilespmem:s31+$0x60]  }
0x49: {  	v25 =	vld [tilespmem:s0+$0x70]  }
0x4a: {  	v26 =	vld [tilespmem:s31+$0x70]  }
0x4b: {  	v27 =	vld [tilespmem:s0+$0xFFFFFF70]  }
0x4c: {  	v28 =	vld [tilespmem:s31+$0xFFFFFF10]  }
0x4d: {  	v29 =	vld [tilespmem:s0+$0xFFFFFF80]  }
0x4e: {  	v30 =	vld [tilespmem:s31+$0xFFFFFF20]  }
0x4f: {  	v31 =	vld [tilespmem:s0+$0xFFFFFF90]  }
0x50: {  	v32 =	vld [tilespmem:s31+$0xFFFFFF30]  }
0x51: {  	v33 =	vld [tilespmem:s0+$0xFFFFFFA0]  }
0x52: {  	v34 =	vld [tilespmem:s31+$0xFFFFFF40]  }
0x53: {  	v35 =	vld [tilespmem:s0+$0xFFFFFFC0]  }
0x54: {  	v36 =	vld [tilespmem:s0+$0xFFFFFFB0]  }
0x55: {  	v37 =	vld [tilespmem:s31+$0xFFFFFF50];
	v23 =	vmul.f32 v24, v23;
	v24 =	vmul.f32 v26, v25  }
0x56: {  	v25 =	vld [tilespmem:s0+$0xFFFFFFD0];
	v21 =	vmul.f32 v22, v21;
	v19 =	vmul.f32 v20, v19  }
0x57: {  	v22 =	vld [tilespmem:s0+$0x10];
	v20 =	vmul.f32 v28, v27;
	v17 =	vmul.f32 v18, v17  }
0x58: {  	v28 =	vmov s12;
	v15 =	vmul.f32 v16, v15;
	v16 =	vld [tilespmem:s31+$0xFFFFFF60];
	v26 =	vmul.f32 v32, v31  }
0x59: {  	v13 =	vmul.f32 v14, v13;
	v12 =	vmul.f32 v10, v12;
	v23 =	vadd.f32 v24, v23;
	v24 =	vld [tilespmem:s31+$0xFFFFFF70]  }
0x5a: {  	s21 =	simm.s32 $0x0;
	v18 =	vadd.f32 v21, v19;
	v19 =	vmul.f32 v30, v29;
	v21 =	vshll.u32 v28, $0x3  }
0x5b: {  	v14 =	vadd.f32 v17, v15;
	v15 =	vmov s21;
	v17 =	vmul.f32 v34, v33  }
0x5c: {  	v29 =	vmul.f32 v37, v36;
	v27 =	vor.u32 $0x1, v21;
	v11 =	vmul.f32 v11, v22  }
0x5d: {  	v12 =	vadd.f32 v20, v12;
	v15 =	vshll.u32 v15, $0x3;
	v19 =	vadd.f32 v26, v19  }
0x5e: {  	v16 =	vmul.f32 v16, v35;
	v22 =	vmul.f32 v24, v25;
	v11 =	vadd.f32 v11, v13  }
0x5f: {  	v20 =	vld [tilespmem:s0+$0x80];
	v18 =	vadd.f32 v23, v18;
	v13 =	vadd.f32 v29, v17  }
0x60: {  	v35 =	vld.idx.msk [tilespmem:v21+s23+$0x0], $0xffff;
	v17 =	vor.u32 $0x1, v15;
	v16 =	vadd.f32 v22, v16;
	v11 =	vadd.f32 v14, v11  }
0x61: {  	v12 =	vadd.f32 v19, v12;
	v36 =	vld.idx.msk [tilespmem:v27+s23+$0x0], $0xffff  }
0x62: {  	v14 =	vld [tilespmem:s0+$0xFFFFFFE0];
	v13 =	vadd.f32 v16, v13;
	v16 =	vadd.f32 v18, v11  }
0x63: {  	v37 =	vld.idx.msk [tilespmem:v15+s23+$0x0], $0xffff  }
0x64: {  	v10 =	vld [tilespmem:$0xAFA0];
	v13 =	vadd.f32 v13, v12;
	v15 =	vperm.xlane v16, v2  }
0x65: {  	v18 =	vperm.xlane v20, v2;
	v38 =	vld.idx.msk [tilespmem:v17+s23+$0x0], $0xffff  }
0x66: {  	v32 =	vld [tilespmem:$0xB0F0];
	v17 =	vperm.xlane v13, v2;
	v15 =	vadd.f32 v16, v15;
	v16 =	vmul.f32 v20, v35  }
0x67: {  	v19 =	vld [tilespmem:s0+$0x90];
	v18 =	vmul.f32 v18, v36;
	v20 =	vperm.xlane v14, v2  }
0x68: {  	v31 =	vld [tilespmem:$0xB110];
	v17 =	vadd.f32 v17, v13;
	v15 =	vadd.f32 v16, v15;
	v16 =	vmul.f32 v14, v37  }
0x69: {  	v21 =	vld [tilespmem:s0+$0xFFFFFFF0]  }
0x6a: {  	v33 =	vld [tilespmem:$0xB100];
	v20 =	vmul.f32 v20, v38;
	v18 =	vadd.f32 v18, v15;
	v17 =	vadd.f32 v16, v17  }
0x6b: {  	v26 =	vld [tilespmem:$0xB0A0]  }
0x6c: {  	v25 =	vld [tilespmem:$0xB090];
	v19 =	vadd.f32 v18, v19;
	v20 =	vadd.f32 v20, v17  }
0x6d: {  	v29 =	vsel vm0, s21, v28;
	v28 =	vld [tilespmem:$0xB0C0]  }
0x6e: {  	v27 =	vld [tilespmem:$0xB0B0];
	v22 =	vmin.f32 v19, $6.000000000e+01;
	v21 =	vadd.f32 v20, v21  }
0x6f: {  	v30 =	vshll.u32 v29, $0x3;
	v29 =	vld [tilespmem:$0xB0D0];
	v22 =	vmul.f32 $1.442695020e+00, v22  }
0x70: {  	v40 =	vor.u32 v3, v30;
	v30 =	vld [tilespmem:$0xB0E0];
	v23 =	vmin.f32 v21, $6.000000000e+01  }
0x71: {  	v11 =	vld [tilespmem:$0xAFB0];
	(erf) = vpow2.f32 v22;
	v24 =	vmul.f32 $1.442695020e+00, v23  }
0x72: {  	v12 =	vld [tilespmem:$0xAFC0]  }
0x73: {  	v13 =	vld [tilespmem:$0xAFD0];
	(erf) = vpow2.f32 v24  }
0x74: {  	v14 =	vld [tilespmem:$0xAFE0]  }
0x75: {  	v15 =	vld [tilespmem:$0xAFF0]  }
0x76: {  	v16 =	vld [tilespmem:$0xB000]  }
0x77: {  	v17 =	vld [tilespmem:$0xB010]  }
0x78: {  	v18 =	vld [tilespmem:$0xB020]  }
0x79: {  	v19 =	vld [tilespmem:$0xB030]  }
0x7a: {  	v20 =	vld [tilespmem:$0xB040];
	v34 =	vpop (erf)  }
0x7b: {  	v21 =	vld [tilespmem:$0xB050];
	v41 =	vperm.xlane v34, v2  }
0x7c: {  	v22 =	vld [tilespmem:$0xB060];
	v39 =	vpop (erf)  }
0x7d: {  	v23 =	vld [tilespmem:$0xB070];
	v41 =	vsel vm0, v39, v41  }
0x7e: {  	v42 =	vmul.f32 v37, v10;
	v43 =	vmul.f32 v38, v18;
	v24 =	vld [tilespmem:$0xB080];
	[tilespmem:v40+s26+$0x0] =	vst.idx.msk $0xffff, v41  }
0x7f: {  	v40 =	vld [tilespmem:s31+$0xFFFFFF80]  }
0x80: {  	v61 =	vadd.f32 v43, v42;
	_ =	sdelay $0x1  }
0x81: {  	v41 =	vadd.f32 v61, v26;
	_ =	sdelay $0x1  }
0x82: {  	v62 =	vperm.xlane v39, v4;
	v40 =	vadd.f32 v40, v41;
	_ =	sdelay $0x1  }
0x83: {  	v40 =	vmul.f32 v62, v40  }
0x84: {  	s3 =	simm.s32 $0x85A0  }
0x85: {  	v63 =	vmul.f32 v35, v10;
	v45 =	vmul.f32 v36, v18;
	[tilespmem:s3+$0xFFFFFF80] =	vst v40  }
0x86: {  	v40 =	vld [tilespmem:s31+$0x80]  }
0x87: {  	v41 =	vadd.f32 v45, v63;
	_ =	sdelay $0x1  }
0x88: {  	v41 =	vadd.f32 v41, v26;
	_ =	sdelay $0x1  }
0x89: {  	v46 =	vperm.xlane v34, v4;
	v40 =	vadd.f32 v40, v41;
	_ =	sdelay $0x1  }
0x8a: {  	v40 =	vmul.f32 v46, v40;
	_ =	sdelay $0x1  }
0x8b: {  	v48 =	vmul.f32 v37, v11;
	v47 =	vmul.f32 v38, v19;
	[tilespmem:s3+$0x0] =	vst v40  }
0x8c: {  	v40 =	vld [tilespmem:s31+$0xFFFFFF90]  }
0x8d: {  	v41 =	vadd.f32 v47, v48;
	_ =	sdelay $0x1  }
0x8e: {  	v41 =	vadd.f32 v41, v27;
	_ =	sdelay $0x1  }
0x8f: {  	v49 =	vperm.xlane v39, v1;
	v40 =	vadd.f32 v40, v41;
	_ =	sdelay $0x1  }
0x90: {  	v40 =	vmul.f32 v49, v40;
	_ =	sdelay $0x1  }
0x91: {  	v51 =	vmul.f32 v35, v11;
	v50 =	vmul.f32 v36, v19;
	[tilespmem:s3+$0xFFFFFF90] =	vst v40  }
0x92: {  	v40 =	vld [tilespmem:s31+$0x90]  }
0x93: {  	v41 =	vadd.f32 v50, v51;
	_ =	sdelay $0x1  }
0x94: {  	v41 =	vadd.f32 v41, v27;
	_ =	sdelay $0x1  }
0x95: {  	v52 =	vperm.xlane v34, v1;
	v40 =	vadd.f32 v40, v41;
	_ =	sdelay $0x1  }
0x96: {  	v40 =	vmul.f32 v52, v40;
	_ =	sdelay $0x1  }
0x97: {  	v53 =	vmul.f32 v37, v12;
	v54 =	vmul.f32 v38, v20;
	[tilespmem:s3+$0x10] =	vst v40  }
0x98: {  	v40 =	vld [tilespmem:s31+$0xFFFFFFA0]  }
0x99: {  	v41 =	vadd.f32 v54, v53;
	_ =	sdelay $0x1  }
0x9a: {  	v41 =	vadd.f32 v41, v28;
	_ =	sdelay $0x1  }
0x9b: {  	v55 =	vperm.xlane v39, v5;
	v40 =	vadd.f32 v40, v41;
	_ =	sdelay $0x1  }
0x9c: {  	v40 =	vmul.f32 v55, v40;
	_ =	sdelay $0x1  }
0x9d: {  	v56 =	vmul.f32 v35, v12;
	v57 =	vmul.f32 v36, v20;
	[tilespmem:s3+$0xFFFFFFA0] =	vst v40  }
0x9e: {  	v40 =	vld [tilespmem:s31+$0xA0]  }
0x9f: {  	v41 =	vadd.f32 v57, v56;
	_ =	sdelay $0x1  }
0xa0: {  	v41 =	vadd.f32 v41, v28;
	_ =	sdelay $0x1  }
0xa1: {  	v58 =	vperm.xlane v34, v5;
	v40 =	vadd.f32 v40, v41;
	_ =	sdelay $0x1  }
0xa2: {  	v40 =	vmul.f32 v58, v40;
	_ =	sdelay $0x1  }
0xa3: {  	v60 =	vmul.f32 v37, v13;
	v59 =	vmul.f32 v38, v21;
	[tilespmem:s3+$0x20] =	vst v40  }
0xa4: {  	v40 =	vld [tilespmem:s31+$0xFFFFFFB0]  }
0xa5: {  	v41 =	vadd.f32 v59, v60;
	_ =	sdelay $0x1  }
0xa6: {  	v41 =	vadd.f32 v41, v29;
	_ =	sdelay $0x1  }
0xa7: {  	v61 =	vperm.xlane v39, v0;
	v40 =	vadd.f32 v40, v41;
	_ =	sdelay $0x1  }
0xa8: {  	v40 =	vmul.f32 v61, v40;
	_ =	sdelay $0x1  }
0xa9: {  	v63 =	vmul.f32 v36, v21;
	v62 =	vmul.f32 v35, v13;
	[tilespmem:s3+$0xFFFFFFB0] =	vst v40  }
0xaa: {  	v40 =	vld [tilespmem:s31+$0xB0]  }
0xab: {  	v41 =	vadd.f32 v63, v62;
	_ =	sdelay $0x1  }
0xac: {  	v41 =	vadd.f32 v41, v29;
	_ =	sdelay $0x1  }
0xad: {  	v45 =	vperm.xlane v34, v0;
	v40 =	vadd.f32 v40, v41;
	_ =	sdelay $0x1  }
0xae: {  	v40 =	vmul.f32 v45, v40;
	_ =	sdelay $0x1  }
0xaf: {  	v47 =	vmul.f32 v38, v22;
	v46 =	vmul.f32 v37, v14;
	[tilespmem:s3+$0x30] =	vst v40  }
0xb0: {  	v40 =	vld [tilespmem:s31+$0xFFFFFFC0]  }
0xb1: {  	v41 =	vadd.f32 v47, v46;
	_ =	sdelay $0x1  }
0xb2: {  	v41 =	vadd.f32 v41, v30;
	_ =	sdelay $0x1  }
0xb3: {  	v48 =	vperm.xlane v39, v6;
	v40 =	vadd.f32 v40, v41;
	_ =	sdelay $0x1  }
0xb4: {  	v40 =	vmul.f32 v48, v40;
	_ =	sdelay $0x1  }
0xb5: {  	v50 =	vmul.f32 v36, v22;
	v49 =	vmul.f32 v35, v14;
	[tilespmem:s3+$0xFFFFFFC0] =	vst v40  }
0xb6: {  	v40 =	vld [tilespmem:s31+$0xC0]  }
0xb7: {  	v41 =	vadd.f32 v50, v49;
	_ =	sdelay $0x1  }
0xb8: {  	v41 =	vadd.f32 v41, v30;
	_ =	sdelay $0x1  }
0xb9: {  	v51 =	vperm.xlane v34, v6;
	v40 =	vadd.f32 v40, v41;
	_ =	sdelay $0x1  }
0xba: {  	v40 =	vmul.f32 v51, v40;
	_ =	sdelay $0x1  }
0xbb: {  	v53 =	vmul.f32 v38, v23;
	v52 =	vmul.f32 v37, v15;
	[tilespmem:s3+$0x40] =	vst v40  }
0xbc: {  	v40 =	vld [tilespmem:s31+$0xFFFFFFD0]  }
0xbd: {  	v41 =	vadd.f32 v53, v52;
	_ =	sdelay $0x1  }
0xbe: {  	v41 =	vadd.f32 v41, v32;
	_ =	sdelay $0x1  }
0xbf: {  	v54 =	vperm.xlane v39, v7;
	v40 =	vadd.f32 v40, v41;
	_ =	sdelay $0x1  }
0xc0: {  	v40 =	vmul.f32 v54, v40;
	_ =	sdelay $0x1  }
0xc1: {  	v56 =	vmul.f32 v36, v23;
	v55 =	vmul.f32 v35, v15;
	[tilespmem:s3+$0xFFFFFFD0] =	vst v40  }
0xc2: {  	v40 =	vld [tilespmem:s31+$0xD0]  }
0xc3: {  	v41 =	vadd.f32 v56, v55;
	_ =	sdelay $0x1  }
0xc4: {  	v41 =	vadd.f32 v41, v32;
	_ =	sdelay $0x1  }
0xc5: {  	v57 =	vperm.xlane v34, v7;
	v40 =	vadd.f32 v40, v41;
	_ =	sdelay $0x1  }
0xc6: {  	v40 =	vmul.f32 v57, v40;
	_ =	sdelay $0x1  }
0xc7: {  	v59 =	vmul.f32 v37, v16;
	v58 =	vmul.f32 v38, v24;
	[tilespmem:s3+$0x50] =	vst v40  }
0xc8: {  	v40 =	vld [tilespmem:s31+$0xFFFFFFE0]  }
0xc9: {  	v41 =	vadd.f32 v58, v59;
	_ =	sdelay $0x1  }
0xca: {  	v41 =	vadd.f32 v41, v33;
	_ =	sdelay $0x1  }
0xcb: {  	v60 =	vperm.xlane v39, v8;
	v40 =	vadd.f32 v40, v41;
	_ =	sdelay $0x1  }
0xcc: {  	v40 =	vmul.f32 v60, v40;
	_ =	sdelay $0x1  }
0xcd: {  	v62 =	vmul.f32 v36, v24;
	v61 =	vmul.f32 v35, v16;
	[tilespmem:s3+$0xFFFFFFE0] =	vst v40  }
0xce: {  	v40 =	vld [tilespmem:s31+$0xE0]  }
0xcf: {  	v41 =	vadd.f32 v62, v61;
	_ =	sdelay $0x1  }
0xd0: {  	v41 =	vadd.f32 v41, v33;
	_ =	sdelay $0x1  }
0xd1: {  	v63 =	vperm.xlane v34, v8;
	v40 =	vadd.f32 v40, v41;
	_ =	sdelay $0x1  }
0xd2: {  	v40 =	vmul.f32 v63, v40;
	_ =	sdelay $0x1  }
0xd3: {  	v37 =	vmul.f32 v37, v17;
	v38 =	vmul.f32 v38, v25;
	[tilespmem:s3+$0x60] =	vst v40  }
0xd4: {  	v40 =	vld [tilespmem:s31+$0xFFFFFFF0]  }
0xd5: {  	v37 =	vadd.f32 v38, v37;
	_ =	sdelay $0x1  }
0xd6: {  	v37 =	vadd.f32 v37, v31;
	v36 =	vmul.f32 v36, v25;
	v35 =	vmul.f32 v35, v17;
	_ =	sdelay $0x1  }
0xd7: {  	s11 =	simm.s32 $0x33A0;
	s10 =	simm.s32 $0x3;
	s21 =	simm.s32 $0x85A0;
	v35 =	vadd.f32 v36, v35;
	v36 =	vadd.f32 v40, v37;
	v37 =	vperm.xlane v39, v9  }
.LBB2_3:
0xd8: {  	_ = 	snop  }
0xd9: {  	s0 =	sadd.s32 $0x140, s0;
	s31 =	sadd.s32 $0x200, s31;
	s3 =	sadd.s32 $0x100, s3;
	v36 =	vmul.f32 v37, v36  }
0xda: {  	p0 =	sne.s32 s10, $0x4F;
	s12 =	smov.u32 s10;
	s10 =	sadd.s32 $0x2, s10  }
0xdb: {  	[tilespmem:s21+$0xFFFFFFF0] =	vst v36  }
0xdc: {  	v36 =	vld [tilespmem:s11+$0xF0];
	s11 =	smov.u32 s31;
	_ =	sdelay $0x2  }
0xdd: {  	v35 =	vadd.f32 v35, v31;
	_ =	sdelay $0x1  }
0xde: {  	v34 =	vperm.xlane v34, v9;
	v35 =	vadd.f32 v36, v35;
	_ =	sdelay $0x1  }
0xdf: {  	v34 =	vmul.f32 v34, v35;
	_ =	sdelay $0x1  }
0xe0: {  	[tilespmem:s21+$0x70] =	vst v34;
	s21 =	smov.u32 s3  }
0xe1: {  	v34 =	vld [tilespmem:s31+$0xFFFFFF00]  }
0xe2: {  	v35 =	vld [tilespmem:s31+$0x10]  }
0xe3: {  	v36 =	vld [tilespmem:s0+$0xFFFFFF60]  }
0xe4: {  	v37 =	vld [tilespmem:s0+$0x0]  }
0xe5: {  	v38 =	vld [tilespmem:s31+$0x0]  }
0xe6: {  	v39 =	vld [tilespmem:s0+$0x20]  }
0xe7: {  	v40 =	vld [tilespmem:s31+$0x20]  }
0xe8: {  	v41 =	vld [tilespmem:s0+$0x30]  }
0xe9: {  	v42 =	vld [tilespmem:s31+$0x30]  }
0xea: {  	v43 =	vld [tilespmem:s0+$0x40]  }
0xeb: {  	v44 =	vld [tilespmem:s31+$0x40]  }
0xec: {  	v45 =	vld [tilespmem:s0+$0x50]  }
0xed: {  	v46 =	vld [tilespmem:s31+$0x50]  }
0xee: {  	v47 =	vld [tilespmem:s0+$0x60]  }
0xef: {  	v48 =	vld [tilespmem:s31+$0x60]  }
0xf0: {  	v49 =	vld [tilespmem:s0+$0x70]  }
0xf1: {  	v50 =	vld [tilespmem:s31+$0x70]  }
0xf2: {  	v51 =	vld [tilespmem:s0+$0xFFFFFF70]  }
0xf3: {  	v52 =	vld [tilespmem:s31+$0xFFFFFF10]  }
0xf4: {  	v53 =	vld [tilespmem:s0+$0xFFFFFF80];
	v47 =	vmul.f32 v48, v47  }
0xf5: {  	v45 =	vmul.f32 v46, v45;
	v48 =	vld [tilespmem:s31+$0xFFFFFF20]  }
0xf6: {  	v46 =	vld [tilespmem:s0+$0xFFFFFF90];
	v49 =	vmul.f32 v50, v49  }
0xf7: {  	v43 =	vmul.f32 v44, v43;
	v50 =	vld [tilespmem:s31+$0xFFFFFF30]  }
0xf8: {  	v44 =	vmul.f32 v52, v51;
	v51 =	vld [tilespmem:s0+$0xFFFFFFA0];
	v47 =	vadd.f32 v49, v47  }
0xf9: {  	v41 =	vmul.f32 v42, v41;
	v42 =	vadd.f32 v45, v43;
	v49 =	vld [tilespmem:s31+$0xFFFFFF40]  }
0xfa: {  	v43 =	vmul.f32 v48, v53;
	v45 =	vld [tilespmem:s0+$0xFFFFFFC0]  }
0xfb: {  	v39 =	vmul.f32 v40, v39;
	v48 =	vmov s12;
	v52 =	vld [tilespmem:s0+$0xFFFFFFB0]  }
0xfc: {  	s12 =	sadd.s32 $0xFFFFFFFF, s12;
	v40 =	vshll.u32 v48, $0x3;
	v46 =	vmul.f32 v50, v46;
	v50 =	vld [tilespmem:s31+$0xFFFFFF50]  }
0xfd: {  	v37 =	vmul.f32 v38, v37;
	v38 =	vadd.f32 v41, v39;
	v53 =	vld [tilespmem:s0+$0xFFFFFFD0]  }
0xfe: {  	v39 =	vmov s12;
	v41 =	vor.u32 $0x1, v40;
	v49 =	vmul.f32 v49, v51;
	v51 =	vld [tilespmem:s0+$0x10]  }
0xff: {  	v34 =	vmul.f32 v34, v36;
	v39 =	vshll.u32 v39, $0x3;
	v43 =	vadd.f32 v46, v43;
	v36 =	vld [tilespmem:s31+$0xFFFFFF70]  }
0x100: {  	v48 =	vsel vm0, s12, v48;
	v46 =	vor.u32 $0x1, v39;
	v54 =	vld [tilespmem:s31+$0xFFFFFF60]  }
0x101: {  	v34 =	vadd.f32 v44, v34;
	v40 =	vld.idx.msk [tilespmem:v40+s23+$0x0], $0xffff;
	v50 =	vmul.f32 v50, v52  }
0x102: {  	v48 =	vshll.u32 v48, $0x3;
	v44 =	vld [tilespmem:s0+$0x80]  }
0x103: {  	v34 =	vadd.f32 v43, v34;
	v52 =	vld.idx.msk [tilespmem:v41+s23+$0x0], $0xffff;
	v35 =	vmul.f32 v35, v51  }
0x104: {  	v36 =	vmul.f32 v36, v53;
	v43 =	vld [tilespmem:s0+$0xFFFFFFE0]  }
0x105: {  	v41 =	vmul.f32 v54, v45;
	v45 =	vadd.f32 v50, v49;
	v35 =	vadd.f32 v35, v37  }
0x106: {  	v37 =	vadd.f32 v47, v42  }
0x107: {  	v42 =	vmul.f32 v40, v17;
	v35 =	vadd.f32 v38, v35;
	v38 =	vmul.f32 v40, v15  }
0x108: {  	v49 =	vmul.f32 v40, v10;
	v47 =	vmul.f32 v40, v16;
	v36 =	vadd.f32 v36, v41  }
0x109: {  	v51 =	vmul.f32 v40, v12;
	v35 =	vadd.f32 v37, v35;
	v37 =	vld [tilespmem:s0+$0x90];
	v50 =	vperm.xlane v43, v2  }
0x10a: {  	v36 =	vadd.f32 v36, v45;
	v45 =	vmul.f32 v52, v24;
	v41 =	vld.idx.msk [tilespmem:v39+s23+$0x0], $0xffff;
	v39 =	vperm.xlane v44, v2  }
0x10b: {  	v55 =	vmul.f32 v52, v25;
	v53 =	vperm.xlane v35, v2;
	v54 =	vld [tilespmem:s0+$0xFFFFFFF0]  }
0x10c: {  	v34 =	vadd.f32 v36, v34;
	v36 =	vadd.f32 v45, v47;
	v56 =	vld.idx.msk [tilespmem:v46+s23+$0x0], $0xffff;
	v46 =	vmul.f32 v52, v18  }
0x10d: {  	v47 =	vmul.f32 v40, v13;
	v45 =	vadd.f32 v35, v53;
	v35 =	vadd.f32 v55, v42  }
0x10e: {  	v42 =	vperm.xlane v34, v2;
	v53 =	vmul.f32 v52, v19  }
0x10f: {  	v44 =	vmul.f32 v44, v40;
	v55 =	vmul.f32 v40, v11  }
0x110: {  	v39 =	vmul.f32 v39, v52;
	v34 =	vadd.f32 v42, v34;
	v57 =	vmul.f32 v41, v17  }
0x111: {  	v53 =	vadd.f32 v53, v55;
	v42 =	vmul.f32 v52, v21;
	v55 =	vmul.f32 v41, v15  }
0x112: {  	v45 =	vadd.f32 v44, v45;
	v50 =	vmul.f32 v50, v56;
	v58 =	vmul.f32 v56, v25  }
0x113: {  	v60 =	vmul.f32 v52, v20;
	v59 =	vmul.f32 v41, v12;
	v44 =	vadd.f32 v42, v47  }
0x114: {  	v39 =	vadd.f32 v39, v45;
	v42 =	vmul.f32 v56, v19;
	v45 =	vmul.f32 v56, v20  }
0x115: {  	v43 =	vmul.f32 v43, v41;
	v61 =	vmul.f32 v41, v11;
	v47 =	vadd.f32 v60, v51  }
0x116: {  	v49 =	vadd.f32 v46, v49;
	v37 =	vadd.f32 v39, v37;
	v39 =	vmul.f32 v40, v14  }
0x117: {  	v34 =	vadd.f32 v43, v34;
	v51 =	vmul.f32 v41, v10;
	v40 =	vmul.f32 v52, v22  }
0x118: {  	v46 =	vmul.f32 v56, v21;
	v60 =	vadd.f32 v42, v61;
	v37 =	vmin.f32 v37, $6.000000000e+01  }
0x119: {  	v34 =	vadd.f32 v50, v34;
	v43 =	vadd.f32 v40, v39;
	v39 =	vmul.f32 v52, v23  }
0x11a: {  	v50 =	vadd.f32 v45, v59;
	v42 =	vmul.f32 v56, v24;
	v37 =	vmul.f32 $1.442695020e+00, v37  }
0x11b: {  	v34 =	vadd.f32 v34, v54;
	v40 =	vadd.f32 v39, v38;
	v38 =	vmul.f32 v41, v16  }
0x11c: {  	v45 =	vmul.f32 v41, v14;
	(erf) = vpow2.f32 v37  }
0x11d: {  	v34 =	vmin.f32 v34, $6.000000000e+01;
	v39 =	vadd.f32 v42, v38;
	v37 =	vmul.f32 v56, v22  }
0x11e: {  	v34 =	vmul.f32 $1.442695020e+00, v34;
	v38 =	vmul.f32 v56, v23  }
0x11f: {  	v45 =	vadd.f32 v37, v45  }
0x120: {  	v42 =	vadd.f32 v38, v55;
	v37 =	vadd.f32 v58, v57;
	(erf) = vpow2.f32 v34;
	_ =	sdelay $0x1  }
0x121: {  	v48 =	vor.u32 v3, v48;
	_ =	sdelay $0x2  }
0x122: {  	v34 =	vpop (erf);
	_ =	sdelay $0x2  }
0x123: {  	v52 =	vperm.xlane v34, v2  }
0x124: {  	v54 =	vmul.f32 v56, v18;
	v38 =	vpop (erf)  }
0x125: {  	v52 =	vsel vm0, v38, v52  }
0x126: {  	[tilespmem:v48+s26+$0x0] =	vst.idx.msk $0xffff, v52;
	v48 =	vadd.f32 v54, v51  }
0x127: {  	v51 =	vld [tilespmem:s31+$0xFFFFFF80]  }
0x128: {  	v49 =	vadd.f32 v49, v26;
	v48 =	vadd.f32 v48, v26;
	_ =	sdelay $0x3  }
0x129: {  	v48 =	vadd.f32 v51, v48;
	v51 =	vperm.xlane v38, v4;
	_ =	sdelay $0x1  }
0x12a: {  	v48 =	vmul.f32 v51, v48;
	_ =	sdelay $0x1  }
0x12b: {  	[tilespmem:s3+$0xFFFFFF80] =	vst v48  }
0x12c: {  	v48 =	vld [tilespmem:s31+$0x80];
	_ =	sdelay $0x4  }
0x12d: {  	v48 =	vadd.f32 v48, v49;
	v49 =	vperm.xlane v34, v4;
	_ =	sdelay $0x1  }
0x12e: {  	v48 =	vmul.f32 v49, v48;
	_ =	sdelay $0x1  }
0x12f: {  	[tilespmem:s3+$0x0] =	vst v48;
	v48 =	vadd.f32 v60, v27  }
0x130: {  	v49 =	vld [tilespmem:s31+$0xFFFFFF90];
	_ =	sdelay $0x1  }
0x131: {  	v51 =	vadd.f32 v53, v27;
	_ =	sdelay $0x2  }
0x132: {  	v48 =	vadd.f32 v49, v48;
	v49 =	vperm.xlane v38, v1;
	_ =	sdelay $0x1  }
0x133: {  	v48 =	vmul.f32 v49, v48;
	_ =	sdelay $0x1  }
0x134: {  	[tilespmem:s3+$0xFFFFFF90] =	vst v48  }
0x135: {  	v48 =	vld [tilespmem:s31+$0x90];
	_ =	sdelay $0x4  }
0x136: {  	v49 =	vperm.xlane v34, v1;
	v48 =	vadd.f32 v48, v51;
	_ =	sdelay $0x1  }
0x137: {  	v48 =	vmul.f32 v49, v48;
	_ =	sdelay $0x1  }
0x138: {  	[tilespmem:s3+$0x10] =	vst v48  }
0x139: {  	v48 =	vld [tilespmem:s31+$0xFFFFFFA0]  }
0x13a: {  	v49 =	vadd.f32 v50, v28;
	_ =	sdelay $0x1  }
0x13b: {  	v47 =	vadd.f32 v47, v28;
	_ =	sdelay $0x1  }
0x13c: {  	v48 =	vadd.f32 v48, v49;
	v49 =	vperm.xlane v38, v5;
	_ =	sdelay $0x1  }
0x13d: {  	v48 =	vmul.f32 v49, v48;
	_ =	sdelay $0x1  }
0x13e: {  	[tilespmem:s3+$0xFFFFFFA0] =	vst v48  }
0x13f: {  	v48 =	vld [tilespmem:s31+$0xA0];
	_ =	sdelay $0x4  }
0x140: {  	v47 =	vadd.f32 v48, v47;
	v48 =	vperm.xlane v34, v5;
	_ =	sdelay $0x1  }
0x141: {  	v41 =	vmul.f32 v41, v13;
	v47 =	vmul.f32 v48, v47;
	_ =	sdelay $0x1  }
0x142: {  	v41 =	vadd.f32 v46, v41;
	[tilespmem:s3+$0x20] =	vst v47  }
0x143: {  	v46 =	vld [tilespmem:s31+$0xFFFFFFB0]  }
0x144: {  	v41 =	vadd.f32 v41, v29;
	_ =	sdelay $0x3  }
0x145: {  	v44 =	vadd.f32 v44, v29;
	v41 =	vadd.f32 v46, v41;
	v46 =	vperm.xlane v38, v0;
	_ =	sdelay $0x1  }
0x146: {  	v41 =	vmul.f32 v46, v41;
	_ =	sdelay $0x1  }
0x147: {  	[tilespmem:s3+$0xFFFFFFB0] =	vst v41  }
0x148: {  	v41 =	vld [tilespmem:s31+$0xB0];
	_ =	sdelay $0x4  }
0x149: {  	v41 =	vadd.f32 v41, v44;
	v44 =	vperm.xlane v34, v0;
	_ =	sdelay $0x1  }
0x14a: {  	v41 =	vmul.f32 v44, v41;
	_ =	sdelay $0x1  }
0x14b: {  	[tilespmem:s3+$0x30] =	vst v41  }
0x14c: {  	v41 =	vld [tilespmem:s31+$0xFFFFFFC0]  }
0x14d: {  	v44 =	vadd.f32 v45, v30;
	_ =	sdelay $0x3  }
0x14e: {  	v41 =	vadd.f32 v41, v44;
	v44 =	vperm.xlane v38, v6  }
0x14f: {  	v43 =	vadd.f32 v43, v30  }
0x150: {  	v41 =	vmul.f32 v44, v41;
	_ =	sdelay $0x1  }
0x151: {  	[tilespmem:s3+$0xFFFFFFC0] =	vst v41  }
0x152: {  	v41 =	vld [tilespmem:s31+$0xC0];
	_ =	sdelay $0x4  }
0x153: {  	v41 =	vadd.f32 v41, v43;
	v43 =	vperm.xlane v34, v6;
	_ =	sdelay $0x1  }
0x154: {  	v41 =	vmul.f32 v43, v41;
	_ =	sdelay $0x1  }
0x155: {  	[tilespmem:s3+$0x40] =	vst v41  }
0x156: {  	v41 =	vld [tilespmem:s31+$0xFFFFFFD0]  }
0x157: {  	v42 =	vadd.f32 v42, v32;
	_ =	sdelay $0x3  }
0x158: {  	v41 =	vadd.f32 v41, v42;
	v42 =	vperm.xlane v38, v7;
	_ =	sdelay $0x1  }
0x159: {  	v41 =	vmul.f32 v42, v41;
	_ =	sdelay $0x1  }
0x15a: {  	[tilespmem:s3+$0xFFFFFFD0] =	vst v41  }
0x15b: {  	v41 =	vld [tilespmem:s31+$0xD0];
	_ =	sdelay $0x1  }
0x15c: {  	v40 =	vadd.f32 v40, v32;
	_ =	sdelay $0x2  }
0x15d: {  	v40 =	vadd.f32 v41, v40;
	v41 =	vperm.xlane v34, v7;
	_ =	sdelay $0x1  }
0x15e: {  	v40 =	vmul.f32 v41, v40;
	_ =	sdelay $0x1  }
0x15f: {  	[tilespmem:s3+$0x50] =	vst v40  }
0x160: {  	v40 =	vld [tilespmem:s31+$0xFFFFFFE0];
	_ =	sdelay $0x1  }
0x161: {  	v39 =	vadd.f32 v39, v33;
	_ =	sdelay $0x2  }
0x162: {  	v39 =	vadd.f32 v40, v39;
	v40 =	vperm.xlane v38, v8;
	_ =	sdelay $0x1  }
0x163: {  	v39 =	vmul.f32 v40, v39;
	_ =	sdelay $0x1  }
0x164: {  	[tilespmem:s3+$0xFFFFFFE0] =	vst v39  }
0x165: {  	v39 =	vld [tilespmem:s31+$0xE0];
	_ =	sdelay $0x1  }
0x166: {  	v36 =	vadd.f32 v36, v33;
	_ =	sdelay $0x2  }
0x167: {  	v36 =	vadd.f32 v39, v36;
	v39 =	vperm.xlane v34, v8;
	_ =	sdelay $0x1  }
0x168: {  	v36 =	vmul.f32 v39, v36;
	_ =	sdelay $0x1  }
0x169: {  	[tilespmem:s3+$0x60] =	vst v36  }
0x16a: {  	v36 =	vld [tilespmem:s31+$0xFFFFFFF0]  }
.Ltmp0:
0x16b: {  	(pc) =	sbr.rel @p0 .LBB2_3-.Ltmp0, $2  }
0x16c: {  	v37 =	vadd.f32 v37, v31;
	_ =	sdelay $0x2  }
0x16d: {  	v36 =	vadd.f32 v36, v37;
	v37 =	vperm.xlane v38, v9  }
0x16e: {  	_ = 	snop  }
0x16f: {  	v10 =	vmul.f32 v37, v36;
	_ =	sdelay $0x1  }
0x170: {  	[tilespmem:s21+$0xFFFFFFF0] =	vst v10  }
0x171: {  	v10 =	vld [tilespmem:s11+$0xF0];
	_ =	sdelay $0x2  }
0x172: {  	v11 =	vadd.f32 v35, v31;
	_ =	sdelay $0x1  }
0x173: {  	v10 =	vadd.f32 v10, v11;
	v11 =	vperm.xlane v34, v9;
	_ =	sdelay $0x1  }
0x174: {  	v10 =	vmul.f32 v11, v10;
	_ =	sdelay $0x1  }
0x175: {  	[tilespmem:s21+$0x70] =	vst v10  }
0x176: {  	[spmem:s1] =	stream.indirect.scatter.add.f32 [tilespmem:s28], [sflag:$0x1], $0x80, s22, s22, $0xb8;
	[tilespmem:$0x1FD28] =	vst v63  }
0x177: {  	s30 =	sadd.s32 $0x1, s30;
	_ =	swait.ge [sflag:s19], $0x2800  }
0x178: {  	p0 =	sne.s32 s30, $0x7D;
	[sflag:s19] =	ssyncset.done $0x0  }
.Ltmp1:
0x179: {  	[sflag:s19] =	ssyncadd.s32 $0xFFFFD800;
	(pc) =	sbr.rel @p0 .LBB2_2-.Ltmp1, $4  }
0x17a: {  	[spmem:s2] =	stream.indirect.scatter.add.f32 [tilespmem:s26], [sflag:$0x1], $0x8, s22, s22, $0xb8;
	[tilespmem:$0x1FD28] =	vst v63  }
0x17b: {  	_ =	swait.ge [sflag:s19], $0x280  }
0x17c: {  	[sflag:s19] =	ssyncset.done $0x0  }
0x17d: {  	[sflag:s19] =	ssyncadd.s32 $0xFFFFFD80  }
0x17e: {  	[bflag:$0x0] =	sbarrier.arrive $0xFFFF  }
0x17f: {  	[hbm:s15], [sflag:s13] =	dma.local [spmem:s18], $0x2710  }
0x180: {  	s29 =	sadd.s32 $0x1, s29;
	_ =	swait.ge [sflag:s19], $0x2710  }
0x181: {  	p0 =	sne.s32 s29, s17;
	[sflag:s19] =	ssyncset.done $0x0  }
.Ltmp2:
0x182: {  	[sflag:s19] =	ssyncadd.s32 $0xFFFFD8F0;
	(pc) =	sbr.rel @p0 .LBB2_1-.Ltmp2, $4  }
0x183: {  	[hbm:s16], [sflag:s13] =	dma.local [spmem:s20], $0x271  }
0x184: {  	_ =	swait.ge [sflag:s19], $0x271  }
0x185: {  	[sflag:s19] =	ssyncset.done $0x0  }
0x186: {  	[sflag:s19] =	ssyncadd.s32 $0xFFFFFD8F  }
0x187: {  	_ =	sfence.sel $0x180000  }
0x188: {  	[bflag:$0x0] =	sbarrier.arrive $0xFFFF  }
0x189: {  	_ =	strace $0x9000004A  }
0x18a: {  	s0 =	stileid.u32;
	[bflag:$0x2] =	sbarrier.arrive $0xFFFF  }
0x18b: {  	p0 =	sne.s32 s0, $0x0;
	s0 =	rddreg [dreg:$0x3]  }
0x18c: {  	s0 =	sadd.s32 @!p0 $0x100000, s0  }
0x18d: {  	[sflag:s0] =	ssyncadd.tile.s32 @!p0 $0x1;
	_ =	shalt  }
.Lfunc_end2:
_tile_overlayer_lowered:
.L_overlay_start_2:
0x18e: {  	(tag) =	ssettag $0x2  }
0x18f: {  	s0 =	rddreg [dreg:$0x0];
	s2 =	stileid.u32  }
0x190: {  	s1 =	rddreg [dreg:$0x1];
	p0 =	sne.s32 s2, $0x0  }
0x191: {  	s3 =	rddreg [dreg:$0x2];
	[bflag:$0x3] =	sbarrier.arrive $0xFFFF;
	s2 =	simm.s32 @!p0 $0x1C01  }
0x192: {  	[timem:s3], [sflag:s2] =	dma.local @!p0 [hbm:s0], s1  }
0x193: {  	s0 =	simm.s32 @!p0 $0x1  }
0x194: {  	_ =	swait.ge @!p0 [sflag:s0], s1  }
0x195: {  	s1 =	ssub.s32 @!p0 $0x0, s1;
	[sflag:s0] =	ssyncset.done @!p0 $0x0  }
0x196: {  	[sflag:s0] =	ssyncadd.s32 @!p0 s1  }
0x197: {  	[bflag:$0x3] =	sbarrier.arrive $0xFFFF  }
0x198: {  	_ =	shalt  }

// kernel: kernel.22.cloned.1.call-start
scs
__scs_entry_jumppad:
0x0: {  	(pc) =	sbr.rel $0x88, $3  }
0x1: {  	(tag) =	ssettag $0x0;
	lr =	simm.s32 $0x1  }
0x2: {  	[smem:$0x3F4E] =	sst lr;
	_ =	strace $0xD0000000  }
0x3: {  	_ = 	snop  }
0x4: {  	_ = 	snop  }
0x5: {  	_ = 	snop  }
0x6: {  	_ = 	snop  }
0x7: {  	_ = 	snop  }
__scs_overlays_trampoline_lowered:
0x8: {  	[smem:$0x3F5D] =	sst s0  }
0x9: {  	[smem:$0x3F5E] =	sst s1  }
0xa: {  	[smem:$0x3F5F] =	sst s2  }
0xb: {  	[smem:$0x3F60] =	sst s3  }
0xc: {  	[smem:$0x3F61] =	sst s4  }
0xd: {  	[smem:$0x3F62] =	sst s5  }
0xe: {  	[smem:$0x3F63] =	sst s6  }
0xf: {  	[smem:$0x3F64] =	sst s7  }
0x10: {  	[smem:$0x3F65] =	sst s8  }
0x11: {  	[smem:$0x3F66] =	sst s9;
	s0 =	simm.s32 @!p0 $0x0  }
0x12: {  	s1 =	sld [smem:$0x3F4C];
	s0 =	simm.s32 @p0 $0x1  }
0x13: {  	[smem:$0x3F67] =	sst s0;
	s0 =	simm.s32 @!p1 $0x0  }
0x14: {  	s2 =	sld [smem:$0x3F4B];
	s0 =	simm.s32 @p1 $0x1  }
0x15: {  	[smem:$0x3F68] =	sst s0;
	s0 =	simm.s32 @!p2 $0x0  }
0x16: {  	s3 =	sld [smem:$0x3FDB];
	s0 =	simm.s32 @p2 $0x1  }
0x17: {  	s4 =	simm.s32 $0x1BF5;
	[smem:$0x3F6A] =	sst s0  }
0x18: {  	s0 =	sld [smem:$0x3F4D];
	_ =	swait.ge [sflag:s4], $0x0  }
0x19: {  	s7 =	sld [smem:$0x3F4E]  }
0x1a: {  	s8 =	sadd.s32 $0xFFFFE003, lr  }
0x1b: {  	s9 =	sadd.s32 $0xFFFFFEF7, lr;
	s5 =	simm.s32 $0xFFFFFFFF;
	p2 =	slt.u32 s8, $0xFFFFF086  }
0x1c: {  	p1 =	slt.u32 s9, $0xF7A;
	s5 =	simm.s32 @!p2 $0x0  }
0x1d: {  	s5 =	simm.s32 @p1 $0x1;
	p0 =	seq.s32 s7, s2  }
0x1e: {  	s7 =	smul.u32 @!p0 $0xF7A, s2;
	p2 =	seq.s32 @!p0 s5, $0x0  }
0x1f: {  	s9 =	smul.u32 $0xF7A, s1;
	s8 =	simm.s32 @!p0 $0x1BF5;
	p2 =	por !p2, p0  }
0x20: {  	[sflag:s8] =	ssyncset.s32 @!p0 $0xFFFFF086;
	s6 =	sadd.s32 @!p0 s3, s7;
	s7 =	simm.s32 @!p0 $0x108  }
0x21: {  	s3 =	sadd.s32 s3, s9;
	s6 =	sadd.s32 @!p0 $0x88, s6;
	s7 =	simm.s32 @p2 $0x1082  }
0x22: {  	[simem:s7], [sflag:s8] =	dma.local @!p0 [hbm:s6], $0xF7A  }
0x23: {  	s9 =	sor.u32 $0xD0000000, s2;
	s6 =	simm.s32 $0x108;
	_ =	swait.ge @!p0 [sflag:s8], $0x0  }
0x24: {  	s3 =	sadd.s32 $0x88, s3;
	s6 =	simm.s32 @!p1 $0x1082;
	[sflag:s4] =	ssyncset.s32 $0xFFFFF086  }
0x25: {  	[simem:s6], [sflag:s4] =	dma.local [hbm:s3], $0xF7A  }
0x26: {  	[smem:$0x3F4E] =	sst s1;
	(tag) =	ssettag s2;
	_ =	strace s9  }
0x27: {  	s1 =	sld [smem:$0x3F5E]  }
0x28: {  	s2 =	sld [smem:$0x3F5F]  }
0x29: {  	s4 =	sld [smem:$0x3F61]  }
0x2a: {  	p0 =	seq.s32 s5, $0x0;
	s5 =	sld [smem:$0x3F62]  }
0x2b: {  	s6 =	sld [smem:$0x3F63]  }
0x2c: {  	s7 =	sld [smem:$0x3F64]  }
0x2d: {  	s3 =	simm.s32 $0x108;
	s8 =	sld [smem:$0x3F65]  }
0x2e: {  	s3 =	simm.s32 @!p0 $0x1082;
	s9 =	sld [smem:$0x3F66]  }
0x2f: {  	lr =	sadd.s32 s0, s3;
	s0 =	sld [smem:$0x3F5D]  }
0x30: {  	s3 =	sld [smem:$0x3F60]  }
0x31: {  	[smem:$0x3F69] =	sst s10  }
0x32: {  	s10 =	sld [smem:$0x3F67];
	_ =	sdelay $0x3  }
0x33: {  	p0 =	seq.s32 s10, $0x1;
	s10 =	sld [smem:$0x3F69];
	_ =	sdelay $0x3  }
0x34: {  	[smem:$0x3F69] =	sst s10  }
0x35: {  	s10 =	sld [smem:$0x3F68];
	_ =	sdelay $0x3  }
0x36: {  	p1 =	seq.s32 s10, $0x1;
	s10 =	sld [smem:$0x3F69];
	_ =	sdelay $0x3  }
0x37: {  	[smem:$0x3F69] =	sst s10  }
0x38: {  	s10 =	sld [smem:$0x3F6A]  }
0x39: {  	_ = 	snop;
	(pc) =	sbr.ind lr, $3  }
0x3a: {  	_ = 	snop  }
0x3b: {  	_ = 	snop  }
0x3c: {  	p2 =	seq.s32 s10, $0x1;
	s10 =	sld [smem:$0x3F69]  }
0x3d: {  	_ =	shalt  }
0x3e: {  	_ =	shalt  }
0x3f: {  	_ =	shalt  }
0x40: {  	_ =	shalt  }
0x41: {  	_ =	shalt  }
0x42: {  	_ =	shalt  }
0x43: {  	_ =	shalt  }
0x44: {  	_ =	shalt  }
0x45: {  	_ =	shalt  }
0x46: {  	_ =	shalt  }
0x47: {  	_ =	shalt  }
0x48: {  	_ =	shalt  }
0x49: {  	_ =	shalt  }
0x4a: {  	_ =	shalt  }
0x4b: {  	_ =	shalt  }
0x4c: {  	_ =	shalt  }
0x4d: {  	_ =	shalt  }
0x4e: {  	_ =	shalt  }
0x4f: {  	_ =	shalt  }
0x50: {  	_ =	shalt  }
0x51: {  	_ =	shalt  }
0x52: {  	_ =	shalt  }
0x53: {  	_ =	shalt  }
0x54: {  	_ =	shalt  }
0x55: {  	_ =	shalt  }
0x56: {  	_ =	shalt  }
0x57: {  	_ =	shalt  }
0x58: {  	_ =	shalt  }
0x59: {  	_ =	shalt  }
0x5a: {  	_ =	shalt  }
0x5b: {  	_ =	shalt  }
0x5c: {  	_ =	shalt  }
0x5d: {  	_ =	shalt  }
0x5e: {  	_ =	shalt  }
0x5f: {  	_ =	shalt  }
0x60: {  	_ =	shalt  }
0x61: {  	_ =	shalt  }
0x62: {  	_ =	shalt  }
0x63: {  	_ =	shalt  }
0x64: {  	_ =	shalt  }
0x65: {  	_ =	shalt  }
0x66: {  	_ =	shalt  }
0x67: {  	_ =	shalt  }
0x68: {  	_ =	shalt  }
0x69: {  	_ =	shalt  }
0x6a: {  	_ =	shalt  }
0x6b: {  	_ =	shalt  }
0x6c: {  	_ =	shalt  }
0x6d: {  	_ =	shalt  }
0x6e: {  	_ =	shalt  }
0x6f: {  	_ =	shalt  }
0x70: {  	_ =	shalt  }
0x71: {  	_ =	shalt  }
0x72: {  	_ =	shalt  }
0x73: {  	_ =	shalt  }
0x74: {  	_ =	shalt  }
0x75: {  	_ =	shalt  }
0x76: {  	_ =	shalt  }
0x77: {  	_ =	shalt  }
0x78: {  	_ =	shalt  }
0x79: {  	_ =	shalt  }
0x7a: {  	_ =	shalt  }
0x7b: {  	_ =	shalt  }
0x7c: {  	_ =	shalt  }
0x7d: {  	_ =	shalt  }
0x7e: {  	_ =	shalt  }
0x7f: {  	_ =	shalt  }
0x80: {  	_ =	shalt  }
0x81: {  	_ =	shalt  }
0x82: {  	_ =	shalt  }
0x83: {  	_ =	shalt  }
0x84: {  	_ =	shalt  }
0x85: {  	_ =	shalt  }
0x86: {  	_ =	shalt  }
0x87: {  	_ =	shalt  }
.Lfunc_end0:
.L_simem_size_0:
called_computation.2_lowered:
.L_overlay_start_0:
0x88: {  	s2 =	sld [smem:$0x3FD9]  }
0x89: {  	s3 =	sld [smem:$0x3FFE];
	_ =	sdelay $0x1  }
0x8a: {  	s1 =	srdreg.scid  }
0x8b: {  	s0 =	sand.u32 $0x1, s1  }
0x8c: {  	s16 =	sshll.u32 s0, $0xA;
	s2 =	sadd.s32 s3, s2  }
0x8d: {  	s2 =	sadd.s32 s2, s16  }
0x8e: {  	[smem:$0x3F75] =	sst s2  }
0x8f: {  	_ = 	snop  }
0x90: {  	(tm) =	ssettm $0x1  }
0x91: {  	s17 =	sld [smem:$0x3FFB];
	_ =	sdelay $0x3  }
0x92: {  	_ =	strace s17  }
0x93: {  	s2 =	sld [smem:$0x3FFC];
	_ =	sdelay $0x3  }
0x94: {  	_ =	strace s2  }
0x95: {  	s2 =	sld [smem:$0x3FFD];
	_ =	sdelay $0x3  }
0x96: {  	_ =	strace s2  }
0x97: {  	_ =	strace $0x8FFFFFFF  }
0x98: {  	s18 =	sld [smem:$0x3FDB];
	_ =	sdelay $0x1  }
0x99: {  	s19 =	simm.s32 $_scs_section_size  }
0x9a: {  	s4 =	simm.s32 $_size__tile_overlayer_lowered;
	s5 =	simm.s32 $_tile_overlayer_lowered  }
0x9b: {  	s22 =	simm.s32 $0x1BFF;
	s21 =	sshll.u32 s5, $0x1;
	s2 =	sadd.s32 s19, s18  }
0x9c: {  	s6 =	simm.s32 $0x0;
	s20 =	sshll.u32 s4, $0x1;
	s4 =	sadd.s32 s21, s2  }
0x9d: {  	[timem:s6], [sflag:s22] =	dma.local [hbm:s4], s20  }
0x9e: {  	_ =	swait.ge [sflag:s22], s20  }
0x9f: {  	s3 =	ssub.s32 $0x0, s20;
	[sflag:s22] =	ssyncset.done $0x0  }
0xa0: {  	[sflag:s22] =	ssyncadd.s32 s3;
	_ =	sdelay $0x1  }
0xa1: {  	s23 =	simm.s32 $0x1B8B  }
0xa2: {  	_ =	swait.ge [sflag:s23], $0x1  }
0xa3: {  	[sflag:s23] =	ssyncset.done $0x0  }
0xa4: {  	s25 =	simm.s32 $0x1B8E;
	s24 =	sld [smem:$0x3FFE];
	[sflag:s23] =	ssyncadd.s32 $0xFFFFFFFF  }
0xa5: {  	s26 =	simm.s32 $execute0_lowered;
	[smem:$0x3FD2] =	sst s25  }
0xa6: {  	s4 =	sshll.u32 s26, $0x1;
	_ =	strace $0x8000004C;
	[dreg:$0x1] =	wrdreg $0xFFFFFFFF  }
0xa7: {  	s28 =	simm.s32 $_size_execute0_lowered;
	s2 =	sadd.s32 s2, s4;
	[dreg:$0x0] =	wrdreg $0x0  }
0xa8: {  	s4 =	sshll.u32 s28, $0x1;
	[dreg:$0x2] =	wrdreg s2  }
0xa9: {  	[dreg:$0x3] =	wrdreg s4  }
0xaa: {  	[dreg:$0x4] =	wrdreg $0xC0  }
0xab: {  	_ =	task [dreg:s6], $0x5FFFF  }
0xac: {  	[dreg:$0x1] =	wrdreg $0xFFFFFFFF  }
0xad: {  	[dreg:$0x0] =	wrdreg $0x60  }
0xae: {  	[dreg:$0x2] =	wrdreg s24  }
0xaf: {  	[dreg:$0x3] =	wrdreg $0xB1200  }
0xb0: {  	[dreg:$0x4] =	wrdreg $0x1E9A00  }
0xb1: {  	[dreg:$0x5] =	wrdreg $0x9  }
0xb2: {  	_ =	task.clear_ibuf [dreg:s6], $0x6FFFF;
	_ =	strace $0x9000004C  }
0xb3: {  	s29 =	simm.s32 $0x9;
	_ =	strace $0x8000004E  }
0xb4: {  	_ =	swait.ge [sflag:s29], $0x1  }
0xb5: {  	[sflag:s29] =	ssyncadd.s32 $0xFFFFFFFF  }
0xb6: {  	_ =	strace $0x9000004E  }
0xb7: {  	_ =	sfence  }
0xb8: {  	s30 =	sld [smem:$0x0];
	_ =	sdelay $0x2  }
0xb9: {  	s31 =	sshll.u32 s1, $0xD;
	s1 =	sshrl.u32 s1, $0x2  }
0xba: {  	s3 =	sand.u32 $0x4000, s31;
	s1 =	sadd.s32 s1, s30  }
0xbb: {  	s0 =	sor.u32 s3, s0;
	s1 =	sshll.u32 s1, $0x11  }
0xbc: {  	s0 =	sor.u32 s1, s0  }
0xbd: {  	s0 =	sadd.s32 $0x8F2B, s0  }
0xbe: {  	[sflag:s0] =	ssyncadd.remote.s32 $0x1  }
0xbf: {  	_ =	sfence.sel $0xFFFF  }
0xc0: {  	[dreg:$0x0] =	wrdreg $0xFFFFFFFF;
	(pc) =	sbr.abs _section_cstart, $3  }
0xc1: {  	[dreg:$0x1] =	wrdreg $0xFFFFFFFF  }
0xc2: {  	_ =	task.clear_ibuf [dreg:s6], $0x2FFFF;
	_ =	strace $0x9FFFFFFF  }
0xc3: {  	(tm) =	ssettm $0x7FFFFFFF  }
tec
execute0_lowered:
.L_overlay_start_1:
0x0: {  	(tag) =	ssettag $0x1  }
0x1: {  	s0 =	rddreg [dreg:$0x0]  }
0x2: {  	s1 =	rddreg [dreg:$0x1]  }
0x3: {  	s2 =	rddreg [dreg:$0x2];
	s4 =	simm.s32 $0x0;
	s3 =	srdreg.scid  }
0x4: {  	s16 =	stileid.u32;
	s19 =	simm.s32 $0x1;
	s22 =	simm.s32 $0x50  }
0x5: {  	s23 =	simm.s32 $0x82A0;
	s28 =	simm.s32 $0x8520;
	s29 =	simm.s32 $0x0  }
0x6: {  	[smem:$0x7FF] =	sst s4;
	s3 =	sand.u32 $0x1, s3;
	s10 =	smul.u32 $0x13880, s16  }
0x7: {  	s5 =	sadd.s32 $0x7E000, s0;
	s6 =	sadd.s32 $0xF600, s0;
	s7 =	sadd.s32 $0x71400, s0  }
0x8: {  	s12 =	smul.u32 $0x1388, s16;
	s8 =	sadd.s32 $0x67600, s0;
	s9 =	sadd.s32 $0xD2C00, s0  }
0x9: {  	s14 =	sadd.s32 $0x7B200, s0;
	s24 =	sadd.s32 $0x7B400, s0;
	s25 =	sadd.s32 $0x7DC00, s0  }
0xa: {  	s15 =	sshll.u32 s16, $0x1;
	_ =	strace $0x8000004D;
	[dreg:$0x4] =	wrdreg s14  }
0xb: {  	s31 =	sshll.u32 s16, $0x6;
	s11 =	smul.u32 $0x138800, s3;
	[dreg:$0x5] =	wrdreg s24  }
0xc: {  	s13 =	smul.u32 $0x13880, s3;
	[dreg:$0x6] =	wrdreg s25;
	s26 =	ssub.s32 $0x2, s3  }
0xd: {  	v0 =	vimm.s32 $0xFEDCBA98;
	s3 =	sor.u32 s3, s15;
	s24 =	simm.s32 $0x32A0;
	s25 =	simm.s32 $0xA0  }
0xe: {  	v1 =	vimm.s32 $0x76543210;
	v4 =	vlaneseq.u32;
	v0 =	vunpack.c.l.s4.s8 v0;
	s30 =	sshrl.u32 s26, $0x1;
	s14 =	smul.u32 $0x2710, s3;
	s11 =	sadd.s32 s10, s11  }
0xf: {  	vm0 =	vmmov $0xff;
	v5 =	vimm.s32 $0x2;
	v1 =	vunpack.c.l.s4.s8 v1;
	s13 =	sadd.s32 s12, s13;
	s17 =	ssub.s32 s26, s30;
	s10 =	sadd.s32 s10, s1  }
0x10: {  	v6 =	vimm.s32 $0x4;
	v7 =	vimm.s32 $0x5;
	v2 =	vunpack.c.0.s8.s32 v0;
	s12 =	sadd.s32 s12, s2;
	s26 =	simm.s32 $0xAD20;
	s11 =	sshrl.u32 s11, $0x3  }
0x11: {  	v8 =	vimm.s32 $0x6;
	v9 =	vimm.s32 $0x7;
	v3 =	vunpack.c.0.s8.s32 v1;
	s13 =	sshrl.u32 s13, $0x3;
	s17 =	smax.u32 s17, $0x1;
	s18 =	sshrl.u32 s10, $0x3  }
0x12: {  	v0 =	vimm.s32 $0x3;
	v1 =	vimm.s32 $0x1;
	v2 =	vand.u32 $0xF, v2;
	s20 =	sshrl.u32 s12, $0x3;
	s11 =	sadd.s32 s11, s0;
	s0 =	sadd.s32 s13, s0  }
0x13: {  	s13 =	sor.u32 $0x1C01, s31;
	v2 =	vcombine.low v2, v3;
	v3 =	vand.u32 $0x7, v4;
	v4 =	vimm.s32 $0x0;
	s15 =	sadd.s32 $0x120E00, s11;
	s16 =	sadd.s32 $0x5D800, s0  }
.LBB2_1:
0x14: {  	s0 =	rddreg [dreg:$0x5]  }
0x15: {  	[spmem:s18], [sflag:s13] =	dma.local [hbm:s0], $0x2710  }
0x16: {  	_ =	swait.ge [sflag:s19], $0x2710  }
0x17: {  	[sflag:s19] =	ssyncset.done $0x0  }
0x18: {  	s21 =	rddreg [dreg:$0x6];
	[sflag:s19] =	ssyncadd.s32 $0xFFFFD8F0  }
0x19: {  	[spmem:s20], [sflag:s13] =	dma.local [hbm:s21], $0x271  }
0x1a: {  	_ =	swait.ge [sflag:s19], $0x271  }
0x1b: {  	[sflag:s19] =	ssyncset.done $0x0  }
0x1c: {  	s3 =	simm.s32 $0xAFA0;
	s31 =	rddreg [dreg:$0x4];
	[sflag:s19] =	ssyncadd.s32 $0xFFFFFD8F  }
0x1d: {  	[tilespmem:s3], [sflag:$0x1] =	stream.linear.gather [hbm4b:s31+s4], $0x180, $0x38;
	[tilespmem:$0x1FD28] =	vst v63  }
0x1e: {  	_ =	swait.ge [sflag:s19], $0x180  }
0x1f: {  	[sflag:s19] =	ssyncset.done $0x0  }
0x20: {  	[sflag:s19] =	ssyncadd.s32 $0xFFFFFE80  }
0x21: {  	s30 =	simm.s32 $0x0;
	[bflag:$0x0] =	sbarrier.arrive $0xFFFF  }
.LBB2_2:
0x22: {  	s0 =	smul.u32 $0x50, s30;
	_ =	sdelay $0x1  }
0x23: {  	s0 =	sadd.s32 s14, s0  }
0x24: {  	s3 =	sshrl.u32 s0, $0x3  }
0x25: {  	s12 =	simm.s32 $0x1;
	s10 =	sadd.s32 s7, s3  }
0x26: {  	[tilespmem:s4], [sflag:$0x1] =	stream.linear.gather [hbm4b:s10+s4], $0x50, $0x38;
	[tilespmem:$0x1FD28] =	vst v63  }
0x27: {  	_ =	swait.ge [sflag:s12], $0x50  }
0x28: {  	[sflag:s12] =	ssyncset.done $0x0  }
0x29: {  	s3 =	sadd.s32 s8, s3;
	[sflag:s12] =	ssyncadd.s32 $0xFFFFFFB0  }
0x2a: {  	[tilespmem:s22], [sflag:$0x1] =	stream.linear.gather [hbm4b:s3+s4], $0x50, $0x38;
	[tilespmem:$0x1FD28] =	vst v63  }
0x2b: {  	_ =	swait.ge [sflag:s12], $0x50  }
0x2c: {  	[sflag:s12] =	ssyncset.done $0x0  }
0x2d: {  	s0 =	sadd.s32 s9, s0;
	[sflag:s12] =	ssyncadd.s32 $0xFFFFFFB0  }
0x2e: {  	[tilespmem:s23], [sflag:$0x1] =	stream.linear.gather [hbm4b:s0+s4], $0x280, $0x38;
	[tilespmem:$0x1FD28] =	vst v63  }
0x2f: {  	_ =	swait.ge [sflag:s12], $0x280  }
0x30: {  	[sflag:s12] =	ssyncset.done $0x0  }
0x31: {  	[sflag:s12] =	ssyncadd.s32 $0xFFFFFD80  }
0x32: {  	[tilespmem:s24], [sflag:$0x1] =	stream.indirect.gather [hbm4b:s6+s22], $0x100, s4, s22, $0xb8;
	[tilespmem:$0x1FD28] =	vst v63  }
0x33: {  	_ =	swait.ge [sflag:s12], $0x5000  }
0x34: {  	[sflag:s12] =	ssyncset.done $0x0  }
0x35: {  	[sflag:s12] =	ssyncadd.s32 $0xFFFFB000  }
0x36: {  	[tilespmem:s25], [sflag:$0x1] =	stream.indirect.gather [hbm4b:s5+s22], $0xA0, s22, s22, $0xb8;
	[tilespmem:$0x1FD28] =	vst v63  }
0x37: {  	_ =	swait.ge [sflag:s12], $0x3200  }
0x38: {  	[sflag:s12] =	ssyncset.done $0x0  }
0x39: {  	s31 =	simm.s32 $0x33A0;
	[sflag:s12] =	ssyncadd.s32 $0xFFFFCE00  }
0x3a: {  	v10 =	vld [tilespmem:s31+$0xFFFFFF00]  }
0x3b: {  	s0 =	simm.s32 $0x140;
	v11 =	vld [tilespmem:s31+$0x10]  }
0x3c: {  	v12 =	vld [tilespmem:s0+$0xFFFFFF60]  }
0x3d: {  	v13 =	vld [tilespmem:s0+$0x0]  }
0x3e: {  	v14 =	vld [tilespmem:s31+$0x0]  }
0x3f: {  	v15 =	vld [tilespmem:s0+$0x20]  }
0x40: {  	v16 =	vld [tilespmem:s31+$0x20]  }
0x41: {  	v17 =	vld [tilespmem:s0+$0x30]  }
0x42: {  	v18 =	vld [tilespmem:s31+$0x30]  }
0x43: {  	v19 =	vld [tilespmem:s0+$0x40]  }
0x44: {  	v20 =	vld [tilespmem:s31+$0x40]  }
0x45: {  	v21 =	vld [tilespmem:s0+$0x50]  }
0x46: {  	v22 =	vld [tilespmem:s31+$0x50]  }
0x47: {  	v23 =	vld [tilespmem:s0+$0x60]  }
0x48: {  	v24 =	vld [tilespmem:s31+$0x60]  }
0x49: {  	v25 =	vld [tilespmem:s0+$0x70]  }
0x4a: {  	v26 =	vld [tilespmem:s31+$0x70]  }
0x4b: {  	v27 =	vld [tilespmem:s0+$0xFFFFFF70]  }
0x4c: {  	v28 =	vld [tilespmem:s31+$0xFFFFFF10]  }
0x4d: {  	v29 =	vld [tilespmem:s0+$0xFFFFFF80]  }
0x4e: {  	v30 =	vld [tilespmem:s31+$0xFFFFFF20]  }
0x4f: {  	v31 =	vld [tilespmem:s0+$0xFFFFFF90]  }
0x50: {  	v32 =	vld [tilespmem:s31+$0xFFFFFF30]  }
0x51: {  	v33 =	vld [tilespmem:s0+$0xFFFFFFA0]  }
0x52: {  	v34 =	vld [tilespmem:s31+$0xFFFFFF40]  }
0x53: {  	v35 =	vld [tilespmem:s0+$0xFFFFFFC0]  }
0x54: {  	v36 =	vld [tilespmem:s0+$0xFFFFFFB0]  }
0x55: {  	v37 =	vld [tilespmem:s31+$0xFFFFFF50];
	v23 =	vmul.f32 v24, v23;
	v24 =	vmul.f32 v26, v25  }
0x56: {  	v25 =	vld [tilespmem:s0+$0xFFFFFFD0];
	v21 =	vmul.f32 v22, v21;
	v19 =	vmul.f32 v20, v19  }
0x57: {  	v22 =	vld [tilespmem:s0+$0x10];
	v20 =	vmul.f32 v28, v27;
	v17 =	vmul.f32 v18, v17  }
0x58: {  	v28 =	vmov s12;
	v15 =	vmul.f32 v16, v15;
	v16 =	vld [tilespmem:s31+$0xFFFFFF60];
	v26 =	vmul.f32 v32, v31  }
0x59: {  	v13 =	vmul.f32 v14, v13;
	v12 =	vmul.f32 v10, v12;
	v23 =	vadd.f32 v24, v23;
	v24 =	vld [tilespmem:s31+$0xFFFFFF70]  }
0x5a: {  	s21 =	simm.s32 $0x0;
	v18 =	vadd.f32 v21, v19;
	v19 =	vmul.f32 v30, v29;
	v21 =	vshll.u32 v28, $0x3  }
0x5b: {  	v14 =	vadd.f32 v17, v15;
	v15 =	vmov s21;
	v17 =	vmul.f32 v34, v33  }
0x5c: {  	v29 =	vmul.f32 v37, v36;
	v27 =	vor.u32 $0x1, v21;
	v11 =	vmul.f32 v11, v22  }
0x5d: {  	v12 =	vadd.f32 v20, v12;
	v15 =	vshll.u32 v15, $0x3;
	v19 =	vadd.f32 v26, v19  }
0x5e: {  	v16 =	vmul.f32 v16, v35;
	v22 =	vmul.f32 v24, v25;
	v11 =	vadd.f32 v11, v13  }
0x5f: {  	v20 =	vld [tilespmem:s0+$0x80];
	v18 =	vadd.f32 v23, v18;
	v13 =	vadd.f32 v29, v17  }
0x60: {  	v35 =	vld.idx.msk [tilespmem:v21+s23+$0x0], $0xffff;
	v17 =	vor.u32 $0x1, v15;
	v16 =	vadd.f32 v22, v16;
	v11 =	vadd.f32 v14, v11  }
0x61: {  	v12 =	vadd.f32 v19, v12;
	v36 =	vld.idx.msk [tilespmem:v27+s23+$0x0], $0xffff  }
0x62: {  	v14 =	vld [tilespmem:s0+$0xFFFFFFE0];
	v13 =	vadd.f32 v16, v13;
	v16 =	vadd.f32 v18, v11  }
0x63: {  	v37 =	vld.idx.msk [tilespmem:v15+s23+$0x0], $0xffff  }
0x64: {  	v10 =	vld [tilespmem:$0xAFA0];
	v13 =	vadd.f32 v13, v12;
	v15 =	vperm.xlane v16, v2  }
0x65: {  	v18 =	vperm.xlane v20, v2;
	v38 =	vld.idx.msk [tilespmem:v17+s23+$0x0], $0xffff  }
0x66: {  	v32 =	vld [tilespmem:$0xB0F0];
	v17 =	vperm.xlane v13, v2;
	v15 =	vadd.f32 v16, v15;
	v16 =	vmul.f32 v20, v35  }
0x67: {  	v19 =	vld [tilespmem:s0+$0x90];
	v18 =	vmul.f32 v18, v36;
	v20 =	vperm.xlane v14, v2  }
0x68: {  	v31 =	vld [tilespmem:$0xB110];
	v17 =	vadd.f32 v17, v13;
	v15 =	vadd.f32 v16, v15;
	v16 =	vmul.f32 v14, v37  }
0x69: {  	v21 =	vld [tilespmem:s0+$0xFFFFFFF0]  }
0x6a: {  	v33 =	vld [tilespmem:$0xB100];
	v20 =	vmul.f32 v20, v38;
	v18 =	vadd.f32 v18, v15;
	v17 =	vadd.f32 v16, v17  }
0x6b: {  	v26 =	vld [tilespmem:$0xB0A0]  }
0x6c: {  	v25 =	vld [tilespmem:$0xB090];
	v19 =	vadd.f32 v18, v19;
	v20 =	vadd.f32 v20, v17  }
0x6d: {  	v29 =	vsel vm0, s21, v28;
	v28 =	vld [tilespmem:$0xB0C0]  }
0x6e: {  	v27 =	vld [tilespmem:$0xB0B0];
	v22 =	vmin.f32 v19, $6.000000000e+01;
	v21 =	vadd.f32 v20, v21  }
0x6f: {  	v30 =	vshll.u32 v29, $0x3;
	v29 =	vld [tilespmem:$0xB0D0];
	v22 =	vmul.f32 $1.442695020e+00, v22  }
0x70: {  	v40 =	vor.u32 v3, v30;
	v30 =	vld [tilespmem:$0xB0E0];
	v23 =	vmin.f32 v21, $6.000000000e+01  }
0x71: {  	v11 =	vld [tilespmem:$0xAFB0];
	(erf) = vpow2.f32 v22;
	v24 =	vmul.f32 $1.442695020e+00, v23  }
0x72: {  	v12 =	vld [tilespmem:$0xAFC0]  }
0x73: {  	v13 =	vld [tilespmem:$0xAFD0];
	(erf) = vpow2.f32 v24  }
0x74: {  	v14 =	vld [tilespmem:$0xAFE0]  }
0x75: {  	v15 =	vld [tilespmem:$0xAFF0]  }
0x76: {  	v16 =	vld [tilespmem:$0xB000]  }
0x77: {  	v17 =	vld [tilespmem:$0xB010]  }
0x78: {  	v18 =	vld [tilespmem:$0xB020]  }
0x79: {  	v19 =	vld [tilespmem:$0xB030]  }
0x7a: {  	v20 =	vld [tilespmem:$0xB040];
	v34 =	vpop (erf)  }
0x7b: {  	v21 =	vld [tilespmem:$0xB050];
	v41 =	vperm.xlane v34, v2  }
0x7c: {  	v22 =	vld [tilespmem:$0xB060];
	v39 =	vpop (erf)  }
0x7d: {  	v23 =	vld [tilespmem:$0xB070];
	v41 =	vsel vm0, v39, v41  }
0x7e: {  	v42 =	vmul.f32 v37, v10;
	v43 =	vmul.f32 v38, v18;
	v24 =	vld [tilespmem:$0xB080];
	[tilespmem:v40+s26+$0x0] =	vst.idx.msk $0xffff, v41  }
0x7f: {  	v40 =	vld [tilespmem:s31+$0xFFFFFF80]  }
0x80: {  	v61 =	vadd.f32 v43, v42;
	_ =	sdelay $0x1  }
0x81: {  	v41 =	vadd.f32 v61, v26;
	_ =	sdelay $0x1  }
0x82: {  	v62 =	vperm.xlane v39, v4;
	v40 =	vadd.f32 v40, v41;
	_ =	sdelay $0x1  }
0x83: {  	v40 =	vmul.f32 v62, v40  }
0x84: {  	s3 =	simm.s32 $0x85A0  }
0x85: {  	v63 =	vmul.f32 v35, v10;
	v45 =	vmul.f32 v36, v18;
	[tilespmem:s3+$0xFFFFFF80] =	vst v40  }
0x86: {  	v40 =	vld [tilespmem:s31+$0x80]  }
0x87: {  	v41 =	vadd.f32 v45, v63;
	_ =	sdelay $0x1  }
0x88: {  	v41 =	vadd.f32 v41, v26;
	_ =	sdelay $0x1  }
0x89: {  	v46 =	vperm.xlane v34, v4;
	v40 =	vadd.f32 v40, v41;
	_ =	sdelay $0x1  }
0x8a: {  	v40 =	vmul.f32 v46, v40;
	_ =	sdelay $0x1  }
0x8b: {  	v48 =	vmul.f32 v37, v11;
	v47 =	vmul.f32 v38, v19;
	[tilespmem:s3+$0x0] =	vst v40  }
0x8c: {  	v40 =	vld [tilespmem:s31+$0xFFFFFF90]  }
0x8d: {  	v41 =	vadd.f32 v47, v48;
	_ =	sdelay $0x1  }
0x8e: {  	v41 =	vadd.f32 v41, v27;
	_ =	sdelay $0x1  }
0x8f: {  	v49 =	vperm.xlane v39, v1;
	v40 =	vadd.f32 v40, v41;
	_ =	sdelay $0x1  }
0x90: {  	v40 =	vmul.f32 v49, v40;
	_ =	sdelay $0x1  }
0x91: {  	v51 =	vmul.f32 v35, v11;
	v50 =	vmul.f32 v36, v19;
	[tilespmem:s3+$0xFFFFFF90] =	vst v40  }
0x92: {  	v40 =	vld [tilespmem:s31+$0x90]  }
0x93: {  	v41 =	vadd.f32 v50, v51;
	_ =	sdelay $0x1  }
0x94: {  	v41 =	vadd.f32 v41, v27;
	_ =	sdelay $0x1  }
0x95: {  	v52 =	vperm.xlane v34, v1;
	v40 =	vadd.f32 v40, v41;
	_ =	sdelay $0x1  }
0x96: {  	v40 =	vmul.f32 v52, v40;
	_ =	sdelay $0x1  }
0x97: {  	v53 =	vmul.f32 v37, v12;
	v54 =	vmul.f32 v38, v20;
	[tilespmem:s3+$0x10] =	vst v40  }
0x98: {  	v40 =	vld [tilespmem:s31+$0xFFFFFFA0]  }
0x99: {  	v41 =	vadd.f32 v54, v53;
	_ =	sdelay $0x1  }
0x9a: {  	v41 =	vadd.f32 v41, v28;
	_ =	sdelay $0x1  }
0x9b: {  	v55 =	vperm.xlane v39, v5;
	v40 =	vadd.f32 v40, v41;
	_ =	sdelay $0x1  }
0x9c: {  	v40 =	vmul.f32 v55, v40;
	_ =	sdelay $0x1  }
0x9d: {  	v56 =	vmul.f32 v35, v12;
	v57 =	vmul.f32 v36, v20;
	[tilespmem:s3+$0xFFFFFFA0] =	vst v40  }
0x9e: {  	v40 =	vld [tilespmem:s31+$0xA0]  }
0x9f: {  	v41 =	vadd.f32 v57, v56;
	_ =	sdelay $0x1  }
0xa0: {  	v41 =	vadd.f32 v41, v28;
	_ =	sdelay $0x1  }
0xa1: {  	v58 =	vperm.xlane v34, v5;
	v40 =	vadd.f32 v40, v41;
	_ =	sdelay $0x1  }
0xa2: {  	v40 =	vmul.f32 v58, v40;
	_ =	sdelay $0x1  }
0xa3: {  	v60 =	vmul.f32 v37, v13;
	v59 =	vmul.f32 v38, v21;
	[tilespmem:s3+$0x20] =	vst v40  }
0xa4: {  	v40 =	vld [tilespmem:s31+$0xFFFFFFB0]  }
0xa5: {  	v41 =	vadd.f32 v59, v60;
	_ =	sdelay $0x1  }
0xa6: {  	v41 =	vadd.f32 v41, v29;
	_ =	sdelay $0x1  }
0xa7: {  	v61 =	vperm.xlane v39, v0;
	v40 =	vadd.f32 v40, v41;
	_ =	sdelay $0x1  }
0xa8: {  	v40 =	vmul.f32 v61, v40;
	_ =	sdelay $0x1  }
0xa9: {  	v63 =	vmul.f32 v36, v21;
	v62 =	vmul.f32 v35, v13;
	[tilespmem:s3+$0xFFFFFFB0] =	vst v40  }
0xaa: {  	v40 =	vld [tilespmem:s31+$0xB0]  }
0xab: {  	v41 =	vadd.f32 v63, v62;
	_ =	sdelay $0x1  }
0xac: {  	v41 =	vadd.f32 v41, v29;
	_ =	sdelay $0x1  }
0xad: {  	v45 =	vperm.xlane v34, v0;
	v40 =	vadd.f32 v40, v41;
	_ =	sdelay $0x1  }
0xae: {  	v40 =	vmul.f32 v45, v40;
	_ =	sdelay $0x1  }
0xaf: {  	v47 =	vmul.f32 v38, v22;
	v46 =	vmul.f32 v37, v14;
	[tilespmem:s3+$0x30] =	vst v40  }
0xb0: {  	v40 =	vld [tilespmem:s31+$0xFFFFFFC0]  }
0xb1: {  	v41 =	vadd.f32 v47, v46;
	_ =	sdelay $0x1  }
0xb2: {  	v41 =	vadd.f32 v41, v30;
	_ =	sdelay $0x1  }
0xb3: {  	v48 =	vperm.xlane v39, v6;
	v40 =	vadd.f32 v40, v41;
	_ =	sdelay $0x1  }
0xb4: {  	v40 =	vmul.f32 v48, v40;
	_ =	sdelay $0x1  }
0xb5: {  	v50 =	vmul.f32 v36, v22;
	v49 =	vmul.f32 v35, v14;
	[tilespmem:s3+$0xFFFFFFC0] =	vst v40  }
0xb6: {  	v40 =	vld [tilespmem:s31+$0xC0]  }
0xb7: {  	v41 =	vadd.f32 v50, v49;
	_ =	sdelay $0x1  }
0xb8: {  	v41 =	vadd.f32 v41, v30;
	_ =	sdelay $0x1  }
0xb9: {  	v51 =	vperm.xlane v34, v6;
	v40 =	vadd.f32 v40, v41;
	_ =	sdelay $0x1  }
0xba: {  	v40 =	vmul.f32 v51, v40;
	_ =	sdelay $0x1  }
0xbb: {  	v53 =	vmul.f32 v38, v23;
	v52 =	vmul.f32 v37, v15;
	[tilespmem:s3+$0x40] =	vst v40  }
0xbc: {  	v40 =	vld [tilespmem:s31+$0xFFFFFFD0]  }
0xbd: {  	v41 =	vadd.f32 v53, v52;
	_ =	sdelay $0x1  }
0xbe: {  	v41 =	vadd.f32 v41, v32;
	_ =	sdelay $0x1  }
0xbf: {  	v54 =	vperm.xlane v39, v7;
	v40 =	vadd.f32 v40, v41;
	_ =	sdelay $0x1  }
0xc0: {  	v40 =	vmul.f32 v54, v40;
	_ =	sdelay $0x1  }
0xc1: {  	v56 =	vmul.f32 v36, v23;
	v55 =	vmul.f32 v35, v15;
	[tilespmem:s3+$0xFFFFFFD0] =	vst v40  }
0xc2: {  	v40 =	vld [tilespmem:s31+$0xD0]  }
0xc3: {  	v41 =	vadd.f32 v56, v55;
	_ =	sdelay $0x1  }
0xc4: {  	v41 =	vadd.f32 v41, v32;
	_ =	sdelay $0x1  }
0xc5: {  	v57 =	vperm.xlane v34, v7;
	v40 =	vadd.f32 v40, v41;
	_ =	sdelay $0x1  }
0xc6: {  	v40 =	vmul.f32 v57, v40;
	_ =	sdelay $0x1  }
0xc7: {  	v59 =	vmul.f32 v37, v16;
	v58 =	vmul.f32 v38, v24;
	[tilespmem:s3+$0x50] =	vst v40  }
0xc8: {  	v40 =	vld [tilespmem:s31+$0xFFFFFFE0]  }
0xc9: {  	v41 =	vadd.f32 v58, v59;
	_ =	sdelay $0x1  }
0xca: {  	v41 =	vadd.f32 v41, v33;
	_ =	sdelay $0x1  }
0xcb: {  	v60 =	vperm.xlane v39, v8;
	v40 =	vadd.f32 v40, v41;
	_ =	sdelay $0x1  }
0xcc: {  	v40 =	vmul.f32 v60, v40;
	_ =	sdelay $0x1  }
0xcd: {  	v62 =	vmul.f32 v36, v24;
	v61 =	vmul.f32 v35, v16;
	[tilespmem:s3+$0xFFFFFFE0] =	vst v40  }
0xce: {  	v40 =	vld [tilespmem:s31+$0xE0]  }
0xcf: {  	v41 =	vadd.f32 v62, v61;
	_ =	sdelay $0x1  }
0xd0: {  	v41 =	vadd.f32 v41, v33;
	_ =	sdelay $0x1  }
0xd1: {  	v63 =	vperm.xlane v34, v8;
	v40 =	vadd.f32 v40, v41;
	_ =	sdelay $0x1  }
0xd2: {  	v40 =	vmul.f32 v63, v40;
	_ =	sdelay $0x1  }
0xd3: {  	v37 =	vmul.f32 v37, v17;
	v38 =	vmul.f32 v38, v25;
	[tilespmem:s3+$0x60] =	vst v40  }
0xd4: {  	v40 =	vld [tilespmem:s31+$0xFFFFFFF0]  }
0xd5: {  	v37 =	vadd.f32 v38, v37;
	_ =	sdelay $0x1  }
0xd6: {  	v37 =	vadd.f32 v37, v31;
	v36 =	vmul.f32 v36, v25;
	v35 =	vmul.f32 v35, v17;
	_ =	sdelay $0x1  }
0xd7: {  	s11 =	simm.s32 $0x33A0;
	s10 =	simm.s32 $0x3;
	s21 =	simm.s32 $0x85A0;
	v35 =	vadd.f32 v36, v35;
	v36 =	vadd.f32 v40, v37;
	v37 =	vperm.xlane v39, v9  }
.LBB2_3:
0xd8: {  	_ = 	snop  }
0xd9: {  	s0 =	sadd.s32 $0x140, s0;
	s31 =	sadd.s32 $0x200, s31;
	s3 =	sadd.s32 $0x100, s3;
	v36 =	vmul.f32 v37, v36  }
0xda: {  	p0 =	sne.s32 s10, $0x4F;
	s12 =	smov.u32 s10;
	s10 =	sadd.s32 $0x2, s10  }
0xdb: {  	[tilespmem:s21+$0xFFFFFFF0] =	vst v36  }
0xdc: {  	v36 =	vld [tilespmem:s11+$0xF0];
	s11 =	smov.u32 s31;
	_ =	sdelay $0x2  }
0xdd: {  	v35 =	vadd.f32 v35, v31;
	_ =	sdelay $0x1  }
0xde: {  	v34 =	vperm.xlane v34, v9;
	v35 =	vadd.f32 v36, v35;
	_ =	sdelay $0x1  }
0xdf: {  	v34 =	vmul.f32 v34, v35;
	_ =	sdelay $0x1  }
0xe0: {  	[tilespmem:s21+$0x70] =	vst v34;
	s21 =	smov.u32 s3  }
0xe1: {  	v34 =	vld [tilespmem:s31+$0xFFFFFF00]  }
0xe2: {  	v35 =	vld [tilespmem:s31+$0x10]  }
0xe3: {  	v36 =	vld [tilespmem:s0+$0xFFFFFF60]  }
0xe4: {  	v37 =	vld [tilespmem:s0+$0x0]  }
0xe5: {  	v38 =	vld [tilespmem:s31+$0x0]  }
0xe6: {  	v39 =	vld [tilespmem:s0+$0x20]  }
0xe7: {  	v40 =	vld [tilespmem:s31+$0x20]  }
0xe8: {  	v41 =	vld [tilespmem:s0+$0x30]  }
0xe9: {  	v42 =	vld [tilespmem:s31+$0x30]  }
0xea: {  	v43 =	vld [tilespmem:s0+$0x40]  }
0xeb: {  	v44 =	vld [tilespmem:s31+$0x40]  }
0xec: {  	v45 =	vld [tilespmem:s0+$0x50]  }
0xed: {  	v46 =	vld [tilespmem:s31+$0x50]  }
0xee: {  	v47 =	vld [tilespmem:s0+$0x60]  }
0xef: {  	v48 =	vld [tilespmem:s31+$0x60]  }
0xf0: {  	v49 =	vld [tilespmem:s0+$0x70]  }
0xf1: {  	v50 =	vld [tilespmem:s31+$0x70]  }
0xf2: {  	v51 =	vld [tilespmem:s0+$0xFFFFFF70]  }
0xf3: {  	v52 =	vld [tilespmem:s31+$0xFFFFFF10]  }
0xf4: {  	v53 =	vld [tilespmem:s0+$0xFFFFFF80];
	v47 =	vmul.f32 v48, v47  }
0xf5: {  	v45 =	vmul.f32 v46, v45;
	v48 =	vld [tilespmem:s31+$0xFFFFFF20]  }
0xf6: {  	v46 =	vld [tilespmem:s0+$0xFFFFFF90];
	v49 =	vmul.f32 v50, v49  }
0xf7: {  	v43 =	vmul.f32 v44, v43;
	v50 =	vld [tilespmem:s31+$0xFFFFFF30]  }
0xf8: {  	v44 =	vmul.f32 v52, v51;
	v51 =	vld [tilespmem:s0+$0xFFFFFFA0];
	v47 =	vadd.f32 v49, v47  }
0xf9: {  	v41 =	vmul.f32 v42, v41;
	v42 =	vadd.f32 v45, v43;
	v49 =	vld [tilespmem:s31+$0xFFFFFF40]  }
0xfa: {  	v43 =	vmul.f32 v48, v53;
	v45 =	vld [tilespmem:s0+$0xFFFFFFC0]  }
0xfb: {  	v39 =	vmul.f32 v40, v39;
	v48 =	vmov s12;
	v52 =	vld [tilespmem:s0+$0xFFFFFFB0]  }
0xfc: {  	s12 =	sadd.s32 $0xFFFFFFFF, s12;
	v40 =	vshll.u32 v48, $0x3;
	v46 =	vmul.f32 v50, v46;
	v50 =	vld [tilespmem:s31+$0xFFFFFF50]  }
0xfd: {  	v37 =	vmul.f32 v38, v37;
	v38 =	vadd.f32 v41, v39;
	v53 =	vld [tilespmem:s0+$0xFFFFFFD0]  }
0xfe: {  	v39 =	vmov s12;
	v41 =	vor.u32 $0x1, v40;
	v49 =	vmul.f32 v49, v51;
	v51 =	vld [tilespmem:s0+$0x10]  }
0xff: {  	v34 =	vmul.f32 v34, v36;
	v39 =	vshll.u32 v39, $0x3;
	v43 =	vadd.f32 v46, v43;
	v36 =	vld [tilespmem:s31+$0xFFFFFF70]  }
0x100: {  	v48 =	vsel vm0, s12, v48;
	v46 =	vor.u32 $0x1, v39;
	v54 =	vld [tilespmem:s31+$0xFFFFFF60]  }
0x101: {  	v34 =	vadd.f32 v44, v34;
	v40 =	vld.idx.msk [tilespmem:v40+s23+$0x0], $0xffff;
	v50 =	vmul.f32 v50, v52  }
0x102: {  	v48 =	vshll.u32 v48, $0x3;
	v44 =	vld [tilespmem:s0+$0x80]  }
0x103: {  	v34 =	vadd.f32 v43, v34;
	v52 =	vld.idx.msk [tilespmem:v41+s23+$0x0], $0xffff;
	v35 =	vmul.f32 v35, v51  }
0x104: {  	v36 =	vmul.f32 v36, v53;
	v43 =	vld [tilespmem:s0+$0xFFFFFFE0]  }
0x105: {  	v41 =	vmul.f32 v54, v45;
	v45 =	vadd.f32 v50, v49;
	v35 =	vadd.f32 v35, v37  }
0x106: {  	v37 =	vadd.f32 v47, v42  }
0x107: {  	v42 =	vmul.f32 v40, v17;
	v35 =	vadd.f32 v38, v35;
	v38 =	vmul.f32 v40, v15  }
0x108: {  	v49 =	vmul.f32 v40, v10;
	v47 =	vmul.f32 v40, v16;
	v36 =	vadd.f32 v36, v41  }
0x109: {  	v51 =	vmul.f32 v40, v12;
	v35 =	vadd.f32 v37, v35;
	v37 =	vld [tilespmem:s0+$0x90];
	v50 =	vperm.xlane v43, v2  }
0x10a: {  	v36 =	vadd.f32 v36, v45;
	v45 =	vmul.f32 v52, v24;
	v41 =	vld.idx.msk [tilespmem:v39+s23+$0x0], $0xffff;
	v39 =	vperm.xlane v44, v2  }
0x10b: {  	v55 =	vmul.f32 v52, v25;
	v53 =	vperm.xlane v35, v2;
	v54 =	vld [tilespmem:s0+$0xFFFFFFF0]  }
0x10c: {  	v34 =	vadd.f32 v36, v34;
	v36 =	vadd.f32 v45, v47;
	v56 =	vld.idx.msk [tilespmem:v46+s23+$0x0], $0xffff;
	v46 =	vmul.f32 v52, v18  }
0x10d: {  	v47 =	vmul.f32 v40, v13;
	v45 =	vadd.f32 v35, v53;
	v35 =	vadd.f32 v55, v42  }
0x10e: {  	v42 =	vperm.xlane v34, v2;
	v53 =	vmul.f32 v52, v19  }
0x10f: {  	v44 =	vmul.f32 v44, v40;
	v55 =	vmul.f32 v40, v11  }
0x110: {  	v39 =	vmul.f32 v39, v52;
	v34 =	vadd.f32 v42, v34;
	v57 =	vmul.f32 v41, v17  }
0x111: {  	v53 =	vadd.f32 v53, v55;
	v42 =	vmul.f32 v52, v21;
	v55 =	vmul.f32 v41, v15  }
0x112: {  	v45 =	vadd.f32 v44, v45;
	v50 =	vmul.f32 v50, v56;
	v58 =	vmul.f32 v56, v25  }
0x113: {  	v60 =	vmul.f32 v52, v20;
	v59 =	vmul.f32 v41, v12;
	v44 =	vadd.f32 v42, v47  }
0x114: {  	v39 =	vadd.f32 v39, v45;
	v42 =	vmul.f32 v56, v19;
	v45 =	vmul.f32 v56, v20  }
0x115: {  	v43 =	vmul.f32 v43, v41;
	v61 =	vmul.f32 v41, v11;
	v47 =	vadd.f32 v60, v51  }
0x116: {  	v49 =	vadd.f32 v46, v49;
	v37 =	vadd.f32 v39, v37;
	v39 =	vmul.f32 v40, v14  }
0x117: {  	v34 =	vadd.f32 v43, v34;
	v51 =	vmul.f32 v41, v10;
	v40 =	vmul.f32 v52, v22  }
0x118: {  	v46 =	vmul.f32 v56, v21;
	v60 =	vadd.f32 v42, v61;
	v37 =	vmin.f32 v37, $6.000000000e+01  }
0x119: {  	v34 =	vadd.f32 v50, v34;
	v43 =	vadd.f32 v40, v39;
	v39 =	vmul.f32 v52, v23  }
0x11a: {  	v50 =	vadd.f32 v45, v59;
	v42 =	vmul.f32 v56, v24;
	v37 =	vmul.f32 $1.442695020e+00, v37  }
0x11b: {  	v34 =	vadd.f32 v34, v54;
	v40 =	vadd.f32 v39, v38;
	v38 =	vmul.f32 v41, v16  }
0x11c: {  	v45 =	vmul.f32 v41, v14;
	(erf) = vpow2.f32 v37  }
0x11d: {  	v34 =	vmin.f32 v34, $6.000000000e+01;
	v39 =	vadd.f32 v42, v38;
	v37 =	vmul.f32 v56, v22  }
0x11e: {  	v34 =	vmul.f32 $1.442695020e+00, v34;
	v38 =	vmul.f32 v56, v23  }
0x11f: {  	v45 =	vadd.f32 v37, v45  }
0x120: {  	v42 =	vadd.f32 v38, v55;
	v37 =	vadd.f32 v58, v57;
	(erf) = vpow2.f32 v34;
	_ =	sdelay $0x1  }
0x121: {  	v48 =	vor.u32 v3, v48;
	_ =	sdelay $0x2  }
0x122: {  	v34 =	vpop (erf);
	_ =	sdelay $0x2  }
0x123: {  	v52 =	vperm.xlane v34, v2  }
0x124: {  	v54 =	vmul.f32 v56, v18;
	v38 =	vpop (erf)  }
0x125: {  	v52 =	vsel vm0, v38, v52  }
0x126: {  	[tilespmem:v48+s26+$0x0] =	vst.idx.msk $0xffff, v52;
	v48 =	vadd.f32 v54, v51  }
0x127: {  	v51 =	vld [tilespmem:s31+$0xFFFFFF80]  }
0x128: {  	v49 =	vadd.f32 v49, v26;
	v48 =	vadd.f32 v48, v26;
	_ =	sdelay $0x3  }
0x129: {  	v48 =	vadd.f32 v51, v48;
	v51 =	vperm.xlane v38, v4;
	_ =	sdelay $0x1  }
0x12a: {  	v48 =	vmul.f32 v51, v48;
	_ =	sdelay $0x1  }
0x12b: {  	[tilespmem:s3+$0xFFFFFF80] =	vst v48  }
0x12c: {  	v48 =	vld [tilespmem:s31+$0x80];
	_ =	sdelay $0x4  }
0x12d: {  	v48 =	vadd.f32 v48, v49;
	v49 =	vperm.xlane v34, v4;
	_ =	sdelay $0x1  }
0x12e: {  	v48 =	vmul.f32 v49, v48;
	_ =	sdelay $0x1  }
0x12f: {  	[tilespmem:s3+$0x0] =	vst v48;
	v48 =	vadd.f32 v60, v27  }
0x130: {  	v49 =	vld [tilespmem:s31+$0xFFFFFF90];
	_ =	sdelay $0x1  }
0x131: {  	v51 =	vadd.f32 v53, v27;
	_ =	sdelay $0x2  }
0x132: {  	v48 =	vadd.f32 v49, v48;
	v49 =	vperm.xlane v38, v1;
	_ =	sdelay $0x1  }
0x133: {  	v48 =	vmul.f32 v49, v48;
	_ =	sdelay $0x1  }
0x134: {  	[tilespmem:s3+$0xFFFFFF90] =	vst v48  }
0x135: {  	v48 =	vld [tilespmem:s31+$0x90];
	_ =	sdelay $0x4  }
0x136: {  	v49 =	vperm.xlane v34, v1;
	v48 =	vadd.f32 v48, v51;
	_ =	sdelay $0x1  }
0x137: {  	v48 =	vmul.f32 v49, v48;
	_ =	sdelay $0x1  }
0x138: {  	[tilespmem:s3+$0x10] =	vst v48  }
0x139: {  	v48 =	vld [tilespmem:s31+$0xFFFFFFA0]  }
0x13a: {  	v49 =	vadd.f32 v50, v28;
	_ =	sdelay $0x1  }
0x13b: {  	v47 =	vadd.f32 v47, v28;
	_ =	sdelay $0x1  }
0x13c: {  	v48 =	vadd.f32 v48, v49;
	v49 =	vperm.xlane v38, v5;
	_ =	sdelay $0x1  }
0x13d: {  	v48 =	vmul.f32 v49, v48;
	_ =	sdelay $0x1  }
0x13e: {  	[tilespmem:s3+$0xFFFFFFA0] =	vst v48  }
0x13f: {  	v48 =	vld [tilespmem:s31+$0xA0];
	_ =	sdelay $0x4  }
0x140: {  	v47 =	vadd.f32 v48, v47;
	v48 =	vperm.xlane v34, v5;
	_ =	sdelay $0x1  }
0x141: {  	v41 =	vmul.f32 v41, v13;
	v47 =	vmul.f32 v48, v47;
	_ =	sdelay $0x1  }
0x142: {  	v41 =	vadd.f32 v46, v41;
	[tilespmem:s3+$0x20] =	vst v47  }
0x143: {  	v46 =	vld [tilespmem:s31+$0xFFFFFFB0]  }
0x144: {  	v41 =	vadd.f32 v41, v29;
	_ =	sdelay $0x3  }
0x145: {  	v44 =	vadd.f32 v44, v29;
	v41 =	vadd.f32 v46, v41;
	v46 =	vperm.xlane v38, v0;
	_ =	sdelay $0x1  }
0x146: {  	v41 =	vmul.f32 v46, v41;
	_ =	sdelay $0x1  }
0x147: {  	[tilespmem:s3+$0xFFFFFFB0] =	vst v41  }
0x148: {  	v41 =	vld [tilespmem:s31+$0xB0];
	_ =	sdelay $0x4  }
0x149: {  	v41 =	vadd.f32 v41, v44;
	v44 =	vperm.xlane v34, v0;
	_ =	sdelay $0x1  }
0x14a: {  	v41 =	vmul.f32 v44, v41;
	_ =	sdelay $0x1  }
0x14b: {  	[tilespmem:s3+$0x30] =	vst v41  }
0x14c: {  	v41 =	vld [tilespmem:s31+$0xFFFFFFC0]  }
0x14d: {  	v44 =	vadd.f32 v45, v30;
	_ =	sdelay $0x3  }
0x14e: {  	v41 =	vadd.f32 v41, v44;
	v44 =	vperm.xlane v38, v6  }
0x14f: {  	v43 =	vadd.f32 v43, v30  }
0x150: {  	v41 =	vmul.f32 v44, v41;
	_ =	sdelay $0x1  }
0x151: {  	[tilespmem:s3+$0xFFFFFFC0] =	vst v41  }
0x152: {  	v41 =	vld [tilespmem:s31+$0xC0];
	_ =	sdelay $0x4  }
0x153: {  	v41 =	vadd.f32 v41, v43;
	v43 =	vperm.xlane v34, v6;
	_ =	sdelay $0x1  }
0x154: {  	v41 =	vmul.f32 v43, v41;
	_ =	sdelay $0x1  }
0x155: {  	[tilespmem:s3+$0x40] =	vst v41  }
0x156: {  	v41 =	vld [tilespmem:s31+$0xFFFFFFD0]  }
0x157: {  	v42 =	vadd.f32 v42, v32;
	_ =	sdelay $0x3  }
0x158: {  	v41 =	vadd.f32 v41, v42;
	v42 =	vperm.xlane v38, v7;
	_ =	sdelay $0x1  }
0x159: {  	v41 =	vmul.f32 v42, v41;
	_ =	sdelay $0x1  }
0x15a: {  	[tilespmem:s3+$0xFFFFFFD0] =	vst v41  }
0x15b: {  	v41 =	vld [tilespmem:s31+$0xD0];
	_ =	sdelay $0x1  }
0x15c: {  	v40 =	vadd.f32 v40, v32;
	_ =	sdelay $0x2  }
0x15d: {  	v40 =	vadd.f32 v41, v40;
	v41 =	vperm.xlane v34, v7;
	_ =	sdelay $0x1  }
0x15e: {  	v40 =	vmul.f32 v41, v40;
	_ =	sdelay $0x1  }
0x15f: {  	[tilespmem:s3+$0x50] =	vst v40  }
0x160: {  	v40 =	vld [tilespmem:s31+$0xFFFFFFE0];
	_ =	sdelay $0x1  }
0x161: {  	v39 =	vadd.f32 v39, v33;
	_ =	sdelay $0x2  }
0x162: {  	v39 =	vadd.f32 v40, v39;
	v40 =	vperm.xlane v38, v8;
	_ =	sdelay $0x1  }
0x163: {  	v39 =	vmul.f32 v40, v39;
	_ =	sdelay $0x1  }
0x164: {  	[tilespmem:s3+$0xFFFFFFE0] =	vst v39  }
0x165: {  	v39 =	vld [tilespmem:s31+$0xE0];
	_ =	sdelay $0x1  }
0x166: {  	v36 =	vadd.f32 v36, v33;
	_ =	sdelay $0x2  }
0x167: {  	v36 =	vadd.f32 v39, v36;
	v39 =	vperm.xlane v34, v8;
	_ =	sdelay $0x1  }
0x168: {  	v36 =	vmul.f32 v39, v36;
	_ =	sdelay $0x1  }
0x169: {  	[tilespmem:s3+$0x60] =	vst v36  }
0x16a: {  	v36 =	vld [tilespmem:s31+$0xFFFFFFF0]  }
.Ltmp0:
0x16b: {  	(pc) =	sbr.rel @p0 .LBB2_3-.Ltmp0, $2  }
0x16c: {  	v37 =	vadd.f32 v37, v31;
	_ =	sdelay $0x2  }
0x16d: {  	v36 =	vadd.f32 v36, v37;
	v37 =	vperm.xlane v38, v9  }
0x16e: {  	_ = 	snop  }
0x16f: {  	v10 =	vmul.f32 v37, v36;
	_ =	sdelay $0x1  }
0x170: {  	[tilespmem:s21+$0xFFFFFFF0] =	vst v10  }
0x171: {  	v10 =	vld [tilespmem:s11+$0xF0];
	_ =	sdelay $0x2  }
0x172: {  	v11 =	vadd.f32 v35, v31;
	_ =	sdelay $0x1  }
0x173: {  	v10 =	vadd.f32 v10, v11;
	v11 =	vperm.xlane v34, v9;
	_ =	sdelay $0x1  }
0x174: {  	v10 =	vmul.f32 v11, v10;
	_ =	sdelay $0x1  }
0x175: {  	[tilespmem:s21+$0x70] =	vst v10  }
0x176: {  	[spmem:s1] =	stream.indirect.scatter.add.f32 [tilespmem:s28], [sflag:$0x1], $0x80, s22, s22, $0xb8;
	[tilespmem:$0x1FD28] =	vst v63  }
0x177: {  	s30 =	sadd.s32 $0x1, s30;
	_ =	swait.ge [sflag:s19], $0x2800  }
0x178: {  	p0 =	sne.s32 s30, $0x7D;
	[sflag:s19] =	ssyncset.done $0x0  }
.Ltmp1:
0x179: {  	[sflag:s19] =	ssyncadd.s32 $0xFFFFD800;
	(pc) =	sbr.rel @p0 .LBB2_2-.Ltmp1, $4  }
0x17a: {  	[spmem:s2] =	stream.indirect.scatter.add.f32 [tilespmem:s26], [sflag:$0x1], $0x8, s22, s22, $0xb8;
	[tilespmem:$0x1FD28] =	vst v63  }
0x17b: {  	_ =	swait.ge [sflag:s19], $0x280  }
0x17c: {  	[sflag:s19] =	ssyncset.done $0x0  }
0x17d: {  	[sflag:s19] =	ssyncadd.s32 $0xFFFFFD80  }
0x17e: {  	[bflag:$0x0] =	sbarrier.arrive $0xFFFF  }
0x17f: {  	[hbm:s15], [sflag:s13] =	dma.local [spmem:s18], $0x2710  }
0x180: {  	s29 =	sadd.s32 $0x1, s29;
	_ =	swait.ge [sflag:s19], $0x2710  }
0x181: {  	p0 =	sne.s32 s29, s17;
	[sflag:s19] =	ssyncset.done $0x0  }
.Ltmp2:
0x182: {  	[sflag:s19] =	ssyncadd.s32 $0xFFFFD8F0;
	(pc) =	sbr.rel @p0 .LBB2_1-.Ltmp2, $4  }
0x183: {  	[hbm:s16], [sflag:s13] =	dma.local [spmem:s20], $0x271  }
0x184: {  	_ =	swait.ge [sflag:s19], $0x271  }
0x185: {  	[sflag:s19] =	ssyncset.done $0x0  }
0x186: {  	[sflag:s19] =	ssyncadd.s32 $0xFFFFFD8F  }
0x187: {  	_ =	sfence.sel $0x180000  }
0x188: {  	[bflag:$0x0] =	sbarrier.arrive $0xFFFF  }
0x189: {  	_ =	strace $0x9000004D  }
0x18a: {  	s0 =	stileid.u32;
	[bflag:$0x2] =	sbarrier.arrive $0xFFFF  }
0x18b: {  	p0 =	sne.s32 s0, $0x0;
	s0 =	rddreg [dreg:$0x3]  }
0x18c: {  	s0 =	sadd.s32 @!p0 $0x100000, s0  }
0x18d: {  	[sflag:s0] =	ssyncadd.tile.s32 @!p0 $0x1;
	_ =	shalt  }
.Lfunc_end2:
_tile_overlayer_lowered:
.L_overlay_start_2:
0x18e: {  	(tag) =	ssettag $0x2  }
0x18f: {  	s0 =	rddreg [dreg:$0x0];
	s2 =	stileid.u32  }
0x190: {  	s1 =	rddreg [dreg:$0x1];
	p0 =	sne.s32 s2, $0x0  }
0x191: {  	s3 =	rddreg [dreg:$0x2];
	[bflag:$0x3] =	sbarrier.arrive $0xFFFF;
	s2 =	simm.s32 @!p0 $0x1C01  }
0x192: {  	[timem:s3], [sflag:s2] =	dma.local @!p0 [hbm:s0], s1  }
0x193: {  	s0 =	simm.s32 @!p0 $0x1  }
0x194: {  	_ =	swait.ge @!p0 [sflag:s0], s1  }
0x195: {  	s1 =	ssub.s32 @!p0 $0x0, s1;
	[sflag:s0] =	ssyncset.done @!p0 $0x0  }
0x196: {  	[sflag:s0] =	ssyncadd.s32 @!p0 s1  }
0x197: {  	[bflag:$0x3] =	sbarrier.arrive $0xFFFF  }
0x198: {  	_ =	shalt  }

// kernel: kernel.25.cloned.1.call-start
scs
__scs_entry_jumppad:
0x0: {  	(pc) =	sbr.rel $0x88, $3  }
0x1: {  	(tag) =	ssettag $0x0;
	lr =	simm.s32 $0x1  }
0x2: {  	[smem:$0x3F4E] =	sst lr;
	_ =	strace $0xD0000000  }
0x3: {  	_ = 	snop  }
0x4: {  	_ = 	snop  }
0x5: {  	_ = 	snop  }
0x6: {  	_ = 	snop  }
0x7: {  	_ = 	snop  }
__scs_overlays_trampoline_lowered:
0x8: {  	[smem:$0x3F5D] =	sst s0  }
0x9: {  	[smem:$0x3F5E] =	sst s1  }
0xa: {  	[smem:$0x3F5F] =	sst s2  }
0xb: {  	[smem:$0x3F60] =	sst s3  }
0xc: {  	[smem:$0x3F61] =	sst s4  }
0xd: {  	[smem:$0x3F62] =	sst s5  }
0xe: {  	[smem:$0x3F63] =	sst s6  }
0xf: {  	[smem:$0x3F64] =	sst s7  }
0x10: {  	[smem:$0x3F65] =	sst s8  }
0x11: {  	[smem:$0x3F66] =	sst s9;
	s0 =	simm.s32 @!p0 $0x0  }
0x12: {  	s1 =	sld [smem:$0x3F4C];
	s0 =	simm.s32 @p0 $0x1  }
0x13: {  	[smem:$0x3F67] =	sst s0;
	s0 =	simm.s32 @!p1 $0x0  }
0x14: {  	s2 =	sld [smem:$0x3F4B];
	s0 =	simm.s32 @p1 $0x1  }
0x15: {  	[smem:$0x3F68] =	sst s0;
	s0 =	simm.s32 @!p2 $0x0  }
0x16: {  	s3 =	sld [smem:$0x3FDB];
	s0 =	simm.s32 @p2 $0x1  }
0x17: {  	s4 =	simm.s32 $0x1BF5;
	[smem:$0x3F6A] =	sst s0  }
0x18: {  	s0 =	sld [smem:$0x3F4D];
	_ =	swait.ge [sflag:s4], $0x0  }
0x19: {  	s7 =	sld [smem:$0x3F4E]  }
0x1a: {  	s8 =	sadd.s32 $0xFFFFE003, lr  }
0x1b: {  	s9 =	sadd.s32 $0xFFFFFEF7, lr;
	s5 =	simm.s32 $0xFFFFFFFF;
	p2 =	slt.u32 s8, $0xFFFFF086  }
0x1c: {  	p1 =	slt.u32 s9, $0xF7A;
	s5 =	simm.s32 @!p2 $0x0  }
0x1d: {  	s5 =	simm.s32 @p1 $0x1;
	p0 =	seq.s32 s7, s2  }
0x1e: {  	s7 =	smul.u32 @!p0 $0xF7A, s2;
	p2 =	seq.s32 @!p0 s5, $0x0  }
0x1f: {  	s9 =	smul.u32 $0xF7A, s1;
	s8 =	simm.s32 @!p0 $0x1BF5;
	p2 =	por !p2, p0  }
0x20: {  	[sflag:s8] =	ssyncset.s32 @!p0 $0xFFFFF086;
	s6 =	sadd.s32 @!p0 s3, s7;
	s7 =	simm.s32 @!p0 $0x108  }
0x21: {  	s3 =	sadd.s32 s3, s9;
	s6 =	sadd.s32 @!p0 $0x88, s6;
	s7 =	simm.s32 @p2 $0x1082  }
0x22: {  	[simem:s7], [sflag:s8] =	dma.local @!p0 [hbm:s6], $0xF7A  }
0x23: {  	s9 =	sor.u32 $0xD0000000, s2;
	s6 =	simm.s32 $0x108;
	_ =	swait.ge @!p0 [sflag:s8], $0x0  }
0x24: {  	s3 =	sadd.s32 $0x88, s3;
	s6 =	simm.s32 @!p1 $0x1082;
	[sflag:s4] =	ssyncset.s32 $0xFFFFF086  }
0x25: {  	[simem:s6], [sflag:s4] =	dma.local [hbm:s3], $0xF7A  }
0x26: {  	[smem:$0x3F4E] =	sst s1;
	(tag) =	ssettag s2;
	_ =	strace s9  }
0x27: {  	s1 =	sld [smem:$0x3F5E]  }
0x28: {  	s2 =	sld [smem:$0x3F5F]  }
0x29: {  	s4 =	sld [smem:$0x3F61]  }
0x2a: {  	p0 =	seq.s32 s5, $0x0;
	s5 =	sld [smem:$0x3F62]  }
0x2b: {  	s6 =	sld [smem:$0x3F63]  }
0x2c: {  	s7 =	sld [smem:$0x3F64]  }
0x2d: {  	s3 =	simm.s32 $0x108;
	s8 =	sld [smem:$0x3F65]  }
0x2e: {  	s3 =	simm.s32 @!p0 $0x1082;
	s9 =	sld [smem:$0x3F66]  }
0x2f: {  	lr =	sadd.s32 s0, s3;
	s0 =	sld [smem:$0x3F5D]  }
0x30: {  	s3 =	sld [smem:$0x3F60]  }
0x31: {  	[smem:$0x3F69] =	sst s10  }
0x32: {  	s10 =	sld [smem:$0x3F67];
	_ =	sdelay $0x3  }
0x33: {  	p0 =	seq.s32 s10, $0x1;
	s10 =	sld [smem:$0x3F69];
	_ =	sdelay $0x3  }
0x34: {  	[smem:$0x3F69] =	sst s10  }
0x35: {  	s10 =	sld [smem:$0x3F68];
	_ =	sdelay $0x3  }
0x36: {  	p1 =	seq.s32 s10, $0x1;
	s10 =	sld [smem:$0x3F69];
	_ =	sdelay $0x3  }
0x37: {  	[smem:$0x3F69] =	sst s10  }
0x38: {  	s10 =	sld [smem:$0x3F6A]  }
0x39: {  	_ = 	snop;
	(pc) =	sbr.ind lr, $3  }
0x3a: {  	_ = 	snop  }
0x3b: {  	_ = 	snop  }
0x3c: {  	p2 =	seq.s32 s10, $0x1;
	s10 =	sld [smem:$0x3F69]  }
0x3d: {  	_ =	shalt  }
0x3e: {  	_ =	shalt  }
0x3f: {  	_ =	shalt  }
0x40: {  	_ =	shalt  }
0x41: {  	_ =	shalt  }
0x42: {  	_ =	shalt  }
0x43: {  	_ =	shalt  }
0x44: {  	_ =	shalt  }
0x45: {  	_ =	shalt  }
0x46: {  	_ =	shalt  }
0x47: {  	_ =	shalt  }
0x48: {  	_ =	shalt  }
0x49: {  	_ =	shalt  }
0x4a: {  	_ =	shalt  }
0x4b: {  	_ =	shalt  }
0x4c: {  	_ =	shalt  }
0x4d: {  	_ =	shalt  }
0x4e: {  	_ =	shalt  }
0x4f: {  	_ =	shalt  }
0x50: {  	_ =	shalt  }
0x51: {  	_ =	shalt  }
0x52: {  	_ =	shalt  }
0x53: {  	_ =	shalt  }
0x54: {  	_ =	shalt  }
0x55: {  	_ =	shalt  }
0x56: {  	_ =	shalt  }
0x57: {  	_ =	shalt  }
0x58: {  	_ =	shalt  }
0x59: {  	_ =	shalt  }
0x5a: {  	_ =	shalt  }
0x5b: {  	_ =	shalt  }
0x5c: {  	_ =	shalt  }
0x5d: {  	_ =	shalt  }
0x5e: {  	_ =	shalt  }
0x5f: {  	_ =	shalt  }
0x60: {  	_ =	shalt  }
0x61: {  	_ =	shalt  }
0x62: {  	_ =	shalt  }
0x63: {  	_ =	shalt  }
0x64: {  	_ =	shalt  }
0x65: {  	_ =	shalt  }
0x66: {  	_ =	shalt  }
0x67: {  	_ =	shalt  }
0x68: {  	_ =	shalt  }
0x69: {  	_ =	shalt  }
0x6a: {  	_ =	shalt  }
0x6b: {  	_ =	shalt  }
0x6c: {  	_ =	shalt  }
0x6d: {  	_ =	shalt  }
0x6e: {  	_ =	shalt  }
0x6f: {  	_ =	shalt  }
0x70: {  	_ =	shalt  }
0x71: {  	_ =	shalt  }
0x72: {  	_ =	shalt  }
0x73: {  	_ =	shalt  }
0x74: {  	_ =	shalt  }
0x75: {  	_ =	shalt  }
0x76: {  	_ =	shalt  }
0x77: {  	_ =	shalt  }
0x78: {  	_ =	shalt  }
0x79: {  	_ =	shalt  }
0x7a: {  	_ =	shalt  }
0x7b: {  	_ =	shalt  }
0x7c: {  	_ =	shalt  }
0x7d: {  	_ =	shalt  }
0x7e: {  	_ =	shalt  }
0x7f: {  	_ =	shalt  }
0x80: {  	_ =	shalt  }
0x81: {  	_ =	shalt  }
0x82: {  	_ =	shalt  }
0x83: {  	_ =	shalt  }
0x84: {  	_ =	shalt  }
0x85: {  	_ =	shalt  }
0x86: {  	_ =	shalt  }
0x87: {  	_ =	shalt  }
.Lfunc_end0:
.L_simem_size_0:
called_computation.3_lowered:
.L_overlay_start_0:
0x88: {  	s2 =	sld [smem:$0x3FD9]  }
0x89: {  	s3 =	sld [smem:$0x3FFE];
	_ =	sdelay $0x1  }
0x8a: {  	s1 =	srdreg.scid  }
0x8b: {  	s0 =	sand.u32 $0x1, s1  }
0x8c: {  	s16 =	sshll.u32 s0, $0xA;
	s2 =	sadd.s32 s3, s2  }
0x8d: {  	s2 =	sadd.s32 s2, s16  }
0x8e: {  	[smem:$0x3F75] =	sst s2  }
0x8f: {  	_ = 	snop  }
0x90: {  	(tm) =	ssettm $0x1  }
0x91: {  	s17 =	sld [smem:$0x3FFB];
	_ =	sdelay $0x3  }
0x92: {  	_ =	strace s17  }
0x93: {  	s2 =	sld [smem:$0x3FFC];
	_ =	sdelay $0x3  }
0x94: {  	_ =	strace s2  }
0x95: {  	s2 =	sld [smem:$0x3FFD];
	_ =	sdelay $0x3  }
0x96: {  	_ =	strace s2  }
0x97: {  	_ =	strace $0x8FFFFFFF  }
0x98: {  	s18 =	sld [smem:$0x3FDB];
	_ =	sdelay $0x1  }
0x99: {  	s19 =	simm.s32 $_scs_section_size  }
0x9a: {  	s4 =	simm.s32 $_size__tile_overlayer_lowered;
	s5 =	simm.s32 $_tile_overlayer_lowered  }
0x9b: {  	s22 =	simm.s32 $0x1BFF;
	s21 =	sshll.u32 s5, $0x1;
	s2 =	sadd.s32 s19, s18  }
0x9c: {  	s6 =	simm.s32 $0x0;
	s20 =	sshll.u32 s4, $0x1;
	s4 =	sadd.s32 s21, s2  }
0x9d: {  	[timem:s6], [sflag:s22] =	dma.local [hbm:s4], s20  }
0x9e: {  	_ =	swait.ge [sflag:s22], s20  }
0x9f: {  	s3 =	ssub.s32 $0x0, s20;
	[sflag:s22] =	ssyncset.done $0x0  }
0xa0: {  	[sflag:s22] =	ssyncadd.s32 s3;
	_ =	sdelay $0x1  }
0xa1: {  	s23 =	simm.s32 $0x1B8B  }
0xa2: {  	_ =	swait.ge [sflag:s23], $0x1  }
0xa3: {  	[sflag:s23] =	ssyncset.done $0x0  }
0xa4: {  	s25 =	simm.s32 $0x1B8E;
	s24 =	sld [smem:$0x3FFE];
	[sflag:s23] =	ssyncadd.s32 $0xFFFFFFFF  }
0xa5: {  	s26 =	simm.s32 $execute0_lowered;
	[smem:$0x3FD2] =	sst s25  }
0xa6: {  	s4 =	sshll.u32 s26, $0x1;
	_ =	strace $0x8000004F;
	[dreg:$0x1] =	wrdreg $0xFFFFFFFF  }
0xa7: {  	s28 =	simm.s32 $_size_execute0_lowered;
	s2 =	sadd.s32 s2, s4;
	[dreg:$0x0] =	wrdreg $0x0  }
0xa8: {  	s4 =	sshll.u32 s28, $0x1;
	[dreg:$0x2] =	wrdreg s2  }
0xa9: {  	[dreg:$0x3] =	wrdreg s4  }
0xaa: {  	[dreg:$0x4] =	wrdreg $0xC0  }
0xab: {  	_ =	task [dreg:s6], $0x5FFFF  }
0xac: {  	[dreg:$0x1] =	wrdreg $0xFFFFFFFF  }
0xad: {  	[dreg:$0x0] =	wrdreg $0x60  }
0xae: {  	[dreg:$0x2] =	wrdreg s24  }
0xaf: {  	[dreg:$0x3] =	wrdreg $0xB1200  }
0xb0: {  	[dreg:$0x4] =	wrdreg $0x1E9A00  }
0xb1: {  	[dreg:$0x5] =	wrdreg $0x9  }
0xb2: {  	_ =	task.clear_ibuf [dreg:s6], $0x6FFFF;
	_ =	strace $0x9000004F  }
0xb3: {  	s29 =	simm.s32 $0x9;
	_ =	strace $0x80000051  }
0xb4: {  	_ =	swait.ge [sflag:s29], $0x1  }
0xb5: {  	[sflag:s29] =	ssyncadd.s32 $0xFFFFFFFF  }
0xb6: {  	_ =	strace $0x90000051  }
0xb7: {  	_ =	sfence  }
0xb8: {  	s30 =	sld [smem:$0x0];
	_ =	sdelay $0x2  }
0xb9: {  	s31 =	sshll.u32 s1, $0xD;
	s1 =	sshrl.u32 s1, $0x2  }
0xba: {  	s3 =	sand.u32 $0x4000, s31;
	s1 =	sadd.s32 s1, s30  }
0xbb: {  	s0 =	sor.u32 s3, s0;
	s1 =	sshll.u32 s1, $0x11  }
0xbc: {  	s0 =	sor.u32 s1, s0  }
0xbd: {  	s0 =	sadd.s32 $0x8F2B, s0  }
0xbe: {  	[sflag:s0] =	ssyncadd.remote.s32 $0x1  }
0xbf: {  	_ =	sfence.sel $0xFFFF  }
0xc0: {  	[dreg:$0x0] =	wrdreg $0xFFFFFFFF;
	(pc) =	sbr.abs _section_cstart, $3  }
0xc1: {  	[dreg:$0x1] =	wrdreg $0xFFFFFFFF  }
0xc2: {  	_ =	task.clear_ibuf [dreg:s6], $0x2FFFF;
	_ =	strace $0x9FFFFFFF  }
0xc3: {  	(tm) =	ssettm $0x7FFFFFFF  }
tec
execute0_lowered:
.L_overlay_start_1:
0x0: {  	(tag) =	ssettag $0x1  }
0x1: {  	s0 =	rddreg [dreg:$0x0]  }
0x2: {  	s1 =	rddreg [dreg:$0x1]  }
0x3: {  	s2 =	rddreg [dreg:$0x2];
	s4 =	simm.s32 $0x0;
	s3 =	srdreg.scid  }
0x4: {  	s16 =	stileid.u32;
	s19 =	simm.s32 $0x1;
	s22 =	simm.s32 $0x50  }
0x5: {  	s23 =	simm.s32 $0x82A0;
	s28 =	simm.s32 $0x8520;
	s29 =	simm.s32 $0x0  }
0x6: {  	[smem:$0x7FF] =	sst s4;
	s3 =	sand.u32 $0x1, s3;
	s10 =	smul.u32 $0x13880, s16  }
0x7: {  	s5 =	sadd.s32 $0x7E000, s0;
	s6 =	sadd.s32 $0xE400, s0;
	s7 =	sadd.s32 $0x71400, s0  }
0x8: {  	s12 =	smul.u32 $0x1388, s16;
	s8 =	sadd.s32 $0x67600, s0;
	s9 =	sadd.s32 $0xD2C00, s0  }
0x9: {  	s14 =	sadd.s32 $0xE200, s0;
	s24 =	sadd.s32 $0x7B400, s0;
	s25 =	sadd.s32 $0x7DC00, s0  }
0xa: {  	s15 =	sshll.u32 s16, $0x1;
	_ =	strace $0x80000050;
	[dreg:$0x4] =	wrdreg s14  }
0xb: {  	s31 =	sshll.u32 s16, $0x6;
	s11 =	smul.u32 $0x138800, s3;
	[dreg:$0x5] =	wrdreg s24  }
0xc: {  	s13 =	smul.u32 $0x13880, s3;
	[dreg:$0x6] =	wrdreg s25;
	s26 =	ssub.s32 $0x2, s3  }
0xd: {  	v0 =	vimm.s32 $0xFEDCBA98;
	s3 =	sor.u32 s3, s15;
	s24 =	simm.s32 $0x32A0;
	s25 =	simm.s32 $0xA0  }
0xe: {  	v1 =	vimm.s32 $0x76543210;
	v4 =	vlaneseq.u32;
	v0 =	vunpack.c.l.s4.s8 v0;
	s30 =	sshrl.u32 s26, $0x1;
	s14 =	smul.u32 $0x2710, s3;
	s11 =	sadd.s32 s10, s11  }
0xf: {  	vm0 =	vmmov $0xff;
	v5 =	vimm.s32 $0x2;
	v1 =	vunpack.c.l.s4.s8 v1;
	s13 =	sadd.s32 s12, s13;
	s17 =	ssub.s32 s26, s30;
	s10 =	sadd.s32 s10, s1  }
0x10: {  	v6 =	vimm.s32 $0x4;
	v7 =	vimm.s32 $0x5;
	v2 =	vunpack.c.0.s8.s32 v0;
	s12 =	sadd.s32 s12, s2;
	s26 =	simm.s32 $0xAD20;
	s11 =	sshrl.u32 s11, $0x3  }
0x11: {  	v8 =	vimm.s32 $0x6;
	v9 =	vimm.s32 $0x7;
	v3 =	vunpack.c.0.s8.s32 v1;
	s13 =	sshrl.u32 s13, $0x3;
	s17 =	smax.u32 s17, $0x1;
	s18 =	sshrl.u32 s10, $0x3  }
0x12: {  	v0 =	vimm.s32 $0x3;
	v1 =	vimm.s32 $0x1;
	v2 =	vand.u32 $0xF, v2;
	s20 =	sshrl.u32 s12, $0x3;
	s11 =	sadd.s32 s11, s0;
	s0 =	sadd.s32 s13, s0  }
0x13: {  	s13 =	sor.u32 $0x1C01, s31;
	v2 =	vcombine.low v2, v3;
	v3 =	vand.u32 $0x7, v4;
	v4 =	vimm.s32 $0x0;
	s15 =	sadd.s32 $0x120E00, s11;
	s16 =	sadd.s32 $0x5C600, s0  }
.LBB2_1:
0x14: {  	s0 =	rddreg [dreg:$0x5]  }
0x15: {  	[spmem:s18], [sflag:s13] =	dma.local [hbm:s0], $0x2710  }
0x16: {  	_ =	swait.ge [sflag:s19], $0x2710  }
0x17: {  	[sflag:s19] =	ssyncset.done $0x0  }
0x18: {  	s21 =	rddreg [dreg:$0x6];
	[sflag:s19] =	ssyncadd.s32 $0xFFFFD8F0  }
0x19: {  	[spmem:s20], [sflag:s13] =	dma.local [hbm:s21], $0x271  }
0x1a: {  	_ =	swait.ge [sflag:s19], $0x271  }
0x1b: {  	[sflag:s19] =	ssyncset.done $0x0  }
0x1c: {  	s3 =	simm.s32 $0xAFA0;
	s31 =	rddreg [dreg:$0x4];
	[sflag:s19] =	ssyncadd.s32 $0xFFFFFD8F  }
0x1d: {  	[tilespmem:s3], [sflag:$0x1] =	stream.linear.gather [hbm4b:s31+s4], $0x180, $0x38;
	[tilespmem:$0x1FD28] =	vst v63  }
0x1e: {  	_ =	swait.ge [sflag:s19], $0x180  }
0x1f: {  	[sflag:s19] =	ssyncset.done $0x0  }
0x20: {  	[sflag:s19] =	ssyncadd.s32 $0xFFFFFE80  }
0x21: {  	s30 =	simm.s32 $0x0;
	[bflag:$0x0] =	sbarrier.arrive $0xFFFF  }
.LBB2_2:
0x22: {  	s0 =	smul.u32 $0x50, s30;
	_ =	sdelay $0x1  }
0x23: {  	s0 =	sadd.s32 s14, s0  }
0x24: {  	s3 =	sshrl.u32 s0, $0x3  }
0x25: {  	s12 =	simm.s32 $0x1;
	s10 =	sadd.s32 s7, s3  }
0x26: {  	[tilespmem:s4], [sflag:$0x1] =	stream.linear.gather [hbm4b:s10+s4], $0x50, $0x38;
	[tilespmem:$0x1FD28] =	vst v63  }
0x27: {  	_ =	swait.ge [sflag:s12], $0x50  }
0x28: {  	[sflag:s12] =	ssyncset.done $0x0  }
0x29: {  	s3 =	sadd.s32 s8, s3;
	[sflag:s12] =	ssyncadd.s32 $0xFFFFFFB0  }
0x2a: {  	[tilespmem:s22], [sflag:$0x1] =	stream.linear.gather [hbm4b:s3+s4], $0x50, $0x38;
	[tilespmem:$0x1FD28] =	vst v63  }
0x2b: {  	_ =	swait.ge [sflag:s12], $0x50  }
0x2c: {  	[sflag:s12] =	ssyncset.done $0x0  }
0x2d: {  	s0 =	sadd.s32 s9, s0;
	[sflag:s12] =	ssyncadd.s32 $0xFFFFFFB0  }
0x2e: {  	[tilespmem:s23], [sflag:$0x1] =	stream.linear.gather [hbm4b:s0+s4], $0x280, $0x38;
	[tilespmem:$0x1FD28] =	vst v63  }
0x2f: {  	_ =	swait.ge [sflag:s12], $0x280  }
0x30: {  	[sflag:s12] =	ssyncset.done $0x0  }
0x31: {  	[sflag:s12] =	ssyncadd.s32 $0xFFFFFD80  }
0x32: {  	[tilespmem:s24], [sflag:$0x1] =	stream.indirect.gather [hbm4b:s6+s22], $0x100, s4, s22, $0xb8;
	[tilespmem:$0x1FD28] =	vst v63  }
0x33: {  	_ =	swait.ge [sflag:s12], $0x5000  }
0x34: {  	[sflag:s12] =	ssyncset.done $0x0  }
0x35: {  	[sflag:s12] =	ssyncadd.s32 $0xFFFFB000  }
0x36: {  	[tilespmem:s25], [sflag:$0x1] =	stream.indirect.gather [hbm4b:s5+s22], $0xA0, s22, s22, $0xb8;
	[tilespmem:$0x1FD28] =	vst v63  }
0x37: {  	_ =	swait.ge [sflag:s12], $0x3200  }
0x38: {  	[sflag:s12] =	ssyncset.done $0x0  }
0x39: {  	s31 =	simm.s32 $0x33A0;
	[sflag:s12] =	ssyncadd.s32 $0xFFFFCE00  }
0x3a: {  	v10 =	vld [tilespmem:s31+$0xFFFFFF00]  }
0x3b: {  	s0 =	simm.s32 $0x140;
	v11 =	vld [tilespmem:s31+$0x10]  }
0x3c: {  	v12 =	vld [tilespmem:s0+$0xFFFFFF60]  }
0x3d: {  	v13 =	vld [tilespmem:s0+$0x0]  }
0x3e: {  	v14 =	vld [tilespmem:s31+$0x0]  }
0x3f: {  	v15 =	vld [tilespmem:s0+$0x20]  }
0x40: {  	v16 =	vld [tilespmem:s31+$0x20]  }
0x41: {  	v17 =	vld [tilespmem:s0+$0x30]  }
0x42: {  	v18 =	vld [tilespmem:s31+$0x30]  }
0x43: {  	v19 =	vld [tilespmem:s0+$0x40]  }
0x44: {  	v20 =	vld [tilespmem:s31+$0x40]  }
0x45: {  	v21 =	vld [tilespmem:s0+$0x50]  }
0x46: {  	v22 =	vld [tilespmem:s31+$0x50]  }
0x47: {  	v23 =	vld [tilespmem:s0+$0x60]  }
0x48: {  	v24 =	vld [tilespmem:s31+$0x60]  }
0x49: {  	v25 =	vld [tilespmem:s0+$0x70]  }
0x4a: {  	v26 =	vld [tilespmem:s31+$0x70]  }
0x4b: {  	v27 =	vld [tilespmem:s0+$0xFFFFFF70]  }
0x4c: {  	v28 =	vld [tilespmem:s31+$0xFFFFFF10]  }
0x4d: {  	v29 =	vld [tilespmem:s0+$0xFFFFFF80]  }
0x4e: {  	v30 =	vld [tilespmem:s31+$0xFFFFFF20]  }
0x4f: {  	v31 =	vld [tilespmem:s0+$0xFFFFFF90]  }
0x50: {  	v32 =	vld [tilespmem:s31+$0xFFFFFF30]  }
0x51: {  	v33 =	vld [tilespmem:s0+$0xFFFFFFA0]  }
0x52: {  	v34 =	vld [tilespmem:s31+$0xFFFFFF40]  }
0x53: {  	v35 =	vld [tilespmem:s0+$0xFFFFFFC0]  }
0x54: {  	v36 =	vld [tilespmem:s0+$0xFFFFFFB0]  }
0x55: {  	v37 =	vld [tilespmem:s31+$0xFFFFFF50];
	v23 =	vmul.f32 v24, v23;
	v24 =	vmul.f32 v26, v25  }
0x56: {  	v25 =	vld [tilespmem:s0+$0xFFFFFFD0];
	v21 =	vmul.f32 v22, v21;
	v19 =	vmul.f32 v20, v19  }
0x57: {  	v22 =	vld [tilespmem:s0+$0x10];
	v20 =	vmul.f32 v28, v27;
	v17 =	vmul.f32 v18, v17  }
0x58: {  	v28 =	vmov s12;
	v15 =	vmul.f32 v16, v15;
	v16 =	vld [tilespmem:s31+$0xFFFFFF60];
	v26 =	vmul.f32 v32, v31  }
0x59: {  	v13 =	vmul.f32 v14, v13;
	v12 =	vmul.f32 v10, v12;
	v23 =	vadd.f32 v24, v23;
	v24 =	vld [tilespmem:s31+$0xFFFFFF70]  }
0x5a: {  	s21 =	simm.s32 $0x0;
	v18 =	vadd.f32 v21, v19;
	v19 =	vmul.f32 v30, v29;
	v21 =	vshll.u32 v28, $0x3  }
0x5b: {  	v14 =	vadd.f32 v17, v15;
	v15 =	vmov s21;
	v17 =	vmul.f32 v34, v33  }
0x5c: {  	v29 =	vmul.f32 v37, v36;
	v27 =	vor.u32 $0x1, v21;
	v11 =	vmul.f32 v11, v22  }
0x5d: {  	v12 =	vadd.f32 v20, v12;
	v15 =	vshll.u32 v15, $0x3;
	v19 =	vadd.f32 v26, v19  }
0x5e: {  	v16 =	vmul.f32 v16, v35;
	v22 =	vmul.f32 v24, v25;
	v11 =	vadd.f32 v11, v13  }
0x5f: {  	v20 =	vld [tilespmem:s0+$0x80];
	v18 =	vadd.f32 v23, v18;
	v13 =	vadd.f32 v29, v17  }
0x60: {  	v35 =	vld.idx.msk [tilespmem:v21+s23+$0x0], $0xffff;
	v17 =	vor.u32 $0x1, v15;
	v16 =	vadd.f32 v22, v16;
	v11 =	vadd.f32 v14, v11  }
0x61: {  	v12 =	vadd.f32 v19, v12;
	v36 =	vld.idx.msk [tilespmem:v27+s23+$0x0], $0xffff  }
0x62: {  	v14 =	vld [tilespmem:s0+$0xFFFFFFE0];
	v13 =	vadd.f32 v16, v13;
	v16 =	vadd.f32 v18, v11  }
0x63: {  	v37 =	vld.idx.msk [tilespmem:v15+s23+$0x0], $0xffff  }
0x64: {  	v10 =	vld [tilespmem:$0xAFA0];
	v13 =	vadd.f32 v13, v12;
	v15 =	vperm.xlane v16, v2  }
0x65: {  	v18 =	vperm.xlane v20, v2;
	v38 =	vld.idx.msk [tilespmem:v17+s23+$0x0], $0xffff  }
0x66: {  	v32 =	vld [tilespmem:$0xB0F0];
	v17 =	vperm.xlane v13, v2;
	v15 =	vadd.f32 v16, v15;
	v16 =	vmul.f32 v20, v35  }
0x67: {  	v19 =	vld [tilespmem:s0+$0x90];
	v18 =	vmul.f32 v18, v36;
	v20 =	vperm.xlane v14, v2  }
0x68: {  	v31 =	vld [tilespmem:$0xB110];
	v17 =	vadd.f32 v17, v13;
	v15 =	vadd.f32 v16, v15;
	v16 =	vmul.f32 v14, v37  }
0x69: {  	v21 =	vld [tilespmem:s0+$0xFFFFFFF0]  }
0x6a: {  	v33 =	vld [tilespmem:$0xB100];
	v20 =	vmul.f32 v20, v38;
	v18 =	vadd.f32 v18, v15;
	v17 =	vadd.f32 v16, v17  }
0x6b: {  	v26 =	vld [tilespmem:$0xB0A0]  }
0x6c: {  	v25 =	vld [tilespmem:$0xB090];
	v19 =	vadd.f32 v18, v19;
	v20 =	vadd.f32 v20, v17  }
0x6d: {  	v29 =	vsel vm0, s21, v28;
	v28 =	vld [tilespmem:$0xB0C0]  }
0x6e: {  	v27 =	vld [tilespmem:$0xB0B0];
	v22 =	vmin.f32 v19, $6.000000000e+01;
	v21 =	vadd.f32 v20, v21  }
0x6f: {  	v30 =	vshll.u32 v29, $0x3;
	v29 =	vld [tilespmem:$0xB0D0];
	v22 =	vmul.f32 $1.442695020e+00, v22  }
0x70: {  	v40 =	vor.u32 v3, v30;
	v30 =	vld [tilespmem:$0xB0E0];
	v23 =	vmin.f32 v21, $6.000000000e+01  }
0x71: {  	v11 =	vld [tilespmem:$0xAFB0];
	(erf) = vpow2.f32 v22;
	v24 =	vmul.f32 $1.442695020e+00, v23  }
0x72: {  	v12 =	vld [tilespmem:$0xAFC0]  }
0x73: {  	v13 =	vld [tilespmem:$0xAFD0];
	(erf) = vpow2.f32 v24  }
0x74: {  	v14 =	vld [tilespmem:$0xAFE0]  }
0x75: {  	v15 =	vld [tilespmem:$0xAFF0]  }
0x76: {  	v16 =	vld [tilespmem:$0xB000]  }
0x77: {  	v17 =	vld [tilespmem:$0xB010]  }
0x78: {  	v18 =	vld [tilespmem:$0xB020]  }
0x79: {  	v19 =	vld [tilespmem:$0xB030]  }
0x7a: {  	v20 =	vld [tilespmem:$0xB040];
	v34 =	vpop (erf)  }
0x7b: {  	v21 =	vld [tilespmem:$0xB050];
	v41 =	vperm.xlane v34, v2  }
0x7c: {  	v22 =	vld [tilespmem:$0xB060];
	v39 =	vpop (erf)  }
0x7d: {  	v23 =	vld [tilespmem:$0xB070];
	v41 =	vsel vm0, v39, v41  }
0x7e: {  	v42 =	vmul.f32 v37, v10;
	v43 =	vmul.f32 v38, v18;
	v24 =	vld [tilespmem:$0xB080];
	[tilespmem:v40+s26+$0x0] =	vst.idx.msk $0xffff, v41  }
0x7f: {  	v40 =	vld [tilespmem:s31+$0xFFFFFF80]  }
0x80: {  	v61 =	vadd.f32 v43, v42;
	_ =	sdelay $0x1  }
0x81: {  	v41 =	vadd.f32 v61, v26;
	_ =	sdelay $0x1  }
0x82: {  	v62 =	vperm.xlane v39, v4;
	v40 =	vadd.f32 v40, v41;
	_ =	sdelay $0x1  }
0x83: {  	v40 =	vmul.f32 v62, v40  }
0x84: {  	s3 =	simm.s32 $0x85A0  }
0x85: {  	v63 =	vmul.f32 v35, v10;
	v45 =	vmul.f32 v36, v18;
	[tilespmem:s3+$0xFFFFFF80] =	vst v40  }
0x86: {  	v40 =	vld [tilespmem:s31+$0x80]  }
0x87: {  	v41 =	vadd.f32 v45, v63;
	_ =	sdelay $0x1  }
0x88: {  	v41 =	vadd.f32 v41, v26;
	_ =	sdelay $0x1  }
0x89: {  	v46 =	vperm.xlane v34, v4;
	v40 =	vadd.f32 v40, v41;
	_ =	sdelay $0x1  }
0x8a: {  	v40 =	vmul.f32 v46, v40;
	_ =	sdelay $0x1  }
0x8b: {  	v48 =	vmul.f32 v37, v11;
	v47 =	vmul.f32 v38, v19;
	[tilespmem:s3+$0x0] =	vst v40  }
0x8c: {  	v40 =	vld [tilespmem:s31+$0xFFFFFF90]  }
0x8d: {  	v41 =	vadd.f32 v47, v48;
	_ =	sdelay $0x1  }
0x8e: {  	v41 =	vadd.f32 v41, v27;
	_ =	sdelay $0x1  }
0x8f: {  	v49 =	vperm.xlane v39, v1;
	v40 =	vadd.f32 v40, v41;
	_ =	sdelay $0x1  }
0x90: {  	v40 =	vmul.f32 v49, v40;
	_ =	sdelay $0x1  }
0x91: {  	v51 =	vmul.f32 v35, v11;
	v50 =	vmul.f32 v36, v19;
	[tilespmem:s3+$0xFFFFFF90] =	vst v40  }
0x92: {  	v40 =	vld [tilespmem:s31+$0x90]  }
0x93: {  	v41 =	vadd.f32 v50, v51;
	_ =	sdelay $0x1  }
0x94: {  	v41 =	vadd.f32 v41, v27;
	_ =	sdelay $0x1  }
0x95: {  	v52 =	vperm.xlane v34, v1;
	v40 =	vadd.f32 v40, v41;
	_ =	sdelay $0x1  }
0x96: {  	v40 =	vmul.f32 v52, v40;
	_ =	sdelay $0x1  }
0x97: {  	v53 =	vmul.f32 v37, v12;
	v54 =	vmul.f32 v38, v20;
	[tilespmem:s3+$0x10] =	vst v40  }
0x98: {  	v40 =	vld [tilespmem:s31+$0xFFFFFFA0]  }
0x99: {  	v41 =	vadd.f32 v54, v53;
	_ =	sdelay $0x1  }
0x9a: {  	v41 =	vadd.f32 v41, v28;
	_ =	sdelay $0x1  }
0x9b: {  	v55 =	vperm.xlane v39, v5;
	v40 =	vadd.f32 v40, v41;
	_ =	sdelay $0x1  }
0x9c: {  	v40 =	vmul.f32 v55, v40;
	_ =	sdelay $0x1  }
0x9d: {  	v56 =	vmul.f32 v35, v12;
	v57 =	vmul.f32 v36, v20;
	[tilespmem:s3+$0xFFFFFFA0] =	vst v40  }
0x9e: {  	v40 =	vld [tilespmem:s31+$0xA0]  }
0x9f: {  	v41 =	vadd.f32 v57, v56;
	_ =	sdelay $0x1  }
0xa0: {  	v41 =	vadd.f32 v41, v28;
	_ =	sdelay $0x1  }
0xa1: {  	v58 =	vperm.xlane v34, v5;
	v40 =	vadd.f32 v40, v41;
	_ =	sdelay $0x1  }
0xa2: {  	v40 =	vmul.f32 v58, v40;
	_ =	sdelay $0x1  }
0xa3: {  	v60 =	vmul.f32 v37, v13;
	v59 =	vmul.f32 v38, v21;
	[tilespmem:s3+$0x20] =	vst v40  }
0xa4: {  	v40 =	vld [tilespmem:s31+$0xFFFFFFB0]  }
0xa5: {  	v41 =	vadd.f32 v59, v60;
	_ =	sdelay $0x1  }
0xa6: {  	v41 =	vadd.f32 v41, v29;
	_ =	sdelay $0x1  }
0xa7: {  	v61 =	vperm.xlane v39, v0;
	v40 =	vadd.f32 v40, v41;
	_ =	sdelay $0x1  }
0xa8: {  	v40 =	vmul.f32 v61, v40;
	_ =	sdelay $0x1  }
0xa9: {  	v63 =	vmul.f32 v36, v21;
	v62 =	vmul.f32 v35, v13;
	[tilespmem:s3+$0xFFFFFFB0] =	vst v40  }
0xaa: {  	v40 =	vld [tilespmem:s31+$0xB0]  }
0xab: {  	v41 =	vadd.f32 v63, v62;
	_ =	sdelay $0x1  }
0xac: {  	v41 =	vadd.f32 v41, v29;
	_ =	sdelay $0x1  }
0xad: {  	v45 =	vperm.xlane v34, v0;
	v40 =	vadd.f32 v40, v41;
	_ =	sdelay $0x1  }
0xae: {  	v40 =	vmul.f32 v45, v40;
	_ =	sdelay $0x1  }
0xaf: {  	v47 =	vmul.f32 v38, v22;
	v46 =	vmul.f32 v37, v14;
	[tilespmem:s3+$0x30] =	vst v40  }
0xb0: {  	v40 =	vld [tilespmem:s31+$0xFFFFFFC0]  }
0xb1: {  	v41 =	vadd.f32 v47, v46;
	_ =	sdelay $0x1  }
0xb2: {  	v41 =	vadd.f32 v41, v30;
	_ =	sdelay $0x1  }
0xb3: {  	v48 =	vperm.xlane v39, v6;
	v40 =	vadd.f32 v40, v41;
	_ =	sdelay $0x1  }
0xb4: {  	v40 =	vmul.f32 v48, v40;
	_ =	sdelay $0x1  }
0xb5: {  	v50 =	vmul.f32 v36, v22;
	v49 =	vmul.f32 v35, v14;
	[tilespmem:s3+$0xFFFFFFC0] =	vst v40  }
0xb6: {  	v40 =	vld [tilespmem:s31+$0xC0]  }
0xb7: {  	v41 =	vadd.f32 v50, v49;
	_ =	sdelay $0x1  }
0xb8: {  	v41 =	vadd.f32 v41, v30;
	_ =	sdelay $0x1  }
0xb9: {  	v51 =	vperm.xlane v34, v6;
	v40 =	vadd.f32 v40, v41;
	_ =	sdelay $0x1  }
0xba: {  	v40 =	vmul.f32 v51, v40;
	_ =	sdelay $0x1  }
0xbb: {  	v53 =	vmul.f32 v38, v23;
	v52 =	vmul.f32 v37, v15;
	[tilespmem:s3+$0x40] =	vst v40  }
0xbc: {  	v40 =	vld [tilespmem:s31+$0xFFFFFFD0]  }
0xbd: {  	v41 =	vadd.f32 v53, v52;
	_ =	sdelay $0x1  }
0xbe: {  	v41 =	vadd.f32 v41, v32;
	_ =	sdelay $0x1  }
0xbf: {  	v54 =	vperm.xlane v39, v7;
	v40 =	vadd.f32 v40, v41;
	_ =	sdelay $0x1  }
0xc0: {  	v40 =	vmul.f32 v54, v40;
	_ =	sdelay $0x1  }
0xc1: {  	v56 =	vmul.f32 v36, v23;
	v55 =	vmul.f32 v35, v15;
	[tilespmem:s3+$0xFFFFFFD0] =	vst v40  }
0xc2: {  	v40 =	vld [tilespmem:s31+$0xD0]  }
0xc3: {  	v41 =	vadd.f32 v56, v55;
	_ =	sdelay $0x1  }
0xc4: {  	v41 =	vadd.f32 v41, v32;
	_ =	sdelay $0x1  }
0xc5: {  	v57 =	vperm.xlane v34, v7;
	v40 =	vadd.f32 v40, v41;
	_ =	sdelay $0x1  }
0xc6: {  	v40 =	vmul.f32 v57, v40;
	_ =	sdelay $0x1  }
0xc7: {  	v59 =	vmul.f32 v37, v16;
	v58 =	vmul.f32 v38, v24;
	[tilespmem:s3+$0x50] =	vst v40  }
0xc8: {  	v40 =	vld [tilespmem:s31+$0xFFFFFFE0]  }
0xc9: {  	v41 =	vadd.f32 v58, v59;
	_ =	sdelay $0x1  }
0xca: {  	v41 =	vadd.f32 v41, v33;
	_ =	sdelay $0x1  }
0xcb: {  	v60 =	vperm.xlane v39, v8;
	v40 =	vadd.f32 v40, v41;
	_ =	sdelay $0x1  }
0xcc: {  	v40 =	vmul.f32 v60, v40;
	_ =	sdelay $0x1  }
0xcd: {  	v62 =	vmul.f32 v36, v24;
	v61 =	vmul.f32 v35, v16;
	[tilespmem:s3+$0xFFFFFFE0] =	vst v40  }
0xce: {  	v40 =	vld [tilespmem:s31+$0xE0]  }
0xcf: {  	v41 =	vadd.f32 v62, v61;
	_ =	sdelay $0x1  }
0xd0: {  	v41 =	vadd.f32 v41, v33;
	_ =	sdelay $0x1  }
0xd1: {  	v63 =	vperm.xlane v34, v8;
	v40 =	vadd.f32 v40, v41;
	_ =	sdelay $0x1  }
0xd2: {  	v40 =	vmul.f32 v63, v40;
	_ =	sdelay $0x1  }
0xd3: {  	v37 =	vmul.f32 v37, v17;
	v38 =	vmul.f32 v38, v25;
	[tilespmem:s3+$0x60] =	vst v40  }
0xd4: {  	v40 =	vld [tilespmem:s31+$0xFFFFFFF0]  }
0xd5: {  	v37 =	vadd.f32 v38, v37;
	_ =	sdelay $0x1  }
0xd6: {  	v37 =	vadd.f32 v37, v31;
	v36 =	vmul.f32 v36, v25;
	v35 =	vmul.f32 v35, v17;
	_ =	sdelay $0x1  }
0xd7: {  	s11 =	simm.s32 $0x33A0;
	s10 =	simm.s32 $0x3;
	s21 =	simm.s32 $0x85A0;
	v35 =	vadd.f32 v36, v35;
	v36 =	vadd.f32 v40, v37;
	v37 =	vperm.xlane v39, v9  }
.LBB2_3:
0xd8: {  	_ = 	snop  }
0xd9: {  	s0 =	sadd.s32 $0x140, s0;
	s31 =	sadd.s32 $0x200, s31;
	s3 =	sadd.s32 $0x100, s3;
	v36 =	vmul.f32 v37, v36  }
0xda: {  	p0 =	sne.s32 s10, $0x4F;
	s12 =	smov.u32 s10;
	s10 =	sadd.s32 $0x2, s10  }
0xdb: {  	[tilespmem:s21+$0xFFFFFFF0] =	vst v36  }
0xdc: {  	v36 =	vld [tilespmem:s11+$0xF0];
	s11 =	smov.u32 s31;
	_ =	sdelay $0x2  }
0xdd: {  	v35 =	vadd.f32 v35, v31;
	_ =	sdelay $0x1  }
0xde: {  	v34 =	vperm.xlane v34, v9;
	v35 =	vadd.f32 v36, v35;
	_ =	sdelay $0x1  }
0xdf: {  	v34 =	vmul.f32 v34, v35;
	_ =	sdelay $0x1  }
0xe0: {  	[tilespmem:s21+$0x70] =	vst v34;
	s21 =	smov.u32 s3  }
0xe1: {  	v34 =	vld [tilespmem:s31+$0xFFFFFF00]  }
0xe2: {  	v35 =	vld [tilespmem:s31+$0x10]  }
0xe3: {  	v36 =	vld [tilespmem:s0+$0xFFFFFF60]  }
0xe4: {  	v37 =	vld [tilespmem:s0+$0x0]  }
0xe5: {  	v38 =	vld [tilespmem:s31+$0x0]  }
0xe6: {  	v39 =	vld [tilespmem:s0+$0x20]  }
0xe7: {  	v40 =	vld [tilespmem:s31+$0x20]  }
0xe8: {  	v41 =	vld [tilespmem:s0+$0x30]  }
0xe9: {  	v42 =	vld [tilespmem:s31+$0x30]  }
0xea: {  	v43 =	vld [tilespmem:s0+$0x40]  }
0xeb: {  	v44 =	vld [tilespmem:s31+$0x40]  }
0xec: {  	v45 =	vld [tilespmem:s0+$0x50]  }
0xed: {  	v46 =	vld [tilespmem:s31+$0x50]  }
0xee: {  	v47 =	vld [tilespmem:s0+$0x60]  }
0xef: {  	v48 =	vld [tilespmem:s31+$0x60]  }
0xf0: {  	v49 =	vld [tilespmem:s0+$0x70]  }
0xf1: {  	v50 =	vld [tilespmem:s31+$0x70]  }
0xf2: {  	v51 =	vld [tilespmem:s0+$0xFFFFFF70]  }
0xf3: {  	v52 =	vld [tilespmem:s31+$0xFFFFFF10]  }
0xf4: {  	v53 =	vld [tilespmem:s0+$0xFFFFFF80];
	v47 =	vmul.f32 v48, v47  }
0xf5: {  	v45 =	vmul.f32 v46, v45;
	v48 =	vld [tilespmem:s31+$0xFFFFFF20]  }
0xf6: {  	v46 =	vld [tilespmem:s0+$0xFFFFFF90];
	v49 =	vmul.f32 v50, v49  }
0xf7: {  	v43 =	vmul.f32 v44, v43;
	v50 =	vld [tilespmem:s31+$0xFFFFFF30]  }
0xf8: {  	v44 =	vmul.f32 v52, v51;
	v51 =	vld [tilespmem:s0+$0xFFFFFFA0];
	v47 =	vadd.f32 v49, v47  }
0xf9: {  	v41 =	vmul.f32 v42, v41;
	v42 =	vadd.f32 v45, v43;
	v49 =	vld [tilespmem:s31+$0xFFFFFF40]  }
0xfa: {  	v43 =	vmul.f32 v48, v53;
	v45 =	vld [tilespmem:s0+$0xFFFFFFC0]  }
0xfb: {  	v39 =	vmul.f32 v40, v39;
	v48 =	vmov s12;
	v52 =	vld [tilespmem:s0+$0xFFFFFFB0]  }
0xfc: {  	s12 =	sadd.s32 $0xFFFFFFFF, s12;
	v40 =	vshll.u32 v48, $0x3;
	v46 =	vmul.f32 v50, v46;
	v50 =	vld [tilespmem:s31+$0xFFFFFF50]  }
0xfd: {  	v37 =	vmul.f32 v38, v37;
	v38 =	vadd.f32 v41, v39;
	v53 =	vld [tilespmem:s0+$0xFFFFFFD0]  }
0xfe: {  	v39 =	vmov s12;
	v41 =	vor.u32 $0x1, v40;
	v49 =	vmul.f32 v49, v51;
	v51 =	vld [tilespmem:s0+$0x10]  }
0xff: {  	v34 =	vmul.f32 v34, v36;
	v39 =	vshll.u32 v39, $0x3;
	v43 =	vadd.f32 v46, v43;
	v36 =	vld [tilespmem:s31+$0xFFFFFF70]  }
0x100: {  	v48 =	vsel vm0, s12, v48;
	v46 =	vor.u32 $0x1, v39;
	v54 =	vld [tilespmem:s31+$0xFFFFFF60]  }
0x101: {  	v34 =	vadd.f32 v44, v34;
	v40 =	vld.idx.msk [tilespmem:v40+s23+$0x0], $0xffff;
	v50 =	vmul.f32 v50, v52  }
0x102: {  	v48 =	vshll.u32 v48, $0x3;
	v44 =	vld [tilespmem:s0+$0x80]  }
0x103: {  	v34 =	vadd.f32 v43, v34;
	v52 =	vld.idx.msk [tilespmem:v41+s23+$0x0], $0xffff;
	v35 =	vmul.f32 v35, v51  }
0x104: {  	v36 =	vmul.f32 v36, v53;
	v43 =	vld [tilespmem:s0+$0xFFFFFFE0]  }
0x105: {  	v41 =	vmul.f32 v54, v45;
	v45 =	vadd.f32 v50, v49;
	v35 =	vadd.f32 v35, v37  }
0x106: {  	v37 =	vadd.f32 v47, v42  }
0x107: {  	v42 =	vmul.f32 v40, v17;
	v35 =	vadd.f32 v38, v35;
	v38 =	vmul.f32 v40, v15  }
0x108: {  	v49 =	vmul.f32 v40, v10;
	v47 =	vmul.f32 v40, v16;
	v36 =	vadd.f32 v36, v41  }
0x109: {  	v51 =	vmul.f32 v40, v12;
	v35 =	vadd.f32 v37, v35;
	v37 =	vld [tilespmem:s0+$0x90];
	v50 =	vperm.xlane v43, v2  }
0x10a: {  	v36 =	vadd.f32 v36, v45;
	v45 =	vmul.f32 v52, v24;
	v41 =	vld.idx.msk [tilespmem:v39+s23+$0x0], $0xffff;
	v39 =	vperm.xlane v44, v2  }
0x10b: {  	v55 =	vmul.f32 v52, v25;
	v53 =	vperm.xlane v35, v2;
	v54 =	vld [tilespmem:s0+$0xFFFFFFF0]  }
0x10c: {  	v34 =	vadd.f32 v36, v34;
	v36 =	vadd.f32 v45, v47;
	v56 =	vld.idx.msk [tilespmem:v46+s23+$0x0], $0xffff;
	v46 =	vmul.f32 v52, v18  }
0x10d: {  	v47 =	vmul.f32 v40, v13;
	v45 =	vadd.f32 v35, v53;
	v35 =	vadd.f32 v55, v42  }
0x10e: {  	v42 =	vperm.xlane v34, v2;
	v53 =	vmul.f32 v52, v19  }
0x10f: {  	v44 =	vmul.f32 v44, v40;
	v55 =	vmul.f32 v40, v11  }
0x110: {  	v39 =	vmul.f32 v39, v52;
	v34 =	vadd.f32 v42, v34;
	v57 =	vmul.f32 v41, v17  }
0x111: {  	v53 =	vadd.f32 v53, v55;
	v42 =	vmul.f32 v52, v21;
	v55 =	vmul.f32 v41, v15  }
0x112: {  	v45 =	vadd.f32 v44, v45;
	v50 =	vmul.f32 v50, v56;
	v58 =	vmul.f32 v56, v25  }
0x113: {  	v60 =	vmul.f32 v52, v20;
	v59 =	vmul.f32 v41, v12;
	v44 =	vadd.f32 v42, v47  }
0x114: {  	v39 =	vadd.f32 v39, v45;
	v42 =	vmul.f32 v56, v19;
	v45 =	vmul.f32 v56, v20  }
0x115: {  	v43 =	vmul.f32 v43, v41;
	v61 =	vmul.f32 v41, v11;
	v47 =	vadd.f32 v60, v51  }
0x116: {  	v49 =	vadd.f32 v46, v49;
	v37 =	vadd.f32 v39, v37;
	v39 =	vmul.f32 v40, v14  }
0x117: {  	v34 =	vadd.f32 v43, v34;
	v51 =	vmul.f32 v41, v10;
	v40 =	vmul.f32 v52, v22  }
0x118: {  	v46 =	vmul.f32 v56, v21;
	v60 =	vadd.f32 v42, v61;
	v37 =	vmin.f32 v37, $6.000000000e+01  }
0x119: {  	v34 =	vadd.f32 v50, v34;
	v43 =	vadd.f32 v40, v39;
	v39 =	vmul.f32 v52, v23  }
0x11a: {  	v50 =	vadd.f32 v45, v59;
	v42 =	vmul.f32 v56, v24;
	v37 =	vmul.f32 $1.442695020e+00, v37  }
0x11b: {  	v34 =	vadd.f32 v34, v54;
	v40 =	vadd.f32 v39, v38;
	v38 =	vmul.f32 v41, v16  }
0x11c: {  	v45 =	vmul.f32 v41, v14;
	(erf) = vpow2.f32 v37  }
0x11d: {  	v34 =	vmin.f32 v34, $6.000000000e+01;
	v39 =	vadd.f32 v42, v38;
	v37 =	vmul.f32 v56, v22  }
0x11e: {  	v34 =	vmul.f32 $1.442695020e+00, v34;
	v38 =	vmul.f32 v56, v23  }
0x11f: {  	v45 =	vadd.f32 v37, v45  }
0x120: {  	v42 =	vadd.f32 v38, v55;
	v37 =	vadd.f32 v58, v57;
	(erf) = vpow2.f32 v34;
	_ =	sdelay $0x1  }
0x121: {  	v48 =	vor.u32 v3, v48;
	_ =	sdelay $0x2  }
0x122: {  	v34 =	vpop (erf);
	_ =	sdelay $0x2  }
0x123: {  	v52 =	vperm.xlane v34, v2  }
0x124: {  	v54 =	vmul.f32 v56, v18;
	v38 =	vpop (erf)  }
0x125: {  	v52 =	vsel vm0, v38, v52  }
0x126: {  	[tilespmem:v48+s26+$0x0] =	vst.idx.msk $0xffff, v52;
	v48 =	vadd.f32 v54, v51  }
0x127: {  	v51 =	vld [tilespmem:s31+$0xFFFFFF80]  }
0x128: {  	v49 =	vadd.f32 v49, v26;
	v48 =	vadd.f32 v48, v26;
	_ =	sdelay $0x3  }
0x129: {  	v48 =	vadd.f32 v51, v48;
	v51 =	vperm.xlane v38, v4;
	_ =	sdelay $0x1  }
0x12a: {  	v48 =	vmul.f32 v51, v48;
	_ =	sdelay $0x1  }
0x12b: {  	[tilespmem:s3+$0xFFFFFF80] =	vst v48  }
0x12c: {  	v48 =	vld [tilespmem:s31+$0x80];
	_ =	sdelay $0x4  }
0x12d: {  	v48 =	vadd.f32 v48, v49;
	v49 =	vperm.xlane v34, v4;
	_ =	sdelay $0x1  }
0x12e: {  	v48 =	vmul.f32 v49, v48;
	_ =	sdelay $0x1  }
0x12f: {  	[tilespmem:s3+$0x0] =	vst v48;
	v48 =	vadd.f32 v60, v27  }
0x130: {  	v49 =	vld [tilespmem:s31+$0xFFFFFF90];
	_ =	sdelay $0x1  }
0x131: {  	v51 =	vadd.f32 v53, v27;
	_ =	sdelay $0x2  }
0x132: {  	v48 =	vadd.f32 v49, v48;
	v49 =	vperm.xlane v38, v1;
	_ =	sdelay $0x1  }
0x133: {  	v48 =	vmul.f32 v49, v48;
	_ =	sdelay $0x1  }
0x134: {  	[tilespmem:s3+$0xFFFFFF90] =	vst v48  }
0x135: {  	v48 =	vld [tilespmem:s31+$0x90];
	_ =	sdelay $0x4  }
0x136: {  	v49 =	vperm.xlane v34, v1;
	v48 =	vadd.f32 v48, v51;
	_ =	sdelay $0x1  }
0x137: {  	v48 =	vmul.f32 v49, v48;
	_ =	sdelay $0x1  }
0x138: {  	[tilespmem:s3+$0x10] =	vst v48  }
0x139: {  	v48 =	vld [tilespmem:s31+$0xFFFFFFA0]  }
0x13a: {  	v49 =	vadd.f32 v50, v28;
	_ =	sdelay $0x1  }
0x13b: {  	v47 =	vadd.f32 v47, v28;
	_ =	sdelay $0x1  }
0x13c: {  	v48 =	vadd.f32 v48, v49;
	v49 =	vperm.xlane v38, v5;
	_ =	sdelay $0x1  }
0x13d: {  	v48 =	vmul.f32 v49, v48;
	_ =	sdelay $0x1  }
0x13e: {  	[tilespmem:s3+$0xFFFFFFA0] =	vst v48  }
0x13f: {  	v48 =	vld [tilespmem:s31+$0xA0];
	_ =	sdelay $0x4  }
0x140: {  	v47 =	vadd.f32 v48, v47;
	v48 =	vperm.xlane v34, v5;
	_ =	sdelay $0x1  }
0x141: {  	v41 =	vmul.f32 v41, v13;
	v47 =	vmul.f32 v48, v47;
	_ =	sdelay $0x1  }
0x142: {  	v41 =	vadd.f32 v46, v41;
	[tilespmem:s3+$0x20] =	vst v47  }
0x143: {  	v46 =	vld [tilespmem:s31+$0xFFFFFFB0]  }
0x144: {  	v41 =	vadd.f32 v41, v29;
	_ =	sdelay $0x3  }
0x145: {  	v44 =	vadd.f32 v44, v29;
	v41 =	vadd.f32 v46, v41;
	v46 =	vperm.xlane v38, v0;
	_ =	sdelay $0x1  }
0x146: {  	v41 =	vmul.f32 v46, v41;
	_ =	sdelay $0x1  }
0x147: {  	[tilespmem:s3+$0xFFFFFFB0] =	vst v41  }
0x148: {  	v41 =	vld [tilespmem:s31+$0xB0];
	_ =	sdelay $0x4  }
0x149: {  	v41 =	vadd.f32 v41, v44;
	v44 =	vperm.xlane v34, v0;
	_ =	sdelay $0x1  }
0x14a: {  	v41 =	vmul.f32 v44, v41;
	_ =	sdelay $0x1  }
0x14b: {  	[tilespmem:s3+$0x30] =	vst v41  }
0x14c: {  	v41 =	vld [tilespmem:s31+$0xFFFFFFC0]  }
0x14d: {  	v44 =	vadd.f32 v45, v30;
	_ =	sdelay $0x3  }
0x14e: {  	v41 =	vadd.f32 v41, v44;
	v44 =	vperm.xlane v38, v6  }
0x14f: {  	v43 =	vadd.f32 v43, v30  }
0x150: {  	v41 =	vmul.f32 v44, v41;
	_ =	sdelay $0x1  }
0x151: {  	[tilespmem:s3+$0xFFFFFFC0] =	vst v41  }
0x152: {  	v41 =	vld [tilespmem:s31+$0xC0];
	_ =	sdelay $0x4  }
0x153: {  	v41 =	vadd.f32 v41, v43;
	v43 =	vperm.xlane v34, v6;
	_ =	sdelay $0x1  }
0x154: {  	v41 =	vmul.f32 v43, v41;
	_ =	sdelay $0x1  }
0x155: {  	[tilespmem:s3+$0x40] =	vst v41  }
0x156: {  	v41 =	vld [tilespmem:s31+$0xFFFFFFD0]  }
0x157: {  	v42 =	vadd.f32 v42, v32;
	_ =	sdelay $0x3  }
0x158: {  	v41 =	vadd.f32 v41, v42;
	v42 =	vperm.xlane v38, v7;
	_ =	sdelay $0x1  }
0x159: {  	v41 =	vmul.f32 v42, v41;
	_ =	sdelay $0x1  }
0x15a: {  	[tilespmem:s3+$0xFFFFFFD0] =	vst v41  }
0x15b: {  	v41 =	vld [tilespmem:s31+$0xD0];
	_ =	sdelay $0x1  }
0x15c: {  	v40 =	vadd.f32 v40, v32;
	_ =	sdelay $0x2  }
0x15d: {  	v40 =	vadd.f32 v41, v40;
	v41 =	vperm.xlane v34, v7;
	_ =	sdelay $0x1  }
0x15e: {  	v40 =	vmul.f32 v41, v40;
	_ =	sdelay $0x1  }
0x15f: {  	[tilespmem:s3+$0x50] =	vst v40  }
0x160: {  	v40 =	vld [tilespmem:s31+$0xFFFFFFE0];
	_ =	sdelay $0x1  }
0x161: {  	v39 =	vadd.f32 v39, v33;
	_ =	sdelay $0x2  }
0x162: {  	v39 =	vadd.f32 v40, v39;
	v40 =	vperm.xlane v38, v8;
	_ =	sdelay $0x1  }
0x163: {  	v39 =	vmul.f32 v40, v39;
	_ =	sdelay $0x1  }
0x164: {  	[tilespmem:s3+$0xFFFFFFE0] =	vst v39  }
0x165: {  	v39 =	vld [tilespmem:s31+$0xE0];
	_ =	sdelay $0x1  }
0x166: {  	v36 =	vadd.f32 v36, v33;
	_ =	sdelay $0x2  }
0x167: {  	v36 =	vadd.f32 v39, v36;
	v39 =	vperm.xlane v34, v8;
	_ =	sdelay $0x1  }
0x168: {  	v36 =	vmul.f32 v39, v36;
	_ =	sdelay $0x1  }
0x169: {  	[tilespmem:s3+$0x60] =	vst v36  }
0x16a: {  	v36 =	vld [tilespmem:s31+$0xFFFFFFF0]  }
.Ltmp0:
0x16b: {  	(pc) =	sbr.rel @p0 .LBB2_3-.Ltmp0, $2  }
0x16c: {  	v37 =	vadd.f32 v37, v31;
	_ =	sdelay $0x2  }
0x16d: {  	v36 =	vadd.f32 v36, v37;
	v37 =	vperm.xlane v38, v9  }
0x16e: {  	_ = 	snop  }
0x16f: {  	v10 =	vmul.f32 v37, v36;
	_ =	sdelay $0x1  }
0x170: {  	[tilespmem:s21+$0xFFFFFFF0] =	vst v10  }
0x171: {  	v10 =	vld [tilespmem:s11+$0xF0];
	_ =	sdelay $0x2  }
0x172: {  	v11 =	vadd.f32 v35, v31;
	_ =	sdelay $0x1  }
0x173: {  	v10 =	vadd.f32 v10, v11;
	v11 =	vperm.xlane v34, v9;
	_ =	sdelay $0x1  }
0x174: {  	v10 =	vmul.f32 v11, v10;
	_ =	sdelay $0x1  }
0x175: {  	[tilespmem:s21+$0x70] =	vst v10  }
0x176: {  	[spmem:s1] =	stream.indirect.scatter.add.f32 [tilespmem:s28], [sflag:$0x1], $0x80, s22, s22, $0xb8;
	[tilespmem:$0x1FD28] =	vst v63  }
0x177: {  	s30 =	sadd.s32 $0x1, s30;
	_ =	swait.ge [sflag:s19], $0x2800  }
0x178: {  	p0 =	sne.s32 s30, $0x7D;
	[sflag:s19] =	ssyncset.done $0x0  }
.Ltmp1:
0x179: {  	[sflag:s19] =	ssyncadd.s32 $0xFFFFD800;
	(pc) =	sbr.rel @p0 .LBB2_2-.Ltmp1, $4  }
0x17a: {  	[spmem:s2] =	stream.indirect.scatter.add.f32 [tilespmem:s26], [sflag:$0x1], $0x8, s22, s22, $0xb8;
	[tilespmem:$0x1FD28] =	vst v63  }
0x17b: {  	_ =	swait.ge [sflag:s19], $0x280  }
0x17c: {  	[sflag:s19] =	ssyncset.done $0x0  }
0x17d: {  	[sflag:s19] =	ssyncadd.s32 $0xFFFFFD80  }
0x17e: {  	[bflag:$0x0] =	sbarrier.arrive $0xFFFF  }
0x17f: {  	[hbm:s15], [sflag:s13] =	dma.local [spmem:s18], $0x2710  }
0x180: {  	s29 =	sadd.s32 $0x1, s29;
	_ =	swait.ge [sflag:s19], $0x2710  }
0x181: {  	p0 =	sne.s32 s29, s17;
	[sflag:s19] =	ssyncset.done $0x0  }
.Ltmp2:
0x182: {  	[sflag:s19] =	ssyncadd.s32 $0xFFFFD8F0;
	(pc) =	sbr.rel @p0 .LBB2_1-.Ltmp2, $4  }
0x183: {  	[hbm:s16], [sflag:s13] =	dma.local [spmem:s20], $0x271  }
0x184: {  	_ =	swait.ge [sflag:s19], $0x271  }
0x185: {  	[sflag:s19] =	ssyncset.done $0x0  }
0x186: {  	[sflag:s19] =	ssyncadd.s32 $0xFFFFFD8F  }
0x187: {  	_ =	sfence.sel $0x180000  }
0x188: {  	[bflag:$0x0] =	sbarrier.arrive $0xFFFF  }
0x189: {  	_ =	strace $0x90000050  }
0x18a: {  	s0 =	stileid.u32;
	[bflag:$0x2] =	sbarrier.arrive $0xFFFF  }
0x18b: {  	p0 =	sne.s32 s0, $0x0;
	s0 =	rddreg [dreg:$0x3]  }
0x18c: {  	s0 =	sadd.s32 @!p0 $0x100000, s0  }
0x18d: {  	[sflag:s0] =	ssyncadd.tile.s32 @!p0 $0x1;
	_ =	shalt  }
.Lfunc_end2:
_tile_overlayer_lowered:
.L_overlay_start_2:
0x18e: {  	(tag) =	ssettag $0x2  }
0x18f: {  	s0 =	rddreg [dreg:$0x0];
	s2 =	stileid.u32  }
0x190: {  	s1 =	rddreg [dreg:$0x1];
	p0 =	sne.s32 s2, $0x0  }
0x191: {  	s3 =	rddreg [dreg:$0x2];
	[bflag:$0x3] =	sbarrier.arrive $0xFFFF;
	s2 =	simm.s32 @!p0 $0x1C01  }
0x192: {  	[timem:s3], [sflag:s2] =	dma.local @!p0 [hbm:s0], s1  }
0x193: {  	s0 =	simm.s32 @!p0 $0x1  }
0x194: {  	_ =	swait.ge @!p0 [sflag:s0], s1  }
0x195: {  	s1 =	ssub.s32 @!p0 $0x0, s1;
	[sflag:s0] =	ssyncset.done @!p0 $0x0  }
0x196: {  	[sflag:s0] =	ssyncadd.s32 @!p0 s1  }
0x197: {  	[bflag:$0x3] =	sbarrier.arrive $0xFFFF  }
0x198: {  	_ =	shalt  }

</sc_bundles>
